<compile_context>
chip_gen: v7x
topology: tpu7x:2x2x1
jax: 0.10.2.dev20260603
libtpu: 0.0.44.dev20260713+nightly
codegen_flags: <defaults>
</compile_context>

<pallas_src>
import jax
import jax.numpy as jnp
from jax import lax
from jax.experimental import pallas as pl
from jax.experimental.pallas import tpu as pltpu
from jax.experimental.pallas import tpu_sc as plsc

N_NODES = 100000
H = 128
C = 10
CP = 16
NW = 32
CHUNK = 3200
NP = NW * CHUNK
TCB = 12800
MT = TCB // 8
SPW = TCB // CHUNK
NG = 256
GX = 64
NGRP = MT // 16


def _nodewise_body(init_ref, fin_ref, wg_ref, wt_ref, bg_ref, bt_ref, out_ref):
    i = pl.program_id(0)
    a = jnp.dot(init_ref[...], wg_ref[0:H, :],
                preferred_element_type=jnp.float32)
    b = jnp.dot(fin_ref[...], wg_ref[H:2 * H, :],
                preferred_element_type=jnp.float32)
    t = jnp.dot(fin_ref[...], wt_ref[...],
                preferred_element_type=jnp.float32)
    gate = jax.nn.sigmoid(a + b + bg_ref[...])
    nodewise = jnp.concatenate(
        [gate * (t + bt_ref[...]), jnp.zeros((TCB, CP - C), jnp.float32)],
        axis=1)
    row = i * TCB + lax.broadcasted_iota(jnp.int32, (TCB, CP), 0)
    nodewise = jnp.where(row < N_NODES, nodewise, 0.0)
    out_ref[...] = jnp.concatenate(
        [nodewise[c * MT:(c + 1) * MT] for c in range(8)], axis=1)


RPW = NP // 8 // NW
RUN = RPW
QG = RUN // 16


def _segsum_body(nw_hbm, ids_hbm, out_hbm, rows_v, ids_v, acc_v,
                 sem_rows, sem_ids):
    cid = lax.axis_index("c")
    sid = lax.axis_index("s")
    wid = sid * 2 + cid
    cp_rows = pltpu.async_copy(
        nw_hbm.at[pl.ds(wid * RPW, RPW), :], rows_v, sem_rows)
    blk = wid // SPW
    lw = wid % SPW
    starts = []
    cps = []
    for c in range(8):
        start_c = blk * TCB + c * MT + lw * RUN
        base_c = jnp.minimum(start_c, N_NODES - RUN)
        cps.append(pltpu.async_copy(ids_hbm.at[pl.ds(base_c, RUN)],
                                    ids_v.at[pl.ds(c * RUN, RUN)], sem_ids))
        starts.append(start_c - base_c + c * RUN)

    zeros16 = jnp.zeros((CP,), jnp.float32)
    iota16 = lax.iota(jnp.int32, CP)

    def acc_idx(g):
        return [jnp.full((CP,), g & 31, jnp.int32),
                ((g >> 5) & 7) * 16 + iota16]

    def zero_body(r, carry):
        for c in range(8):
            acc_v[r, pl.ds(c * 16, 16)] = zeros16
        return carry

    lax.fori_loop(0, NG // 8, zero_body, 0)
    for cp in cps:
        cp.wait()
    cp_rows.wait()

    def make_group_body(c, idbase):
        cb = c * 16

        def group_body(q, carry):
            ids_grp = ids_v[pl.ds(idbase + q * 16, 16)]
            first = ids_grp[0]
            last = ids_grp[15]
            p0 = q * 16

            def fast(_):
                s = rows_v[p0, pl.ds(cb, 16)]
                for r in range(1, 16):
                    s = s + rows_v[p0 + r, pl.ds(cb, 16)]
                plsc.addupdate_scatter(acc_v, acc_idx(first), s)
                return 0

            def slow(_):
                for r in range(16):
                    g = ids_grp[r]
                    plsc.addupdate_scatter(
                        acc_v, acc_idx(g), rows_v[p0 + r, pl.ds(cb, 16)])
                return 0

            lax.cond(first == last, fast, slow, 0)
            return carry
        return group_body

    for c in range(8):
        lax.fori_loop(0, QG, make_group_body(c, starts[c]), 0)
    pltpu.sync_copy(acc_v, out_hbm.at[wid])


def _finalize_body(part_ref, aux_ref, gm_ref, bt_ref,
                   w1_ref, b1_ref, w2_ref, b2_ref, out_ref):
    grp = jnp.sum(part_ref[...], axis=0)
    gr = jnp.concatenate(
        [grp[:, c * 16:(c + 1) * 16] for c in range(8)], axis=0)[:, :C]
    m = jnp.mean(gr, axis=0, keepdims=True)
    v = jnp.mean((gr - m) ** 2, axis=0, keepdims=True)
    ngr = ((gr - m) * lax.rsqrt(v + 1e-5) * gm_ref[:, :C]
           + bt_ref[:, :C])
    ax = aux_ref[...]
    ma = jnp.mean(ax, axis=0, keepdims=True)
    va = jnp.mean((ax - ma) ** 2, axis=0, keepdims=True)
    nax = ((ax - ma) * lax.rsqrt(va + 1e-5) * gm_ref[:, C:]
           + bt_ref[:, C:])
    h = jnp.dot(ngr, w1_ref[0:C, :], preferred_element_type=jnp.float32)
    h = h + jnp.dot(nax, w1_ref[C:, :], preferred_element_type=jnp.float32)
    h = jnp.maximum(h + b1_ref[...], 0.0)
    out_ref[...] = (
        jnp.dot(h, w2_ref[...], preferred_element_type=jnp.float32)
        + b2_ref[...])


def kernel(initial_node_states, final_node_states, aux_variables, num_graphs,
           graph_nodes_list, Wg, bg, Wt, bt, gamma, beta, W1, b1, W2, b2):
    f32 = jnp.float32
    del num_graphs
    ids = jnp.asarray(graph_nodes_list, jnp.int32)

    nodewise = pl.pallas_call(
        _nodewise_body,
        grid=(NP // TCB,),
        in_specs=[
            pl.BlockSpec((TCB, H), lambda i: (i, 0)),
            pl.BlockSpec((TCB, H), lambda i: (i, 0)),
            pl.BlockSpec((2 * H, C), lambda i: (0, 0)),
            pl.BlockSpec((H, C), lambda i: (0, 0)),
            pl.BlockSpec((1, C), lambda i: (0, 0)),
            pl.BlockSpec((1, C), lambda i: (0, 0)),
        ],
        out_specs=pl.BlockSpec((MT, 128), lambda i: (i, 0)),
        out_shape=jax.ShapeDtypeStruct((NP // 8, 128), f32),
    )(initial_node_states, final_node_states, Wg,
      Wt, bg.reshape(1, C), bt.reshape(1, C))

    mesh = plsc.VectorSubcoreMesh(core_axis_name="c", subcore_axis_name="s")
    partials = pl.kernel(
        _segsum_body,
        out_type=jax.ShapeDtypeStruct((NW, NG // 8, 128), f32),
        mesh=mesh,
        scratch_types=[
            pltpu.VMEM((RPW, 128), f32),
            pltpu.VMEM((CHUNK + 2432, ), jnp.int32),
            pltpu.VMEM((NG // 8, 128), f32),
            pltpu.SemaphoreType.DMA,
            pltpu.SemaphoreType.DMA,
        ],
        compiler_params=pltpu.CompilerParams(
            needs_layout_passes=False, use_tc_tiling_on_sc=False),
    )(nodewise, ids)

    logits = pl.pallas_call(
        _finalize_body,
        out_shape=jax.ShapeDtypeStruct((NG, C), f32),
    )(partials, aux_variables, gamma.reshape(1, C + 2),
      beta.reshape(1, C + 2), W1, b1.reshape(1, GX), W2, b2.reshape(1, C))
    return logits

# --- scband reference (transcript-rebuilt; emitter-appended) ---
"""Pipeline reference for scband-readout-81965155877098 (READ-ONLY COPY).

The authoritative reference and input builder live on the scoring server;
editing this copy changes nothing except your own understanding.
"""

import jax, jax.numpy as jnp
import numpy as np

N = 100000
HIDDEN = 128
NUM_CLASSES = 10
AUX = 2
GX = 64
G = 256
INIT_SIZE = NUM_CLASSES + AUX  # pooling_method='default'


def setup_inputs(seed: int = 0) -> dict:
    key = jax.random.key(seed)
    ks = jax.random.split(key, 16)
    inp = {}
    inp['initial_node_states'] = jax.random.normal(ks[0], (N, HIDDEN), dtype=jnp.float32)
    inp['final_node_states'] = jax.random.normal(ks[1], (N, HIDDEN), dtype=jnp.float32)
    inp['aux_variables'] = jax.random.normal(ks[2], (G, AUX), dtype=jnp.float32)
    inp['num_graphs'] = G
    inp['graph_nodes_list'] = jnp.sort(jax.random.randint(ks[3], (N,), 0, G, dtype=jnp.int64))
    # learned parameters
    inp['Wg'] = jax.random.normal(ks[4], (2 * HIDDEN, NUM_CLASSES), dtype=jnp.float32) * 0.05
    inp['bg'] = jnp.zeros((NUM_CLASSES,), dtype=jnp.float32)
    inp['Wt'] = jax.random.normal(ks[5], (HIDDEN, NUM_CLASSES), dtype=jnp.float32) * 0.05
    inp['bt'] = jnp.zeros((NUM_CLASSES,), dtype=jnp.float32)
    inp['gamma'] = jnp.ones((INIT_SIZE,), dtype=jnp.float32)
    inp['beta'] = jnp.zeros((INIT_SIZE,), dtype=jnp.float32)
    inp['W1'] = jax.random.normal(ks[6], (INIT_SIZE, GX), dtype=jnp.float32) * 0.05
    inp['b1'] = jnp.zeros((GX,), dtype=jnp.float32)
    inp['W2'] = jax.random.normal(ks[7], (GX, NUM_CLASSES), dtype=jnp.float32) * 0.05
    inp['b2'] = jnp.zeros((NUM_CLASSES,), dtype=jnp.float32)
    return inp


def reference(initial_node_states, final_node_states, aux_variables, num_graphs,
              graph_nodes_list, Wg, bg, Wt, bt, gamma, beta, W1, b1, W2, b2):
    # pooling_method == 'default' branch
    gate_input = jnp.concatenate([initial_node_states, final_node_states], axis=-1)
    gate_output = jax.nn.sigmoid(gate_input @ Wg + bg)
    nodewise_readout = gate_output * (final_node_states @ Wt + bt)
    num_graphs_static = aux_variables.shape[0]
    graph_readout = jnp.zeros((num_graphs_static, NUM_CLASSES), dtype=nodewise_readout.dtype)
    graph_readout = graph_readout * jnp.asarray(num_graphs, dtype=graph_readout.dtype)
    graph_readout = graph_readout.at[graph_nodes_list].add(nodewise_readout)
    extended = jnp.concatenate([graph_readout, aux_variables], axis=1)
    # BatchNorm1d (training-mode batch statistics, eps=1e-5)
    mean = jnp.mean(extended, axis=0)
    var = jnp.var(extended, axis=0)
    norm = (extended - mean) / jnp.sqrt(var + 1e-5) * gamma + beta
    # feed_forward (extended_readout=False, dropout inert at p=0/eval)
    h = jax.nn.relu(norm @ W1 + b1)
    logits = h @ W2 + b2
    # discretize_problem=True -> no flatten
    return logits

if __name__ == "__main__":
    import jax
    _d = setup_inputs()
    print(jax.jit(kernel)(*tuple(_d.values())))

</pallas_src>

<mosaic_0001>
#map = affine_map<(d0, d1) -> (0, 0)>
#map1 = affine_map<(d0, d1) -> (0)>
#map2 = affine_map<(d0, d1) -> (0, 0, 0)>
module attributes {stable_mosaic.version = 14 : i64} {
  func.func @_segsum_body(%arg0: i32, %arg1: i32, %arg2: memref<12800x128xf32, #tpu.memory_space<hbm>>, %arg3: memref<100000xi32, #tpu.memory_space<hbm>>, %arg4: memref<32x32x128xf32, #tpu.memory_space<hbm>>, %arg5: memref<400x128xf32, #tpu.memory_space<vmem>>, %arg6: memref<5632xi32, #tpu.memory_space<vmem>>, %arg7: memref<32x128xf32, #tpu.memory_space<vmem>>, %arg8: memref<!tpu.dma_semaphore, #tpu.memory_space<semaphore_mem>>, %arg9: memref<!tpu.dma_semaphore, #tpu.memory_space<semaphore_mem>>) attributes {dimension_semantics = [#tpu.dimension_semantics<core_parallel>, #tpu.dimension_semantics<subcore_parallel>], iteration_bounds = array<i64: 2, 16>, scalar_prefetch = 0 : i64, scratch_operands = 5 : i64, tpu.core_type = #tpu.core_type<sc_vector_subcore>, window_params = [{transform_indices = #map}, {transform_indices = #map1}, {transform_indices = #map2}]} {
    %mul3A = arith.constant 2 : i32
    %mul3A_0 = arith.muli %arg1, %mul3A : i32
    %add3A = arith.addi %mul3A_0, %arg0 : i32
    %mul3A_1 = arith.constant 400 : i32
    %mul3A_2 = arith.muli %add3A, %mul3A_1 : i32
    %dma_start3A = arith.constant 0 : i32
    %dma_start3A_3 = tpu.memref_slice %arg2[%mul3A_2, %dma_start3A] : memref<12800x128xf32, #tpu.memory_space<hbm>> -> memref<400x128xf32, #tpu.memory_space<hbm>>
    %dma_start3A_4 = arith.constant 0 : i32
    %dma_start3A_5 = tpu.memref_slice %arg2[%mul3A_2, %dma_start3A_4] : memref<12800x128xf32, #tpu.memory_space<hbm>> -> memref<400x128xf32, #tpu.memory_space<hbm>>
    tpu.enqueue_dma source(%dma_start3A_5 : memref<400x128xf32, #tpu.memory_space<hbm>>) target(%arg5 : memref<400x128xf32, #tpu.memory_space<vmem>>) target_semaphore(%arg8 : memref<!tpu.dma_semaphore, #tpu.memory_space<semaphore_mem>>)
    %jit3A = arith.constant 4 : i32
    %div3A = arith.divsi %add3A, %jit3A : i32
    %sign3A = arith.constant 0 : i32
    %sign3A_6 = arith.cmpi sgt, %add3A, %sign3A : i32
    %sign3A_7 = arith.extui %sign3A_6 : i1 to i32
    %sign3A_8 = arith.constant 0 : i32
    %sign3A_9 = arith.cmpi slt, %add3A, %sign3A_8 : i32
    %sign3A_10 = arith.extui %sign3A_9 : i1 to i32
    %sign3A_11 = arith.subi %sign3A_7, %sign3A_10 : i32
    %sign3A_12 = arith.constant 0 : i32
    %sign3A_13 = arith.cmpi sgt, %jit3A, %sign3A_12 : i32
    %sign3A_14 = arith.extui %sign3A_13 : i1 to i32
    %sign3A_15 = arith.constant 0 : i32
    %sign3A_16 = arith.cmpi slt, %jit3A, %sign3A_15 : i32
    %sign3A_17 = arith.extui %sign3A_16 : i1 to i32
    %sign3A_18 = arith.subi %sign3A_14, %sign3A_17 : i32
    %ne3A = arith.cmpi ne, %sign3A_11, %sign3A_18 : i32
    %rem3A = arith.remsi %add3A, %jit3A : i32
    %ne3A_19 = arith.constant 0 : i32
    %ne3A_20 = arith.cmpi ne, %rem3A, %ne3A_19 : i32
    %and3A = arith.andi %ne3A, %ne3A_20 : i1
    %sub3A = arith.constant 1 : i32
    %sub3A_21 = arith.subi %div3A, %sub3A : i32
    %select_n3A = arith.select %and3A, %sub3A_21, %div3A : i32
    %jit3A_22 = arith.constant 4 : i32
    %eq3A = arith.constant 0 : i32
    %eq3A_23 = arith.cmpi eq, %jit3A_22, %eq3A : i32
    %jit3A_24 = arith.constant 1 : i32
    %select_n3A_25 = arith.select %eq3A_23, %jit3A_24, %jit3A_22 : i32
    %rem3A_26 = arith.remsi %add3A, %select_n3A_25 : i32
    %ne3A_27 = arith.constant 0 : i32
    %ne3A_28 = arith.cmpi ne, %rem3A_26, %ne3A_27 : i32
    %lt3A = arith.constant 0 : i32
    %lt3A_29 = arith.cmpi slt, %rem3A_26, %lt3A : i32
    %lt3A_30 = arith.constant 0 : i32
    %lt3A_31 = arith.cmpi slt, %select_n3A_25, %lt3A_30 : i32
    %ne3A_32 = arith.xori %lt3A_29, %lt3A_31 : i1
    %and3A_33 = arith.andi %ne3A_32, %ne3A_28 : i1
    %add3A_34 = arith.addi %rem3A_26, %select_n3A_25 : i32
    %select_n3A_35 = arith.select %and3A_33, %add3A_34, %rem3A_26 : i32
    %mul3A_36 = arith.constant 12800 : i32
    %mul3A_37 = arith.muli %select_n3A, %mul3A_36 : i32
    %add3A_38 = arith.constant 0 : i32
    %add3A_39 = arith.addi %mul3A_37, %add3A_38 : i32
    %mul3A_40 = arith.constant 400 : i32
    %mul3A_41 = arith.muli %select_n3A_35, %mul3A_40 : i32
    %add3A_42 = arith.addi %add3A_39, %mul3A_41 : i32
    %min3A = arith.constant 99600 : i32
    %min3A_43 = arith.minsi %add3A_42, %min3A : i32
    %dma_start3A_44 = arith.constant 0 : i32
    %dma_start3A_45 = tpu.memref_slice %arg6[%dma_start3A_44] : memref<5632xi32, #tpu.memory_space<vmem>> -> memref<400xi32, #tpu.memory_space<vmem>>
    %dma_start3A_46 = tpu.memref_slice %arg3[%min3A_43] : memref<100000xi32, #tpu.memory_space<hbm>> -> memref<400xi32, #tpu.memory_space<hbm>>
    %dma_start3A_47 = arith.constant 0 : i32
    %dma_start3A_48 = tpu.memref_slice %arg6[%dma_start3A_47] : memref<5632xi32, #tpu.memory_space<vmem>> -> memref<400xi32, #tpu.memory_space<vmem>>
    %dma_start3A_49 = tpu.memref_slice %arg3[%min3A_43] : memref<100000xi32, #tpu.memory_space<hbm>> -> memref<400xi32, #tpu.memory_space<hbm>>
    tpu.enqueue_dma source(%dma_start3A_49 : memref<400xi32, #tpu.memory_space<hbm>>) target(%dma_start3A_48 : memref<400xi32, #tpu.memory_space<vmem>>) target_semaphore(%arg9 : memref<!tpu.dma_semaphore, #tpu.memory_space<semaphore_mem>>)
    %sub3A_50 = arith.subi %add3A_42, %min3A_43 : i32
    %add3A_51 = arith.constant 0 : i32
    %add3A_52 = arith.addi %sub3A_50, %add3A_51 : i32
    %mul3A_53 = arith.constant 12800 : i32
    %mul3A_54 = arith.muli %select_n3A, %mul3A_53 : i32
    %add3A_55 = arith.constant 1600 : i32
    %add3A_56 = arith.addi %mul3A_54, %add3A_55 : i32
    %mul3A_57 = arith.constant 400 : i32
    %mul3A_58 = arith.muli %select_n3A_35, %mul3A_57 : i32
    %add3A_59 = arith.addi %add3A_56, %mul3A_58 : i32
    %min3A_60 = arith.constant 99600 : i32
    %min3A_61 = arith.minsi %add3A_59, %min3A_60 : i32
    %dma_start3A_62 = arith.constant 400 : i32
    %dma_start3A_63 = tpu.memref_slice %arg6[%dma_start3A_62] : memref<5632xi32, #tpu.memory_space<vmem>> -> memref<400xi32, #tpu.memory_space<vmem>>
    %dma_start3A_64 = tpu.memref_slice %arg3[%min3A_61] : memref<100000xi32, #tpu.memory_space<hbm>> -> memref<400xi32, #tpu.memory_space<hbm>>
    %dma_start3A_65 = arith.constant 400 : i32
    %dma_start3A_66 = tpu.memref_slice %arg6[%dma_start3A_65] : memref<5632xi32, #tpu.memory_space<vmem>> -> memref<400xi32, #tpu.memory_space<vmem>>
    %dma_start3A_67 = tpu.memref_slice %arg3[%min3A_61] : memref<100000xi32, #tpu.memory_space<hbm>> -> memref<400xi32, #tpu.memory_space<hbm>>
    tpu.enqueue_dma source(%dma_start3A_67 : memref<400xi32, #tpu.memory_space<hbm>>) target(%dma_start3A_66 : memref<400xi32, #tpu.memory_space<vmem>>) target_semaphore(%arg9 : memref<!tpu.dma_semaphore, #tpu.memory_space<semaphore_mem>>)
    %sub3A_68 = arith.subi %add3A_59, %min3A_61 : i32
    %add3A_69 = arith.constant 400 : i32
    %add3A_70 = arith.addi %sub3A_68, %add3A_69 : i32
    %mul3A_71 = arith.constant 12800 : i32
    %mul3A_72 = arith.muli %select_n3A, %mul3A_71 : i32
    %add3A_73 = arith.constant 3200 : i32
    %add3A_74 = arith.addi %mul3A_72, %add3A_73 : i32
    %mul3A_75 = arith.constant 400 : i32
    %mul3A_76 = arith.muli %select_n3A_35, %mul3A_75 : i32
    %add3A_77 = arith.addi %add3A_74, %mul3A_76 : i32
    %min3A_78 = arith.constant 99600 : i32
    %min3A_79 = arith.minsi %add3A_77, %min3A_78 : i32
    %dma_start3A_80 = arith.constant 800 : i32
    %dma_start3A_81 = tpu.memref_slice %arg6[%dma_start3A_80] : memref<5632xi32, #tpu.memory_space<vmem>> -> memref<400xi32, #tpu.memory_space<vmem>>
    %dma_start3A_82 = tpu.memref_slice %arg3[%min3A_79] : memref<100000xi32, #tpu.memory_space<hbm>> -> memref<400xi32, #tpu.memory_space<hbm>>
    %dma_start3A_83 = arith.constant 800 : i32
    %dma_start3A_84 = tpu.memref_slice %arg6[%dma_start3A_83] : memref<5632xi32, #tpu.memory_space<vmem>> -> memref<400xi32, #tpu.memory_space<vmem>>
    %dma_start3A_85 = tpu.memref_slice %arg3[%min3A_79] : memref<100000xi32, #tpu.memory_space<hbm>> -> memref<400xi32, #tpu.memory_space<hbm>>
    tpu.enqueue_dma source(%dma_start3A_85 : memref<400xi32, #tpu.memory_space<hbm>>) target(%dma_start3A_84 : memref<400xi32, #tpu.memory_space<vmem>>) target_semaphore(%arg9 : memref<!tpu.dma_semaphore, #tpu.memory_space<semaphore_mem>>)
    %sub3A_86 = arith.subi %add3A_77, %min3A_79 : i32
    %add3A_87 = arith.constant 800 : i32
    %add3A_88 = arith.addi %sub3A_86, %add3A_87 : i32
    %mul3A_89 = arith.constant 12800 : i32
    %mul3A_90 = arith.muli %select_n3A, %mul3A_89 : i32
    %add3A_91 = arith.constant 4800 : i32
    %add3A_92 = arith.addi %mul3A_90, %add3A_91 : i32
    %mul3A_93 = arith.constant 400 : i32
    %mul3A_94 = arith.muli %select_n3A_35, %mul3A_93 : i32
    %add3A_95 = arith.addi %add3A_92, %mul3A_94 : i32
    %min3A_96 = arith.constant 99600 : i32
    %min3A_97 = arith.minsi %add3A_95, %min3A_96 : i32
    %dma_start3A_98 = arith.constant 1200 : i32
    %dma_start3A_99 = tpu.memref_slice %arg6[%dma_start3A_98] : memref<5632xi32, #tpu.memory_space<vmem>> -> memref<400xi32, #tpu.memory_space<vmem>>
    %dma_start3A_100 = tpu.memref_slice %arg3[%min3A_97] : memref<100000xi32, #tpu.memory_space<hbm>> -> memref<400xi32, #tpu.memory_space<hbm>>
    %dma_start3A_101 = arith.constant 1200 : i32
    %dma_start3A_102 = tpu.memref_slice %arg6[%dma_start3A_101] : memref<5632xi32, #tpu.memory_space<vmem>> -> memref<400xi32, #tpu.memory_space<vmem>>
    %dma_start3A_103 = tpu.memref_slice %arg3[%min3A_97] : memref<100000xi32, #tpu.memory_space<hbm>> -> memref<400xi32, #tpu.memory_space<hbm>>
    tpu.enqueue_dma source(%dma_start3A_103 : memref<400xi32, #tpu.memory_space<hbm>>) target(%dma_start3A_102 : memref<400xi32, #tpu.memory_space<vmem>>) target_semaphore(%arg9 : memref<!tpu.dma_semaphore, #tpu.memory_space<semaphore_mem>>)
    %sub3A_104 = arith.subi %add3A_95, %min3A_97 : i32
    %add3A_105 = arith.constant 1200 : i32
    %add3A_106 = arith.addi %sub3A_104, %add3A_105 : i32
    %mul3A_107 = arith.constant 12800 : i32
    %mul3A_108 = arith.muli %select_n3A, %mul3A_107 : i32
    %add3A_109 = arith.constant 6400 : i32
    %add3A_110 = arith.addi %mul3A_108, %add3A_109 : i32
    %mul3A_111 = arith.constant 400 : i32
    %mul3A_112 = arith.muli %select_n3A_35, %mul3A_111 : i32
    %add3A_113 = arith.addi %add3A_110, %mul3A_112 : i32
    %min3A_114 = arith.constant 99600 : i32
    %min3A_115 = arith.minsi %add3A_113, %min3A_114 : i32
    %dma_start3A_116 = arith.constant 1600 : i32
    %dma_start3A_117 = tpu.memref_slice %arg6[%dma_start3A_116] : memref<5632xi32, #tpu.memory_space<vmem>> -> memref<400xi32, #tpu.memory_space<vmem>>
    %dma_start3A_118 = tpu.memref_slice %arg3[%min3A_115] : memref<100000xi32, #tpu.memory_space<hbm>> -> memref<400xi32, #tpu.memory_space<hbm>>
    %dma_start3A_119 = arith.constant 1600 : i32
    %dma_start3A_120 = tpu.memref_slice %arg6[%dma_start3A_119] : memref<5632xi32, #tpu.memory_space<vmem>> -> memref<400xi32, #tpu.memory_space<vmem>>
    %dma_start3A_121 = tpu.memref_slice %arg3[%min3A_115] : memref<100000xi32, #tpu.memory_space<hbm>> -> memref<400xi32, #tpu.memory_space<hbm>>
    tpu.enqueue_dma source(%dma_start3A_121 : memref<400xi32, #tpu.memory_space<hbm>>) target(%dma_start3A_120 : memref<400xi32, #tpu.memory_space<vmem>>) target_semaphore(%arg9 : memref<!tpu.dma_semaphore, #tpu.memory_space<semaphore_mem>>)
    %sub3A_122 = arith.subi %add3A_113, %min3A_115 : i32
    %add3A_123 = arith.constant 1600 : i32
    %add3A_124 = arith.addi %sub3A_122, %add3A_123 : i32
    %mul3A_125 = arith.constant 12800 : i32
    %mul3A_126 = arith.muli %select_n3A, %mul3A_125 : i32
    %add3A_127 = arith.constant 8000 : i32
    %add3A_128 = arith.addi %mul3A_126, %add3A_127 : i32
    %mul3A_129 = arith.constant 400 : i32
    %mul3A_130 = arith.muli %select_n3A_35, %mul3A_129 : i32
    %add3A_131 = arith.addi %add3A_128, %mul3A_130 : i32
    %min3A_132 = arith.constant 99600 : i32
    %min3A_133 = arith.minsi %add3A_131, %min3A_132 : i32
    %dma_start3A_134 = arith.constant 2000 : i32
    %dma_start3A_135 = tpu.memref_slice %arg6[%dma_start3A_134] : memref<5632xi32, #tpu.memory_space<vmem>> -> memref<400xi32, #tpu.memory_space<vmem>>
    %dma_start3A_136 = tpu.memref_slice %arg3[%min3A_133] : memref<100000xi32, #tpu.memory_space<hbm>> -> memref<400xi32, #tpu.memory_space<hbm>>
    %dma_start3A_137 = arith.constant 2000 : i32
    %dma_start3A_138 = tpu.memref_slice %arg6[%dma_start3A_137] : memref<5632xi32, #tpu.memory_space<vmem>> -> memref<400xi32, #tpu.memory_space<vmem>>
    %dma_start3A_139 = tpu.memref_slice %arg3[%min3A_133] : memref<100000xi32, #tpu.memory_space<hbm>> -> memref<400xi32, #tpu.memory_space<hbm>>
    tpu.enqueue_dma source(%dma_start3A_139 : memref<400xi32, #tpu.memory_space<hbm>>) target(%dma_start3A_138 : memref<400xi32, #tpu.memory_space<vmem>>) target_semaphore(%arg9 : memref<!tpu.dma_semaphore, #tpu.memory_space<semaphore_mem>>)
    %sub3A_140 = arith.subi %add3A_131, %min3A_133 : i32
    %add3A_141 = arith.constant 2000 : i32
    %add3A_142 = arith.addi %sub3A_140, %add3A_141 : i32
    %mul3A_143 = arith.constant 12800 : i32
    %mul3A_144 = arith.muli %select_n3A, %mul3A_143 : i32
    %add3A_145 = arith.constant 9600 : i32
    %add3A_146 = arith.addi %mul3A_144, %add3A_145 : i32
    %mul3A_147 = arith.constant 400 : i32
    %mul3A_148 = arith.muli %select_n3A_35, %mul3A_147 : i32
    %add3A_149 = arith.addi %add3A_146, %mul3A_148 : i32
    %min3A_150 = arith.constant 99600 : i32
    %min3A_151 = arith.minsi %add3A_149, %min3A_150 : i32
    %dma_start3A_152 = arith.constant 2400 : i32
    %dma_start3A_153 = tpu.memref_slice %arg6[%dma_start3A_152] : memref<5632xi32, #tpu.memory_space<vmem>> -> memref<400xi32, #tpu.memory_space<vmem>>
    %dma_start3A_154 = tpu.memref_slice %arg3[%min3A_151] : memref<100000xi32, #tpu.memory_space<hbm>> -> memref<400xi32, #tpu.memory_space<hbm>>
    %dma_start3A_155 = arith.constant 2400 : i32
    %dma_start3A_156 = tpu.memref_slice %arg6[%dma_start3A_155] : memref<5632xi32, #tpu.memory_space<vmem>> -> memref<400xi32, #tpu.memory_space<vmem>>
    %dma_start3A_157 = tpu.memref_slice %arg3[%min3A_151] : memref<100000xi32, #tpu.memory_space<hbm>> -> memref<400xi32, #tpu.memory_space<hbm>>
    tpu.enqueue_dma source(%dma_start3A_157 : memref<400xi32, #tpu.memory_space<hbm>>) target(%dma_start3A_156 : memref<400xi32, #tpu.memory_space<vmem>>) target_semaphore(%arg9 : memref<!tpu.dma_semaphore, #tpu.memory_space<semaphore_mem>>)
    %sub3A_158 = arith.subi %add3A_149, %min3A_151 : i32
    %add3A_159 = arith.constant 2400 : i32
    %add3A_160 = arith.addi %sub3A_158, %add3A_159 : i32
    %mul3A_161 = arith.constant 12800 : i32
    %mul3A_162 = arith.muli %select_n3A, %mul3A_161 : i32
    %add3A_163 = arith.constant 11200 : i32
    %add3A_164 = arith.addi %mul3A_162, %add3A_163 : i32
    %mul3A_165 = arith.constant 400 : i32
    %mul3A_166 = arith.muli %select_n3A_35, %mul3A_165 : i32
    %add3A_167 = arith.addi %add3A_164, %mul3A_166 : i32
    %min3A_168 = arith.constant 99600 : i32
    %min3A_169 = arith.minsi %add3A_167, %min3A_168 : i32
    %dma_start3A_170 = arith.constant 2800 : i32
    %dma_start3A_171 = tpu.memref_slice %arg6[%dma_start3A_170] : memref<5632xi32, #tpu.memory_space<vmem>> -> memref<400xi32, #tpu.memory_space<vmem>>
    %dma_start3A_172 = tpu.memref_slice %arg3[%min3A_169] : memref<100000xi32, #tpu.memory_space<hbm>> -> memref<400xi32, #tpu.memory_space<hbm>>
    %dma_start3A_173 = arith.constant 2800 : i32
    %dma_start3A_174 = tpu.memref_slice %arg6[%dma_start3A_173] : memref<5632xi32, #tpu.memory_space<vmem>> -> memref<400xi32, #tpu.memory_space<vmem>>
    %dma_start3A_175 = tpu.memref_slice %arg3[%min3A_169] : memref<100000xi32, #tpu.memory_space<hbm>> -> memref<400xi32, #tpu.memory_space<hbm>>
    tpu.enqueue_dma source(%dma_start3A_175 : memref<400xi32, #tpu.memory_space<hbm>>) target(%dma_start3A_174 : memref<400xi32, #tpu.memory_space<vmem>>) target_semaphore(%arg9 : memref<!tpu.dma_semaphore, #tpu.memory_space<semaphore_mem>>)
    %sub3A_176 = arith.subi %add3A_167, %min3A_169 : i32
    %add3A_177 = arith.constant 2800 : i32
    %add3A_178 = arith.addi %sub3A_176, %add3A_177 : i32
    %broadcast_in_dim3A = arith.constant 0.000000e+00 : f32
    %broadcast_in_dim3A_179 = vector.broadcast %broadcast_in_dim3A : f32 to vector<16xf32>
    %iota3A = tpu.iota {dimensions = array<i32: 0>} : vector<16xi32>
    %scan3A = arith.constant 0 : i32
    %scan3A_180 = arith.constant 0 : i32
    %scan3A_181 = arith.constant 32 : i32
    %scan3A_182 = arith.addi %scan3A_180, %scan3A_181 : i32
    %scan3A_183 = arith.constant 1 : i32
    scf.for %scan3A_284 = %scan3A_180 to %scan3A_182 step %scan3A_183  : i32 {
      %swap3A = arith.index_cast %scan3A_284 : i32 to index
      %swap3A_285 = arith.constant 0 : index
      %swap3A_286 = tpu.vector_load %arg7[%swap3A, %swap3A_285] {strides = array<i32>} : memref<32x128xf32, #tpu.memory_space<vmem>>, vector<16xf32>,
      tpu.vector_store %arg7[%swap3A, %swap3A_285], %broadcast_in_dim3A_179 {strides = array<i32>} : memref<32x128xf32, #tpu.memory_space<vmem>>, vector<16xf32>,
      %swap3A_287 = arith.index_cast %scan3A_284 : i32 to index
      %swap3A_288 = arith.constant 16 : index
      %swap3A_289 = tpu.vector_load %arg7[%swap3A_287, %swap3A_288] {strides = array<i32>} : memref<32x128xf32, #tpu.memory_space<vmem>>, vector<16xf32>,
      tpu.vector_store %arg7[%swap3A_287, %swap3A_288], %broadcast_in_dim3A_179 {strides = array<i32>} : memref<32x128xf32, #tpu.memory_space<vmem>>, vector<16xf32>,
      %swap3A_290 = arith.index_cast %scan3A_284 : i32 to index
      %swap3A_291 = arith.constant 32 : index
      %swap3A_292 = tpu.vector_load %arg7[%swap3A_290, %swap3A_291] {strides = array<i32>} : memref<32x128xf32, #tpu.memory_space<vmem>>, vector<16xf32>,
      tpu.vector_store %arg7[%swap3A_290, %swap3A_291], %broadcast_in_dim3A_179 {strides = array<i32>} : memref<32x128xf32, #tpu.memory_space<vmem>>, vector<16xf32>,
      %swap3A_293 = arith.index_cast %scan3A_284 : i32 to index
      %swap3A_294 = arith.constant 48 : index
      %swap3A_295 = tpu.vector_load %arg7[%swap3A_293, %swap3A_294] {strides = array<i32>} : memref<32x128xf32, #tpu.memory_space<vmem>>, vector<16xf32>,
      tpu.vector_store %arg7[%swap3A_293, %swap3A_294], %broadcast_in_dim3A_179 {strides = array<i32>} : memref<32x128xf32, #tpu.memory_space<vmem>>, vector<16xf32>,
      %swap3A_296 = arith.index_cast %scan3A_284 : i32 to index
      %swap3A_297 = arith.constant 64 : index
      %swap3A_298 = tpu.vector_load %arg7[%swap3A_296, %swap3A_297] {strides = array<i32>} : memref<32x128xf32, #tpu.memory_space<vmem>>, vector<16xf32>,
      tpu.vector_store %arg7[%swap3A_296, %swap3A_297], %broadcast_in_dim3A_179 {strides = array<i32>} : memref<32x128xf32, #tpu.memory_space<vmem>>, vector<16xf32>,
      %swap3A_299 = arith.index_cast %scan3A_284 : i32 to index
      %swap3A_300 = arith.constant 80 : index
      %swap3A_301 = tpu.vector_load %arg7[%swap3A_299, %swap3A_300] {strides = array<i32>} : memref<32x128xf32, #tpu.memory_space<vmem>>, vector<16xf32>,
      tpu.vector_store %arg7[%swap3A_299, %swap3A_300], %broadcast_in_dim3A_179 {strides = array<i32>} : memref<32x128xf32, #tpu.memory_space<vmem>>, vector<16xf32>,
      %swap3A_302 = arith.index_cast %scan3A_284 : i32 to index
      %swap3A_303 = arith.constant 96 : index
      %swap3A_304 = tpu.vector_load %arg7[%swap3A_302, %swap3A_303] {strides = array<i32>} : memref<32x128xf32, #tpu.memory_space<vmem>>, vector<16xf32>,
      tpu.vector_store %arg7[%swap3A_302, %swap3A_303], %broadcast_in_dim3A_179 {strides = array<i32>} : memref<32x128xf32, #tpu.memory_space<vmem>>, vector<16xf32>,
      %swap3A_305 = arith.index_cast %scan3A_284 : i32 to index
      %swap3A_306 = arith.constant 112 : index
      %swap3A_307 = tpu.vector_load %arg7[%swap3A_305, %swap3A_306] {strides = array<i32>} : memref<32x128xf32, #tpu.memory_space<vmem>>, vector<16xf32>,
      tpu.vector_store %arg7[%swap3A_305, %swap3A_306], %broadcast_in_dim3A_179 {strides = array<i32>} : memref<32x128xf32, #tpu.memory_space<vmem>>, vector<16xf32>,
    }
    %scan3A_184 = arith.constant 32 : i32
    %dma_wait3A = arith.constant 0 : i32
    %dma_wait3A_185 = tpu.memref_slice %arg6[%dma_wait3A] : memref<5632xi32, #tpu.memory_space<vmem>> -> memref<400xi32, #tpu.memory_space<vmem>>
    %dma_wait3A_186 = tpu.memref_slice %arg3[%min3A_43] : memref<100000xi32, #tpu.memory_space<hbm>> -> memref<400xi32, #tpu.memory_space<hbm>>
    %dma_wait3A_187 = arith.constant 0 : i32
    %dma_wait3A_188 = tpu.memref_slice %arg6[%dma_wait3A_187] : memref<5632xi32, #tpu.memory_space<vmem>> -> memref<400xi32, #tpu.memory_space<vmem>>
    %dma_wait3A_189 = tpu.memref_slice %arg3[%min3A_43] : memref<100000xi32, #tpu.memory_space<hbm>> -> memref<400xi32, #tpu.memory_space<hbm>>
    tpu.wait_dma2 semaphore(%arg9 : memref<!tpu.dma_semaphore, #tpu.memory_space<semaphore_mem>>) src(%dma_wait3A_189 : memref<400xi32, #tpu.memory_space<hbm>>) dst(%dma_wait3A_188 : memref<400xi32, #tpu.memory_space<vmem>>)
    %dma_wait3A_190 = arith.constant 400 : i32
    %dma_wait3A_191 = tpu.memref_slice %arg6[%dma_wait3A_190] : memref<5632xi32, #tpu.memory_space<vmem>> -> memref<400xi32, #tpu.memory_space<vmem>>
    %dma_wait3A_192 = tpu.memref_slice %arg3[%min3A_61] : memref<100000xi32, #tpu.memory_space<hbm>> -> memref<400xi32, #tpu.memory_space<hbm>>
    %dma_wait3A_193 = arith.constant 400 : i32
    %dma_wait3A_194 = tpu.memref_slice %arg6[%dma_wait3A_193] : memref<5632xi32, #tpu.memory_space<vmem>> -> memref<400xi32, #tpu.memory_space<vmem>>
    %dma_wait3A_195 = tpu.memref_slice %arg3[%min3A_61] : memref<100000xi32, #tpu.memory_space<hbm>> -> memref<400xi32, #tpu.memory_space<hbm>>
    tpu.wait_dma2 semaphore(%arg9 : memref<!tpu.dma_semaphore, #tpu.memory_space<semaphore_mem>>) src(%dma_wait3A_195 : memref<400xi32, #tpu.memory_space<hbm>>) dst(%dma_wait3A_194 : memref<400xi32, #tpu.memory_space<vmem>>)
    %dma_wait3A_196 = arith.constant 800 : i32
    %dma_wait3A_197 = tpu.memref_slice %arg6[%dma_wait3A_196] : memref<5632xi32, #tpu.memory_space<vmem>> -> memref<400xi32, #tpu.memory_space<vmem>>
    %dma_wait3A_198 = tpu.memref_slice %arg3[%min3A_79] : memref<100000xi32, #tpu.memory_space<hbm>> -> memref<400xi32, #tpu.memory_space<hbm>>
    %dma_wait3A_199 = arith.constant 800 : i32
    %dma_wait3A_200 = tpu.memref_slice %arg6[%dma_wait3A_199] : memref<5632xi32, #tpu.memory_space<vmem>> -> memref<400xi32, #tpu.memory_space<vmem>>
    %dma_wait3A_201 = tpu.memref_slice %arg3[%min3A_79] : memref<100000xi32, #tpu.memory_space<hbm>> -> memref<400xi32, #tpu.memory_space<hbm>>
    tpu.wait_dma2 semaphore(%arg9 : memref<!tpu.dma_semaphore, #tpu.memory_space<semaphore_mem>>) src(%dma_wait3A_201 : memref<400xi32, #tpu.memory_space<hbm>>) dst(%dma_wait3A_200 : memref<400xi32, #tpu.memory_space<vmem>>)
    %dma_wait3A_202 = arith.constant 1200 : i32
    %dma_wait3A_203 = tpu.memref_slice %arg6[%dma_wait3A_202] : memref<5632xi32, #tpu.memory_space<vmem>> -> memref<400xi32, #tpu.memory_space<vmem>>
    %dma_wait3A_204 = tpu.memref_slice %arg3[%min3A_97] : memref<100000xi32, #tpu.memory_space<hbm>> -> memref<400xi32, #tpu.memory_space<hbm>>
    %dma_wait3A_205 = arith.constant 1200 : i32
    %dma_wait3A_206 = tpu.memref_slice %arg6[%dma_wait3A_205] : memref<5632xi32, #tpu.memory_space<vmem>> -> memref<400xi32, #tpu.memory_space<vmem>>
    %dma_wait3A_207 = tpu.memref_slice %arg3[%min3A_97] : memref<100000xi32, #tpu.memory_space<hbm>> -> memref<400xi32, #tpu.memory_space<hbm>>
    tpu.wait_dma2 semaphore(%arg9 : memref<!tpu.dma_semaphore, #tpu.memory_space<semaphore_mem>>) src(%dma_wait3A_207 : memref<400xi32, #tpu.memory_space<hbm>>) dst(%dma_wait3A_206 : memref<400xi32, #tpu.memory_space<vmem>>)
    %dma_wait3A_208 = arith.constant 1600 : i32
    %dma_wait3A_209 = tpu.memref_slice %arg6[%dma_wait3A_208] : memref<5632xi32, #tpu.memory_space<vmem>> -> memref<400xi32, #tpu.memory_space<vmem>>
    %dma_wait3A_210 = tpu.memref_slice %arg3[%min3A_115] : memref<100000xi32, #tpu.memory_space<hbm>> -> memref<400xi32, #tpu.memory_space<hbm>>
    %dma_wait3A_211 = arith.constant 1600 : i32
    %dma_wait3A_212 = tpu.memref_slice %arg6[%dma_wait3A_211] : memref<5632xi32, #tpu.memory_space<vmem>> -> memref<400xi32, #tpu.memory_space<vmem>>
    %dma_wait3A_213 = tpu.memref_slice %arg3[%min3A_115] : memref<100000xi32, #tpu.memory_space<hbm>> -> memref<400xi32, #tpu.memory_space<hbm>>
    tpu.wait_dma2 semaphore(%arg9 : memref<!tpu.dma_semaphore, #tpu.memory_space<semaphore_mem>>) src(%dma_wait3A_213 : memref<400xi32, #tpu.memory_space<hbm>>) dst(%dma_wait3A_212 : memref<400xi32, #tpu.memory_space<vmem>>)
    %dma_wait3A_214 = arith.constant 2000 : i32
    %dma_wait3A_215 = tpu.memref_slice %arg6[%dma_wait3A_214] : memref<5632xi32, #tpu.memory_space<vmem>> -> memref<400xi32, #tpu.memory_space<vmem>>
    %dma_wait3A_216 = tpu.memref_slice %arg3[%min3A_133] : memref<100000xi32, #tpu.memory_space<hbm>> -> memref<400xi32, #tpu.memory_space<hbm>>
    %dma_wait3A_217 = arith.constant 2000 : i32
    %dma_wait3A_218 = tpu.memref_slice %arg6[%dma_wait3A_217] : memref<5632xi32, #tpu.memory_space<vmem>> -> memref<400xi32, #tpu.memory_space<vmem>>
    %dma_wait3A_219 = tpu.memref_slice %arg3[%min3A_133] : memref<100000xi32, #tpu.memory_space<hbm>> -> memref<400xi32, #tpu.memory_space<hbm>>
    tpu.wait_dma2 semaphore(%arg9 : memref<!tpu.dma_semaphore, #tpu.memory_space<semaphore_mem>>) src(%dma_wait3A_219 : memref<400xi32, #tpu.memory_space<hbm>>) dst(%dma_wait3A_218 : memref<400xi32, #tpu.memory_space<vmem>>)
    %dma_wait3A_220 = arith.constant 2400 : i32
    %dma_wait3A_221 = tpu.memref_slice %arg6[%dma_wait3A_220] : memref<5632xi32, #tpu.memory_space<vmem>> -> memref<400xi32, #tpu.memory_space<vmem>>
    %dma_wait3A_222 = tpu.memref_slice %arg3[%min3A_151] : memref<100000xi32, #tpu.memory_space<hbm>> -> memref<400xi32, #tpu.memory_space<hbm>>
    %dma_wait3A_223 = arith.constant 2400 : i32
    %dma_wait3A_224 = tpu.memref_slice %arg6[%dma_wait3A_223] : memref<5632xi32, #tpu.memory_space<vmem>> -> memref<400xi32, #tpu.memory_space<vmem>>
    %dma_wait3A_225 = tpu.memref_slice %arg3[%min3A_151] : memref<100000xi32, #tpu.memory_space<hbm>> -> memref<400xi32, #tpu.memory_space<hbm>>
    tpu.wait_dma2 semaphore(%arg9 : memref<!tpu.dma_semaphore, #tpu.memory_space<semaphore_mem>>) src(%dma_wait3A_225 : memref<400xi32, #tpu.memory_space<hbm>>) dst(%dma_wait3A_224 : memref<400xi32, #tpu.memory_space<vmem>>)
    %dma_wait3A_226 = arith.constant 2800 : i32
    %dma_wait3A_227 = tpu.memref_slice %arg6[%dma_wait3A_226] : memref<5632xi32, #tpu.memory_space<vmem>> -> memref<400xi32, #tpu.memory_space<vmem>>
    %dma_wait3A_228 = tpu.memref_slice %arg3[%min3A_169] : memref<100000xi32, #tpu.memory_space<hbm>> -> memref<400xi32, #tpu.memory_space<hbm>>
    %dma_wait3A_229 = arith.constant 2800 : i32
    %dma_wait3A_230 = tpu.memref_slice %arg6[%dma_wait3A_229] : memref<5632xi32, #tpu.memory_space<vmem>> -> memref<400xi32, #tpu.memory_space<vmem>>
    %dma_wait3A_231 = tpu.memref_slice %arg3[%min3A_169] : memref<100000xi32, #tpu.memory_space<hbm>> -> memref<400xi32, #tpu.memory_space<hbm>>
    tpu.wait_dma2 semaphore(%arg9 : memref<!tpu.dma_semaphore, #tpu.memory_space<semaphore_mem>>) src(%dma_wait3A_231 : memref<400xi32, #tpu.memory_space<hbm>>) dst(%dma_wait3A_230 : memref<400xi32, #tpu.memory_space<vmem>>)
    %dma_wait3A_232 = arith.constant 0 : i32
    %dma_wait3A_233 = tpu.memref_slice %arg2[%mul3A_2, %dma_wait3A_232] : memref<12800x128xf32, #tpu.memory_space<hbm>> -> memref<400x128xf32, #tpu.memory_space<hbm>>
    %dma_wait3A_234 = arith.constant 0 : i32
    %dma_wait3A_235 = tpu.memref_slice %arg2[%mul3A_2, %dma_wait3A_234] : memref<12800x128xf32, #tpu.memory_space<hbm>> -> memref<400x128xf32, #tpu.memory_space<hbm>>
    tpu.wait_dma2 semaphore(%arg8 : memref<!tpu.dma_semaphore, #tpu.memory_space<semaphore_mem>>) src(%dma_wait3A_235 : memref<400x128xf32, #tpu.memory_space<hbm>>) dst(%arg5 : memref<400x128xf32, #tpu.memory_space<vmem>>)
    %scan3A_236 = arith.constant 0 : i32
    %scan3A_237 = arith.constant 0 : i32
    %scan3A_238 = arith.constant 25 : i32
    %scan3A_239 = arith.addi %scan3A_237, %scan3A_238 : i32
    %scan3A_240 = arith.constant 1 : i32
    scf.for %scan3A_284 = %scan3A_237 to %scan3A_239 step %scan3A_240  : i32 {
      %mul3A_285 = arith.constant 16 : i32
      %mul3A_286 = arith.muli %scan3A_284, %mul3A_285 : i32
      %add3A_287 = arith.addi %add3A_52, %mul3A_286 : i32
      %get3A = arith.index_cast %add3A_287 : i32 to index
      %get3A_288 = tpu.vector_load %arg6[%get3A] {strides = array<i32>} : memref<5632xi32, #tpu.memory_space<vmem>>, vector<16xi32>,
      %slice3A = vector.extract_strided_slice %get3A_288 {offsets = [0], sizes = [1], strides = [1]} : vector<16xi32> to vector<1xi32>
      %squeeze3A = vector.extract %slice3A[0] : i32 from vector<1xi32>
      %slice3A_289 = vector.extract_strided_slice %get3A_288 {offsets = [15], sizes = [1], strides = [1]} : vector<16xi32> to vector<1xi32>
      %squeeze3A_290 = vector.extract %slice3A_289[0] : i32 from vector<1xi32>
      %mul3A_291 = arith.constant 16 : i32
      %mul3A_292 = arith.muli %scan3A_284, %mul3A_291 : i32
      %eq3A_293 = arith.cmpi eq, %squeeze3A, %squeeze3A_290 : i32
      %convert_element_type3A = arith.extui %eq3A_293 : i1 to i32
      %cond3A = arith.constant 0 : i32
      %cond3A_294 = arith.constant 0 : i32
      %cond3A_295 = arith.cmpi ne, %convert_element_type3A, %cond3A_294 : i32
      %cond3A_296 = scf.if %cond3A_295 -> (i32) {
        %get3A_297 = arith.index_cast %mul3A_292 : i32 to index
        %get3A_298 = arith.constant 0 : index
        %get3A_299 = tpu.vector_load %arg5[%get3A_297, %get3A_298] {strides = array<i32>} : memref<400x128xf32, #tpu.memory_space<vmem>>, vector<16xf32>,
        %add3A_300 = arith.constant 1 : i32
        %add3A_301 = arith.addi %mul3A_292, %add3A_300 : i32
        %get3A_302 = arith.index_cast %add3A_301 : i32 to index
        %get3A_303 = arith.constant 0 : index
        %get3A_304 = tpu.vector_load %arg5[%get3A_302, %get3A_303] {strides = array<i32>} : memref<400x128xf32, #tpu.memory_space<vmem>>, vector<16xf32>,
        %add3A_305 = arith.addf %get3A_299, %get3A_304 : vector<16xf32>
        %add3A_306 = arith.constant 2 : i32
        %add3A_307 = arith.addi %mul3A_292, %add3A_306 : i32
        %get3A_308 = arith.index_cast %add3A_307 : i32 to index
        %get3A_309 = arith.constant 0 : index
        %get3A_310 = tpu.vector_load %arg5[%get3A_308, %get3A_309] {strides = array<i32>} : memref<400x128xf32, #tpu.memory_space<vmem>>, vector<16xf32>,
        %add3A_311 = arith.addf %add3A_305, %get3A_310 : vector<16xf32>
        %add3A_312 = arith.constant 3 : i32
        %add3A_313 = arith.addi %mul3A_292, %add3A_312 : i32
        %get3A_314 = arith.index_cast %add3A_313 : i32 to index
        %get3A_315 = arith.constant 0 : index
        %get3A_316 = tpu.vector_load %arg5[%get3A_314, %get3A_315] {strides = array<i32>} : memref<400x128xf32, #tpu.memory_space<vmem>>, vector<16xf32>,
        %add3A_317 = arith.addf %add3A_311, %get3A_316 : vector<16xf32>
        %add3A_318 = arith.constant 4 : i32
        %add3A_319 = arith.addi %mul3A_292, %add3A_318 : i32
        %get3A_320 = arith.index_cast %add3A_319 : i32 to index
        %get3A_321 = arith.constant 0 : index
        %get3A_322 = tpu.vector_load %arg5[%get3A_320, %get3A_321] {strides = array<i32>} : memref<400x128xf32, #tpu.memory_space<vmem>>, vector<16xf32>,
        %add3A_323 = arith.addf %add3A_317, %get3A_322 : vector<16xf32>
        %add3A_324 = arith.constant 5 : i32
        %add3A_325 = arith.addi %mul3A_292, %add3A_324 : i32
        %get3A_326 = arith.index_cast %add3A_325 : i32 to index
        %get3A_327 = arith.constant 0 : index
        %get3A_328 = tpu.vector_load %arg5[%get3A_326, %get3A_327] {strides = array<i32>} : memref<400x128xf32, #tpu.memory_space<vmem>>, vector<16xf32>,
        %add3A_329 = arith.addf %add3A_323, %get3A_328 : vector<16xf32>
        %add3A_330 = arith.constant 6 : i32
        %add3A_331 = arith.addi %mul3A_292, %add3A_330 : i32
        %get3A_332 = arith.index_cast %add3A_331 : i32 to index
        %get3A_333 = arith.constant 0 : index
        %get3A_334 = tpu.vector_load %arg5[%get3A_332, %get3A_333] {strides = array<i32>} : memref<400x128xf32, #tpu.memory_space<vmem>>, vector<16xf32>,
        %add3A_335 = arith.addf %add3A_329, %get3A_334 : vector<16xf32>
        %add3A_336 = arith.constant 7 : i32
        %add3A_337 = arith.addi %mul3A_292, %add3A_336 : i32
        %get3A_338 = arith.index_cast %add3A_337 : i32 to index
        %get3A_339 = arith.constant 0 : index
        %get3A_340 = tpu.vector_load %arg5[%get3A_338, %get3A_339] {strides = array<i32>} : memref<400x128xf32, #tpu.memory_space<vmem>>, vector<16xf32>,
        %add3A_341 = arith.addf %add3A_335, %get3A_340 : vector<16xf32>
        %add3A_342 = arith.constant 8 : i32
        %add3A_343 = arith.addi %mul3A_292, %add3A_342 : i32
        %get3A_344 = arith.index_cast %add3A_343 : i32 to index
        %get3A_345 = arith.constant 0 : index
        %get3A_346 = tpu.vector_load %arg5[%get3A_344, %get3A_345] {strides = array<i32>} : memref<400x128xf32, #tpu.memory_space<vmem>>, vector<16xf32>,
        %add3A_347 = arith.addf %add3A_341, %get3A_346 : vector<16xf32>
        %add3A_348 = arith.constant 9 : i32
        %add3A_349 = arith.addi %mul3A_292, %add3A_348 : i32
        %get3A_350 = arith.index_cast %add3A_349 : i32 to index
        %get3A_351 = arith.constant 0 : index
        %get3A_352 = tpu.vector_load %arg5[%get3A_350, %get3A_351] {strides = array<i32>} : memref<400x128xf32, #tpu.memory_space<vmem>>, vector<16xf32>,
        %add3A_353 = arith.addf %add3A_347, %get3A_352 : vector<16xf32>
        %add3A_354 = arith.constant 10 : i32
        %add3A_355 = arith.addi %mul3A_292, %add3A_354 : i32
        %get3A_356 = arith.index_cast %add3A_355 : i32 to index
        %get3A_357 = arith.constant 0 : index
        %get3A_358 = tpu.vector_load %arg5[%get3A_356, %get3A_357] {strides = array<i32>} : memref<400x128xf32, #tpu.memory_space<vmem>>, vector<16xf32>,
        %add3A_359 = arith.addf %add3A_353, %get3A_358 : vector<16xf32>
        %add3A_360 = arith.constant 11 : i32
        %add3A_361 = arith.addi %mul3A_292, %add3A_360 : i32
        %get3A_362 = arith.index_cast %add3A_361 : i32 to index
        %get3A_363 = arith.constant 0 : index
        %get3A_364 = tpu.vector_load %arg5[%get3A_362, %get3A_363] {strides = array<i32>} : memref<400x128xf32, #tpu.memory_space<vmem>>, vector<16xf32>,
        %add3A_365 = arith.addf %add3A_359, %get3A_364 : vector<16xf32>
        %add3A_366 = arith.constant 12 : i32
        %add3A_367 = arith.addi %mul3A_292, %add3A_366 : i32
        %get3A_368 = arith.index_cast %add3A_367 : i32 to index
        %get3A_369 = arith.constant 0 : index
        %get3A_370 = tpu.vector_load %arg5[%get3A_368, %get3A_369] {strides = array<i32>} : memref<400x128xf32, #tpu.memory_space<vmem>>, vector<16xf32>,
        %add3A_371 = arith.addf %add3A_365, %get3A_370 : vector<16xf32>
        %add3A_372 = arith.constant 13 : i32
        %add3A_373 = arith.addi %mul3A_292, %add3A_372 : i32
        %get3A_374 = arith.index_cast %add3A_373 : i32 to index
        %get3A_375 = arith.constant 0 : index
        %get3A_376 = tpu.vector_load %arg5[%get3A_374, %get3A_375] {strides = array<i32>} : memref<400x128xf32, #tpu.memory_space<vmem>>, vector<16xf32>,
        %add3A_377 = arith.addf %add3A_371, %get3A_376 : vector<16xf32>
        %add3A_378 = arith.constant 14 : i32
        %add3A_379 = arith.addi %mul3A_292, %add3A_378 : i32
        %get3A_380 = arith.index_cast %add3A_379 : i32 to index
        %get3A_381 = arith.constant 0 : index
        %get3A_382 = tpu.vector_load %arg5[%get3A_380, %get3A_381] {strides = array<i32>} : memref<400x128xf32, #tpu.memory_space<vmem>>, vector<16xf32>,
        %add3A_383 = arith.addf %add3A_377, %get3A_382 : vector<16xf32>
        %add3A_384 = arith.constant 15 : i32
        %add3A_385 = arith.addi %mul3A_292, %add3A_384 : i32
        %get3A_386 = arith.index_cast %add3A_385 : i32 to index
        %get3A_387 = arith.constant 0 : index
        %get3A_388 = tpu.vector_load %arg5[%get3A_386, %get3A_387] {strides = array<i32>} : memref<400x128xf32, #tpu.memory_space<vmem>>, vector<16xf32>,
        %add3A_389 = arith.addf %add3A_383, %get3A_388 : vector<16xf32>
        %and3A_390 = arith.constant 31 : i32
        %and3A_391 = arith.andi %squeeze3A, %and3A_390 : i32
        %broadcast_in_dim3A_392 = vector.broadcast %and3A_391 : i32 to vector<16xi32>
        %shift_right_arithmetic3A = arith.constant 5 : i32
        %shift_right_arithmetic3A_393 = arith.shrsi %squeeze3A, %shift_right_arithmetic3A : i32
        %and3A_394 = arith.constant 7 : i32
        %and3A_395 = arith.andi %shift_right_arithmetic3A_393, %and3A_394 : i32
        %mul3A_396 = arith.constant 16 : i32
        %mul3A_397 = arith.muli %and3A_395, %mul3A_396 : i32
        %add3A_398 = vector.broadcast %mul3A_397 : i32 to vector<16xi32>
        %add3A_399 = arith.addi %add3A_398, %iota3A : vector<16xi32>
        tpu.vector_store_idx %arg7[%broadcast_in_dim3A_392, %add3A_399], %add3A_389 {add = true} : memref<32x128xf32, #tpu.memory_space<vmem>>[vector<16xi32>, vector<16xi32>], vector<16xf32>,
        %cond3A_400 = arith.constant 0 : i32
        scf.yield %cond3A_400 : i32
      } else {
        %slice3A_297 = vector.extract_strided_slice %get3A_288 {offsets = [0], sizes = [1], strides = [1]} : vector<16xi32> to vector<1xi32>
        %squeeze3A_298 = vector.extract %slice3A_297[0] : i32 from vector<1xi32>
        %and3A_299 = arith.constant 31 : i32
        %and3A_300 = arith.andi %squeeze3A_298, %and3A_299 : i32
        %broadcast_in_dim3A_301 = vector.broadcast %and3A_300 : i32 to vector<16xi32>
        %shift_right_arithmetic3A = arith.constant 5 : i32
        %shift_right_arithmetic3A_302 = arith.shrsi %squeeze3A_298, %shift_right_arithmetic3A : i32
        %and3A_303 = arith.constant 7 : i32
        %and3A_304 = arith.andi %shift_right_arithmetic3A_302, %and3A_303 : i32
        %mul3A_305 = arith.constant 16 : i32
        %mul3A_306 = arith.muli %and3A_304, %mul3A_305 : i32
        %add3A_307 = vector.broadcast %mul3A_306 : i32 to vector<16xi32>
        %add3A_308 = arith.addi %add3A_307, %iota3A : vector<16xi32>
        %add3A_309 = arith.constant 0 : i32
        %add3A_310 = arith.addi %mul3A_292, %add3A_309 : i32
        %get3A_311 = arith.index_cast %add3A_310 : i32 to index
        %get3A_312 = arith.constant 0 : index
        %get3A_313 = tpu.vector_load %arg5[%get3A_311, %get3A_312] {strides = array<i32>} : memref<400x128xf32, #tpu.memory_space<vmem>>, vector<16xf32>,
        tpu.vector_store_idx %arg7[%broadcast_in_dim3A_301, %add3A_308], %get3A_313 {add = true} : memref<32x128xf32, #tpu.memory_space<vmem>>[vector<16xi32>, vector<16xi32>], vector<16xf32>,
        %slice3A_314 = vector.extract_strided_slice %get3A_288 {offsets = [1], sizes = [1], strides = [1]} : vector<16xi32> to vector<1xi32>
        %squeeze3A_315 = vector.extract %slice3A_314[0] : i32 from vector<1xi32>
        %and3A_316 = arith.constant 31 : i32
        %and3A_317 = arith.andi %squeeze3A_315, %and3A_316 : i32
        %broadcast_in_dim3A_318 = vector.broadcast %and3A_317 : i32 to vector<16xi32>
        %shift_right_arithmetic3A_319 = arith.constant 5 : i32
        %shift_right_arithmetic3A_320 = arith.shrsi %squeeze3A_315, %shift_right_arithmetic3A_319 : i32
        %and3A_321 = arith.constant 7 : i32
        %and3A_322 = arith.andi %shift_right_arithmetic3A_320, %and3A_321 : i32
        %mul3A_323 = arith.constant 16 : i32
        %mul3A_324 = arith.muli %and3A_322, %mul3A_323 : i32
        %add3A_325 = vector.broadcast %mul3A_324 : i32 to vector<16xi32>
        %add3A_326 = arith.addi %add3A_325, %iota3A : vector<16xi32>
        %add3A_327 = arith.constant 1 : i32
        %add3A_328 = arith.addi %mul3A_292, %add3A_327 : i32
        %get3A_329 = arith.index_cast %add3A_328 : i32 to index
        %get3A_330 = arith.constant 0 : index
        %get3A_331 = tpu.vector_load %arg5[%get3A_329, %get3A_330] {strides = array<i32>} : memref<400x128xf32, #tpu.memory_space<vmem>>, vector<16xf32>,
        tpu.vector_store_idx %arg7[%broadcast_in_dim3A_318, %add3A_326], %get3A_331 {add = true} : memref<32x128xf32, #tpu.memory_space<vmem>>[vector<16xi32>, vector<16xi32>], vector<16xf32>,
        %slice3A_332 = vector.extract_strided_slice %get3A_288 {offsets = [2], sizes = [1], strides = [1]} : vector<16xi32> to vector<1xi32>
        %squeeze3A_333 = vector.extract %slice3A_332[0] : i32 from vector<1xi32>
        %and3A_334 = arith.constant 31 : i32
        %and3A_335 = arith.andi %squeeze3A_333, %and3A_334 : i32
        %broadcast_in_dim3A_336 = vector.broadcast %and3A_335 : i32 to vector<16xi32>
        %shift_right_arithmetic3A_337 = arith.constant 5 : i32
        %shift_right_arithmetic3A_338 = arith.shrsi %squeeze3A_333, %shift_right_arithmetic3A_337 : i32
        %and3A_339 = arith.constant 7 : i32
        %and3A_340 = arith.andi %shift_right_arithmetic3A_338, %and3A_339 : i32
        %mul3A_341 = arith.constant 16 : i32
        %mul3A_342 = arith.muli %and3A_340, %mul3A_341 : i32
        %add3A_343 = vector.broadcast %mul3A_342 : i32 to vector<16xi32>
        %add3A_344 = arith.addi %add3A_343, %iota3A : vector<16xi32>
        %add3A_345 = arith.constant 2 : i32
        %add3A_346 = arith.addi %mul3A_292, %add3A_345 : i32
        %get3A_347 = arith.index_cast %add3A_346 : i32 to index
        %get3A_348 = arith.constant 0 : index
        %get3A_349 = tpu.vector_load %arg5[%get3A_347, %get3A_348] {strides = array<i32>} : memref<400x128xf32, #tpu.memory_space<vmem>>, vector<16xf32>,
        tpu.vector_store_idx %arg7[%broadcast_in_dim3A_336, %add3A_344], %get3A_349 {add = true} : memref<32x128xf32, #tpu.memory_space<vmem>>[vector<16xi32>, vector<16xi32>], vector<16xf32>,
        %slice3A_350 = vector.extract_strided_slice %get3A_288 {offsets = [3], sizes = [1], strides = [1]} : vector<16xi32> to vector<1xi32>
        %squeeze3A_351 = vector.extract %slice3A_350[0] : i32 from vector<1xi32>
        %and3A_352 = arith.constant 31 : i32
        %and3A_353 = arith.andi %squeeze3A_351, %and3A_352 : i32
        %broadcast_in_dim3A_354 = vector.broadcast %and3A_353 : i32 to vector<16xi32>
        %shift_right_arithmetic3A_355 = arith.constant 5 : i32
        %shift_right_arithmetic3A_356 = arith.shrsi %squeeze3A_351, %shift_right_arithmetic3A_355 : i32
        %and3A_357 = arith.constant 7 : i32
        %and3A_358 = arith.andi %shift_right_arithmetic3A_356, %and3A_357 : i32
        %mul3A_359 = arith.constant 16 : i32
        %mul3A_360 = arith.muli %and3A_358, %mul3A_359 : i32
        %add3A_361 = vector.broadcast %mul3A_360 : i32 to vector<16xi32>
        %add3A_362 = arith.addi %add3A_361, %iota3A : vector<16xi32>
        %add3A_363 = arith.constant 3 : i32
        %add3A_364 = arith.addi %mul3A_292, %add3A_363 : i32
        %get3A_365 = arith.index_cast %add3A_364 : i32 to index
        %get3A_366 = arith.constant 0 : index
        %get3A_367 = tpu.vector_load %arg5[%get3A_365, %get3A_366] {strides = array<i32>} : memref<400x128xf32, #tpu.memory_space<vmem>>, vector<16xf32>,
        tpu.vector_store_idx %arg7[%broadcast_in_dim3A_354, %add3A_362], %get3A_367 {add = true} : memref<32x128xf32, #tpu.memory_space<vmem>>[vector<16xi32>, vector<16xi32>], vector<16xf32>,
        %slice3A_368 = vector.extract_strided_slice %get3A_288 {offsets = [4], sizes = [1], strides = [1]} : vector<16xi32> to vector<1xi32>
        %squeeze3A_369 = vector.extract %slice3A_368[0] : i32 from vector<1xi32>
        %and3A_370 = arith.constant 31 : i32
        %and3A_371 = arith.andi %squeeze3A_369, %and3A_370 : i32
        %broadcast_in_dim3A_372 = vector.broadcast %and3A_371 : i32 to vector<16xi32>
        %shift_right_arithmetic3A_373 = arith.constant 5 : i32
        %shift_right_arithmetic3A_374 = arith.shrsi %squeeze3A_369, %shift_right_arithmetic3A_373 : i32
        %and3A_375 = arith.constant 7 : i32
        %and3A_376 = arith.andi %shift_right_arithmetic3A_374, %and3A_375 : i32
        %mul3A_377 = arith.constant 16 : i32
        %mul3A_378 = arith.muli %and3A_376, %mul3A_377 : i32
        %add3A_379 = vector.broadcast %mul3A_378 : i32 to vector<16xi32>
        %add3A_380 = arith.addi %add3A_379, %iota3A : vector<16xi32>
        %add3A_381 = arith.constant 4 : i32
        %add3A_382 = arith.addi %mul3A_292, %add3A_381 : i32
        %get3A_383 = arith.index_cast %add3A_382 : i32 to index
        %get3A_384 = arith.constant 0 : index
        %get3A_385 = tpu.vector_load %arg5[%get3A_383, %get3A_384] {strides = array<i32>} : memref<400x128xf32, #tpu.memory_space<vmem>>, vector<16xf32>,
        tpu.vector_store_idx %arg7[%broadcast_in_dim3A_372, %add3A_380], %get3A_385 {add = true} : memref<32x128xf32, #tpu.memory_space<vmem>>[vector<16xi32>, vector<16xi32>], vector<16xf32>,
        %slice3A_386 = vector.extract_strided_slice %get3A_288 {offsets = [5], sizes = [1], strides = [1]} : vector<16xi32> to vector<1xi32>
        %squeeze3A_387 = vector.extract %slice3A_386[0] : i32 from vector<1xi32>
        %and3A_388 = arith.constant 31 : i32
        %and3A_389 = arith.andi %squeeze3A_387, %and3A_388 : i32
        %broadcast_in_dim3A_390 = vector.broadcast %and3A_389 : i32 to vector<16xi32>
        %shift_right_arithmetic3A_391 = arith.constant 5 : i32
        %shift_right_arithmetic3A_392 = arith.shrsi %squeeze3A_387, %shift_right_arithmetic3A_391 : i32
        %and3A_393 = arith.constant 7 : i32
        %and3A_394 = arith.andi %shift_right_arithmetic3A_392, %and3A_393 : i32
        %mul3A_395 = arith.constant 16 : i32
        %mul3A_396 = arith.muli %and3A_394, %mul3A_395 : i32
        %add3A_397 = vector.broadcast %mul3A_396 : i32 to vector<16xi32>
        %add3A_398 = arith.addi %add3A_397, %iota3A : vector<16xi32>
        %add3A_399 = arith.constant 5 : i32
        %add3A_400 = arith.addi %mul3A_292, %add3A_399 : i32
        %get3A_401 = arith.index_cast %add3A_400 : i32 to index
        %get3A_402 = arith.constant 0 : index
        %get3A_403 = tpu.vector_load %arg5[%get3A_401, %get3A_402] {strides = array<i32>} : memref<400x128xf32, #tpu.memory_space<vmem>>, vector<16xf32>,
        tpu.vector_store_idx %arg7[%broadcast_in_dim3A_390, %add3A_398], %get3A_403 {add = true} : memref<32x128xf32, #tpu.memory_space<vmem>>[vector<16xi32>, vector<16xi32>], vector<16xf32>,
        %slice3A_404 = vector.extract_strided_slice %get3A_288 {offsets = [6], sizes = [1], strides = [1]} : vector<16xi32> to vector<1xi32>
        %squeeze3A_405 = vector.extract %slice3A_404[0] : i32 from vector<1xi32>
        %and3A_406 = arith.constant 31 : i32
        %and3A_407 = arith.andi %squeeze3A_405, %and3A_406 : i32
        %broadcast_in_dim3A_408 = vector.broadcast %and3A_407 : i32 to vector<16xi32>
        %shift_right_arithmetic3A_409 = arith.constant 5 : i32
        %shift_right_arithmetic3A_410 = arith.shrsi %squeeze3A_405, %shift_right_arithmetic3A_409 : i32
        %and3A_411 = arith.constant 7 : i32
        %and3A_412 = arith.andi %shift_right_arithmetic3A_410, %and3A_411 : i32
        %mul3A_413 = arith.constant 16 : i32
        %mul3A_414 = arith.muli %and3A_412, %mul3A_413 : i32
        %add3A_415 = vector.broadcast %mul3A_414 : i32 to vector<16xi32>
        %add3A_416 = arith.addi %add3A_415, %iota3A : vector<16xi32>
        %add3A_417 = arith.constant 6 : i32
        %add3A_418 = arith.addi %mul3A_292, %add3A_417 : i32
        %get3A_419 = arith.index_cast %add3A_418 : i32 to index
        %get3A_420 = arith.constant 0 : index
        %get3A_421 = tpu.vector_load %arg5[%get3A_419, %get3A_420] {strides = array<i32>} : memref<400x128xf32, #tpu.memory_space<vmem>>, vector<16xf32>,
        tpu.vector_store_idx %arg7[%broadcast_in_dim3A_408, %add3A_416], %get3A_421 {add = true} : memref<32x128xf32, #tpu.memory_space<vmem>>[vector<16xi32>, vector<16xi32>], vector<16xf32>,
        %slice3A_422 = vector.extract_strided_slice %get3A_288 {offsets = [7], sizes = [1], strides = [1]} : vector<16xi32> to vector<1xi32>
        %squeeze3A_423 = vector.extract %slice3A_422[0] : i32 from vector<1xi32>
        %and3A_424 = arith.constant 31 : i32
        %and3A_425 = arith.andi %squeeze3A_423, %and3A_424 : i32
        %broadcast_in_dim3A_426 = vector.broadcast %and3A_425 : i32 to vector<16xi32>
        %shift_right_arithmetic3A_427 = arith.constant 5 : i32
        %shift_right_arithmetic3A_428 = arith.shrsi %squeeze3A_423, %shift_right_arithmetic3A_427 : i32
        %and3A_429 = arith.constant 7 : i32
        %and3A_430 = arith.andi %shift_right_arithmetic3A_428, %and3A_429 : i32
        %mul3A_431 = arith.constant 16 : i32
        %mul3A_432 = arith.muli %and3A_430, %mul3A_431 : i32
        %add3A_433 = vector.broadcast %mul3A_432 : i32 to vector<16xi32>
        %add3A_434 = arith.addi %add3A_433, %iota3A : vector<16xi32>
        %add3A_435 = arith.constant 7 : i32
        %add3A_436 = arith.addi %mul3A_292, %add3A_435 : i32
        %get3A_437 = arith.index_cast %add3A_436 : i32 to index
        %get3A_438 = arith.constant 0 : index
        %get3A_439 = tpu.vector_load %arg5[%get3A_437, %get3A_438] {strides = array<i32>} : memref<400x128xf32, #tpu.memory_space<vmem>>, vector<16xf32>,
        tpu.vector_store_idx %arg7[%broadcast_in_dim3A_426, %add3A_434], %get3A_439 {add = true} : memref<32x128xf32, #tpu.memory_space<vmem>>[vector<16xi32>, vector<16xi32>], vector<16xf32>,
        %slice3A_440 = vector.extract_strided_slice %get3A_288 {offsets = [8], sizes = [1], strides = [1]} : vector<16xi32> to vector<1xi32>
        %squeeze3A_441 = vector.extract %slice3A_440[0] : i32 from vector<1xi32>
        %and3A_442 = arith.constant 31 : i32
        %and3A_443 = arith.andi %squeeze3A_441, %and3A_442 : i32
        %broadcast_in_dim3A_444 = vector.broadcast %and3A_443 : i32 to vector<16xi32>
        %shift_right_arithmetic3A_445 = arith.constant 5 : i32
        %shift_right_arithmetic3A_446 = arith.shrsi %squeeze3A_441, %shift_right_arithmetic3A_445 : i32
        %and3A_447 = arith.constant 7 : i32
        %and3A_448 = arith.andi %shift_right_arithmetic3A_446, %and3A_447 : i32
        %mul3A_449 = arith.constant 16 : i32
        %mul3A_450 = arith.muli %and3A_448, %mul3A_449 : i32
        %add3A_451 = vector.broadcast %mul3A_450 : i32 to vector<16xi32>
        %add3A_452 = arith.addi %add3A_451, %iota3A : vector<16xi32>
        %add3A_453 = arith.constant 8 : i32
        %add3A_454 = arith.addi %mul3A_292, %add3A_453 : i32
        %get3A_455 = arith.index_cast %add3A_454 : i32 to index
        %get3A_456 = arith.constant 0 : index
        %get3A_457 = tpu.vector_load %arg5[%get3A_455, %get3A_456] {strides = array<i32>} : memref<400x128xf32, #tpu.memory_space<vmem>>, vector<16xf32>,
        tpu.vector_store_idx %arg7[%broadcast_in_dim3A_444, %add3A_452], %get3A_457 {add = true} : memref<32x128xf32, #tpu.memory_space<vmem>>[vector<16xi32>, vector<16xi32>], vector<16xf32>,
        %slice3A_458 = vector.extract_strided_slice %get3A_288 {offsets = [9], sizes = [1], strides = [1]} : vector<16xi32> to vector<1xi32>
        %squeeze3A_459 = vector.extract %slice3A_458[0] : i32 from vector<1xi32>
        %and3A_460 = arith.constant 31 : i32
        %and3A_461 = arith.andi %squeeze3A_459, %and3A_460 : i32
        %broadcast_in_dim3A_462 = vector.broadcast %and3A_461 : i32 to vector<16xi32>
        %shift_right_arithmetic3A_463 = arith.constant 5 : i32
        %shift_right_arithmetic3A_464 = arith.shrsi %squeeze3A_459, %shift_right_arithmetic3A_463 : i32
        %and3A_465 = arith.constant 7 : i32
        %and3A_466 = arith.andi %shift_right_arithmetic3A_464, %and3A_465 : i32
        %mul3A_467 = arith.constant 16 : i32
        %mul3A_468 = arith.muli %and3A_466, %mul3A_467 : i32
        %add3A_469 = vector.broadcast %mul3A_468 : i32 to vector<16xi32>
        %add3A_470 = arith.addi %add3A_469, %iota3A : vector<16xi32>
        %add3A_471 = arith.constant 9 : i32
        %add3A_472 = arith.addi %mul3A_292, %add3A_471 : i32
        %get3A_473 = arith.index_cast %add3A_472 : i32 to index
        %get3A_474 = arith.constant 0 : index
        %get3A_475 = tpu.vector_load %arg5[%get3A_473, %get3A_474] {strides = array<i32>} : memref<400x128xf32, #tpu.memory_space<vmem>>, vector<16xf32>,
        tpu.vector_store_idx %arg7[%broadcast_in_dim3A_462, %add3A_470], %get3A_475 {add = true} : memref<32x128xf32, #tpu.memory_space<vmem>>[vector<16xi32>, vector<16xi32>], vector<16xf32>,
        %slice3A_476 = vector.extract_strided_slice %get3A_288 {offsets = [10], sizes = [1], strides = [1]} : vector<16xi32> to vector<1xi32>
        %squeeze3A_477 = vector.extract %slice3A_476[0] : i32 from vector<1xi32>
        %and3A_478 = arith.constant 31 : i32
        %and3A_479 = arith.andi %squeeze3A_477, %and3A_478 : i32
        %broadcast_in_dim3A_480 = vector.broadcast %and3A_479 : i32 to vector<16xi32>
        %shift_right_arithmetic3A_481 = arith.constant 5 : i32
        %shift_right_arithmetic3A_482 = arith.shrsi %squeeze3A_477, %shift_right_arithmetic3A_481 : i32
        %and3A_483 = arith.constant 7 : i32
        %and3A_484 = arith.andi %shift_right_arithmetic3A_482, %and3A_483 : i32
        %mul3A_485 = arith.constant 16 : i32
        %mul3A_486 = arith.muli %and3A_484, %mul3A_485 : i32
        %add3A_487 = vector.broadcast %mul3A_486 : i32 to vector<16xi32>
        %add3A_488 = arith.addi %add3A_487, %iota3A : vector<16xi32>
        %add3A_489 = arith.constant 10 : i32
        %add3A_490 = arith.addi %mul3A_292, %add3A_489 : i32
        %get3A_491 = arith.index_cast %add3A_490 : i32 to index
        %get3A_492 = arith.constant 0 : index
        %get3A_493 = tpu.vector_load %arg5[%get3A_491, %get3A_492] {strides = array<i32>} : memref<400x128xf32, #tpu.memory_space<vmem>>, vector<16xf32>,
        tpu.vector_store_idx %arg7[%broadcast_in_dim3A_480, %add3A_488], %get3A_493 {add = true} : memref<32x128xf32, #tpu.memory_space<vmem>>[vector<16xi32>, vector<16xi32>], vector<16xf32>,
        %slice3A_494 = vector.extract_strided_slice %get3A_288 {offsets = [11], sizes = [1], strides = [1]} : vector<16xi32> to vector<1xi32>
        %squeeze3A_495 = vector.extract %slice3A_494[0] : i32 from vector<1xi32>
        %and3A_496 = arith.constant 31 : i32
        %and3A_497 = arith.andi %squeeze3A_495, %and3A_496 : i32
        %broadcast_in_dim3A_498 = vector.broadcast %and3A_497 : i32 to vector<16xi32>
        %shift_right_arithmetic3A_499 = arith.constant 5 : i32
        %shift_right_arithmetic3A_500 = arith.shrsi %squeeze3A_495, %shift_right_arithmetic3A_499 : i32
        %and3A_501 = arith.constant 7 : i32
        %and3A_502 = arith.andi %shift_right_arithmetic3A_500, %and3A_501 : i32
        %mul3A_503 = arith.constant 16 : i32
        %mul3A_504 = arith.muli %and3A_502, %mul3A_503 : i32
        %add3A_505 = vector.broadcast %mul3A_504 : i32 to vector<16xi32>
        %add3A_506 = arith.addi %add3A_505, %iota3A : vector<16xi32>
        %add3A_507 = arith.constant 11 : i32
        %add3A_508 = arith.addi %mul3A_292, %add3A_507 : i32
        %get3A_509 = arith.index_cast %add3A_508 : i32 to index
        %get3A_510 = arith.constant 0 : index
        %get3A_511 = tpu.vector_load %arg5[%get3A_509, %get3A_510] {strides = array<i32>} : memref<400x128xf32, #tpu.memory_space<vmem>>, vector<16xf32>,
        tpu.vector_store_idx %arg7[%broadcast_in_dim3A_498, %add3A_506], %get3A_511 {add = true} : memref<32x128xf32, #tpu.memory_space<vmem>>[vector<16xi32>, vector<16xi32>], vector<16xf32>,
        %slice3A_512 = vector.extract_strided_slice %get3A_288 {offsets = [12], sizes = [1], strides = [1]} : vector<16xi32> to vector<1xi32>
        %squeeze3A_513 = vector.extract %slice3A_512[0] : i32 from vector<1xi32>
        %and3A_514 = arith.constant 31 : i32
        %and3A_515 = arith.andi %squeeze3A_513, %and3A_514 : i32
        %broadcast_in_dim3A_516 = vector.broadcast %and3A_515 : i32 to vector<16xi32>
        %shift_right_arithmetic3A_517 = arith.constant 5 : i32
        %shift_right_arithmetic3A_518 = arith.shrsi %squeeze3A_513, %shift_right_arithmetic3A_517 : i32
        %and3A_519 = arith.constant 7 : i32
        %and3A_520 = arith.andi %shift_right_arithmetic3A_518, %and3A_519 : i32
        %mul3A_521 = arith.constant 16 : i32
        %mul3A_522 = arith.muli %and3A_520, %mul3A_521 : i32
        %add3A_523 = vector.broadcast %mul3A_522 : i32 to vector<16xi32>
        %add3A_524 = arith.addi %add3A_523, %iota3A : vector<16xi32>
        %add3A_525 = arith.constant 12 : i32
        %add3A_526 = arith.addi %mul3A_292, %add3A_525 : i32
        %get3A_527 = arith.index_cast %add3A_526 : i32 to index
        %get3A_528 = arith.constant 0 : index
        %get3A_529 = tpu.vector_load %arg5[%get3A_527, %get3A_528] {strides = array<i32>} : memref<400x128xf32, #tpu.memory_space<vmem>>, vector<16xf32>,
        tpu.vector_store_idx %arg7[%broadcast_in_dim3A_516, %add3A_524], %get3A_529 {add = true} : memref<32x128xf32, #tpu.memory_space<vmem>>[vector<16xi32>, vector<16xi32>], vector<16xf32>,
        %slice3A_530 = vector.extract_strided_slice %get3A_288 {offsets = [13], sizes = [1], strides = [1]} : vector<16xi32> to vector<1xi32>
        %squeeze3A_531 = vector.extract %slice3A_530[0] : i32 from vector<1xi32>
        %and3A_532 = arith.constant 31 : i32
        %and3A_533 = arith.andi %squeeze3A_531, %and3A_532 : i32
        %broadcast_in_dim3A_534 = vector.broadcast %and3A_533 : i32 to vector<16xi32>
        %shift_right_arithmetic3A_535 = arith.constant 5 : i32
        %shift_right_arithmetic3A_536 = arith.shrsi %squeeze3A_531, %shift_right_arithmetic3A_535 : i32
        %and3A_537 = arith.constant 7 : i32
        %and3A_538 = arith.andi %shift_right_arithmetic3A_536, %and3A_537 : i32
        %mul3A_539 = arith.constant 16 : i32
        %mul3A_540 = arith.muli %and3A_538, %mul3A_539 : i32
        %add3A_541 = vector.broadcast %mul3A_540 : i32 to vector<16xi32>
        %add3A_542 = arith.addi %add3A_541, %iota3A : vector<16xi32>
        %add3A_543 = arith.constant 13 : i32
        %add3A_544 = arith.addi %mul3A_292, %add3A_543 : i32
        %get3A_545 = arith.index_cast %add3A_544 : i32 to index
        %get3A_546 = arith.constant 0 : index
        %get3A_547 = tpu.vector_load %arg5[%get3A_545, %get3A_546] {strides = array<i32>} : memref<400x128xf32, #tpu.memory_space<vmem>>, vector<16xf32>,
        tpu.vector_store_idx %arg7[%broadcast_in_dim3A_534, %add3A_542], %get3A_547 {add = true} : memref<32x128xf32, #tpu.memory_space<vmem>>[vector<16xi32>, vector<16xi32>], vector<16xf32>,
        %slice3A_548 = vector.extract_strided_slice %get3A_288 {offsets = [14], sizes = [1], strides = [1]} : vector<16xi32> to vector<1xi32>
        %squeeze3A_549 = vector.extract %slice3A_548[0] : i32 from vector<1xi32>
        %and3A_550 = arith.constant 31 : i32
        %and3A_551 = arith.andi %squeeze3A_549, %and3A_550 : i32
        %broadcast_in_dim3A_552 = vector.broadcast %and3A_551 : i32 to vector<16xi32>
        %shift_right_arithmetic3A_553 = arith.constant 5 : i32
        %shift_right_arithmetic3A_554 = arith.shrsi %squeeze3A_549, %shift_right_arithmetic3A_553 : i32
        %and3A_555 = arith.constant 7 : i32
        %and3A_556 = arith.andi %shift_right_arithmetic3A_554, %and3A_555 : i32
        %mul3A_557 = arith.constant 16 : i32
        %mul3A_558 = arith.muli %and3A_556, %mul3A_557 : i32
        %add3A_559 = vector.broadcast %mul3A_558 : i32 to vector<16xi32>
        %add3A_560 = arith.addi %add3A_559, %iota3A : vector<16xi32>
        %add3A_561 = arith.constant 14 : i32
        %add3A_562 = arith.addi %mul3A_292, %add3A_561 : i32
        %get3A_563 = arith.index_cast %add3A_562 : i32 to index
        %get3A_564 = arith.constant 0 : index
        %get3A_565 = tpu.vector_load %arg5[%get3A_563, %get3A_564] {strides = array<i32>} : memref<400x128xf32, #tpu.memory_space<vmem>>, vector<16xf32>,
        tpu.vector_store_idx %arg7[%broadcast_in_dim3A_552, %add3A_560], %get3A_565 {add = true} : memref<32x128xf32, #tpu.memory_space<vmem>>[vector<16xi32>, vector<16xi32>], vector<16xf32>,
        %slice3A_566 = vector.extract_strided_slice %get3A_288 {offsets = [15], sizes = [1], strides = [1]} : vector<16xi32> to vector<1xi32>
        %squeeze3A_567 = vector.extract %slice3A_566[0] : i32 from vector<1xi32>
        %and3A_568 = arith.constant 31 : i32
        %and3A_569 = arith.andi %squeeze3A_567, %and3A_568 : i32
        %broadcast_in_dim3A_570 = vector.broadcast %and3A_569 : i32 to vector<16xi32>
        %shift_right_arithmetic3A_571 = arith.constant 5 : i32
        %shift_right_arithmetic3A_572 = arith.shrsi %squeeze3A_567, %shift_right_arithmetic3A_571 : i32
        %and3A_573 = arith.constant 7 : i32
        %and3A_574 = arith.andi %shift_right_arithmetic3A_572, %and3A_573 : i32
        %mul3A_575 = arith.constant 16 : i32
        %mul3A_576 = arith.muli %and3A_574, %mul3A_575 : i32
        %add3A_577 = vector.broadcast %mul3A_576 : i32 to vector<16xi32>
        %add3A_578 = arith.addi %add3A_577, %iota3A : vector<16xi32>
        %add3A_579 = arith.constant 15 : i32
        %add3A_580 = arith.addi %mul3A_292, %add3A_579 : i32
        %get3A_581 = arith.index_cast %add3A_580 : i32 to index
        %get3A_582 = arith.constant 0 : index
        %get3A_583 = tpu.vector_load %arg5[%get3A_581, %get3A_582] {strides = array<i32>} : memref<400x128xf32, #tpu.memory_space<vmem>>, vector<16xf32>,
        tpu.vector_store_idx %arg7[%broadcast_in_dim3A_570, %add3A_578], %get3A_583 {add = true} : memref<32x128xf32, #tpu.memory_space<vmem>>[vector<16xi32>, vector<16xi32>], vector<16xf32>,
        %cond3A_584 = arith.constant 0 : i32
        scf.yield %cond3A_584 : i32
      }
    }
    %scan3A_241 = arith.constant 25 : i32
    %scan3A_242 = arith.constant 0 : i32
    %scan3A_243 = arith.constant 0 : i32
    %scan3A_244 = arith.constant 25 : i32
    %scan3A_245 = arith.addi %scan3A_243, %scan3A_244 : i32
    %scan3A_246 = arith.constant 1 : i32
    scf.for %scan3A_284 = %scan3A_243 to %scan3A_245 step %scan3A_246  : i32 {
      %mul3A_285 = arith.constant 16 : i32
      %mul3A_286 = arith.muli %scan3A_284, %mul3A_285 : i32
      %add3A_287 = arith.addi %add3A_70, %mul3A_286 : i32
      %get3A = arith.index_cast %add3A_287 : i32 to index
      %get3A_288 = tpu.vector_load %arg6[%get3A] {strides = array<i32>} : memref<5632xi32, #tpu.memory_space<vmem>>, vector<16xi32>,
      %slice3A = vector.extract_strided_slice %get3A_288 {offsets = [0], sizes = [1], strides = [1]} : vector<16xi32> to vector<1xi32>
      %squeeze3A = vector.extract %slice3A[0] : i32 from vector<1xi32>
      %slice3A_289 = vector.extract_strided_slice %get3A_288 {offsets = [15], sizes = [1], strides = [1]} : vector<16xi32> to vector<1xi32>
      %squeeze3A_290 = vector.extract %slice3A_289[0] : i32 from vector<1xi32>
      %mul3A_291 = arith.constant 16 : i32
      %mul3A_292 = arith.muli %scan3A_284, %mul3A_291 : i32
      %eq3A_293 = arith.cmpi eq, %squeeze3A, %squeeze3A_290 : i32
      %convert_element_type3A = arith.extui %eq3A_293 : i1 to i32
      %cond3A = arith.constant 0 : i32
      %cond3A_294 = arith.constant 0 : i32
      %cond3A_295 = arith.cmpi ne, %convert_element_type3A, %cond3A_294 : i32
      %cond3A_296 = scf.if %cond3A_295 -> (i32) {
        %get3A_297 = arith.index_cast %mul3A_292 : i32 to index
        %get3A_298 = arith.constant 16 : index
        %get3A_299 = tpu.vector_load %arg5[%get3A_297, %get3A_298] {strides = array<i32>} : memref<400x128xf32, #tpu.memory_space<vmem>>, vector<16xf32>,
        %add3A_300 = arith.constant 1 : i32
        %add3A_301 = arith.addi %mul3A_292, %add3A_300 : i32
        %get3A_302 = arith.index_cast %add3A_301 : i32 to index
        %get3A_303 = arith.constant 16 : index
        %get3A_304 = tpu.vector_load %arg5[%get3A_302, %get3A_303] {strides = array<i32>} : memref<400x128xf32, #tpu.memory_space<vmem>>, vector<16xf32>,
        %add3A_305 = arith.addf %get3A_299, %get3A_304 : vector<16xf32>
        %add3A_306 = arith.constant 2 : i32
        %add3A_307 = arith.addi %mul3A_292, %add3A_306 : i32
        %get3A_308 = arith.index_cast %add3A_307 : i32 to index
        %get3A_309 = arith.constant 16 : index
        %get3A_310 = tpu.vector_load %arg5[%get3A_308, %get3A_309] {strides = array<i32>} : memref<400x128xf32, #tpu.memory_space<vmem>>, vector<16xf32>,
        %add3A_311 = arith.addf %add3A_305, %get3A_310 : vector<16xf32>
        %add3A_312 = arith.constant 3 : i32
        %add3A_313 = arith.addi %mul3A_292, %add3A_312 : i32
        %get3A_314 = arith.index_cast %add3A_313 : i32 to index
        %get3A_315 = arith.constant 16 : index
        %get3A_316 = tpu.vector_load %arg5[%get3A_314, %get3A_315] {strides = array<i32>} : memref<400x128xf32, #tpu.memory_space<vmem>>, vector<16xf32>,
        %add3A_317 = arith.addf %add3A_311, %get3A_316 : vector<16xf32>
        %add3A_318 = arith.constant 4 : i32
        %add3A_319 = arith.addi %mul3A_292, %add3A_318 : i32
        %get3A_320 = arith.index_cast %add3A_319 : i32 to index
        %get3A_321 = arith.constant 16 : index
        %get3A_322 = tpu.vector_load %arg5[%get3A_320, %get3A_321] {strides = array<i32>} : memref<400x128xf32, #tpu.memory_space<vmem>>, vector<16xf32>,
        %add3A_323 = arith.addf %add3A_317, %get3A_322 : vector<16xf32>
        %add3A_324 = arith.constant 5 : i32
        %add3A_325 = arith.addi %mul3A_292, %add3A_324 : i32
        %get3A_326 = arith.index_cast %add3A_325 : i32 to index
        %get3A_327 = arith.constant 16 : index
        %get3A_328 = tpu.vector_load %arg5[%get3A_326, %get3A_327] {strides = array<i32>} : memref<400x128xf32, #tpu.memory_space<vmem>>, vector<16xf32>,
        %add3A_329 = arith.addf %add3A_323, %get3A_328 : vector<16xf32>
        %add3A_330 = arith.constant 6 : i32
        %add3A_331 = arith.addi %mul3A_292, %add3A_330 : i32
        %get3A_332 = arith.index_cast %add3A_331 : i32 to index
        %get3A_333 = arith.constant 16 : index
        %get3A_334 = tpu.vector_load %arg5[%get3A_332, %get3A_333] {strides = array<i32>} : memref<400x128xf32, #tpu.memory_space<vmem>>, vector<16xf32>,
        %add3A_335 = arith.addf %add3A_329, %get3A_334 : vector<16xf32>
        %add3A_336 = arith.constant 7 : i32
        %add3A_337 = arith.addi %mul3A_292, %add3A_336 : i32
        %get3A_338 = arith.index_cast %add3A_337 : i32 to index
        %get3A_339 = arith.constant 16 : index
        %get3A_340 = tpu.vector_load %arg5[%get3A_338, %get3A_339] {strides = array<i32>} : memref<400x128xf32, #tpu.memory_space<vmem>>, vector<16xf32>,
        %add3A_341 = arith.addf %add3A_335, %get3A_340 : vector<16xf32>
        %add3A_342 = arith.constant 8 : i32
        %add3A_343 = arith.addi %mul3A_292, %add3A_342 : i32
        %get3A_344 = arith.index_cast %add3A_343 : i32 to index
        %get3A_345 = arith.constant 16 : index
        %get3A_346 = tpu.vector_load %arg5[%get3A_344, %get3A_345] {strides = array<i32>} : memref<400x128xf32, #tpu.memory_space<vmem>>, vector<16xf32>,
        %add3A_347 = arith.addf %add3A_341, %get3A_346 : vector<16xf32>
        %add3A_348 = arith.constant 9 : i32
        %add3A_349 = arith.addi %mul3A_292, %add3A_348 : i32
        %get3A_350 = arith.index_cast %add3A_349 : i32 to index
        %get3A_351 = arith.constant 16 : index
        %get3A_352 = tpu.vector_load %arg5[%get3A_350, %get3A_351] {strides = array<i32>} : memref<400x128xf32, #tpu.memory_space<vmem>>, vector<16xf32>,
        %add3A_353 = arith.addf %add3A_347, %get3A_352 : vector<16xf32>
        %add3A_354 = arith.constant 10 : i32
        %add3A_355 = arith.addi %mul3A_292, %add3A_354 : i32
        %get3A_356 = arith.index_cast %add3A_355 : i32 to index
        %get3A_357 = arith.constant 16 : index
        %get3A_358 = tpu.vector_load %arg5[%get3A_356, %get3A_357] {strides = array<i32>} : memref<400x128xf32, #tpu.memory_space<vmem>>, vector<16xf32>,
        %add3A_359 = arith.addf %add3A_353, %get3A_358 : vector<16xf32>
        %add3A_360 = arith.constant 11 : i32
        %add3A_361 = arith.addi %mul3A_292, %add3A_360 : i32
        %get3A_362 = arith.index_cast %add3A_361 : i32 to index
        %get3A_363 = arith.constant 16 : index
        %get3A_364 = tpu.vector_load %arg5[%get3A_362, %get3A_363] {strides = array<i32>} : memref<400x128xf32, #tpu.memory_space<vmem>>, vector<16xf32>,
        %add3A_365 = arith.addf %add3A_359, %get3A_364 : vector<16xf32>
        %add3A_366 = arith.constant 12 : i32
        %add3A_367 = arith.addi %mul3A_292, %add3A_366 : i32
        %get3A_368 = arith.index_cast %add3A_367 : i32 to index
        %get3A_369 = arith.constant 16 : index
        %get3A_370 = tpu.vector_load %arg5[%get3A_368, %get3A_369] {strides = array<i32>} : memref<400x128xf32, #tpu.memory_space<vmem>>, vector<16xf32>,
        %add3A_371 = arith.addf %add3A_365, %get3A_370 : vector<16xf32>
        %add3A_372 = arith.constant 13 : i32
        %add3A_373 = arith.addi %mul3A_292, %add3A_372 : i32
        %get3A_374 = arith.index_cast %add3A_373 : i32 to index
        %get3A_375 = arith.constant 16 : index
        %get3A_376 = tpu.vector_load %arg5[%get3A_374, %get3A_375] {strides = array<i32>} : memref<400x128xf32, #tpu.memory_space<vmem>>, vector<16xf32>,
        %add3A_377 = arith.addf %add3A_371, %get3A_376 : vector<16xf32>
        %add3A_378 = arith.constant 14 : i32
        %add3A_379 = arith.addi %mul3A_292, %add3A_378 : i32
        %get3A_380 = arith.index_cast %add3A_379 : i32 to index
        %get3A_381 = arith.constant 16 : index
        %get3A_382 = tpu.vector_load %arg5[%get3A_380, %get3A_381] {strides = array<i32>} : memref<400x128xf32, #tpu.memory_space<vmem>>, vector<16xf32>,
        %add3A_383 = arith.addf %add3A_377, %get3A_382 : vector<16xf32>
        %add3A_384 = arith.constant 15 : i32
        %add3A_385 = arith.addi %mul3A_292, %add3A_384 : i32
        %get3A_386 = arith.index_cast %add3A_385 : i32 to index
        %get3A_387 = arith.constant 16 : index
        %get3A_388 = tpu.vector_load %arg5[%get3A_386, %get3A_387] {strides = array<i32>} : memref<400x128xf32, #tpu.memory_space<vmem>>, vector<16xf32>,
        %add3A_389 = arith.addf %add3A_383, %get3A_388 : vector<16xf32>
        %and3A_390 = arith.constant 31 : i32
        %and3A_391 = arith.andi %squeeze3A, %and3A_390 : i32
        %broadcast_in_dim3A_392 = vector.broadcast %and3A_391 : i32 to vector<16xi32>
        %shift_right_arithmetic3A = arith.constant 5 : i32
        %shift_right_arithmetic3A_393 = arith.shrsi %squeeze3A, %shift_right_arithmetic3A : i32
        %and3A_394 = arith.constant 7 : i32
        %and3A_395 = arith.andi %shift_right_arithmetic3A_393, %and3A_394 : i32
        %mul3A_396 = arith.constant 16 : i32
        %mul3A_397 = arith.muli %and3A_395, %mul3A_396 : i32
        %add3A_398 = vector.broadcast %mul3A_397 : i32 to vector<16xi32>
        %add3A_399 = arith.addi %add3A_398, %iota3A : vector<16xi32>
        tpu.vector_store_idx %arg7[%broadcast_in_dim3A_392, %add3A_399], %add3A_389 {add = true} : memref<32x128xf32, #tpu.memory_space<vmem>>[vector<16xi32>, vector<16xi32>], vector<16xf32>,
        %cond3A_400 = arith.constant 0 : i32
        scf.yield %cond3A_400 : i32
      } else {
        %slice3A_297 = vector.extract_strided_slice %get3A_288 {offsets = [0], sizes = [1], strides = [1]} : vector<16xi32> to vector<1xi32>
        %squeeze3A_298 = vector.extract %slice3A_297[0] : i32 from vector<1xi32>
        %and3A_299 = arith.constant 31 : i32
        %and3A_300 = arith.andi %squeeze3A_298, %and3A_299 : i32
        %broadcast_in_dim3A_301 = vector.broadcast %and3A_300 : i32 to vector<16xi32>
        %shift_right_arithmetic3A = arith.constant 5 : i32
        %shift_right_arithmetic3A_302 = arith.shrsi %squeeze3A_298, %shift_right_arithmetic3A : i32
        %and3A_303 = arith.constant 7 : i32
        %and3A_304 = arith.andi %shift_right_arithmetic3A_302, %and3A_303 : i32
        %mul3A_305 = arith.constant 16 : i32
        %mul3A_306 = arith.muli %and3A_304, %mul3A_305 : i32
        %add3A_307 = vector.broadcast %mul3A_306 : i32 to vector<16xi32>
        %add3A_308 = arith.addi %add3A_307, %iota3A : vector<16xi32>
        %add3A_309 = arith.constant 0 : i32
        %add3A_310 = arith.addi %mul3A_292, %add3A_309 : i32
        %get3A_311 = arith.index_cast %add3A_310 : i32 to index
        %get3A_312 = arith.constant 16 : index
        %get3A_313 = tpu.vector_load %arg5[%get3A_311, %get3A_312] {strides = array<i32>} : memref<400x128xf32, #tpu.memory_space<vmem>>, vector<16xf32>,
        tpu.vector_store_idx %arg7[%broadcast_in_dim3A_301, %add3A_308], %get3A_313 {add = true} : memref<32x128xf32, #tpu.memory_space<vmem>>[vector<16xi32>, vector<16xi32>], vector<16xf32>,
        %slice3A_314 = vector.extract_strided_slice %get3A_288 {offsets = [1], sizes = [1], strides = [1]} : vector<16xi32> to vector<1xi32>
        %squeeze3A_315 = vector.extract %slice3A_314[0] : i32 from vector<1xi32>
        %and3A_316 = arith.constant 31 : i32
        %and3A_317 = arith.andi %squeeze3A_315, %and3A_316 : i32
        %broadcast_in_dim3A_318 = vector.broadcast %and3A_317 : i32 to vector<16xi32>
        %shift_right_arithmetic3A_319 = arith.constant 5 : i32
        %shift_right_arithmetic3A_320 = arith.shrsi %squeeze3A_315, %shift_right_arithmetic3A_319 : i32
        %and3A_321 = arith.constant 7 : i32
        %and3A_322 = arith.andi %shift_right_arithmetic3A_320, %and3A_321 : i32
        %mul3A_323 = arith.constant 16 : i32
        %mul3A_324 = arith.muli %and3A_322, %mul3A_323 : i32
        %add3A_325 = vector.broadcast %mul3A_324 : i32 to vector<16xi32>
        %add3A_326 = arith.addi %add3A_325, %iota3A : vector<16xi32>
        %add3A_327 = arith.constant 1 : i32
        %add3A_328 = arith.addi %mul3A_292, %add3A_327 : i32
        %get3A_329 = arith.index_cast %add3A_328 : i32 to index
        %get3A_330 = arith.constant 16 : index
        %get3A_331 = tpu.vector_load %arg5[%get3A_329, %get3A_330] {strides = array<i32>} : memref<400x128xf32, #tpu.memory_space<vmem>>, vector<16xf32>,
        tpu.vector_store_idx %arg7[%broadcast_in_dim3A_318, %add3A_326], %get3A_331 {add = true} : memref<32x128xf32, #tpu.memory_space<vmem>>[vector<16xi32>, vector<16xi32>], vector<16xf32>,
        %slice3A_332 = vector.extract_strided_slice %get3A_288 {offsets = [2], sizes = [1], strides = [1]} : vector<16xi32> to vector<1xi32>
        %squeeze3A_333 = vector.extract %slice3A_332[0] : i32 from vector<1xi32>
        %and3A_334 = arith.constant 31 : i32
        %and3A_335 = arith.andi %squeeze3A_333, %and3A_334 : i32
        %broadcast_in_dim3A_336 = vector.broadcast %and3A_335 : i32 to vector<16xi32>
        %shift_right_arithmetic3A_337 = arith.constant 5 : i32
        %shift_right_arithmetic3A_338 = arith.shrsi %squeeze3A_333, %shift_right_arithmetic3A_337 : i32
        %and3A_339 = arith.constant 7 : i32
        %and3A_340 = arith.andi %shift_right_arithmetic3A_338, %and3A_339 : i32
        %mul3A_341 = arith.constant 16 : i32
        %mul3A_342 = arith.muli %and3A_340, %mul3A_341 : i32
        %add3A_343 = vector.broadcast %mul3A_342 : i32 to vector<16xi32>
        %add3A_344 = arith.addi %add3A_343, %iota3A : vector<16xi32>
        %add3A_345 = arith.constant 2 : i32
        %add3A_346 = arith.addi %mul3A_292, %add3A_345 : i32
        %get3A_347 = arith.index_cast %add3A_346 : i32 to index
        %get3A_348 = arith.constant 16 : index
        %get3A_349 = tpu.vector_load %arg5[%get3A_347, %get3A_348] {strides = array<i32>} : memref<400x128xf32, #tpu.memory_space<vmem>>, vector<16xf32>,
        tpu.vector_store_idx %arg7[%broadcast_in_dim3A_336, %add3A_344], %get3A_349 {add = true} : memref<32x128xf32, #tpu.memory_space<vmem>>[vector<16xi32>, vector<16xi32>], vector<16xf32>,
        %slice3A_350 = vector.extract_strided_slice %get3A_288 {offsets = [3], sizes = [1], strides = [1]} : vector<16xi32> to vector<1xi32>
        %squeeze3A_351 = vector.extract %slice3A_350[0] : i32 from vector<1xi32>
        %and3A_352 = arith.constant 31 : i32
        %and3A_353 = arith.andi %squeeze3A_351, %and3A_352 : i32
        %broadcast_in_dim3A_354 = vector.broadcast %and3A_353 : i32 to vector<16xi32>
        %shift_right_arithmetic3A_355 = arith.constant 5 : i32
        %shift_right_arithmetic3A_356 = arith.shrsi %squeeze3A_351, %shift_right_arithmetic3A_355 : i32
        %and3A_357 = arith.constant 7 : i32
        %and3A_358 = arith.andi %shift_right_arithmetic3A_356, %and3A_357 : i32
        %mul3A_359 = arith.constant 16 : i32
        %mul3A_360 = arith.muli %and3A_358, %mul3A_359 : i32
        %add3A_361 = vector.broadcast %mul3A_360 : i32 to vector<16xi32>
        %add3A_362 = arith.addi %add3A_361, %iota3A : vector<16xi32>
        %add3A_363 = arith.constant 3 : i32
        %add3A_364 = arith.addi %mul3A_292, %add3A_363 : i32
        %get3A_365 = arith.index_cast %add3A_364 : i32 to index
        %get3A_366 = arith.constant 16 : index
        %get3A_367 = tpu.vector_load %arg5[%get3A_365, %get3A_366] {strides = array<i32>} : memref<400x128xf32, #tpu.memory_space<vmem>>, vector<16xf32>,
        tpu.vector_store_idx %arg7[%broadcast_in_dim3A_354, %add3A_362], %get3A_367 {add = true} : memref<32x128xf32, #tpu.memory_space<vmem>>[vector<16xi32>, vector<16xi32>], vector<16xf32>,
        %slice3A_368 = vector.extract_strided_slice %get3A_288 {offsets = [4], sizes = [1], strides = [1]} : vector<16xi32> to vector<1xi32>
        %squeeze3A_369 = vector.extract %slice3A_368[0] : i32 from vector<1xi32>
        %and3A_370 = arith.constant 31 : i32
        %and3A_371 = arith.andi %squeeze3A_369, %and3A_370 : i32
        %broadcast_in_dim3A_372 = vector.broadcast %and3A_371 : i32 to vector<16xi32>
        %shift_right_arithmetic3A_373 = arith.constant 5 : i32
        %shift_right_arithmetic3A_374 = arith.shrsi %squeeze3A_369, %shift_right_arithmetic3A_373 : i32
        %and3A_375 = arith.constant 7 : i32
        %and3A_376 = arith.andi %shift_right_arithmetic3A_374, %and3A_375 : i32
        %mul3A_377 = arith.constant 16 : i32
        %mul3A_378 = arith.muli %and3A_376, %mul3A_377 : i32
        %add3A_379 = vector.broadcast %mul3A_378 : i32 to vector<16xi32>
        %add3A_380 = arith.addi %add3A_379, %iota3A : vector<16xi32>
        %add3A_381 = arith.constant 4 : i32
        %add3A_382 = arith.addi %mul3A_292, %add3A_381 : i32
        %get3A_383 = arith.index_cast %add3A_382 : i32 to index
        %get3A_384 = arith.constant 16 : index
        %get3A_385 = tpu.vector_load %arg5[%get3A_383, %get3A_384] {strides = array<i32>} : memref<400x128xf32, #tpu.memory_space<vmem>>, vector<16xf32>,
        tpu.vector_store_idx %arg7[%broadcast_in_dim3A_372, %add3A_380], %get3A_385 {add = true} : memref<32x128xf32, #tpu.memory_space<vmem>>[vector<16xi32>, vector<16xi32>], vector<16xf32>,
        %slice3A_386 = vector.extract_strided_slice %get3A_288 {offsets = [5], sizes = [1], strides = [1]} : vector<16xi32> to vector<1xi32>
        %squeeze3A_387 = vector.extract %slice3A_386[0] : i32 from vector<1xi32>
        %and3A_388 = arith.constant 31 : i32
        %and3A_389 = arith.andi %squeeze3A_387, %and3A_388 : i32
        %broadcast_in_dim3A_390 = vector.broadcast %and3A_389 : i32 to vector<16xi32>
        %shift_right_arithmetic3A_391 = arith.constant 5 : i32
        %shift_right_arithmetic3A_392 = arith.shrsi %squeeze3A_387, %shift_right_arithmetic3A_391 : i32
        %and3A_393 = arith.constant 7 : i32
        %and3A_394 = arith.andi %shift_right_arithmetic3A_392, %and3A_393 : i32
        %mul3A_395 = arith.constant 16 : i32
        %mul3A_396 = arith.muli %and3A_394, %mul3A_395 : i32
        %add3A_397 = vector.broadcast %mul3A_396 : i32 to vector<16xi32>
        %add3A_398 = arith.addi %add3A_397, %iota3A : vector<16xi32>
        %add3A_399 = arith.constant 5 : i32
        %add3A_400 = arith.addi %mul3A_292, %add3A_399 : i32
        %get3A_401 = arith.index_cast %add3A_400 : i32 to index
        %get3A_402 = arith.constant 16 : index
        %get3A_403 = tpu.vector_load %arg5[%get3A_401, %get3A_402] {strides = array<i32>} : memref<400x128xf32, #tpu.memory_space<vmem>>, vector<16xf32>,
        tpu.vector_store_idx %arg7[%broadcast_in_dim3A_390, %add3A_398], %get3A_403 {add = true} : memref<32x128xf32, #tpu.memory_space<vmem>>[vector<16xi32>, vector<16xi32>], vector<16xf32>,
        %slice3A_404 = vector.extract_strided_slice %get3A_288 {offsets = [6], sizes = [1], strides = [1]} : vector<16xi32> to vector<1xi32>
        %squeeze3A_405 = vector.extract %slice3A_404[0] : i32 from vector<1xi32>
        %and3A_406 = arith.constant 31 : i32
        %and3A_407 = arith.andi %squeeze3A_405, %and3A_406 : i32
        %broadcast_in_dim3A_408 = vector.broadcast %and3A_407 : i32 to vector<16xi32>
        %shift_right_arithmetic3A_409 = arith.constant 5 : i32
        %shift_right_arithmetic3A_410 = arith.shrsi %squeeze3A_405, %shift_right_arithmetic3A_409 : i32
        %and3A_411 = arith.constant 7 : i32
        %and3A_412 = arith.andi %shift_right_arithmetic3A_410, %and3A_411 : i32
        %mul3A_413 = arith.constant 16 : i32
        %mul3A_414 = arith.muli %and3A_412, %mul3A_413 : i32
        %add3A_415 = vector.broadcast %mul3A_414 : i32 to vector<16xi32>
        %add3A_416 = arith.addi %add3A_415, %iota3A : vector<16xi32>
        %add3A_417 = arith.constant 6 : i32
        %add3A_418 = arith.addi %mul3A_292, %add3A_417 : i32
        %get3A_419 = arith.index_cast %add3A_418 : i32 to index
        %get3A_420 = arith.constant 16 : index
        %get3A_421 = tpu.vector_load %arg5[%get3A_419, %get3A_420] {strides = array<i32>} : memref<400x128xf32, #tpu.memory_space<vmem>>, vector<16xf32>,
        tpu.vector_store_idx %arg7[%broadcast_in_dim3A_408, %add3A_416], %get3A_421 {add = true} : memref<32x128xf32, #tpu.memory_space<vmem>>[vector<16xi32>, vector<16xi32>], vector<16xf32>,
        %slice3A_422 = vector.extract_strided_slice %get3A_288 {offsets = [7], sizes = [1], strides = [1]} : vector<16xi32> to vector<1xi32>
        %squeeze3A_423 = vector.extract %slice3A_422[0] : i32 from vector<1xi32>
        %and3A_424 = arith.constant 31 : i32
        %and3A_425 = arith.andi %squeeze3A_423, %and3A_424 : i32
        %broadcast_in_dim3A_426 = vector.broadcast %and3A_425 : i32 to vector<16xi32>
        %shift_right_arithmetic3A_427 = arith.constant 5 : i32
        %shift_right_arithmetic3A_428 = arith.shrsi %squeeze3A_423, %shift_right_arithmetic3A_427 : i32
        %and3A_429 = arith.constant 7 : i32
        %and3A_430 = arith.andi %shift_right_arithmetic3A_428, %and3A_429 : i32
        %mul3A_431 = arith.constant 16 : i32
        %mul3A_432 = arith.muli %and3A_430, %mul3A_431 : i32
        %add3A_433 = vector.broadcast %mul3A_432 : i32 to vector<16xi32>
        %add3A_434 = arith.addi %add3A_433, %iota3A : vector<16xi32>
        %add3A_435 = arith.constant 7 : i32
        %add3A_436 = arith.addi %mul3A_292, %add3A_435 : i32
        %get3A_437 = arith.index_cast %add3A_436 : i32 to index
        %get3A_438 = arith.constant 16 : index
        %get3A_439 = tpu.vector_load %arg5[%get3A_437, %get3A_438] {strides = array<i32>} : memref<400x128xf32, #tpu.memory_space<vmem>>, vector<16xf32>,
        tpu.vector_store_idx %arg7[%broadcast_in_dim3A_426, %add3A_434], %get3A_439 {add = true} : memref<32x128xf32, #tpu.memory_space<vmem>>[vector<16xi32>, vector<16xi32>], vector<16xf32>,
        %slice3A_440 = vector.extract_strided_slice %get3A_288 {offsets = [8], sizes = [1], strides = [1]} : vector<16xi32> to vector<1xi32>
        %squeeze3A_441 = vector.extract %slice3A_440[0] : i32 from vector<1xi32>
        %and3A_442 = arith.constant 31 : i32
        %and3A_443 = arith.andi %squeeze3A_441, %and3A_442 : i32
        %broadcast_in_dim3A_444 = vector.broadcast %and3A_443 : i32 to vector<16xi32>
        %shift_right_arithmetic3A_445 = arith.constant 5 : i32
        %shift_right_arithmetic3A_446 = arith.shrsi %squeeze3A_441, %shift_right_arithmetic3A_445 : i32
        %and3A_447 = arith.constant 7 : i32
        %and3A_448 = arith.andi %shift_right_arithmetic3A_446, %and3A_447 : i32
        %mul3A_449 = arith.constant 16 : i32
        %mul3A_450 = arith.muli %and3A_448, %mul3A_449 : i32
        %add3A_451 = vector.broadcast %mul3A_450 : i32 to vector<16xi32>
        %add3A_452 = arith.addi %add3A_451, %iota3A : vector<16xi32>
        %add3A_453 = arith.constant 8 : i32
        %add3A_454 = arith.addi %mul3A_292, %add3A_453 : i32
        %get3A_455 = arith.index_cast %add3A_454 : i32 to index
        %get3A_456 = arith.constant 16 : index
        %get3A_457 = tpu.vector_load %arg5[%get3A_455, %get3A_456] {strides = array<i32>} : memref<400x128xf32, #tpu.memory_space<vmem>>, vector<16xf32>,
        tpu.vector_store_idx %arg7[%broadcast_in_dim3A_444, %add3A_452], %get3A_457 {add = true} : memref<32x128xf32, #tpu.memory_space<vmem>>[vector<16xi32>, vector<16xi32>], vector<16xf32>,
        %slice3A_458 = vector.extract_strided_slice %get3A_288 {offsets = [9], sizes = [1], strides = [1]} : vector<16xi32> to vector<1xi32>
        %squeeze3A_459 = vector.extract %slice3A_458[0] : i32 from vector<1xi32>
        %and3A_460 = arith.constant 31 : i32
        %and3A_461 = arith.andi %squeeze3A_459, %and3A_460 : i32
        %broadcast_in_dim3A_462 = vector.broadcast %and3A_461 : i32 to vector<16xi32>
        %shift_right_arithmetic3A_463 = arith.constant 5 : i32
        %shift_right_arithmetic3A_464 = arith.shrsi %squeeze3A_459, %shift_right_arithmetic3A_463 : i32
        %and3A_465 = arith.constant 7 : i32
        %and3A_466 = arith.andi %shift_right_arithmetic3A_464, %and3A_465 : i32
        %mul3A_467 = arith.constant 16 : i32
        %mul3A_468 = arith.muli %and3A_466, %mul3A_467 : i32
        %add3A_469 = vector.broadcast %mul3A_468 : i32 to vector<16xi32>
        %add3A_470 = arith.addi %add3A_469, %iota3A : vector<16xi32>
        %add3A_471 = arith.constant 9 : i32
        %add3A_472 = arith.addi %mul3A_292, %add3A_471 : i32
        %get3A_473 = arith.index_cast %add3A_472 : i32 to index
        %get3A_474 = arith.constant 16 : index
        %get3A_475 = tpu.vector_load %arg5[%get3A_473, %get3A_474] {strides = array<i32>} : memref<400x128xf32, #tpu.memory_space<vmem>>, vector<16xf32>,
        tpu.vector_store_idx %arg7[%broadcast_in_dim3A_462, %add3A_470], %get3A_475 {add = true} : memref<32x128xf32, #tpu.memory_space<vmem>>[vector<16xi32>, vector<16xi32>], vector<16xf32>,
        %slice3A_476 = vector.extract_strided_slice %get3A_288 {offsets = [10], sizes = [1], strides = [1]} : vector<16xi32> to vector<1xi32>
        %squeeze3A_477 = vector.extract %slice3A_476[0] : i32 from vector<1xi32>
        %and3A_478 = arith.constant 31 : i32
        %and3A_479 = arith.andi %squeeze3A_477, %and3A_478 : i32
        %broadcast_in_dim3A_480 = vector.broadcast %and3A_479 : i32 to vector<16xi32>
        %shift_right_arithmetic3A_481 = arith.constant 5 : i32
        %shift_right_arithmetic3A_482 = arith.shrsi %squeeze3A_477, %shift_right_arithmetic3A_481 : i32
        %and3A_483 = arith.constant 7 : i32
        %and3A_484 = arith.andi %shift_right_arithmetic3A_482, %and3A_483 : i32
        %mul3A_485 = arith.constant 16 : i32
        %mul3A_486 = arith.muli %and3A_484, %mul3A_485 : i32
        %add3A_487 = vector.broadcast %mul3A_486 : i32 to vector<16xi32>
        %add3A_488 = arith.addi %add3A_487, %iota3A : vector<16xi32>
        %add3A_489 = arith.constant 10 : i32
        %add3A_490 = arith.addi %mul3A_292, %add3A_489 : i32
        %get3A_491 = arith.index_cast %add3A_490 : i32 to index
        %get3A_492 = arith.constant 16 : index
        %get3A_493 = tpu.vector_load %arg5[%get3A_491, %get3A_492] {strides = array<i32>} : memref<400x128xf32, #tpu.memory_space<vmem>>, vector<16xf32>,
        tpu.vector_store_idx %arg7[%broadcast_in_dim3A_480, %add3A_488], %get3A_493 {add = true} : memref<32x128xf32, #tpu.memory_space<vmem>>[vector<16xi32>, vector<16xi32>], vector<16xf32>,
        %slice3A_494 = vector.extract_strided_slice %get3A_288 {offsets = [11], sizes = [1], strides = [1]} : vector<16xi32> to vector<1xi32>
        %squeeze3A_495 = vector.extract %slice3A_494[0] : i32 from vector<1xi32>
        %and3A_496 = arith.constant 31 : i32
        %and3A_497 = arith.andi %squeeze3A_495, %and3A_496 : i32
        %broadcast_in_dim3A_498 = vector.broadcast %and3A_497 : i32 to vector<16xi32>
        %shift_right_arithmetic3A_499 = arith.constant 5 : i32
        %shift_right_arithmetic3A_500 = arith.shrsi %squeeze3A_495, %shift_right_arithmetic3A_499 : i32
        %and3A_501 = arith.constant 7 : i32
        %and3A_502 = arith.andi %shift_right_arithmetic3A_500, %and3A_501 : i32
        %mul3A_503 = arith.constant 16 : i32
        %mul3A_504 = arith.muli %and3A_502, %mul3A_503 : i32
        %add3A_505 = vector.broadcast %mul3A_504 : i32 to vector<16xi32>
        %add3A_506 = arith.addi %add3A_505, %iota3A : vector<16xi32>
        %add3A_507 = arith.constant 11 : i32
        %add3A_508 = arith.addi %mul3A_292, %add3A_507 : i32
        %get3A_509 = arith.index_cast %add3A_508 : i32 to index
        %get3A_510 = arith.constant 16 : index
        %get3A_511 = tpu.vector_load %arg5[%get3A_509, %get3A_510] {strides = array<i32>} : memref<400x128xf32, #tpu.memory_space<vmem>>, vector<16xf32>,
        tpu.vector_store_idx %arg7[%broadcast_in_dim3A_498, %add3A_506], %get3A_511 {add = true} : memref<32x128xf32, #tpu.memory_space<vmem>>[vector<16xi32>, vector<16xi32>], vector<16xf32>,
        %slice3A_512 = vector.extract_strided_slice %get3A_288 {offsets = [12], sizes = [1], strides = [1]} : vector<16xi32> to vector<1xi32>
        %squeeze3A_513 = vector.extract %slice3A_512[0] : i32 from vector<1xi32>
        %and3A_514 = arith.constant 31 : i32
        %and3A_515 = arith.andi %squeeze3A_513, %and3A_514 : i32
        %broadcast_in_dim3A_516 = vector.broadcast %and3A_515 : i32 to vector<16xi32>
        %shift_right_arithmetic3A_517 = arith.constant 5 : i32
        %shift_right_arithmetic3A_518 = arith.shrsi %squeeze3A_513, %shift_right_arithmetic3A_517 : i32
        %and3A_519 = arith.constant 7 : i32
        %and3A_520 = arith.andi %shift_right_arithmetic3A_518, %and3A_519 : i32
        %mul3A_521 = arith.constant 16 : i32
        %mul3A_522 = arith.muli %and3A_520, %mul3A_521 : i32
        %add3A_523 = vector.broadcast %mul3A_522 : i32 to vector<16xi32>
        %add3A_524 = arith.addi %add3A_523, %iota3A : vector<16xi32>
        %add3A_525 = arith.constant 12 : i32
        %add3A_526 = arith.addi %mul3A_292, %add3A_525 : i32
        %get3A_527 = arith.index_cast %add3A_526 : i32 to index
        %get3A_528 = arith.constant 16 : index
        %get3A_529 = tpu.vector_load %arg5[%get3A_527, %get3A_528] {strides = array<i32>} : memref<400x128xf32, #tpu.memory_space<vmem>>, vector<16xf32>,
        tpu.vector_store_idx %arg7[%broadcast_in_dim3A_516, %add3A_524], %get3A_529 {add = true} : memref<32x128xf32, #tpu.memory_space<vmem>>[vector<16xi32>, vector<16xi32>], vector<16xf32>,
        %slice3A_530 = vector.extract_strided_slice %get3A_288 {offsets = [13], sizes = [1], strides = [1]} : vector<16xi32> to vector<1xi32>
        %squeeze3A_531 = vector.extract %slice3A_530[0] : i32 from vector<1xi32>
        %and3A_532 = arith.constant 31 : i32
        %and3A_533 = arith.andi %squeeze3A_531, %and3A_532 : i32
        %broadcast_in_dim3A_534 = vector.broadcast %and3A_533 : i32 to vector<16xi32>
        %shift_right_arithmetic3A_535 = arith.constant 5 : i32
        %shift_right_arithmetic3A_536 = arith.shrsi %squeeze3A_531, %shift_right_arithmetic3A_535 : i32
        %and3A_537 = arith.constant 7 : i32
        %and3A_538 = arith.andi %shift_right_arithmetic3A_536, %and3A_537 : i32
        %mul3A_539 = arith.constant 16 : i32
        %mul3A_540 = arith.muli %and3A_538, %mul3A_539 : i32
        %add3A_541 = vector.broadcast %mul3A_540 : i32 to vector<16xi32>
        %add3A_542 = arith.addi %add3A_541, %iota3A : vector<16xi32>
        %add3A_543 = arith.constant 13 : i32
        %add3A_544 = arith.addi %mul3A_292, %add3A_543 : i32
        %get3A_545 = arith.index_cast %add3A_544 : i32 to index
        %get3A_546 = arith.constant 16 : index
        %get3A_547 = tpu.vector_load %arg5[%get3A_545, %get3A_546] {strides = array<i32>} : memref<400x128xf32, #tpu.memory_space<vmem>>, vector<16xf32>,
        tpu.vector_store_idx %arg7[%broadcast_in_dim3A_534, %add3A_542], %get3A_547 {add = true} : memref<32x128xf32, #tpu.memory_space<vmem>>[vector<16xi32>, vector<16xi32>], vector<16xf32>,
        %slice3A_548 = vector.extract_strided_slice %get3A_288 {offsets = [14], sizes = [1], strides = [1]} : vector<16xi32> to vector<1xi32>
        %squeeze3A_549 = vector.extract %slice3A_548[0] : i32 from vector<1xi32>
        %and3A_550 = arith.constant 31 : i32
        %and3A_551 = arith.andi %squeeze3A_549, %and3A_550 : i32
        %broadcast_in_dim3A_552 = vector.broadcast %and3A_551 : i32 to vector<16xi32>
        %shift_right_arithmetic3A_553 = arith.constant 5 : i32
        %shift_right_arithmetic3A_554 = arith.shrsi %squeeze3A_549, %shift_right_arithmetic3A_553 : i32
        %and3A_555 = arith.constant 7 : i32
        %and3A_556 = arith.andi %shift_right_arithmetic3A_554, %and3A_555 : i32
        %mul3A_557 = arith.constant 16 : i32
        %mul3A_558 = arith.muli %and3A_556, %mul3A_557 : i32
        %add3A_559 = vector.broadcast %mul3A_558 : i32 to vector<16xi32>
        %add3A_560 = arith.addi %add3A_559, %iota3A : vector<16xi32>
        %add3A_561 = arith.constant 14 : i32
        %add3A_562 = arith.addi %mul3A_292, %add3A_561 : i32
        %get3A_563 = arith.index_cast %add3A_562 : i32 to index
        %get3A_564 = arith.constant 16 : index
        %get3A_565 = tpu.vector_load %arg5[%get3A_563, %get3A_564] {strides = array<i32>} : memref<400x128xf32, #tpu.memory_space<vmem>>, vector<16xf32>,
        tpu.vector_store_idx %arg7[%broadcast_in_dim3A_552, %add3A_560], %get3A_565 {add = true} : memref<32x128xf32, #tpu.memory_space<vmem>>[vector<16xi32>, vector<16xi32>], vector<16xf32>,
        %slice3A_566 = vector.extract_strided_slice %get3A_288 {offsets = [15], sizes = [1], strides = [1]} : vector<16xi32> to vector<1xi32>
        %squeeze3A_567 = vector.extract %slice3A_566[0] : i32 from vector<1xi32>
        %and3A_568 = arith.constant 31 : i32
        %and3A_569 = arith.andi %squeeze3A_567, %and3A_568 : i32
        %broadcast_in_dim3A_570 = vector.broadcast %and3A_569 : i32 to vector<16xi32>
        %shift_right_arithmetic3A_571 = arith.constant 5 : i32
        %shift_right_arithmetic3A_572 = arith.shrsi %squeeze3A_567, %shift_right_arithmetic3A_571 : i32
        %and3A_573 = arith.constant 7 : i32
        %and3A_574 = arith.andi %shift_right_arithmetic3A_572, %and3A_573 : i32
        %mul3A_575 = arith.constant 16 : i32
        %mul3A_576 = arith.muli %and3A_574, %mul3A_575 : i32
        %add3A_577 = vector.broadcast %mul3A_576 : i32 to vector<16xi32>
        %add3A_578 = arith.addi %add3A_577, %iota3A : vector<16xi32>
        %add3A_579 = arith.constant 15 : i32
        %add3A_580 = arith.addi %mul3A_292, %add3A_579 : i32
        %get3A_581 = arith.index_cast %add3A_580 : i32 to index
        %get3A_582 = arith.constant 16 : index
        %get3A_583 = tpu.vector_load %arg5[%get3A_581, %get3A_582] {strides = array<i32>} : memref<400x128xf32, #tpu.memory_space<vmem>>, vector<16xf32>,
        tpu.vector_store_idx %arg7[%broadcast_in_dim3A_570, %add3A_578], %get3A_583 {add = true} : memref<32x128xf32, #tpu.memory_space<vmem>>[vector<16xi32>, vector<16xi32>], vector<16xf32>,
        %cond3A_584 = arith.constant 0 : i32
        scf.yield %cond3A_584 : i32
      }
    }
    %scan3A_247 = arith.constant 25 : i32
    %scan3A_248 = arith.constant 0 : i32
    %scan3A_249 = arith.constant 0 : i32
    %scan3A_250 = arith.constant 25 : i32
    %scan3A_251 = arith.addi %scan3A_249, %scan3A_250 : i32
    %scan3A_252 = arith.constant 1 : i32
    scf.for %scan3A_284 = %scan3A_249 to %scan3A_251 step %scan3A_252  : i32 {
      %mul3A_285 = arith.constant 16 : i32
      %mul3A_286 = arith.muli %scan3A_284, %mul3A_285 : i32
      %add3A_287 = arith.addi %add3A_88, %mul3A_286 : i32
      %get3A = arith.index_cast %add3A_287 : i32 to index
      %get3A_288 = tpu.vector_load %arg6[%get3A] {strides = array<i32>} : memref<5632xi32, #tpu.memory_space<vmem>>, vector<16xi32>,
      %slice3A = vector.extract_strided_slice %get3A_288 {offsets = [0], sizes = [1], strides = [1]} : vector<16xi32> to vector<1xi32>
      %squeeze3A = vector.extract %slice3A[0] : i32 from vector<1xi32>
      %slice3A_289 = vector.extract_strided_slice %get3A_288 {offsets = [15], sizes = [1], strides = [1]} : vector<16xi32> to vector<1xi32>
      %squeeze3A_290 = vector.extract %slice3A_289[0] : i32 from vector<1xi32>
      %mul3A_291 = arith.constant 16 : i32
      %mul3A_292 = arith.muli %scan3A_284, %mul3A_291 : i32
      %eq3A_293 = arith.cmpi eq, %squeeze3A, %squeeze3A_290 : i32
      %convert_element_type3A = arith.extui %eq3A_293 : i1 to i32
      %cond3A = arith.constant 0 : i32
      %cond3A_294 = arith.constant 0 : i32
      %cond3A_295 = arith.cmpi ne, %convert_element_type3A, %cond3A_294 : i32
      %cond3A_296 = scf.if %cond3A_295 -> (i32) {
        %get3A_297 = arith.index_cast %mul3A_292 : i32 to index
        %get3A_298 = arith.constant 32 : index
        %get3A_299 = tpu.vector_load %arg5[%get3A_297, %get3A_298] {strides = array<i32>} : memref<400x128xf32, #tpu.memory_space<vmem>>, vector<16xf32>,
        %add3A_300 = arith.constant 1 : i32
        %add3A_301 = arith.addi %mul3A_292, %add3A_300 : i32
        %get3A_302 = arith.index_cast %add3A_301 : i32 to index
        %get3A_303 = arith.constant 32 : index
        %get3A_304 = tpu.vector_load %arg5[%get3A_302, %get3A_303] {strides = array<i32>} : memref<400x128xf32, #tpu.memory_space<vmem>>, vector<16xf32>,
        %add3A_305 = arith.addf %get3A_299, %get3A_304 : vector<16xf32>
        %add3A_306 = arith.constant 2 : i32
        %add3A_307 = arith.addi %mul3A_292, %add3A_306 : i32
        %get3A_308 = arith.index_cast %add3A_307 : i32 to index
        %get3A_309 = arith.constant 32 : index
        %get3A_310 = tpu.vector_load %arg5[%get3A_308, %get3A_309] {strides = array<i32>} : memref<400x128xf32, #tpu.memory_space<vmem>>, vector<16xf32>,
        %add3A_311 = arith.addf %add3A_305, %get3A_310 : vector<16xf32>
        %add3A_312 = arith.constant 3 : i32
        %add3A_313 = arith.addi %mul3A_292, %add3A_312 : i32
        %get3A_314 = arith.index_cast %add3A_313 : i32 to index
        %get3A_315 = arith.constant 32 : index
        %get3A_316 = tpu.vector_load %arg5[%get3A_314, %get3A_315] {strides = array<i32>} : memref<400x128xf32, #tpu.memory_space<vmem>>, vector<16xf32>,
        %add3A_317 = arith.addf %add3A_311, %get3A_316 : vector<16xf32>
        %add3A_318 = arith.constant 4 : i32
        %add3A_319 = arith.addi %mul3A_292, %add3A_318 : i32
        %get3A_320 = arith.index_cast %add3A_319 : i32 to index
        %get3A_321 = arith.constant 32 : index
        %get3A_322 = tpu.vector_load %arg5[%get3A_320, %get3A_321] {strides = array<i32>} : memref<400x128xf32, #tpu.memory_space<vmem>>, vector<16xf32>,
        %add3A_323 = arith.addf %add3A_317, %get3A_322 : vector<16xf32>
        %add3A_324 = arith.constant 5 : i32
        %add3A_325 = arith.addi %mul3A_292, %add3A_324 : i32
        %get3A_326 = arith.index_cast %add3A_325 : i32 to index
        %get3A_327 = arith.constant 32 : index
        %get3A_328 = tpu.vector_load %arg5[%get3A_326, %get3A_327] {strides = array<i32>} : memref<400x128xf32, #tpu.memory_space<vmem>>, vector<16xf32>,
        %add3A_329 = arith.addf %add3A_323, %get3A_328 : vector<16xf32>
        %add3A_330 = arith.constant 6 : i32
        %add3A_331 = arith.addi %mul3A_292, %add3A_330 : i32
        %get3A_332 = arith.index_cast %add3A_331 : i32 to index
        %get3A_333 = arith.constant 32 : index
        %get3A_334 = tpu.vector_load %arg5[%get3A_332, %get3A_333] {strides = array<i32>} : memref<400x128xf32, #tpu.memory_space<vmem>>, vector<16xf32>,
        %add3A_335 = arith.addf %add3A_329, %get3A_334 : vector<16xf32>
        %add3A_336 = arith.constant 7 : i32
        %add3A_337 = arith.addi %mul3A_292, %add3A_336 : i32
        %get3A_338 = arith.index_cast %add3A_337 : i32 to index
        %get3A_339 = arith.constant 32 : index
        %get3A_340 = tpu.vector_load %arg5[%get3A_338, %get3A_339] {strides = array<i32>} : memref<400x128xf32, #tpu.memory_space<vmem>>, vector<16xf32>,
        %add3A_341 = arith.addf %add3A_335, %get3A_340 : vector<16xf32>
        %add3A_342 = arith.constant 8 : i32
        %add3A_343 = arith.addi %mul3A_292, %add3A_342 : i32
        %get3A_344 = arith.index_cast %add3A_343 : i32 to index
        %get3A_345 = arith.constant 32 : index
        %get3A_346 = tpu.vector_load %arg5[%get3A_344, %get3A_345] {strides = array<i32>} : memref<400x128xf32, #tpu.memory_space<vmem>>, vector<16xf32>,
        %add3A_347 = arith.addf %add3A_341, %get3A_346 : vector<16xf32>
        %add3A_348 = arith.constant 9 : i32
        %add3A_349 = arith.addi %mul3A_292, %add3A_348 : i32
        %get3A_350 = arith.index_cast %add3A_349 : i32 to index
        %get3A_351 = arith.constant 32 : index
        %get3A_352 = tpu.vector_load %arg5[%get3A_350, %get3A_351] {strides = array<i32>} : memref<400x128xf32, #tpu.memory_space<vmem>>, vector<16xf32>,
        %add3A_353 = arith.addf %add3A_347, %get3A_352 : vector<16xf32>
        %add3A_354 = arith.constant 10 : i32
        %add3A_355 = arith.addi %mul3A_292, %add3A_354 : i32
        %get3A_356 = arith.index_cast %add3A_355 : i32 to index
        %get3A_357 = arith.constant 32 : index
        %get3A_358 = tpu.vector_load %arg5[%get3A_356, %get3A_357] {strides = array<i32>} : memref<400x128xf32, #tpu.memory_space<vmem>>, vector<16xf32>,
        %add3A_359 = arith.addf %add3A_353, %get3A_358 : vector<16xf32>
        %add3A_360 = arith.constant 11 : i32
        %add3A_361 = arith.addi %mul3A_292, %add3A_360 : i32
        %get3A_362 = arith.index_cast %add3A_361 : i32 to index
        %get3A_363 = arith.constant 32 : index
        %get3A_364 = tpu.vector_load %arg5[%get3A_362, %get3A_363] {strides = array<i32>} : memref<400x128xf32, #tpu.memory_space<vmem>>, vector<16xf32>,
        %add3A_365 = arith.addf %add3A_359, %get3A_364 : vector<16xf32>
        %add3A_366 = arith.constant 12 : i32
        %add3A_367 = arith.addi %mul3A_292, %add3A_366 : i32
        %get3A_368 = arith.index_cast %add3A_367 : i32 to index
        %get3A_369 = arith.constant 32 : index
        %get3A_370 = tpu.vector_load %arg5[%get3A_368, %get3A_369] {strides = array<i32>} : memref<400x128xf32, #tpu.memory_space<vmem>>, vector<16xf32>,
        %add3A_371 = arith.addf %add3A_365, %get3A_370 : vector<16xf32>
        %add3A_372 = arith.constant 13 : i32
        %add3A_373 = arith.addi %mul3A_292, %add3A_372 : i32
        %get3A_374 = arith.index_cast %add3A_373 : i32 to index
        %get3A_375 = arith.constant 32 : index
        %get3A_376 = tpu.vector_load %arg5[%get3A_374, %get3A_375] {strides = array<i32>} : memref<400x128xf32, #tpu.memory_space<vmem>>, vector<16xf32>,
        %add3A_377 = arith.addf %add3A_371, %get3A_376 : vector<16xf32>
        %add3A_378 = arith.constant 14 : i32
        %add3A_379 = arith.addi %mul3A_292, %add3A_378 : i32
        %get3A_380 = arith.index_cast %add3A_379 : i32 to index
        %get3A_381 = arith.constant 32 : index
        %get3A_382 = tpu.vector_load %arg5[%get3A_380, %get3A_381] {strides = array<i32>} : memref<400x128xf32, #tpu.memory_space<vmem>>, vector<16xf32>,
        %add3A_383 = arith.addf %add3A_377, %get3A_382 : vector<16xf32>
        %add3A_384 = arith.constant 15 : i32
        %add3A_385 = arith.addi %mul3A_292, %add3A_384 : i32
        %get3A_386 = arith.index_cast %add3A_385 : i32 to index
        %get3A_387 = arith.constant 32 : index
        %get3A_388 = tpu.vector_load %arg5[%get3A_386, %get3A_387] {strides = array<i32>} : memref<400x128xf32, #tpu.memory_space<vmem>>, vector<16xf32>,
        %add3A_389 = arith.addf %add3A_383, %get3A_388 : vector<16xf32>
        %and3A_390 = arith.constant 31 : i32
        %and3A_391 = arith.andi %squeeze3A, %and3A_390 : i32
        %broadcast_in_dim3A_392 = vector.broadcast %and3A_391 : i32 to vector<16xi32>
        %shift_right_arithmetic3A = arith.constant 5 : i32
        %shift_right_arithmetic3A_393 = arith.shrsi %squeeze3A, %shift_right_arithmetic3A : i32
        %and3A_394 = arith.constant 7 : i32
        %and3A_395 = arith.andi %shift_right_arithmetic3A_393, %and3A_394 : i32
        %mul3A_396 = arith.constant 16 : i32
        %mul3A_397 = arith.muli %and3A_395, %mul3A_396 : i32
        %add3A_398 = vector.broadcast %mul3A_397 : i32 to vector<16xi32>
        %add3A_399 = arith.addi %add3A_398, %iota3A : vector<16xi32>
        tpu.vector_store_idx %arg7[%broadcast_in_dim3A_392, %add3A_399], %add3A_389 {add = true} : memref<32x128xf32, #tpu.memory_space<vmem>>[vector<16xi32>, vector<16xi32>], vector<16xf32>,
        %cond3A_400 = arith.constant 0 : i32
        scf.yield %cond3A_400 : i32
      } else {
        %slice3A_297 = vector.extract_strided_slice %get3A_288 {offsets = [0], sizes = [1], strides = [1]} : vector<16xi32> to vector<1xi32>
        %squeeze3A_298 = vector.extract %slice3A_297[0] : i32 from vector<1xi32>
        %and3A_299 = arith.constant 31 : i32
        %and3A_300 = arith.andi %squeeze3A_298, %and3A_299 : i32
        %broadcast_in_dim3A_301 = vector.broadcast %and3A_300 : i32 to vector<16xi32>
        %shift_right_arithmetic3A = arith.constant 5 : i32
        %shift_right_arithmetic3A_302 = arith.shrsi %squeeze3A_298, %shift_right_arithmetic3A : i32
        %and3A_303 = arith.constant 7 : i32
        %and3A_304 = arith.andi %shift_right_arithmetic3A_302, %and3A_303 : i32
        %mul3A_305 = arith.constant 16 : i32
        %mul3A_306 = arith.muli %and3A_304, %mul3A_305 : i32
        %add3A_307 = vector.broadcast %mul3A_306 : i32 to vector<16xi32>
        %add3A_308 = arith.addi %add3A_307, %iota3A : vector<16xi32>
        %add3A_309 = arith.constant 0 : i32
        %add3A_310 = arith.addi %mul3A_292, %add3A_309 : i32
        %get3A_311 = arith.index_cast %add3A_310 : i32 to index
        %get3A_312 = arith.constant 32 : index
        %get3A_313 = tpu.vector_load %arg5[%get3A_311, %get3A_312] {strides = array<i32>} : memref<400x128xf32, #tpu.memory_space<vmem>>, vector<16xf32>,
        tpu.vector_store_idx %arg7[%broadcast_in_dim3A_301, %add3A_308], %get3A_313 {add = true} : memref<32x128xf32, #tpu.memory_space<vmem>>[vector<16xi32>, vector<16xi32>], vector<16xf32>,
        %slice3A_314 = vector.extract_strided_slice %get3A_288 {offsets = [1], sizes = [1], strides = [1]} : vector<16xi32> to vector<1xi32>
        %squeeze3A_315 = vector.extract %slice3A_314[0] : i32 from vector<1xi32>
        %and3A_316 = arith.constant 31 : i32
        %and3A_317 = arith.andi %squeeze3A_315, %and3A_316 : i32
        %broadcast_in_dim3A_318 = vector.broadcast %and3A_317 : i32 to vector<16xi32>
        %shift_right_arithmetic3A_319 = arith.constant 5 : i32
        %shift_right_arithmetic3A_320 = arith.shrsi %squeeze3A_315, %shift_right_arithmetic3A_319 : i32
        %and3A_321 = arith.constant 7 : i32
        %and3A_322 = arith.andi %shift_right_arithmetic3A_320, %and3A_321 : i32
        %mul3A_323 = arith.constant 16 : i32
        %mul3A_324 = arith.muli %and3A_322, %mul3A_323 : i32
        %add3A_325 = vector.broadcast %mul3A_324 : i32 to vector<16xi32>
        %add3A_326 = arith.addi %add3A_325, %iota3A : vector<16xi32>
        %add3A_327 = arith.constant 1 : i32
        %add3A_328 = arith.addi %mul3A_292, %add3A_327 : i32
        %get3A_329 = arith.index_cast %add3A_328 : i32 to index
        %get3A_330 = arith.constant 32 : index
        %get3A_331 = tpu.vector_load %arg5[%get3A_329, %get3A_330] {strides = array<i32>} : memref<400x128xf32, #tpu.memory_space<vmem>>, vector<16xf32>,
        tpu.vector_store_idx %arg7[%broadcast_in_dim3A_318, %add3A_326], %get3A_331 {add = true} : memref<32x128xf32, #tpu.memory_space<vmem>>[vector<16xi32>, vector<16xi32>], vector<16xf32>,
        %slice3A_332 = vector.extract_strided_slice %get3A_288 {offsets = [2], sizes = [1], strides = [1]} : vector<16xi32> to vector<1xi32>
        %squeeze3A_333 = vector.extract %slice3A_332[0] : i32 from vector<1xi32>
        %and3A_334 = arith.constant 31 : i32
        %and3A_335 = arith.andi %squeeze3A_333, %and3A_334 : i32
        %broadcast_in_dim3A_336 = vector.broadcast %and3A_335 : i32 to vector<16xi32>
        %shift_right_arithmetic3A_337 = arith.constant 5 : i32
        %shift_right_arithmetic3A_338 = arith.shrsi %squeeze3A_333, %shift_right_arithmetic3A_337 : i32
        %and3A_339 = arith.constant 7 : i32
        %and3A_340 = arith.andi %shift_right_arithmetic3A_338, %and3A_339 : i32
        %mul3A_341 = arith.constant 16 : i32
        %mul3A_342 = arith.muli %and3A_340, %mul3A_341 : i32
        %add3A_343 = vector.broadcast %mul3A_342 : i32 to vector<16xi32>
        %add3A_344 = arith.addi %add3A_343, %iota3A : vector<16xi32>
        %add3A_345 = arith.constant 2 : i32
        %add3A_346 = arith.addi %mul3A_292, %add3A_345 : i32
        %get3A_347 = arith.index_cast %add3A_346 : i32 to index
        %get3A_348 = arith.constant 32 : index
        %get3A_349 = tpu.vector_load %arg5[%get3A_347, %get3A_348] {strides = array<i32>} : memref<400x128xf32, #tpu.memory_space<vmem>>, vector<16xf32>,
        tpu.vector_store_idx %arg7[%broadcast_in_dim3A_336, %add3A_344], %get3A_349 {add = true} : memref<32x128xf32, #tpu.memory_space<vmem>>[vector<16xi32>, vector<16xi32>], vector<16xf32>,
        %slice3A_350 = vector.extract_strided_slice %get3A_288 {offsets = [3], sizes = [1], strides = [1]} : vector<16xi32> to vector<1xi32>
        %squeeze3A_351 = vector.extract %slice3A_350[0] : i32 from vector<1xi32>
        %and3A_352 = arith.constant 31 : i32
        %and3A_353 = arith.andi %squeeze3A_351, %and3A_352 : i32
        %broadcast_in_dim3A_354 = vector.broadcast %and3A_353 : i32 to vector<16xi32>
        %shift_right_arithmetic3A_355 = arith.constant 5 : i32
        %shift_right_arithmetic3A_356 = arith.shrsi %squeeze3A_351, %shift_right_arithmetic3A_355 : i32
        %and3A_357 = arith.constant 7 : i32
        %and3A_358 = arith.andi %shift_right_arithmetic3A_356, %and3A_357 : i32
        %mul3A_359 = arith.constant 16 : i32
        %mul3A_360 = arith.muli %and3A_358, %mul3A_359 : i32
        %add3A_361 = vector.broadcast %mul3A_360 : i32 to vector<16xi32>
        %add3A_362 = arith.addi %add3A_361, %iota3A : vector<16xi32>
        %add3A_363 = arith.constant 3 : i32
        %add3A_364 = arith.addi %mul3A_292, %add3A_363 : i32
        %get3A_365 = arith.index_cast %add3A_364 : i32 to index
        %get3A_366 = arith.constant 32 : index
        %get3A_367 = tpu.vector_load %arg5[%get3A_365, %get3A_366] {strides = array<i32>} : memref<400x128xf32, #tpu.memory_space<vmem>>, vector<16xf32>,
        tpu.vector_store_idx %arg7[%broadcast_in_dim3A_354, %add3A_362], %get3A_367 {add = true} : memref<32x128xf32, #tpu.memory_space<vmem>>[vector<16xi32>, vector<16xi32>], vector<16xf32>,
        %slice3A_368 = vector.extract_strided_slice %get3A_288 {offsets = [4], sizes = [1], strides = [1]} : vector<16xi32> to vector<1xi32>
        %squeeze3A_369 = vector.extract %slice3A_368[0] : i32 from vector<1xi32>
        %and3A_370 = arith.constant 31 : i32
        %and3A_371 = arith.andi %squeeze3A_369, %and3A_370 : i32
        %broadcast_in_dim3A_372 = vector.broadcast %and3A_371 : i32 to vector<16xi32>
        %shift_right_arithmetic3A_373 = arith.constant 5 : i32
        %shift_right_arithmetic3A_374 = arith.shrsi %squeeze3A_369, %shift_right_arithmetic3A_373 : i32
        %and3A_375 = arith.constant 7 : i32
        %and3A_376 = arith.andi %shift_right_arithmetic3A_374, %and3A_375 : i32
        %mul3A_377 = arith.constant 16 : i32
        %mul3A_378 = arith.muli %and3A_376, %mul3A_377 : i32
        %add3A_379 = vector.broadcast %mul3A_378 : i32 to vector<16xi32>
        %add3A_380 = arith.addi %add3A_379, %iota3A : vector<16xi32>
        %add3A_381 = arith.constant 4 : i32
        %add3A_382 = arith.addi %mul3A_292, %add3A_381 : i32
        %get3A_383 = arith.index_cast %add3A_382 : i32 to index
        %get3A_384 = arith.constant 32 : index
        %get3A_385 = tpu.vector_load %arg5[%get3A_383, %get3A_384] {strides = array<i32>} : memref<400x128xf32, #tpu.memory_space<vmem>>, vector<16xf32>,
        tpu.vector_store_idx %arg7[%broadcast_in_dim3A_372, %add3A_380], %get3A_385 {add = true} : memref<32x128xf32, #tpu.memory_space<vmem>>[vector<16xi32>, vector<16xi32>], vector<16xf32>,
        %slice3A_386 = vector.extract_strided_slice %get3A_288 {offsets = [5], sizes = [1], strides = [1]} : vector<16xi32> to vector<1xi32>
        %squeeze3A_387 = vector.extract %slice3A_386[0] : i32 from vector<1xi32>
        %and3A_388 = arith.constant 31 : i32
        %and3A_389 = arith.andi %squeeze3A_387, %and3A_388 : i32
        %broadcast_in_dim3A_390 = vector.broadcast %and3A_389 : i32 to vector<16xi32>
        %shift_right_arithmetic3A_391 = arith.constant 5 : i32
        %shift_right_arithmetic3A_392 = arith.shrsi %squeeze3A_387, %shift_right_arithmetic3A_391 : i32
        %and3A_393 = arith.constant 7 : i32
        %and3A_394 = arith.andi %shift_right_arithmetic3A_392, %and3A_393 : i32
        %mul3A_395 = arith.constant 16 : i32
        %mul3A_396 = arith.muli %and3A_394, %mul3A_395 : i32
        %add3A_397 = vector.broadcast %mul3A_396 : i32 to vector<16xi32>
        %add3A_398 = arith.addi %add3A_397, %iota3A : vector<16xi32>
        %add3A_399 = arith.constant 5 : i32
        %add3A_400 = arith.addi %mul3A_292, %add3A_399 : i32
        %get3A_401 = arith.index_cast %add3A_400 : i32 to index
        %get3A_402 = arith.constant 32 : index
        %get3A_403 = tpu.vector_load %arg5[%get3A_401, %get3A_402] {strides = array<i32>} : memref<400x128xf32, #tpu.memory_space<vmem>>, vector<16xf32>,
        tpu.vector_store_idx %arg7[%broadcast_in_dim3A_390, %add3A_398], %get3A_403 {add = true} : memref<32x128xf32, #tpu.memory_space<vmem>>[vector<16xi32>, vector<16xi32>], vector<16xf32>,
        %slice3A_404 = vector.extract_strided_slice %get3A_288 {offsets = [6], sizes = [1], strides = [1]} : vector<16xi32> to vector<1xi32>
        %squeeze3A_405 = vector.extract %slice3A_404[0] : i32 from vector<1xi32>
        %and3A_406 = arith.constant 31 : i32
        %and3A_407 = arith.andi %squeeze3A_405, %and3A_406 : i32
        %broadcast_in_dim3A_408 = vector.broadcast %and3A_407 : i32 to vector<16xi32>
        %shift_right_arithmetic3A_409 = arith.constant 5 : i32
        %shift_right_arithmetic3A_410 = arith.shrsi %squeeze3A_405, %shift_right_arithmetic3A_409 : i32
        %and3A_411 = arith.constant 7 : i32
        %and3A_412 = arith.andi %shift_right_arithmetic3A_410, %and3A_411 : i32
        %mul3A_413 = arith.constant 16 : i32
        %mul3A_414 = arith.muli %and3A_412, %mul3A_413 : i32
        %add3A_415 = vector.broadcast %mul3A_414 : i32 to vector<16xi32>
        %add3A_416 = arith.addi %add3A_415, %iota3A : vector<16xi32>
        %add3A_417 = arith.constant 6 : i32
        %add3A_418 = arith.addi %mul3A_292, %add3A_417 : i32
        %get3A_419 = arith.index_cast %add3A_418 : i32 to index
        %get3A_420 = arith.constant 32 : index
        %get3A_421 = tpu.vector_load %arg5[%get3A_419, %get3A_420] {strides = array<i32>} : memref<400x128xf32, #tpu.memory_space<vmem>>, vector<16xf32>,
        tpu.vector_store_idx %arg7[%broadcast_in_dim3A_408, %add3A_416], %get3A_421 {add = true} : memref<32x128xf32, #tpu.memory_space<vmem>>[vector<16xi32>, vector<16xi32>], vector<16xf32>,
        %slice3A_422 = vector.extract_strided_slice %get3A_288 {offsets = [7], sizes = [1], strides = [1]} : vector<16xi32> to vector<1xi32>
        %squeeze3A_423 = vector.extract %slice3A_422[0] : i32 from vector<1xi32>
        %and3A_424 = arith.constant 31 : i32
        %and3A_425 = arith.andi %squeeze3A_423, %and3A_424 : i32
        %broadcast_in_dim3A_426 = vector.broadcast %and3A_425 : i32 to vector<16xi32>
        %shift_right_arithmetic3A_427 = arith.constant 5 : i32
        %shift_right_arithmetic3A_428 = arith.shrsi %squeeze3A_423, %shift_right_arithmetic3A_427 : i32
        %and3A_429 = arith.constant 7 : i32
        %and3A_430 = arith.andi %shift_right_arithmetic3A_428, %and3A_429 : i32
        %mul3A_431 = arith.constant 16 : i32
        %mul3A_432 = arith.muli %and3A_430, %mul3A_431 : i32
        %add3A_433 = vector.broadcast %mul3A_432 : i32 to vector<16xi32>
        %add3A_434 = arith.addi %add3A_433, %iota3A : vector<16xi32>
        %add3A_435 = arith.constant 7 : i32
        %add3A_436 = arith.addi %mul3A_292, %add3A_435 : i32
        %get3A_437 = arith.index_cast %add3A_436 : i32 to index
        %get3A_438 = arith.constant 32 : index
        %get3A_439 = tpu.vector_load %arg5[%get3A_437, %get3A_438] {strides = array<i32>} : memref<400x128xf32, #tpu.memory_space<vmem>>, vector<16xf32>,
        tpu.vector_store_idx %arg7[%broadcast_in_dim3A_426, %add3A_434], %get3A_439 {add = true} : memref<32x128xf32, #tpu.memory_space<vmem>>[vector<16xi32>, vector<16xi32>], vector<16xf32>,
        %slice3A_440 = vector.extract_strided_slice %get3A_288 {offsets = [8], sizes = [1], strides = [1]} : vector<16xi32> to vector<1xi32>
        %squeeze3A_441 = vector.extract %slice3A_440[0] : i32 from vector<1xi32>
        %and3A_442 = arith.constant 31 : i32
        %and3A_443 = arith.andi %squeeze3A_441, %and3A_442 : i32
        %broadcast_in_dim3A_444 = vector.broadcast %and3A_443 : i32 to vector<16xi32>
        %shift_right_arithmetic3A_445 = arith.constant 5 : i32
        %shift_right_arithmetic3A_446 = arith.shrsi %squeeze3A_441, %shift_right_arithmetic3A_445 : i32
        %and3A_447 = arith.constant 7 : i32
        %and3A_448 = arith.andi %shift_right_arithmetic3A_446, %and3A_447 : i32
        %mul3A_449 = arith.constant 16 : i32
        %mul3A_450 = arith.muli %and3A_448, %mul3A_449 : i32
        %add3A_451 = vector.broadcast %mul3A_450 : i32 to vector<16xi32>
        %add3A_452 = arith.addi %add3A_451, %iota3A : vector<16xi32>
        %add3A_453 = arith.constant 8 : i32
        %add3A_454 = arith.addi %mul3A_292, %add3A_453 : i32
        %get3A_455 = arith.index_cast %add3A_454 : i32 to index
        %get3A_456 = arith.constant 32 : index
        %get3A_457 = tpu.vector_load %arg5[%get3A_455, %get3A_456] {strides = array<i32>} : memref<400x128xf32, #tpu.memory_space<vmem>>, vector<16xf32>,
        tpu.vector_store_idx %arg7[%broadcast_in_dim3A_444, %add3A_452], %get3A_457 {add = true} : memref<32x128xf32, #tpu.memory_space<vmem>>[vector<16xi32>, vector<16xi32>], vector<16xf32>,
        %slice3A_458 = vector.extract_strided_slice %get3A_288 {offsets = [9], sizes = [1], strides = [1]} : vector<16xi32> to vector<1xi32>
        %squeeze3A_459 = vector.extract %slice3A_458[0] : i32 from vector<1xi32>
        %and3A_460 = arith.constant 31 : i32
        %and3A_461 = arith.andi %squeeze3A_459, %and3A_460 : i32
        %broadcast_in_dim3A_462 = vector.broadcast %and3A_461 : i32 to vector<16xi32>
        %shift_right_arithmetic3A_463 = arith.constant 5 : i32
        %shift_right_arithmetic3A_464 = arith.shrsi %squeeze3A_459, %shift_right_arithmetic3A_463 : i32
        %and3A_465 = arith.constant 7 : i32
        %and3A_466 = arith.andi %shift_right_arithmetic3A_464, %and3A_465 : i32
        %mul3A_467 = arith.constant 16 : i32
        %mul3A_468 = arith.muli %and3A_466, %mul3A_467 : i32
        %add3A_469 = vector.broadcast %mul3A_468 : i32 to vector<16xi32>
        %add3A_470 = arith.addi %add3A_469, %iota3A : vector<16xi32>
        %add3A_471 = arith.constant 9 : i32
        %add3A_472 = arith.addi %mul3A_292, %add3A_471 : i32
        %get3A_473 = arith.index_cast %add3A_472 : i32 to index
        %get3A_474 = arith.constant 32 : index
        %get3A_475 = tpu.vector_load %arg5[%get3A_473, %get3A_474] {strides = array<i32>} : memref<400x128xf32, #tpu.memory_space<vmem>>, vector<16xf32>,
        tpu.vector_store_idx %arg7[%broadcast_in_dim3A_462, %add3A_470], %get3A_475 {add = true} : memref<32x128xf32, #tpu.memory_space<vmem>>[vector<16xi32>, vector<16xi32>], vector<16xf32>,
        %slice3A_476 = vector.extract_strided_slice %get3A_288 {offsets = [10], sizes = [1], strides = [1]} : vector<16xi32> to vector<1xi32>
        %squeeze3A_477 = vector.extract %slice3A_476[0] : i32 from vector<1xi32>
        %and3A_478 = arith.constant 31 : i32
        %and3A_479 = arith.andi %squeeze3A_477, %and3A_478 : i32
        %broadcast_in_dim3A_480 = vector.broadcast %and3A_479 : i32 to vector<16xi32>
        %shift_right_arithmetic3A_481 = arith.constant 5 : i32
        %shift_right_arithmetic3A_482 = arith.shrsi %squeeze3A_477, %shift_right_arithmetic3A_481 : i32
        %and3A_483 = arith.constant 7 : i32
        %and3A_484 = arith.andi %shift_right_arithmetic3A_482, %and3A_483 : i32
        %mul3A_485 = arith.constant 16 : i32
        %mul3A_486 = arith.muli %and3A_484, %mul3A_485 : i32
        %add3A_487 = vector.broadcast %mul3A_486 : i32 to vector<16xi32>
        %add3A_488 = arith.addi %add3A_487, %iota3A : vector<16xi32>
        %add3A_489 = arith.constant 10 : i32
        %add3A_490 = arith.addi %mul3A_292, %add3A_489 : i32
        %get3A_491 = arith.index_cast %add3A_490 : i32 to index
        %get3A_492 = arith.constant 32 : index
        %get3A_493 = tpu.vector_load %arg5[%get3A_491, %get3A_492] {strides = array<i32>} : memref<400x128xf32, #tpu.memory_space<vmem>>, vector<16xf32>,
        tpu.vector_store_idx %arg7[%broadcast_in_dim3A_480, %add3A_488], %get3A_493 {add = true} : memref<32x128xf32, #tpu.memory_space<vmem>>[vector<16xi32>, vector<16xi32>], vector<16xf32>,
        %slice3A_494 = vector.extract_strided_slice %get3A_288 {offsets = [11], sizes = [1], strides = [1]} : vector<16xi32> to vector<1xi32>
        %squeeze3A_495 = vector.extract %slice3A_494[0] : i32 from vector<1xi32>
        %and3A_496 = arith.constant 31 : i32
        %and3A_497 = arith.andi %squeeze3A_495, %and3A_496 : i32
        %broadcast_in_dim3A_498 = vector.broadcast %and3A_497 : i32 to vector<16xi32>
        %shift_right_arithmetic3A_499 = arith.constant 5 : i32
        %shift_right_arithmetic3A_500 = arith.shrsi %squeeze3A_495, %shift_right_arithmetic3A_499 : i32
        %and3A_501 = arith.constant 7 : i32
        %and3A_502 = arith.andi %shift_right_arithmetic3A_500, %and3A_501 : i32
        %mul3A_503 = arith.constant 16 : i32
        %mul3A_504 = arith.muli %and3A_502, %mul3A_503 : i32
        %add3A_505 = vector.broadcast %mul3A_504 : i32 to vector<16xi32>
        %add3A_506 = arith.addi %add3A_505, %iota3A : vector<16xi32>
        %add3A_507 = arith.constant 11 : i32
        %add3A_508 = arith.addi %mul3A_292, %add3A_507 : i32
        %get3A_509 = arith.index_cast %add3A_508 : i32 to index
        %get3A_510 = arith.constant 32 : index
        %get3A_511 = tpu.vector_load %arg5[%get3A_509, %get3A_510] {strides = array<i32>} : memref<400x128xf32, #tpu.memory_space<vmem>>, vector<16xf32>,
        tpu.vector_store_idx %arg7[%broadcast_in_dim3A_498, %add3A_506], %get3A_511 {add = true} : memref<32x128xf32, #tpu.memory_space<vmem>>[vector<16xi32>, vector<16xi32>], vector<16xf32>,
        %slice3A_512 = vector.extract_strided_slice %get3A_288 {offsets = [12], sizes = [1], strides = [1]} : vector<16xi32> to vector<1xi32>
        %squeeze3A_513 = vector.extract %slice3A_512[0] : i32 from vector<1xi32>
        %and3A_514 = arith.constant 31 : i32
        %and3A_515 = arith.andi %squeeze3A_513, %and3A_514 : i32
        %broadcast_in_dim3A_516 = vector.broadcast %and3A_515 : i32 to vector<16xi32>
        %shift_right_arithmetic3A_517 = arith.constant 5 : i32
        %shift_right_arithmetic3A_518 = arith.shrsi %squeeze3A_513, %shift_right_arithmetic3A_517 : i32
        %and3A_519 = arith.constant 7 : i32
        %and3A_520 = arith.andi %shift_right_arithmetic3A_518, %and3A_519 : i32
        %mul3A_521 = arith.constant 16 : i32
        %mul3A_522 = arith.muli %and3A_520, %mul3A_521 : i32
        %add3A_523 = vector.broadcast %mul3A_522 : i32 to vector<16xi32>
        %add3A_524 = arith.addi %add3A_523, %iota3A : vector<16xi32>
        %add3A_525 = arith.constant 12 : i32
        %add3A_526 = arith.addi %mul3A_292, %add3A_525 : i32
        %get3A_527 = arith.index_cast %add3A_526 : i32 to index
        %get3A_528 = arith.constant 32 : index
        %get3A_529 = tpu.vector_load %arg5[%get3A_527, %get3A_528] {strides = array<i32>} : memref<400x128xf32, #tpu.memory_space<vmem>>, vector<16xf32>,
        tpu.vector_store_idx %arg7[%broadcast_in_dim3A_516, %add3A_524], %get3A_529 {add = true} : memref<32x128xf32, #tpu.memory_space<vmem>>[vector<16xi32>, vector<16xi32>], vector<16xf32>,
        %slice3A_530 = vector.extract_strided_slice %get3A_288 {offsets = [13], sizes = [1], strides = [1]} : vector<16xi32> to vector<1xi32>
        %squeeze3A_531 = vector.extract %slice3A_530[0] : i32 from vector<1xi32>
        %and3A_532 = arith.constant 31 : i32
        %and3A_533 = arith.andi %squeeze3A_531, %and3A_532 : i32
        %broadcast_in_dim3A_534 = vector.broadcast %and3A_533 : i32 to vector<16xi32>
        %shift_right_arithmetic3A_535 = arith.constant 5 : i32
        %shift_right_arithmetic3A_536 = arith.shrsi %squeeze3A_531, %shift_right_arithmetic3A_535 : i32
        %and3A_537 = arith.constant 7 : i32
        %and3A_538 = arith.andi %shift_right_arithmetic3A_536, %and3A_537 : i32
        %mul3A_539 = arith.constant 16 : i32
        %mul3A_540 = arith.muli %and3A_538, %mul3A_539 : i32
        %add3A_541 = vector.broadcast %mul3A_540 : i32 to vector<16xi32>
        %add3A_542 = arith.addi %add3A_541, %iota3A : vector<16xi32>
        %add3A_543 = arith.constant 13 : i32
        %add3A_544 = arith.addi %mul3A_292, %add3A_543 : i32
        %get3A_545 = arith.index_cast %add3A_544 : i32 to index
        %get3A_546 = arith.constant 32 : index
        %get3A_547 = tpu.vector_load %arg5[%get3A_545, %get3A_546] {strides = array<i32>} : memref<400x128xf32, #tpu.memory_space<vmem>>, vector<16xf32>,
        tpu.vector_store_idx %arg7[%broadcast_in_dim3A_534, %add3A_542], %get3A_547 {add = true} : memref<32x128xf32, #tpu.memory_space<vmem>>[vector<16xi32>, vector<16xi32>], vector<16xf32>,
        %slice3A_548 = vector.extract_strided_slice %get3A_288 {offsets = [14], sizes = [1], strides = [1]} : vector<16xi32> to vector<1xi32>
        %squeeze3A_549 = vector.extract %slice3A_548[0] : i32 from vector<1xi32>
        %and3A_550 = arith.constant 31 : i32
        %and3A_551 = arith.andi %squeeze3A_549, %and3A_550 : i32
        %broadcast_in_dim3A_552 = vector.broadcast %and3A_551 : i32 to vector<16xi32>
        %shift_right_arithmetic3A_553 = arith.constant 5 : i32
        %shift_right_arithmetic3A_554 = arith.shrsi %squeeze3A_549, %shift_right_arithmetic3A_553 : i32
        %and3A_555 = arith.constant 7 : i32
        %and3A_556 = arith.andi %shift_right_arithmetic3A_554, %and3A_555 : i32
        %mul3A_557 = arith.constant 16 : i32
        %mul3A_558 = arith.muli %and3A_556, %mul3A_557 : i32
        %add3A_559 = vector.broadcast %mul3A_558 : i32 to vector<16xi32>
        %add3A_560 = arith.addi %add3A_559, %iota3A : vector<16xi32>
        %add3A_561 = arith.constant 14 : i32
        %add3A_562 = arith.addi %mul3A_292, %add3A_561 : i32
        %get3A_563 = arith.index_cast %add3A_562 : i32 to index
        %get3A_564 = arith.constant 32 : index
        %get3A_565 = tpu.vector_load %arg5[%get3A_563, %get3A_564] {strides = array<i32>} : memref<400x128xf32, #tpu.memory_space<vmem>>, vector<16xf32>,
        tpu.vector_store_idx %arg7[%broadcast_in_dim3A_552, %add3A_560], %get3A_565 {add = true} : memref<32x128xf32, #tpu.memory_space<vmem>>[vector<16xi32>, vector<16xi32>], vector<16xf32>,
        %slice3A_566 = vector.extract_strided_slice %get3A_288 {offsets = [15], sizes = [1], strides = [1]} : vector<16xi32> to vector<1xi32>
        %squeeze3A_567 = vector.extract %slice3A_566[0] : i32 from vector<1xi32>
        %and3A_568 = arith.constant 31 : i32
        %and3A_569 = arith.andi %squeeze3A_567, %and3A_568 : i32
        %broadcast_in_dim3A_570 = vector.broadcast %and3A_569 : i32 to vector<16xi32>
        %shift_right_arithmetic3A_571 = arith.constant 5 : i32
        %shift_right_arithmetic3A_572 = arith.shrsi %squeeze3A_567, %shift_right_arithmetic3A_571 : i32
        %and3A_573 = arith.constant 7 : i32
        %and3A_574 = arith.andi %shift_right_arithmetic3A_572, %and3A_573 : i32
        %mul3A_575 = arith.constant 16 : i32
        %mul3A_576 = arith.muli %and3A_574, %mul3A_575 : i32
        %add3A_577 = vector.broadcast %mul3A_576 : i32 to vector<16xi32>
        %add3A_578 = arith.addi %add3A_577, %iota3A : vector<16xi32>
        %add3A_579 = arith.constant 15 : i32
        %add3A_580 = arith.addi %mul3A_292, %add3A_579 : i32
        %get3A_581 = arith.index_cast %add3A_580 : i32 to index
        %get3A_582 = arith.constant 32 : index
        %get3A_583 = tpu.vector_load %arg5[%get3A_581, %get3A_582] {strides = array<i32>} : memref<400x128xf32, #tpu.memory_space<vmem>>, vector<16xf32>,
        tpu.vector_store_idx %arg7[%broadcast_in_dim3A_570, %add3A_578], %get3A_583 {add = true} : memref<32x128xf32, #tpu.memory_space<vmem>>[vector<16xi32>, vector<16xi32>], vector<16xf32>,
        %cond3A_584 = arith.constant 0 : i32
        scf.yield %cond3A_584 : i32
      }
    }
    %scan3A_253 = arith.constant 25 : i32
    %scan3A_254 = arith.constant 0 : i32
    %scan3A_255 = arith.constant 0 : i32
    %scan3A_256 = arith.constant 25 : i32
    %scan3A_257 = arith.addi %scan3A_255, %scan3A_256 : i32
    %scan3A_258 = arith.constant 1 : i32
    scf.for %scan3A_284 = %scan3A_255 to %scan3A_257 step %scan3A_258  : i32 {
      %mul3A_285 = arith.constant 16 : i32
      %mul3A_286 = arith.muli %scan3A_284, %mul3A_285 : i32
      %add3A_287 = arith.addi %add3A_106, %mul3A_286 : i32
      %get3A = arith.index_cast %add3A_287 : i32 to index
      %get3A_288 = tpu.vector_load %arg6[%get3A] {strides = array<i32>} : memref<5632xi32, #tpu.memory_space<vmem>>, vector<16xi32>,
      %slice3A = vector.extract_strided_slice %get3A_288 {offsets = [0], sizes = [1], strides = [1]} : vector<16xi32> to vector<1xi32>
      %squeeze3A = vector.extract %slice3A[0] : i32 from vector<1xi32>
      %slice3A_289 = vector.extract_strided_slice %get3A_288 {offsets = [15], sizes = [1], strides = [1]} : vector<16xi32> to vector<1xi32>
      %squeeze3A_290 = vector.extract %slice3A_289[0] : i32 from vector<1xi32>
      %mul3A_291 = arith.constant 16 : i32
      %mul3A_292 = arith.muli %scan3A_284, %mul3A_291 : i32
      %eq3A_293 = arith.cmpi eq, %squeeze3A, %squeeze3A_290 : i32
      %convert_element_type3A = arith.extui %eq3A_293 : i1 to i32
      %cond3A = arith.constant 0 : i32
      %cond3A_294 = arith.constant 0 : i32
      %cond3A_295 = arith.cmpi ne, %convert_element_type3A, %cond3A_294 : i32
      %cond3A_296 = scf.if %cond3A_295 -> (i32) {
        %get3A_297 = arith.index_cast %mul3A_292 : i32 to index
        %get3A_298 = arith.constant 48 : index
        %get3A_299 = tpu.vector_load %arg5[%get3A_297, %get3A_298] {strides = array<i32>} : memref<400x128xf32, #tpu.memory_space<vmem>>, vector<16xf32>,
        %add3A_300 = arith.constant 1 : i32
        %add3A_301 = arith.addi %mul3A_292, %add3A_300 : i32
        %get3A_302 = arith.index_cast %add3A_301 : i32 to index
        %get3A_303 = arith.constant 48 : index
        %get3A_304 = tpu.vector_load %arg5[%get3A_302, %get3A_303] {strides = array<i32>} : memref<400x128xf32, #tpu.memory_space<vmem>>, vector<16xf32>,
        %add3A_305 = arith.addf %get3A_299, %get3A_304 : vector<16xf32>
        %add3A_306 = arith.constant 2 : i32
        %add3A_307 = arith.addi %mul3A_292, %add3A_306 : i32
        %get3A_308 = arith.index_cast %add3A_307 : i32 to index
        %get3A_309 = arith.constant 48 : index
        %get3A_310 = tpu.vector_load %arg5[%get3A_308, %get3A_309] {strides = array<i32>} : memref<400x128xf32, #tpu.memory_space<vmem>>, vector<16xf32>,
        %add3A_311 = arith.addf %add3A_305, %get3A_310 : vector<16xf32>
        %add3A_312 = arith.constant 3 : i32
        %add3A_313 = arith.addi %mul3A_292, %add3A_312 : i32
        %get3A_314 = arith.index_cast %add3A_313 : i32 to index
        %get3A_315 = arith.constant 48 : index
        %get3A_316 = tpu.vector_load %arg5[%get3A_314, %get3A_315] {strides = array<i32>} : memref<400x128xf32, #tpu.memory_space<vmem>>, vector<16xf32>,
        %add3A_317 = arith.addf %add3A_311, %get3A_316 : vector<16xf32>
        %add3A_318 = arith.constant 4 : i32
        %add3A_319 = arith.addi %mul3A_292, %add3A_318 : i32
        %get3A_320 = arith.index_cast %add3A_319 : i32 to index
        %get3A_321 = arith.constant 48 : index
        %get3A_322 = tpu.vector_load %arg5[%get3A_320, %get3A_321] {strides = array<i32>} : memref<400x128xf32, #tpu.memory_space<vmem>>, vector<16xf32>,
        %add3A_323 = arith.addf %add3A_317, %get3A_322 : vector<16xf32>
        %add3A_324 = arith.constant 5 : i32
        %add3A_325 = arith.addi %mul3A_292, %add3A_324 : i32
        %get3A_326 = arith.index_cast %add3A_325 : i32 to index
        %get3A_327 = arith.constant 48 : index
        %get3A_328 = tpu.vector_load %arg5[%get3A_326, %get3A_327] {strides = array<i32>} : memref<400x128xf32, #tpu.memory_space<vmem>>, vector<16xf32>,
        %add3A_329 = arith.addf %add3A_323, %get3A_328 : vector<16xf32>
        %add3A_330 = arith.constant 6 : i32
        %add3A_331 = arith.addi %mul3A_292, %add3A_330 : i32
        %get3A_332 = arith.index_cast %add3A_331 : i32 to index
        %get3A_333 = arith.constant 48 : index
        %get3A_334 = tpu.vector_load %arg5[%get3A_332, %get3A_333] {strides = array<i32>} : memref<400x128xf32, #tpu.memory_space<vmem>>, vector<16xf32>,
        %add3A_335 = arith.addf %add3A_329, %get3A_334 : vector<16xf32>
        %add3A_336 = arith.constant 7 : i32
        %add3A_337 = arith.addi %mul3A_292, %add3A_336 : i32
        %get3A_338 = arith.index_cast %add3A_337 : i32 to index
        %get3A_339 = arith.constant 48 : index
        %get3A_340 = tpu.vector_load %arg5[%get3A_338, %get3A_339] {strides = array<i32>} : memref<400x128xf32, #tpu.memory_space<vmem>>, vector<16xf32>,
        %add3A_341 = arith.addf %add3A_335, %get3A_340 : vector<16xf32>
        %add3A_342 = arith.constant 8 : i32
        %add3A_343 = arith.addi %mul3A_292, %add3A_342 : i32
        %get3A_344 = arith.index_cast %add3A_343 : i32 to index
        %get3A_345 = arith.constant 48 : index
        %get3A_346 = tpu.vector_load %arg5[%get3A_344, %get3A_345] {strides = array<i32>} : memref<400x128xf32, #tpu.memory_space<vmem>>, vector<16xf32>,
        %add3A_347 = arith.addf %add3A_341, %get3A_346 : vector<16xf32>
        %add3A_348 = arith.constant 9 : i32
        %add3A_349 = arith.addi %mul3A_292, %add3A_348 : i32
        %get3A_350 = arith.index_cast %add3A_349 : i32 to index
        %get3A_351 = arith.constant 48 : index
        %get3A_352 = tpu.vector_load %arg5[%get3A_350, %get3A_351] {strides = array<i32>} : memref<400x128xf32, #tpu.memory_space<vmem>>, vector<16xf32>,
        %add3A_353 = arith.addf %add3A_347, %get3A_352 : vector<16xf32>
        %add3A_354 = arith.constant 10 : i32
        %add3A_355 = arith.addi %mul3A_292, %add3A_354 : i32
        %get3A_356 = arith.index_cast %add3A_355 : i32 to index
        %get3A_357 = arith.constant 48 : index
        %get3A_358 = tpu.vector_load %arg5[%get3A_356, %get3A_357] {strides = array<i32>} : memref<400x128xf32, #tpu.memory_space<vmem>>, vector<16xf32>,
        %add3A_359 = arith.addf %add3A_353, %get3A_358 : vector<16xf32>
        %add3A_360 = arith.constant 11 : i32
        %add3A_361 = arith.addi %mul3A_292, %add3A_360 : i32
        %get3A_362 = arith.index_cast %add3A_361 : i32 to index
        %get3A_363 = arith.constant 48 : index
        %get3A_364 = tpu.vector_load %arg5[%get3A_362, %get3A_363] {strides = array<i32>} : memref<400x128xf32, #tpu.memory_space<vmem>>, vector<16xf32>,
        %add3A_365 = arith.addf %add3A_359, %get3A_364 : vector<16xf32>
        %add3A_366 = arith.constant 12 : i32
        %add3A_367 = arith.addi %mul3A_292, %add3A_366 : i32
        %get3A_368 = arith.index_cast %add3A_367 : i32 to index
        %get3A_369 = arith.constant 48 : index
        %get3A_370 = tpu.vector_load %arg5[%get3A_368, %get3A_369] {strides = array<i32>} : memref<400x128xf32, #tpu.memory_space<vmem>>, vector<16xf32>,
        %add3A_371 = arith.addf %add3A_365, %get3A_370 : vector<16xf32>
        %add3A_372 = arith.constant 13 : i32
        %add3A_373 = arith.addi %mul3A_292, %add3A_372 : i32
        %get3A_374 = arith.index_cast %add3A_373 : i32 to index
        %get3A_375 = arith.constant 48 : index
        %get3A_376 = tpu.vector_load %arg5[%get3A_374, %get3A_375] {strides = array<i32>} : memref<400x128xf32, #tpu.memory_space<vmem>>, vector<16xf32>,
        %add3A_377 = arith.addf %add3A_371, %get3A_376 : vector<16xf32>
        %add3A_378 = arith.constant 14 : i32
        %add3A_379 = arith.addi %mul3A_292, %add3A_378 : i32
        %get3A_380 = arith.index_cast %add3A_379 : i32 to index
        %get3A_381 = arith.constant 48 : index
        %get3A_382 = tpu.vector_load %arg5[%get3A_380, %get3A_381] {strides = array<i32>} : memref<400x128xf32, #tpu.memory_space<vmem>>, vector<16xf32>,
        %add3A_383 = arith.addf %add3A_377, %get3A_382 : vector<16xf32>
        %add3A_384 = arith.constant 15 : i32
        %add3A_385 = arith.addi %mul3A_292, %add3A_384 : i32
        %get3A_386 = arith.index_cast %add3A_385 : i32 to index
        %get3A_387 = arith.constant 48 : index
        %get3A_388 = tpu.vector_load %arg5[%get3A_386, %get3A_387] {strides = array<i32>} : memref<400x128xf32, #tpu.memory_space<vmem>>, vector<16xf32>,
        %add3A_389 = arith.addf %add3A_383, %get3A_388 : vector<16xf32>
        %and3A_390 = arith.constant 31 : i32
        %and3A_391 = arith.andi %squeeze3A, %and3A_390 : i32
        %broadcast_in_dim3A_392 = vector.broadcast %and3A_391 : i32 to vector<16xi32>
        %shift_right_arithmetic3A = arith.constant 5 : i32
        %shift_right_arithmetic3A_393 = arith.shrsi %squeeze3A, %shift_right_arithmetic3A : i32
        %and3A_394 = arith.constant 7 : i32
        %and3A_395 = arith.andi %shift_right_arithmetic3A_393, %and3A_394 : i32
        %mul3A_396 = arith.constant 16 : i32
        %mul3A_397 = arith.muli %and3A_395, %mul3A_396 : i32
        %add3A_398 = vector.broadcast %mul3A_397 : i32 to vector<16xi32>
        %add3A_399 = arith.addi %add3A_398, %iota3A : vector<16xi32>
        tpu.vector_store_idx %arg7[%broadcast_in_dim3A_392, %add3A_399], %add3A_389 {add = true} : memref<32x128xf32, #tpu.memory_space<vmem>>[vector<16xi32>, vector<16xi32>], vector<16xf32>,
        %cond3A_400 = arith.constant 0 : i32
        scf.yield %cond3A_400 : i32
      } else {
        %slice3A_297 = vector.extract_strided_slice %get3A_288 {offsets = [0], sizes = [1], strides = [1]} : vector<16xi32> to vector<1xi32>
        %squeeze3A_298 = vector.extract %slice3A_297[0] : i32 from vector<1xi32>
        %and3A_299 = arith.constant 31 : i32
        %and3A_300 = arith.andi %squeeze3A_298, %and3A_299 : i32
        %broadcast_in_dim3A_301 = vector.broadcast %and3A_300 : i32 to vector<16xi32>
        %shift_right_arithmetic3A = arith.constant 5 : i32
        %shift_right_arithmetic3A_302 = arith.shrsi %squeeze3A_298, %shift_right_arithmetic3A : i32
        %and3A_303 = arith.constant 7 : i32
        %and3A_304 = arith.andi %shift_right_arithmetic3A_302, %and3A_303 : i32
        %mul3A_305 = arith.constant 16 : i32
        %mul3A_306 = arith.muli %and3A_304, %mul3A_305 : i32
        %add3A_307 = vector.broadcast %mul3A_306 : i32 to vector<16xi32>
        %add3A_308 = arith.addi %add3A_307, %iota3A : vector<16xi32>
        %add3A_309 = arith.constant 0 : i32
        %add3A_310 = arith.addi %mul3A_292, %add3A_309 : i32
        %get3A_311 = arith.index_cast %add3A_310 : i32 to index
        %get3A_312 = arith.constant 48 : index
        %get3A_313 = tpu.vector_load %arg5[%get3A_311, %get3A_312] {strides = array<i32>} : memref<400x128xf32, #tpu.memory_space<vmem>>, vector<16xf32>,
        tpu.vector_store_idx %arg7[%broadcast_in_dim3A_301, %add3A_308], %get3A_313 {add = true} : memref<32x128xf32, #tpu.memory_space<vmem>>[vector<16xi32>, vector<16xi32>], vector<16xf32>,
        %slice3A_314 = vector.extract_strided_slice %get3A_288 {offsets = [1], sizes = [1], strides = [1]} : vector<16xi32> to vector<1xi32>
        %squeeze3A_315 = vector.extract %slice3A_314[0] : i32 from vector<1xi32>
        %and3A_316 = arith.constant 31 : i32
        %and3A_317 = arith.andi %squeeze3A_315, %and3A_316 : i32
        %broadcast_in_dim3A_318 = vector.broadcast %and3A_317 : i32 to vector<16xi32>
        %shift_right_arithmetic3A_319 = arith.constant 5 : i32
        %shift_right_arithmetic3A_320 = arith.shrsi %squeeze3A_315, %shift_right_arithmetic3A_319 : i32
        %and3A_321 = arith.constant 7 : i32
        %and3A_322 = arith.andi %shift_right_arithmetic3A_320, %and3A_321 : i32
        %mul3A_323 = arith.constant 16 : i32
        %mul3A_324 = arith.muli %and3A_322, %mul3A_323 : i32
        %add3A_325 = vector.broadcast %mul3A_324 : i32 to vector<16xi32>
        %add3A_326 = arith.addi %add3A_325, %iota3A : vector<16xi32>
        %add3A_327 = arith.constant 1 : i32
        %add3A_328 = arith.addi %mul3A_292, %add3A_327 : i32
        %get3A_329 = arith.index_cast %add3A_328 : i32 to index
        %get3A_330 = arith.constant 48 : index
        %get3A_331 = tpu.vector_load %arg5[%get3A_329, %get3A_330] {strides = array<i32>} : memref<400x128xf32, #tpu.memory_space<vmem>>, vector<16xf32>,
        tpu.vector_store_idx %arg7[%broadcast_in_dim3A_318, %add3A_326], %get3A_331 {add = true} : memref<32x128xf32, #tpu.memory_space<vmem>>[vector<16xi32>, vector<16xi32>], vector<16xf32>,
        %slice3A_332 = vector.extract_strided_slice %get3A_288 {offsets = [2], sizes = [1], strides = [1]} : vector<16xi32> to vector<1xi32>
        %squeeze3A_333 = vector.extract %slice3A_332[0] : i32 from vector<1xi32>
        %and3A_334 = arith.constant 31 : i32
        %and3A_335 = arith.andi %squeeze3A_333, %and3A_334 : i32
        %broadcast_in_dim3A_336 = vector.broadcast %and3A_335 : i32 to vector<16xi32>
        %shift_right_arithmetic3A_337 = arith.constant 5 : i32
        %shift_right_arithmetic3A_338 = arith.shrsi %squeeze3A_333, %shift_right_arithmetic3A_337 : i32
        %and3A_339 = arith.constant 7 : i32
        %and3A_340 = arith.andi %shift_right_arithmetic3A_338, %and3A_339 : i32
        %mul3A_341 = arith.constant 16 : i32
        %mul3A_342 = arith.muli %and3A_340, %mul3A_341 : i32
        %add3A_343 = vector.broadcast %mul3A_342 : i32 to vector<16xi32>
        %add3A_344 = arith.addi %add3A_343, %iota3A : vector<16xi32>
        %add3A_345 = arith.constant 2 : i32
        %add3A_346 = arith.addi %mul3A_292, %add3A_345 : i32
        %get3A_347 = arith.index_cast %add3A_346 : i32 to index
        %get3A_348 = arith.constant 48 : index
        %get3A_349 = tpu.vector_load %arg5[%get3A_347, %get3A_348] {strides = array<i32>} : memref<400x128xf32, #tpu.memory_space<vmem>>, vector<16xf32>,
        tpu.vector_store_idx %arg7[%broadcast_in_dim3A_336, %add3A_344], %get3A_349 {add = true} : memref<32x128xf32, #tpu.memory_space<vmem>>[vector<16xi32>, vector<16xi32>], vector<16xf32>,
        %slice3A_350 = vector.extract_strided_slice %get3A_288 {offsets = [3], sizes = [1], strides = [1]} : vector<16xi32> to vector<1xi32>
        %squeeze3A_351 = vector.extract %slice3A_350[0] : i32 from vector<1xi32>
        %and3A_352 = arith.constant 31 : i32
        %and3A_353 = arith.andi %squeeze3A_351, %and3A_352 : i32
        %broadcast_in_dim3A_354 = vector.broadcast %and3A_353 : i32 to vector<16xi32>
        %shift_right_arithmetic3A_355 = arith.constant 5 : i32
        %shift_right_arithmetic3A_356 = arith.shrsi %squeeze3A_351, %shift_right_arithmetic3A_355 : i32
        %and3A_357 = arith.constant 7 : i32
        %and3A_358 = arith.andi %shift_right_arithmetic3A_356, %and3A_357 : i32
        %mul3A_359 = arith.constant 16 : i32
        %mul3A_360 = arith.muli %and3A_358, %mul3A_359 : i32
        %add3A_361 = vector.broadcast %mul3A_360 : i32 to vector<16xi32>
        %add3A_362 = arith.addi %add3A_361, %iota3A : vector<16xi32>
        %add3A_363 = arith.constant 3 : i32
        %add3A_364 = arith.addi %mul3A_292, %add3A_363 : i32
        %get3A_365 = arith.index_cast %add3A_364 : i32 to index
        %get3A_366 = arith.constant 48 : index
        %get3A_367 = tpu.vector_load %arg5[%get3A_365, %get3A_366] {strides = array<i32>} : memref<400x128xf32, #tpu.memory_space<vmem>>, vector<16xf32>,
        tpu.vector_store_idx %arg7[%broadcast_in_dim3A_354, %add3A_362], %get3A_367 {add = true} : memref<32x128xf32, #tpu.memory_space<vmem>>[vector<16xi32>, vector<16xi32>], vector<16xf32>,
        %slice3A_368 = vector.extract_strided_slice %get3A_288 {offsets = [4], sizes = [1], strides = [1]} : vector<16xi32> to vector<1xi32>
        %squeeze3A_369 = vector.extract %slice3A_368[0] : i32 from vector<1xi32>
        %and3A_370 = arith.constant 31 : i32
        %and3A_371 = arith.andi %squeeze3A_369, %and3A_370 : i32
        %broadcast_in_dim3A_372 = vector.broadcast %and3A_371 : i32 to vector<16xi32>
        %shift_right_arithmetic3A_373 = arith.constant 5 : i32
        %shift_right_arithmetic3A_374 = arith.shrsi %squeeze3A_369, %shift_right_arithmetic3A_373 : i32
        %and3A_375 = arith.constant 7 : i32
        %and3A_376 = arith.andi %shift_right_arithmetic3A_374, %and3A_375 : i32
        %mul3A_377 = arith.constant 16 : i32
        %mul3A_378 = arith.muli %and3A_376, %mul3A_377 : i32
        %add3A_379 = vector.broadcast %mul3A_378 : i32 to vector<16xi32>
        %add3A_380 = arith.addi %add3A_379, %iota3A : vector<16xi32>
        %add3A_381 = arith.constant 4 : i32
        %add3A_382 = arith.addi %mul3A_292, %add3A_381 : i32
        %get3A_383 = arith.index_cast %add3A_382 : i32 to index
        %get3A_384 = arith.constant 48 : index
        %get3A_385 = tpu.vector_load %arg5[%get3A_383, %get3A_384] {strides = array<i32>} : memref<400x128xf32, #tpu.memory_space<vmem>>, vector<16xf32>,
        tpu.vector_store_idx %arg7[%broadcast_in_dim3A_372, %add3A_380], %get3A_385 {add = true} : memref<32x128xf32, #tpu.memory_space<vmem>>[vector<16xi32>, vector<16xi32>], vector<16xf32>,
        %slice3A_386 = vector.extract_strided_slice %get3A_288 {offsets = [5], sizes = [1], strides = [1]} : vector<16xi32> to vector<1xi32>
        %squeeze3A_387 = vector.extract %slice3A_386[0] : i32 from vector<1xi32>
        %and3A_388 = arith.constant 31 : i32
        %and3A_389 = arith.andi %squeeze3A_387, %and3A_388 : i32
        %broadcast_in_dim3A_390 = vector.broadcast %and3A_389 : i32 to vector<16xi32>
        %shift_right_arithmetic3A_391 = arith.constant 5 : i32
        %shift_right_arithmetic3A_392 = arith.shrsi %squeeze3A_387, %shift_right_arithmetic3A_391 : i32
        %and3A_393 = arith.constant 7 : i32
        %and3A_394 = arith.andi %shift_right_arithmetic3A_392, %and3A_393 : i32
        %mul3A_395 = arith.constant 16 : i32
        %mul3A_396 = arith.muli %and3A_394, %mul3A_395 : i32
        %add3A_397 = vector.broadcast %mul3A_396 : i32 to vector<16xi32>
        %add3A_398 = arith.addi %add3A_397, %iota3A : vector<16xi32>
        %add3A_399 = arith.constant 5 : i32
        %add3A_400 = arith.addi %mul3A_292, %add3A_399 : i32
        %get3A_401 = arith.index_cast %add3A_400 : i32 to index
        %get3A_402 = arith.constant 48 : index
        %get3A_403 = tpu.vector_load %arg5[%get3A_401, %get3A_402] {strides = array<i32>} : memref<400x128xf32, #tpu.memory_space<vmem>>, vector<16xf32>,
        tpu.vector_store_idx %arg7[%broadcast_in_dim3A_390, %add3A_398], %get3A_403 {add = true} : memref<32x128xf32, #tpu.memory_space<vmem>>[vector<16xi32>, vector<16xi32>], vector<16xf32>,
        %slice3A_404 = vector.extract_strided_slice %get3A_288 {offsets = [6], sizes = [1], strides = [1]} : vector<16xi32> to vector<1xi32>
        %squeeze3A_405 = vector.extract %slice3A_404[0] : i32 from vector<1xi32>
        %and3A_406 = arith.constant 31 : i32
        %and3A_407 = arith.andi %squeeze3A_405, %and3A_406 : i32
        %broadcast_in_dim3A_408 = vector.broadcast %and3A_407 : i32 to vector<16xi32>
        %shift_right_arithmetic3A_409 = arith.constant 5 : i32
        %shift_right_arithmetic3A_410 = arith.shrsi %squeeze3A_405, %shift_right_arithmetic3A_409 : i32
        %and3A_411 = arith.constant 7 : i32
        %and3A_412 = arith.andi %shift_right_arithmetic3A_410, %and3A_411 : i32
        %mul3A_413 = arith.constant 16 : i32
        %mul3A_414 = arith.muli %and3A_412, %mul3A_413 : i32
        %add3A_415 = vector.broadcast %mul3A_414 : i32 to vector<16xi32>
        %add3A_416 = arith.addi %add3A_415, %iota3A : vector<16xi32>
        %add3A_417 = arith.constant 6 : i32
        %add3A_418 = arith.addi %mul3A_292, %add3A_417 : i32
        %get3A_419 = arith.index_cast %add3A_418 : i32 to index
        %get3A_420 = arith.constant 48 : index
        %get3A_421 = tpu.vector_load %arg5[%get3A_419, %get3A_420] {strides = array<i32>} : memref<400x128xf32, #tpu.memory_space<vmem>>, vector<16xf32>,
        tpu.vector_store_idx %arg7[%broadcast_in_dim3A_408, %add3A_416], %get3A_421 {add = true} : memref<32x128xf32, #tpu.memory_space<vmem>>[vector<16xi32>, vector<16xi32>], vector<16xf32>,
        %slice3A_422 = vector.extract_strided_slice %get3A_288 {offsets = [7], sizes = [1], strides = [1]} : vector<16xi32> to vector<1xi32>
        %squeeze3A_423 = vector.extract %slice3A_422[0] : i32 from vector<1xi32>
        %and3A_424 = arith.constant 31 : i32
        %and3A_425 = arith.andi %squeeze3A_423, %and3A_424 : i32
        %broadcast_in_dim3A_426 = vector.broadcast %and3A_425 : i32 to vector<16xi32>
        %shift_right_arithmetic3A_427 = arith.constant 5 : i32
        %shift_right_arithmetic3A_428 = arith.shrsi %squeeze3A_423, %shift_right_arithmetic3A_427 : i32
        %and3A_429 = arith.constant 7 : i32
        %and3A_430 = arith.andi %shift_right_arithmetic3A_428, %and3A_429 : i32
        %mul3A_431 = arith.constant 16 : i32
        %mul3A_432 = arith.muli %and3A_430, %mul3A_431 : i32
        %add3A_433 = vector.broadcast %mul3A_432 : i32 to vector<16xi32>
        %add3A_434 = arith.addi %add3A_433, %iota3A : vector<16xi32>
        %add3A_435 = arith.constant 7 : i32
        %add3A_436 = arith.addi %mul3A_292, %add3A_435 : i32
        %get3A_437 = arith.index_cast %add3A_436 : i32 to index
        %get3A_438 = arith.constant 48 : index
        %get3A_439 = tpu.vector_load %arg5[%get3A_437, %get3A_438] {strides = array<i32>} : memref<400x128xf32, #tpu.memory_space<vmem>>, vector<16xf32>,
        tpu.vector_store_idx %arg7[%broadcast_in_dim3A_426, %add3A_434], %get3A_439 {add = true} : memref<32x128xf32, #tpu.memory_space<vmem>>[vector<16xi32>, vector<16xi32>], vector<16xf32>,
        %slice3A_440 = vector.extract_strided_slice %get3A_288 {offsets = [8], sizes = [1], strides = [1]} : vector<16xi32> to vector<1xi32>
        %squeeze3A_441 = vector.extract %slice3A_440[0] : i32 from vector<1xi32>
        %and3A_442 = arith.constant 31 : i32
        %and3A_443 = arith.andi %squeeze3A_441, %and3A_442 : i32
        %broadcast_in_dim3A_444 = vector.broadcast %and3A_443 : i32 to vector<16xi32>
        %shift_right_arithmetic3A_445 = arith.constant 5 : i32
        %shift_right_arithmetic3A_446 = arith.shrsi %squeeze3A_441, %shift_right_arithmetic3A_445 : i32
        %and3A_447 = arith.constant 7 : i32
        %and3A_448 = arith.andi %shift_right_arithmetic3A_446, %and3A_447 : i32
        %mul3A_449 = arith.constant 16 : i32
        %mul3A_450 = arith.muli %and3A_448, %mul3A_449 : i32
        %add3A_451 = vector.broadcast %mul3A_450 : i32 to vector<16xi32>
        %add3A_452 = arith.addi %add3A_451, %iota3A : vector<16xi32>
        %add3A_453 = arith.constant 8 : i32
        %add3A_454 = arith.addi %mul3A_292, %add3A_453 : i32
        %get3A_455 = arith.index_cast %add3A_454 : i32 to index
        %get3A_456 = arith.constant 48 : index
        %get3A_457 = tpu.vector_load %arg5[%get3A_455, %get3A_456] {strides = array<i32>} : memref<400x128xf32, #tpu.memory_space<vmem>>, vector<16xf32>,
        tpu.vector_store_idx %arg7[%broadcast_in_dim3A_444, %add3A_452], %get3A_457 {add = true} : memref<32x128xf32, #tpu.memory_space<vmem>>[vector<16xi32>, vector<16xi32>], vector<16xf32>,
        %slice3A_458 = vector.extract_strided_slice %get3A_288 {offsets = [9], sizes = [1], strides = [1]} : vector<16xi32> to vector<1xi32>
        %squeeze3A_459 = vector.extract %slice3A_458[0] : i32 from vector<1xi32>
        %and3A_460 = arith.constant 31 : i32
        %and3A_461 = arith.andi %squeeze3A_459, %and3A_460 : i32
        %broadcast_in_dim3A_462 = vector.broadcast %and3A_461 : i32 to vector<16xi32>
        %shift_right_arithmetic3A_463 = arith.constant 5 : i32
        %shift_right_arithmetic3A_464 = arith.shrsi %squeeze3A_459, %shift_right_arithmetic3A_463 : i32
        %and3A_465 = arith.constant 7 : i32
        %and3A_466 = arith.andi %shift_right_arithmetic3A_464, %and3A_465 : i32
        %mul3A_467 = arith.constant 16 : i32
        %mul3A_468 = arith.muli %and3A_466, %mul3A_467 : i32
        %add3A_469 = vector.broadcast %mul3A_468 : i32 to vector<16xi32>
        %add3A_470 = arith.addi %add3A_469, %iota3A : vector<16xi32>
        %add3A_471 = arith.constant 9 : i32
        %add3A_472 = arith.addi %mul3A_292, %add3A_471 : i32
        %get3A_473 = arith.index_cast %add3A_472 : i32 to index
        %get3A_474 = arith.constant 48 : index
        %get3A_475 = tpu.vector_load %arg5[%get3A_473, %get3A_474] {strides = array<i32>} : memref<400x128xf32, #tpu.memory_space<vmem>>, vector<16xf32>,
        tpu.vector_store_idx %arg7[%broadcast_in_dim3A_462, %add3A_470], %get3A_475 {add = true} : memref<32x128xf32, #tpu.memory_space<vmem>>[vector<16xi32>, vector<16xi32>], vector<16xf32>,
        %slice3A_476 = vector.extract_strided_slice %get3A_288 {offsets = [10], sizes = [1], strides = [1]} : vector<16xi32> to vector<1xi32>
        %squeeze3A_477 = vector.extract %slice3A_476[0] : i32 from vector<1xi32>
        %and3A_478 = arith.constant 31 : i32
        %and3A_479 = arith.andi %squeeze3A_477, %and3A_478 : i32
        %broadcast_in_dim3A_480 = vector.broadcast %and3A_479 : i32 to vector<16xi32>
        %shift_right_arithmetic3A_481 = arith.constant 5 : i32
        %shift_right_arithmetic3A_482 = arith.shrsi %squeeze3A_477, %shift_right_arithmetic3A_481 : i32
        %and3A_483 = arith.constant 7 : i32
        %and3A_484 = arith.andi %shift_right_arithmetic3A_482, %and3A_483 : i32
        %mul3A_485 = arith.constant 16 : i32
        %mul3A_486 = arith.muli %and3A_484, %mul3A_485 : i32
        %add3A_487 = vector.broadcast %mul3A_486 : i32 to vector<16xi32>
        %add3A_488 = arith.addi %add3A_487, %iota3A : vector<16xi32>
        %add3A_489 = arith.constant 10 : i32
        %add3A_490 = arith.addi %mul3A_292, %add3A_489 : i32
        %get3A_491 = arith.index_cast %add3A_490 : i32 to index
        %get3A_492 = arith.constant 48 : index
        %get3A_493 = tpu.vector_load %arg5[%get3A_491, %get3A_492] {strides = array<i32>} : memref<400x128xf32, #tpu.memory_space<vmem>>, vector<16xf32>,
        tpu.vector_store_idx %arg7[%broadcast_in_dim3A_480, %add3A_488], %get3A_493 {add = true} : memref<32x128xf32, #tpu.memory_space<vmem>>[vector<16xi32>, vector<16xi32>], vector<16xf32>,
        %slice3A_494 = vector.extract_strided_slice %get3A_288 {offsets = [11], sizes = [1], strides = [1]} : vector<16xi32> to vector<1xi32>
        %squeeze3A_495 = vector.extract %slice3A_494[0] : i32 from vector<1xi32>
        %and3A_496 = arith.constant 31 : i32
        %and3A_497 = arith.andi %squeeze3A_495, %and3A_496 : i32
        %broadcast_in_dim3A_498 = vector.broadcast %and3A_497 : i32 to vector<16xi32>
        %shift_right_arithmetic3A_499 = arith.constant 5 : i32
        %shift_right_arithmetic3A_500 = arith.shrsi %squeeze3A_495, %shift_right_arithmetic3A_499 : i32
        %and3A_501 = arith.constant 7 : i32
        %and3A_502 = arith.andi %shift_right_arithmetic3A_500, %and3A_501 : i32
        %mul3A_503 = arith.constant 16 : i32
        %mul3A_504 = arith.muli %and3A_502, %mul3A_503 : i32
        %add3A_505 = vector.broadcast %mul3A_504 : i32 to vector<16xi32>
        %add3A_506 = arith.addi %add3A_505, %iota3A : vector<16xi32>
        %add3A_507 = arith.constant 11 : i32
        %add3A_508 = arith.addi %mul3A_292, %add3A_507 : i32
        %get3A_509 = arith.index_cast %add3A_508 : i32 to index
        %get3A_510 = arith.constant 48 : index
        %get3A_511 = tpu.vector_load %arg5[%get3A_509, %get3A_510] {strides = array<i32>} : memref<400x128xf32, #tpu.memory_space<vmem>>, vector<16xf32>,
        tpu.vector_store_idx %arg7[%broadcast_in_dim3A_498, %add3A_506], %get3A_511 {add = true} : memref<32x128xf32, #tpu.memory_space<vmem>>[vector<16xi32>, vector<16xi32>], vector<16xf32>,
        %slice3A_512 = vector.extract_strided_slice %get3A_288 {offsets = [12], sizes = [1], strides = [1]} : vector<16xi32> to vector<1xi32>
        %squeeze3A_513 = vector.extract %slice3A_512[0] : i32 from vector<1xi32>
        %and3A_514 = arith.constant 31 : i32
        %and3A_515 = arith.andi %squeeze3A_513, %and3A_514 : i32
        %broadcast_in_dim3A_516 = vector.broadcast %and3A_515 : i32 to vector<16xi32>
        %shift_right_arithmetic3A_517 = arith.constant 5 : i32
        %shift_right_arithmetic3A_518 = arith.shrsi %squeeze3A_513, %shift_right_arithmetic3A_517 : i32
        %and3A_519 = arith.constant 7 : i32
        %and3A_520 = arith.andi %shift_right_arithmetic3A_518, %and3A_519 : i32
        %mul3A_521 = arith.constant 16 : i32
        %mul3A_522 = arith.muli %and3A_520, %mul3A_521 : i32
        %add3A_523 = vector.broadcast %mul3A_522 : i32 to vector<16xi32>
        %add3A_524 = arith.addi %add3A_523, %iota3A : vector<16xi32>
        %add3A_525 = arith.constant 12 : i32
        %add3A_526 = arith.addi %mul3A_292, %add3A_525 : i32
        %get3A_527 = arith.index_cast %add3A_526 : i32 to index
        %get3A_528 = arith.constant 48 : index
        %get3A_529 = tpu.vector_load %arg5[%get3A_527, %get3A_528] {strides = array<i32>} : memref<400x128xf32, #tpu.memory_space<vmem>>, vector<16xf32>,
        tpu.vector_store_idx %arg7[%broadcast_in_dim3A_516, %add3A_524], %get3A_529 {add = true} : memref<32x128xf32, #tpu.memory_space<vmem>>[vector<16xi32>, vector<16xi32>], vector<16xf32>,
        %slice3A_530 = vector.extract_strided_slice %get3A_288 {offsets = [13], sizes = [1], strides = [1]} : vector<16xi32> to vector<1xi32>
        %squeeze3A_531 = vector.extract %slice3A_530[0] : i32 from vector<1xi32>
        %and3A_532 = arith.constant 31 : i32
        %and3A_533 = arith.andi %squeeze3A_531, %and3A_532 : i32
        %broadcast_in_dim3A_534 = vector.broadcast %and3A_533 : i32 to vector<16xi32>
        %shift_right_arithmetic3A_535 = arith.constant 5 : i32
        %shift_right_arithmetic3A_536 = arith.shrsi %squeeze3A_531, %shift_right_arithmetic3A_535 : i32
        %and3A_537 = arith.constant 7 : i32
        %and3A_538 = arith.andi %shift_right_arithmetic3A_536, %and3A_537 : i32
        %mul3A_539 = arith.constant 16 : i32
        %mul3A_540 = arith.muli %and3A_538, %mul3A_539 : i32
        %add3A_541 = vector.broadcast %mul3A_540 : i32 to vector<16xi32>
        %add3A_542 = arith.addi %add3A_541, %iota3A : vector<16xi32>
        %add3A_543 = arith.constant 13 : i32
        %add3A_544 = arith.addi %mul3A_292, %add3A_543 : i32
        %get3A_545 = arith.index_cast %add3A_544 : i32 to index
        %get3A_546 = arith.constant 48 : index
        %get3A_547 = tpu.vector_load %arg5[%get3A_545, %get3A_546] {strides = array<i32>} : memref<400x128xf32, #tpu.memory_space<vmem>>, vector<16xf32>,
        tpu.vector_store_idx %arg7[%broadcast_in_dim3A_534, %add3A_542], %get3A_547 {add = true} : memref<32x128xf32, #tpu.memory_space<vmem>>[vector<16xi32>, vector<16xi32>], vector<16xf32>,
        %slice3A_548 = vector.extract_strided_slice %get3A_288 {offsets = [14], sizes = [1], strides = [1]} : vector<16xi32> to vector<1xi32>
        %squeeze3A_549 = vector.extract %slice3A_548[0] : i32 from vector<1xi32>
        %and3A_550 = arith.constant 31 : i32
        %and3A_551 = arith.andi %squeeze3A_549, %and3A_550 : i32
        %broadcast_in_dim3A_552 = vector.broadcast %and3A_551 : i32 to vector<16xi32>
        %shift_right_arithmetic3A_553 = arith.constant 5 : i32
        %shift_right_arithmetic3A_554 = arith.shrsi %squeeze3A_549, %shift_right_arithmetic3A_553 : i32
        %and3A_555 = arith.constant 7 : i32
        %and3A_556 = arith.andi %shift_right_arithmetic3A_554, %and3A_555 : i32
        %mul3A_557 = arith.constant 16 : i32
        %mul3A_558 = arith.muli %and3A_556, %mul3A_557 : i32
        %add3A_559 = vector.broadcast %mul3A_558 : i32 to vector<16xi32>
        %add3A_560 = arith.addi %add3A_559, %iota3A : vector<16xi32>
        %add3A_561 = arith.constant 14 : i32
        %add3A_562 = arith.addi %mul3A_292, %add3A_561 : i32
        %get3A_563 = arith.index_cast %add3A_562 : i32 to index
        %get3A_564 = arith.constant 48 : index
        %get3A_565 = tpu.vector_load %arg5[%get3A_563, %get3A_564] {strides = array<i32>} : memref<400x128xf32, #tpu.memory_space<vmem>>, vector<16xf32>,
        tpu.vector_store_idx %arg7[%broadcast_in_dim3A_552, %add3A_560], %get3A_565 {add = true} : memref<32x128xf32, #tpu.memory_space<vmem>>[vector<16xi32>, vector<16xi32>], vector<16xf32>,
        %slice3A_566 = vector.extract_strided_slice %get3A_288 {offsets = [15], sizes = [1], strides = [1]} : vector<16xi32> to vector<1xi32>
        %squeeze3A_567 = vector.extract %slice3A_566[0] : i32 from vector<1xi32>
        %and3A_568 = arith.constant 31 : i32
        %and3A_569 = arith.andi %squeeze3A_567, %and3A_568 : i32
        %broadcast_in_dim3A_570 = vector.broadcast %and3A_569 : i32 to vector<16xi32>
        %shift_right_arithmetic3A_571 = arith.constant 5 : i32
        %shift_right_arithmetic3A_572 = arith.shrsi %squeeze3A_567, %shift_right_arithmetic3A_571 : i32
        %and3A_573 = arith.constant 7 : i32
        %and3A_574 = arith.andi %shift_right_arithmetic3A_572, %and3A_573 : i32
        %mul3A_575 = arith.constant 16 : i32
        %mul3A_576 = arith.muli %and3A_574, %mul3A_575 : i32
        %add3A_577 = vector.broadcast %mul3A_576 : i32 to vector<16xi32>
        %add3A_578 = arith.addi %add3A_577, %iota3A : vector<16xi32>
        %add3A_579 = arith.constant 15 : i32
        %add3A_580 = arith.addi %mul3A_292, %add3A_579 : i32
        %get3A_581 = arith.index_cast %add3A_580 : i32 to index
        %get3A_582 = arith.constant 48 : index
        %get3A_583 = tpu.vector_load %arg5[%get3A_581, %get3A_582] {strides = array<i32>} : memref<400x128xf32, #tpu.memory_space<vmem>>, vector<16xf32>,
        tpu.vector_store_idx %arg7[%broadcast_in_dim3A_570, %add3A_578], %get3A_583 {add = true} : memref<32x128xf32, #tpu.memory_space<vmem>>[vector<16xi32>, vector<16xi32>], vector<16xf32>,
        %cond3A_584 = arith.constant 0 : i32
        scf.yield %cond3A_584 : i32
      }
    }
    %scan3A_259 = arith.constant 25 : i32
    %scan3A_260 = arith.constant 0 : i32
    %scan3A_261 = arith.constant 0 : i32
    %scan3A_262 = arith.constant 25 : i32
    %scan3A_263 = arith.addi %scan3A_261, %scan3A_262 : i32
    %scan3A_264 = arith.constant 1 : i32
    scf.for %scan3A_284 = %scan3A_261 to %scan3A_263 step %scan3A_264  : i32 {
      %mul3A_285 = arith.constant 16 : i32
      %mul3A_286 = arith.muli %scan3A_284, %mul3A_285 : i32
      %add3A_287 = arith.addi %add3A_124, %mul3A_286 : i32
      %get3A = arith.index_cast %add3A_287 : i32 to index
      %get3A_288 = tpu.vector_load %arg6[%get3A] {strides = array<i32>} : memref<5632xi32, #tpu.memory_space<vmem>>, vector<16xi32>,
      %slice3A = vector.extract_strided_slice %get3A_288 {offsets = [0], sizes = [1], strides = [1]} : vector<16xi32> to vector<1xi32>
      %squeeze3A = vector.extract %slice3A[0] : i32 from vector<1xi32>
      %slice3A_289 = vector.extract_strided_slice %get3A_288 {offsets = [15], sizes = [1], strides = [1]} : vector<16xi32> to vector<1xi32>
      %squeeze3A_290 = vector.extract %slice3A_289[0] : i32 from vector<1xi32>
      %mul3A_291 = arith.constant 16 : i32
      %mul3A_292 = arith.muli %scan3A_284, %mul3A_291 : i32
      %eq3A_293 = arith.cmpi eq, %squeeze3A, %squeeze3A_290 : i32
      %convert_element_type3A = arith.extui %eq3A_293 : i1 to i32
      %cond3A = arith.constant 0 : i32
      %cond3A_294 = arith.constant 0 : i32
      %cond3A_295 = arith.cmpi ne, %convert_element_type3A, %cond3A_294 : i32
      %cond3A_296 = scf.if %cond3A_295 -> (i32) {
        %get3A_297 = arith.index_cast %mul3A_292 : i32 to index
        %get3A_298 = arith.constant 64 : index
        %get3A_299 = tpu.vector_load %arg5[%get3A_297, %get3A_298] {strides = array<i32>} : memref<400x128xf32, #tpu.memory_space<vmem>>, vector<16xf32>,
        %add3A_300 = arith.constant 1 : i32
        %add3A_301 = arith.addi %mul3A_292, %add3A_300 : i32
        %get3A_302 = arith.index_cast %add3A_301 : i32 to index
        %get3A_303 = arith.constant 64 : index
        %get3A_304 = tpu.vector_load %arg5[%get3A_302, %get3A_303] {strides = array<i32>} : memref<400x128xf32, #tpu.memory_space<vmem>>, vector<16xf32>,
        %add3A_305 = arith.addf %get3A_299, %get3A_304 : vector<16xf32>
        %add3A_306 = arith.constant 2 : i32
        %add3A_307 = arith.addi %mul3A_292, %add3A_306 : i32
        %get3A_308 = arith.index_cast %add3A_307 : i32 to index
        %get3A_309 = arith.constant 64 : index
        %get3A_310 = tpu.vector_load %arg5[%get3A_308, %get3A_309] {strides = array<i32>} : memref<400x128xf32, #tpu.memory_space<vmem>>, vector<16xf32>,
        %add3A_311 = arith.addf %add3A_305, %get3A_310 : vector<16xf32>
        %add3A_312 = arith.constant 3 : i32
        %add3A_313 = arith.addi %mul3A_292, %add3A_312 : i32
        %get3A_314 = arith.index_cast %add3A_313 : i32 to index
        %get3A_315 = arith.constant 64 : index
        %get3A_316 = tpu.vector_load %arg5[%get3A_314, %get3A_315] {strides = array<i32>} : memref<400x128xf32, #tpu.memory_space<vmem>>, vector<16xf32>,
        %add3A_317 = arith.addf %add3A_311, %get3A_316 : vector<16xf32>
        %add3A_318 = arith.constant 4 : i32
        %add3A_319 = arith.addi %mul3A_292, %add3A_318 : i32
        %get3A_320 = arith.index_cast %add3A_319 : i32 to index
        %get3A_321 = arith.constant 64 : index
        %get3A_322 = tpu.vector_load %arg5[%get3A_320, %get3A_321] {strides = array<i32>} : memref<400x128xf32, #tpu.memory_space<vmem>>, vector<16xf32>,
        %add3A_323 = arith.addf %add3A_317, %get3A_322 : vector<16xf32>
        %add3A_324 = arith.constant 5 : i32
        %add3A_325 = arith.addi %mul3A_292, %add3A_324 : i32
        %get3A_326 = arith.index_cast %add3A_325 : i32 to index
        %get3A_327 = arith.constant 64 : index
        %get3A_328 = tpu.vector_load %arg5[%get3A_326, %get3A_327] {strides = array<i32>} : memref<400x128xf32, #tpu.memory_space<vmem>>, vector<16xf32>,
        %add3A_329 = arith.addf %add3A_323, %get3A_328 : vector<16xf32>
        %add3A_330 = arith.constant 6 : i32
        %add3A_331 = arith.addi %mul3A_292, %add3A_330 : i32
        %get3A_332 = arith.index_cast %add3A_331 : i32 to index
        %get3A_333 = arith.constant 64 : index
        %get3A_334 = tpu.vector_load %arg5[%get3A_332, %get3A_333] {strides = array<i32>} : memref<400x128xf32, #tpu.memory_space<vmem>>, vector<16xf32>,
        %add3A_335 = arith.addf %add3A_329, %get3A_334 : vector<16xf32>
        %add3A_336 = arith.constant 7 : i32
        %add3A_337 = arith.addi %mul3A_292, %add3A_336 : i32
        %get3A_338 = arith.index_cast %add3A_337 : i32 to index
        %get3A_339 = arith.constant 64 : index
        %get3A_340 = tpu.vector_load %arg5[%get3A_338, %get3A_339] {strides = array<i32>} : memref<400x128xf32, #tpu.memory_space<vmem>>, vector<16xf32>,
        %add3A_341 = arith.addf %add3A_335, %get3A_340 : vector<16xf32>
        %add3A_342 = arith.constant 8 : i32
        %add3A_343 = arith.addi %mul3A_292, %add3A_342 : i32
        %get3A_344 = arith.index_cast %add3A_343 : i32 to index
        %get3A_345 = arith.constant 64 : index
        %get3A_346 = tpu.vector_load %arg5[%get3A_344, %get3A_345] {strides = array<i32>} : memref<400x128xf32, #tpu.memory_space<vmem>>, vector<16xf32>,
        %add3A_347 = arith.addf %add3A_341, %get3A_346 : vector<16xf32>
        %add3A_348 = arith.constant 9 : i32
        %add3A_349 = arith.addi %mul3A_292, %add3A_348 : i32
        %get3A_350 = arith.index_cast %add3A_349 : i32 to index
        %get3A_351 = arith.constant 64 : index
        %get3A_352 = tpu.vector_load %arg5[%get3A_350, %get3A_351] {strides = array<i32>} : memref<400x128xf32, #tpu.memory_space<vmem>>, vector<16xf32>,
        %add3A_353 = arith.addf %add3A_347, %get3A_352 : vector<16xf32>
        %add3A_354 = arith.constant 10 : i32
        %add3A_355 = arith.addi %mul3A_292, %add3A_354 : i32
        %get3A_356 = arith.index_cast %add3A_355 : i32 to index
        %get3A_357 = arith.constant 64 : index
        %get3A_358 = tpu.vector_load %arg5[%get3A_356, %get3A_357] {strides = array<i32>} : memref<400x128xf32, #tpu.memory_space<vmem>>, vector<16xf32>,
        %add3A_359 = arith.addf %add3A_353, %get3A_358 : vector<16xf32>
        %add3A_360 = arith.constant 11 : i32
        %add3A_361 = arith.addi %mul3A_292, %add3A_360 : i32
        %get3A_362 = arith.index_cast %add3A_361 : i32 to index
        %get3A_363 = arith.constant 64 : index
        %get3A_364 = tpu.vector_load %arg5[%get3A_362, %get3A_363] {strides = array<i32>} : memref<400x128xf32, #tpu.memory_space<vmem>>, vector<16xf32>,
        %add3A_365 = arith.addf %add3A_359, %get3A_364 : vector<16xf32>
        %add3A_366 = arith.constant 12 : i32
        %add3A_367 = arith.addi %mul3A_292, %add3A_366 : i32
        %get3A_368 = arith.index_cast %add3A_367 : i32 to index
        %get3A_369 = arith.constant 64 : index
        %get3A_370 = tpu.vector_load %arg5[%get3A_368, %get3A_369] {strides = array<i32>} : memref<400x128xf32, #tpu.memory_space<vmem>>, vector<16xf32>,
        %add3A_371 = arith.addf %add3A_365, %get3A_370 : vector<16xf32>
        %add3A_372 = arith.constant 13 : i32
        %add3A_373 = arith.addi %mul3A_292, %add3A_372 : i32
        %get3A_374 = arith.index_cast %add3A_373 : i32 to index
        %get3A_375 = arith.constant 64 : index
        %get3A_376 = tpu.vector_load %arg5[%get3A_374, %get3A_375] {strides = array<i32>} : memref<400x128xf32, #tpu.memory_space<vmem>>, vector<16xf32>,
        %add3A_377 = arith.addf %add3A_371, %get3A_376 : vector<16xf32>
        %add3A_378 = arith.constant 14 : i32
        %add3A_379 = arith.addi %mul3A_292, %add3A_378 : i32
        %get3A_380 = arith.index_cast %add3A_379 : i32 to index
        %get3A_381 = arith.constant 64 : index
        %get3A_382 = tpu.vector_load %arg5[%get3A_380, %get3A_381] {strides = array<i32>} : memref<400x128xf32, #tpu.memory_space<vmem>>, vector<16xf32>,
        %add3A_383 = arith.addf %add3A_377, %get3A_382 : vector<16xf32>
        %add3A_384 = arith.constant 15 : i32
        %add3A_385 = arith.addi %mul3A_292, %add3A_384 : i32
        %get3A_386 = arith.index_cast %add3A_385 : i32 to index
        %get3A_387 = arith.constant 64 : index
        %get3A_388 = tpu.vector_load %arg5[%get3A_386, %get3A_387] {strides = array<i32>} : memref<400x128xf32, #tpu.memory_space<vmem>>, vector<16xf32>,
        %add3A_389 = arith.addf %add3A_383, %get3A_388 : vector<16xf32>
        %and3A_390 = arith.constant 31 : i32
        %and3A_391 = arith.andi %squeeze3A, %and3A_390 : i32
        %broadcast_in_dim3A_392 = vector.broadcast %and3A_391 : i32 to vector<16xi32>
        %shift_right_arithmetic3A = arith.constant 5 : i32
        %shift_right_arithmetic3A_393 = arith.shrsi %squeeze3A, %shift_right_arithmetic3A : i32
        %and3A_394 = arith.constant 7 : i32
        %and3A_395 = arith.andi %shift_right_arithmetic3A_393, %and3A_394 : i32
        %mul3A_396 = arith.constant 16 : i32
        %mul3A_397 = arith.muli %and3A_395, %mul3A_396 : i32
        %add3A_398 = vector.broadcast %mul3A_397 : i32 to vector<16xi32>
        %add3A_399 = arith.addi %add3A_398, %iota3A : vector<16xi32>
        tpu.vector_store_idx %arg7[%broadcast_in_dim3A_392, %add3A_399], %add3A_389 {add = true} : memref<32x128xf32, #tpu.memory_space<vmem>>[vector<16xi32>, vector<16xi32>], vector<16xf32>,
        %cond3A_400 = arith.constant 0 : i32
        scf.yield %cond3A_400 : i32
      } else {
        %slice3A_297 = vector.extract_strided_slice %get3A_288 {offsets = [0], sizes = [1], strides = [1]} : vector<16xi32> to vector<1xi32>
        %squeeze3A_298 = vector.extract %slice3A_297[0] : i32 from vector<1xi32>
        %and3A_299 = arith.constant 31 : i32
        %and3A_300 = arith.andi %squeeze3A_298, %and3A_299 : i32
        %broadcast_in_dim3A_301 = vector.broadcast %and3A_300 : i32 to vector<16xi32>
        %shift_right_arithmetic3A = arith.constant 5 : i32
        %shift_right_arithmetic3A_302 = arith.shrsi %squeeze3A_298, %shift_right_arithmetic3A : i32
        %and3A_303 = arith.constant 7 : i32
        %and3A_304 = arith.andi %shift_right_arithmetic3A_302, %and3A_303 : i32
        %mul3A_305 = arith.constant 16 : i32
        %mul3A_306 = arith.muli %and3A_304, %mul3A_305 : i32
        %add3A_307 = vector.broadcast %mul3A_306 : i32 to vector<16xi32>
        %add3A_308 = arith.addi %add3A_307, %iota3A : vector<16xi32>
        %add3A_309 = arith.constant 0 : i32
        %add3A_310 = arith.addi %mul3A_292, %add3A_309 : i32
        %get3A_311 = arith.index_cast %add3A_310 : i32 to index
        %get3A_312 = arith.constant 64 : index
        %get3A_313 = tpu.vector_load %arg5[%get3A_311, %get3A_312] {strides = array<i32>} : memref<400x128xf32, #tpu.memory_space<vmem>>, vector<16xf32>,
        tpu.vector_store_idx %arg7[%broadcast_in_dim3A_301, %add3A_308], %get3A_313 {add = true} : memref<32x128xf32, #tpu.memory_space<vmem>>[vector<16xi32>, vector<16xi32>], vector<16xf32>,
        %slice3A_314 = vector.extract_strided_slice %get3A_288 {offsets = [1], sizes = [1], strides = [1]} : vector<16xi32> to vector<1xi32>
        %squeeze3A_315 = vector.extract %slice3A_314[0] : i32 from vector<1xi32>
        %and3A_316 = arith.constant 31 : i32
        %and3A_317 = arith.andi %squeeze3A_315, %and3A_316 : i32
        %broadcast_in_dim3A_318 = vector.broadcast %and3A_317 : i32 to vector<16xi32>
        %shift_right_arithmetic3A_319 = arith.constant 5 : i32
        %shift_right_arithmetic3A_320 = arith.shrsi %squeeze3A_315, %shift_right_arithmetic3A_319 : i32
        %and3A_321 = arith.constant 7 : i32
        %and3A_322 = arith.andi %shift_right_arithmetic3A_320, %and3A_321 : i32
        %mul3A_323 = arith.constant 16 : i32
        %mul3A_324 = arith.muli %and3A_322, %mul3A_323 : i32
        %add3A_325 = vector.broadcast %mul3A_324 : i32 to vector<16xi32>
        %add3A_326 = arith.addi %add3A_325, %iota3A : vector<16xi32>
        %add3A_327 = arith.constant 1 : i32
        %add3A_328 = arith.addi %mul3A_292, %add3A_327 : i32
        %get3A_329 = arith.index_cast %add3A_328 : i32 to index
        %get3A_330 = arith.constant 64 : index
        %get3A_331 = tpu.vector_load %arg5[%get3A_329, %get3A_330] {strides = array<i32>} : memref<400x128xf32, #tpu.memory_space<vmem>>, vector<16xf32>,
        tpu.vector_store_idx %arg7[%broadcast_in_dim3A_318, %add3A_326], %get3A_331 {add = true} : memref<32x128xf32, #tpu.memory_space<vmem>>[vector<16xi32>, vector<16xi32>], vector<16xf32>,
        %slice3A_332 = vector.extract_strided_slice %get3A_288 {offsets = [2], sizes = [1], strides = [1]} : vector<16xi32> to vector<1xi32>
        %squeeze3A_333 = vector.extract %slice3A_332[0] : i32 from vector<1xi32>
        %and3A_334 = arith.constant 31 : i32
        %and3A_335 = arith.andi %squeeze3A_333, %and3A_334 : i32
        %broadcast_in_dim3A_336 = vector.broadcast %and3A_335 : i32 to vector<16xi32>
        %shift_right_arithmetic3A_337 = arith.constant 5 : i32
        %shift_right_arithmetic3A_338 = arith.shrsi %squeeze3A_333, %shift_right_arithmetic3A_337 : i32
        %and3A_339 = arith.constant 7 : i32
        %and3A_340 = arith.andi %shift_right_arithmetic3A_338, %and3A_339 : i32
        %mul3A_341 = arith.constant 16 : i32
        %mul3A_342 = arith.muli %and3A_340, %mul3A_341 : i32
        %add3A_343 = vector.broadcast %mul3A_342 : i32 to vector<16xi32>
        %add3A_344 = arith.addi %add3A_343, %iota3A : vector<16xi32>
        %add3A_345 = arith.constant 2 : i32
        %add3A_346 = arith.addi %mul3A_292, %add3A_345 : i32
        %get3A_347 = arith.index_cast %add3A_346 : i32 to index
        %get3A_348 = arith.constant 64 : index
        %get3A_349 = tpu.vector_load %arg5[%get3A_347, %get3A_348] {strides = array<i32>} : memref<400x128xf32, #tpu.memory_space<vmem>>, vector<16xf32>,
        tpu.vector_store_idx %arg7[%broadcast_in_dim3A_336, %add3A_344], %get3A_349 {add = true} : memref<32x128xf32, #tpu.memory_space<vmem>>[vector<16xi32>, vector<16xi32>], vector<16xf32>,
        %slice3A_350 = vector.extract_strided_slice %get3A_288 {offsets = [3], sizes = [1], strides = [1]} : vector<16xi32> to vector<1xi32>
        %squeeze3A_351 = vector.extract %slice3A_350[0] : i32 from vector<1xi32>
        %and3A_352 = arith.constant 31 : i32
        %and3A_353 = arith.andi %squeeze3A_351, %and3A_352 : i32
        %broadcast_in_dim3A_354 = vector.broadcast %and3A_353 : i32 to vector<16xi32>
        %shift_right_arithmetic3A_355 = arith.constant 5 : i32
        %shift_right_arithmetic3A_356 = arith.shrsi %squeeze3A_351, %shift_right_arithmetic3A_355 : i32
        %and3A_357 = arith.constant 7 : i32
        %and3A_358 = arith.andi %shift_right_arithmetic3A_356, %and3A_357 : i32
        %mul3A_359 = arith.constant 16 : i32
        %mul3A_360 = arith.muli %and3A_358, %mul3A_359 : i32
        %add3A_361 = vector.broadcast %mul3A_360 : i32 to vector<16xi32>
        %add3A_362 = arith.addi %add3A_361, %iota3A : vector<16xi32>
        %add3A_363 = arith.constant 3 : i32
        %add3A_364 = arith.addi %mul3A_292, %add3A_363 : i32
        %get3A_365 = arith.index_cast %add3A_364 : i32 to index
        %get3A_366 = arith.constant 64 : index
        %get3A_367 = tpu.vector_load %arg5[%get3A_365, %get3A_366] {strides = array<i32>} : memref<400x128xf32, #tpu.memory_space<vmem>>, vector<16xf32>,
        tpu.vector_store_idx %arg7[%broadcast_in_dim3A_354, %add3A_362], %get3A_367 {add = true} : memref<32x128xf32, #tpu.memory_space<vmem>>[vector<16xi32>, vector<16xi32>], vector<16xf32>,
        %slice3A_368 = vector.extract_strided_slice %get3A_288 {offsets = [4], sizes = [1], strides = [1]} : vector<16xi32> to vector<1xi32>
        %squeeze3A_369 = vector.extract %slice3A_368[0] : i32 from vector<1xi32>
        %and3A_370 = arith.constant 31 : i32
        %and3A_371 = arith.andi %squeeze3A_369, %and3A_370 : i32
        %broadcast_in_dim3A_372 = vector.broadcast %and3A_371 : i32 to vector<16xi32>
        %shift_right_arithmetic3A_373 = arith.constant 5 : i32
        %shift_right_arithmetic3A_374 = arith.shrsi %squeeze3A_369, %shift_right_arithmetic3A_373 : i32
        %and3A_375 = arith.constant 7 : i32
        %and3A_376 = arith.andi %shift_right_arithmetic3A_374, %and3A_375 : i32
        %mul3A_377 = arith.constant 16 : i32
        %mul3A_378 = arith.muli %and3A_376, %mul3A_377 : i32
        %add3A_379 = vector.broadcast %mul3A_378 : i32 to vector<16xi32>
        %add3A_380 = arith.addi %add3A_379, %iota3A : vector<16xi32>
        %add3A_381 = arith.constant 4 : i32
        %add3A_382 = arith.addi %mul3A_292, %add3A_381 : i32
        %get3A_383 = arith.index_cast %add3A_382 : i32 to index
        %get3A_384 = arith.constant 64 : index
        %get3A_385 = tpu.vector_load %arg5[%get3A_383, %get3A_384] {strides = array<i32>} : memref<400x128xf32, #tpu.memory_space<vmem>>, vector<16xf32>,
        tpu.vector_store_idx %arg7[%broadcast_in_dim3A_372, %add3A_380], %get3A_385 {add = true} : memref<32x128xf32, #tpu.memory_space<vmem>>[vector<16xi32>, vector<16xi32>], vector<16xf32>,
        %slice3A_386 = vector.extract_strided_slice %get3A_288 {offsets = [5], sizes = [1], strides = [1]} : vector<16xi32> to vector<1xi32>
        %squeeze3A_387 = vector.extract %slice3A_386[0] : i32 from vector<1xi32>
        %and3A_388 = arith.constant 31 : i32
        %and3A_389 = arith.andi %squeeze3A_387, %and3A_388 : i32
        %broadcast_in_dim3A_390 = vector.broadcast %and3A_389 : i32 to vector<16xi32>
        %shift_right_arithmetic3A_391 = arith.constant 5 : i32
        %shift_right_arithmetic3A_392 = arith.shrsi %squeeze3A_387, %shift_right_arithmetic3A_391 : i32
        %and3A_393 = arith.constant 7 : i32
        %and3A_394 = arith.andi %shift_right_arithmetic3A_392, %and3A_393 : i32
        %mul3A_395 = arith.constant 16 : i32
        %mul3A_396 = arith.muli %and3A_394, %mul3A_395 : i32
        %add3A_397 = vector.broadcast %mul3A_396 : i32 to vector<16xi32>
        %add3A_398 = arith.addi %add3A_397, %iota3A : vector<16xi32>
        %add3A_399 = arith.constant 5 : i32
        %add3A_400 = arith.addi %mul3A_292, %add3A_399 : i32
        %get3A_401 = arith.index_cast %add3A_400 : i32 to index
        %get3A_402 = arith.constant 64 : index
        %get3A_403 = tpu.vector_load %arg5[%get3A_401, %get3A_402] {strides = array<i32>} : memref<400x128xf32, #tpu.memory_space<vmem>>, vector<16xf32>,
        tpu.vector_store_idx %arg7[%broadcast_in_dim3A_390, %add3A_398], %get3A_403 {add = true} : memref<32x128xf32, #tpu.memory_space<vmem>>[vector<16xi32>, vector<16xi32>], vector<16xf32>,
        %slice3A_404 = vector.extract_strided_slice %get3A_288 {offsets = [6], sizes = [1], strides = [1]} : vector<16xi32> to vector<1xi32>
        %squeeze3A_405 = vector.extract %slice3A_404[0] : i32 from vector<1xi32>
        %and3A_406 = arith.constant 31 : i32
        %and3A_407 = arith.andi %squeeze3A_405, %and3A_406 : i32
        %broadcast_in_dim3A_408 = vector.broadcast %and3A_407 : i32 to vector<16xi32>
        %shift_right_arithmetic3A_409 = arith.constant 5 : i32
        %shift_right_arithmetic3A_410 = arith.shrsi %squeeze3A_405, %shift_right_arithmetic3A_409 : i32
        %and3A_411 = arith.constant 7 : i32
        %and3A_412 = arith.andi %shift_right_arithmetic3A_410, %and3A_411 : i32
        %mul3A_413 = arith.constant 16 : i32
        %mul3A_414 = arith.muli %and3A_412, %mul3A_413 : i32
        %add3A_415 = vector.broadcast %mul3A_414 : i32 to vector<16xi32>
        %add3A_416 = arith.addi %add3A_415, %iota3A : vector<16xi32>
        %add3A_417 = arith.constant 6 : i32
        %add3A_418 = arith.addi %mul3A_292, %add3A_417 : i32
        %get3A_419 = arith.index_cast %add3A_418 : i32 to index
        %get3A_420 = arith.constant 64 : index
        %get3A_421 = tpu.vector_load %arg5[%get3A_419, %get3A_420] {strides = array<i32>} : memref<400x128xf32, #tpu.memory_space<vmem>>, vector<16xf32>,
        tpu.vector_store_idx %arg7[%broadcast_in_dim3A_408, %add3A_416], %get3A_421 {add = true} : memref<32x128xf32, #tpu.memory_space<vmem>>[vector<16xi32>, vector<16xi32>], vector<16xf32>,
        %slice3A_422 = vector.extract_strided_slice %get3A_288 {offsets = [7], sizes = [1], strides = [1]} : vector<16xi32> to vector<1xi32>
        %squeeze3A_423 = vector.extract %slice3A_422[0] : i32 from vector<1xi32>
        %and3A_424 = arith.constant 31 : i32
        %and3A_425 = arith.andi %squeeze3A_423, %and3A_424 : i32
        %broadcast_in_dim3A_426 = vector.broadcast %and3A_425 : i32 to vector<16xi32>
        %shift_right_arithmetic3A_427 = arith.constant 5 : i32
        %shift_right_arithmetic3A_428 = arith.shrsi %squeeze3A_423, %shift_right_arithmetic3A_427 : i32
        %and3A_429 = arith.constant 7 : i32
        %and3A_430 = arith.andi %shift_right_arithmetic3A_428, %and3A_429 : i32
        %mul3A_431 = arith.constant 16 : i32
        %mul3A_432 = arith.muli %and3A_430, %mul3A_431 : i32
        %add3A_433 = vector.broadcast %mul3A_432 : i32 to vector<16xi32>
        %add3A_434 = arith.addi %add3A_433, %iota3A : vector<16xi32>
        %add3A_435 = arith.constant 7 : i32
        %add3A_436 = arith.addi %mul3A_292, %add3A_435 : i32
        %get3A_437 = arith.index_cast %add3A_436 : i32 to index
        %get3A_438 = arith.constant 64 : index
        %get3A_439 = tpu.vector_load %arg5[%get3A_437, %get3A_438] {strides = array<i32>} : memref<400x128xf32, #tpu.memory_space<vmem>>, vector<16xf32>,
        tpu.vector_store_idx %arg7[%broadcast_in_dim3A_426, %add3A_434], %get3A_439 {add = true} : memref<32x128xf32, #tpu.memory_space<vmem>>[vector<16xi32>, vector<16xi32>], vector<16xf32>,
        %slice3A_440 = vector.extract_strided_slice %get3A_288 {offsets = [8], sizes = [1], strides = [1]} : vector<16xi32> to vector<1xi32>
        %squeeze3A_441 = vector.extract %slice3A_440[0] : i32 from vector<1xi32>
        %and3A_442 = arith.constant 31 : i32
        %and3A_443 = arith.andi %squeeze3A_441, %and3A_442 : i32
        %broadcast_in_dim3A_444 = vector.broadcast %and3A_443 : i32 to vector<16xi32>
        %shift_right_arithmetic3A_445 = arith.constant 5 : i32
        %shift_right_arithmetic3A_446 = arith.shrsi %squeeze3A_441, %shift_right_arithmetic3A_445 : i32
        %and3A_447 = arith.constant 7 : i32
        %and3A_448 = arith.andi %shift_right_arithmetic3A_446, %and3A_447 : i32
        %mul3A_449 = arith.constant 16 : i32
        %mul3A_450 = arith.muli %and3A_448, %mul3A_449 : i32
        %add3A_451 = vector.broadcast %mul3A_450 : i32 to vector<16xi32>
        %add3A_452 = arith.addi %add3A_451, %iota3A : vector<16xi32>
        %add3A_453 = arith.constant 8 : i32
        %add3A_454 = arith.addi %mul3A_292, %add3A_453 : i32
        %get3A_455 = arith.index_cast %add3A_454 : i32 to index
        %get3A_456 = arith.constant 64 : index
        %get3A_457 = tpu.vector_load %arg5[%get3A_455, %get3A_456] {strides = array<i32>} : memref<400x128xf32, #tpu.memory_space<vmem>>, vector<16xf32>,
        tpu.vector_store_idx %arg7[%broadcast_in_dim3A_444, %add3A_452], %get3A_457 {add = true} : memref<32x128xf32, #tpu.memory_space<vmem>>[vector<16xi32>, vector<16xi32>], vector<16xf32>,
        %slice3A_458 = vector.extract_strided_slice %get3A_288 {offsets = [9], sizes = [1], strides = [1]} : vector<16xi32> to vector<1xi32>
        %squeeze3A_459 = vector.extract %slice3A_458[0] : i32 from vector<1xi32>
        %and3A_460 = arith.constant 31 : i32
        %and3A_461 = arith.andi %squeeze3A_459, %and3A_460 : i32
        %broadcast_in_dim3A_462 = vector.broadcast %and3A_461 : i32 to vector<16xi32>
        %shift_right_arithmetic3A_463 = arith.constant 5 : i32
        %shift_right_arithmetic3A_464 = arith.shrsi %squeeze3A_459, %shift_right_arithmetic3A_463 : i32
        %and3A_465 = arith.constant 7 : i32
        %and3A_466 = arith.andi %shift_right_arithmetic3A_464, %and3A_465 : i32
        %mul3A_467 = arith.constant 16 : i32
        %mul3A_468 = arith.muli %and3A_466, %mul3A_467 : i32
        %add3A_469 = vector.broadcast %mul3A_468 : i32 to vector<16xi32>
        %add3A_470 = arith.addi %add3A_469, %iota3A : vector<16xi32>
        %add3A_471 = arith.constant 9 : i32
        %add3A_472 = arith.addi %mul3A_292, %add3A_471 : i32
        %get3A_473 = arith.index_cast %add3A_472 : i32 to index
        %get3A_474 = arith.constant 64 : index
        %get3A_475 = tpu.vector_load %arg5[%get3A_473, %get3A_474] {strides = array<i32>} : memref<400x128xf32, #tpu.memory_space<vmem>>, vector<16xf32>,
        tpu.vector_store_idx %arg7[%broadcast_in_dim3A_462, %add3A_470], %get3A_475 {add = true} : memref<32x128xf32, #tpu.memory_space<vmem>>[vector<16xi32>, vector<16xi32>], vector<16xf32>,
        %slice3A_476 = vector.extract_strided_slice %get3A_288 {offsets = [10], sizes = [1], strides = [1]} : vector<16xi32> to vector<1xi32>
        %squeeze3A_477 = vector.extract %slice3A_476[0] : i32 from vector<1xi32>
        %and3A_478 = arith.constant 31 : i32
        %and3A_479 = arith.andi %squeeze3A_477, %and3A_478 : i32
        %broadcast_in_dim3A_480 = vector.broadcast %and3A_479 : i32 to vector<16xi32>
        %shift_right_arithmetic3A_481 = arith.constant 5 : i32
        %shift_right_arithmetic3A_482 = arith.shrsi %squeeze3A_477, %shift_right_arithmetic3A_481 : i32
        %and3A_483 = arith.constant 7 : i32
        %and3A_484 = arith.andi %shift_right_arithmetic3A_482, %and3A_483 : i32
        %mul3A_485 = arith.constant 16 : i32
        %mul3A_486 = arith.muli %and3A_484, %mul3A_485 : i32
        %add3A_487 = vector.broadcast %mul3A_486 : i32 to vector<16xi32>
        %add3A_488 = arith.addi %add3A_487, %iota3A : vector<16xi32>
        %add3A_489 = arith.constant 10 : i32
        %add3A_490 = arith.addi %mul3A_292, %add3A_489 : i32
        %get3A_491 = arith.index_cast %add3A_490 : i32 to index
        %get3A_492 = arith.constant 64 : index
        %get3A_493 = tpu.vector_load %arg5[%get3A_491, %get3A_492] {strides = array<i32>} : memref<400x128xf32, #tpu.memory_space<vmem>>, vector<16xf32>,
        tpu.vector_store_idx %arg7[%broadcast_in_dim3A_480, %add3A_488], %get3A_493 {add = true} : memref<32x128xf32, #tpu.memory_space<vmem>>[vector<16xi32>, vector<16xi32>], vector<16xf32>,
        %slice3A_494 = vector.extract_strided_slice %get3A_288 {offsets = [11], sizes = [1], strides = [1]} : vector<16xi32> to vector<1xi32>
        %squeeze3A_495 = vector.extract %slice3A_494[0] : i32 from vector<1xi32>
        %and3A_496 = arith.constant 31 : i32
        %and3A_497 = arith.andi %squeeze3A_495, %and3A_496 : i32
        %broadcast_in_dim3A_498 = vector.broadcast %and3A_497 : i32 to vector<16xi32>
        %shift_right_arithmetic3A_499 = arith.constant 5 : i32
        %shift_right_arithmetic3A_500 = arith.shrsi %squeeze3A_495, %shift_right_arithmetic3A_499 : i32
        %and3A_501 = arith.constant 7 : i32
        %and3A_502 = arith.andi %shift_right_arithmetic3A_500, %and3A_501 : i32
        %mul3A_503 = arith.constant 16 : i32
        %mul3A_504 = arith.muli %and3A_502, %mul3A_503 : i32
        %add3A_505 = vector.broadcast %mul3A_504 : i32 to vector<16xi32>
        %add3A_506 = arith.addi %add3A_505, %iota3A : vector<16xi32>
        %add3A_507 = arith.constant 11 : i32
        %add3A_508 = arith.addi %mul3A_292, %add3A_507 : i32
        %get3A_509 = arith.index_cast %add3A_508 : i32 to index
        %get3A_510 = arith.constant 64 : index
        %get3A_511 = tpu.vector_load %arg5[%get3A_509, %get3A_510] {strides = array<i32>} : memref<400x128xf32, #tpu.memory_space<vmem>>, vector<16xf32>,
        tpu.vector_store_idx %arg7[%broadcast_in_dim3A_498, %add3A_506], %get3A_511 {add = true} : memref<32x128xf32, #tpu.memory_space<vmem>>[vector<16xi32>, vector<16xi32>], vector<16xf32>,
        %slice3A_512 = vector.extract_strided_slice %get3A_288 {offsets = [12], sizes = [1], strides = [1]} : vector<16xi32> to vector<1xi32>
        %squeeze3A_513 = vector.extract %slice3A_512[0] : i32 from vector<1xi32>
        %and3A_514 = arith.constant 31 : i32
        %and3A_515 = arith.andi %squeeze3A_513, %and3A_514 : i32
        %broadcast_in_dim3A_516 = vector.broadcast %and3A_515 : i32 to vector<16xi32>
        %shift_right_arithmetic3A_517 = arith.constant 5 : i32
        %shift_right_arithmetic3A_518 = arith.shrsi %squeeze3A_513, %shift_right_arithmetic3A_517 : i32
        %and3A_519 = arith.constant 7 : i32
        %and3A_520 = arith.andi %shift_right_arithmetic3A_518, %and3A_519 : i32
        %mul3A_521 = arith.constant 16 : i32
        %mul3A_522 = arith.muli %and3A_520, %mul3A_521 : i32
        %add3A_523 = vector.broadcast %mul3A_522 : i32 to vector<16xi32>
        %add3A_524 = arith.addi %add3A_523, %iota3A : vector<16xi32>
        %add3A_525 = arith.constant 12 : i32
        %add3A_526 = arith.addi %mul3A_292, %add3A_525 : i32
        %get3A_527 = arith.index_cast %add3A_526 : i32 to index
        %get3A_528 = arith.constant 64 : index
        %get3A_529 = tpu.vector_load %arg5[%get3A_527, %get3A_528] {strides = array<i32>} : memref<400x128xf32, #tpu.memory_space<vmem>>, vector<16xf32>,
        tpu.vector_store_idx %arg7[%broadcast_in_dim3A_516, %add3A_524], %get3A_529 {add = true} : memref<32x128xf32, #tpu.memory_space<vmem>>[vector<16xi32>, vector<16xi32>], vector<16xf32>,
        %slice3A_530 = vector.extract_strided_slice %get3A_288 {offsets = [13], sizes = [1], strides = [1]} : vector<16xi32> to vector<1xi32>
        %squeeze3A_531 = vector.extract %slice3A_530[0] : i32 from vector<1xi32>
        %and3A_532 = arith.constant 31 : i32
        %and3A_533 = arith.andi %squeeze3A_531, %and3A_532 : i32
        %broadcast_in_dim3A_534 = vector.broadcast %and3A_533 : i32 to vector<16xi32>
        %shift_right_arithmetic3A_535 = arith.constant 5 : i32
        %shift_right_arithmetic3A_536 = arith.shrsi %squeeze3A_531, %shift_right_arithmetic3A_535 : i32
        %and3A_537 = arith.constant 7 : i32
        %and3A_538 = arith.andi %shift_right_arithmetic3A_536, %and3A_537 : i32
        %mul3A_539 = arith.constant 16 : i32
        %mul3A_540 = arith.muli %and3A_538, %mul3A_539 : i32
        %add3A_541 = vector.broadcast %mul3A_540 : i32 to vector<16xi32>
        %add3A_542 = arith.addi %add3A_541, %iota3A : vector<16xi32>
        %add3A_543 = arith.constant 13 : i32
        %add3A_544 = arith.addi %mul3A_292, %add3A_543 : i32
        %get3A_545 = arith.index_cast %add3A_544 : i32 to index
        %get3A_546 = arith.constant 64 : index
        %get3A_547 = tpu.vector_load %arg5[%get3A_545, %get3A_546] {strides = array<i32>} : memref<400x128xf32, #tpu.memory_space<vmem>>, vector<16xf32>,
        tpu.vector_store_idx %arg7[%broadcast_in_dim3A_534, %add3A_542], %get3A_547 {add = true} : memref<32x128xf32, #tpu.memory_space<vmem>>[vector<16xi32>, vector<16xi32>], vector<16xf32>,
        %slice3A_548 = vector.extract_strided_slice %get3A_288 {offsets = [14], sizes = [1], strides = [1]} : vector<16xi32> to vector<1xi32>
        %squeeze3A_549 = vector.extract %slice3A_548[0] : i32 from vector<1xi32>
        %and3A_550 = arith.constant 31 : i32
        %and3A_551 = arith.andi %squeeze3A_549, %and3A_550 : i32
        %broadcast_in_dim3A_552 = vector.broadcast %and3A_551 : i32 to vector<16xi32>
        %shift_right_arithmetic3A_553 = arith.constant 5 : i32
        %shift_right_arithmetic3A_554 = arith.shrsi %squeeze3A_549, %shift_right_arithmetic3A_553 : i32
        %and3A_555 = arith.constant 7 : i32
        %and3A_556 = arith.andi %shift_right_arithmetic3A_554, %and3A_555 : i32
        %mul3A_557 = arith.constant 16 : i32
        %mul3A_558 = arith.muli %and3A_556, %mul3A_557 : i32
        %add3A_559 = vector.broadcast %mul3A_558 : i32 to vector<16xi32>
        %add3A_560 = arith.addi %add3A_559, %iota3A : vector<16xi32>
        %add3A_561 = arith.constant 14 : i32
        %add3A_562 = arith.addi %mul3A_292, %add3A_561 : i32
        %get3A_563 = arith.index_cast %add3A_562 : i32 to index
        %get3A_564 = arith.constant 64 : index
        %get3A_565 = tpu.vector_load %arg5[%get3A_563, %get3A_564] {strides = array<i32>} : memref<400x128xf32, #tpu.memory_space<vmem>>, vector<16xf32>,
        tpu.vector_store_idx %arg7[%broadcast_in_dim3A_552, %add3A_560], %get3A_565 {add = true} : memref<32x128xf32, #tpu.memory_space<vmem>>[vector<16xi32>, vector<16xi32>], vector<16xf32>,
        %slice3A_566 = vector.extract_strided_slice %get3A_288 {offsets = [15], sizes = [1], strides = [1]} : vector<16xi32> to vector<1xi32>
        %squeeze3A_567 = vector.extract %slice3A_566[0] : i32 from vector<1xi32>
        %and3A_568 = arith.constant 31 : i32
        %and3A_569 = arith.andi %squeeze3A_567, %and3A_568 : i32
        %broadcast_in_dim3A_570 = vector.broadcast %and3A_569 : i32 to vector<16xi32>
        %shift_right_arithmetic3A_571 = arith.constant 5 : i32
        %shift_right_arithmetic3A_572 = arith.shrsi %squeeze3A_567, %shift_right_arithmetic3A_571 : i32
        %and3A_573 = arith.constant 7 : i32
        %and3A_574 = arith.andi %shift_right_arithmetic3A_572, %and3A_573 : i32
        %mul3A_575 = arith.constant 16 : i32
        %mul3A_576 = arith.muli %and3A_574, %mul3A_575 : i32
        %add3A_577 = vector.broadcast %mul3A_576 : i32 to vector<16xi32>
        %add3A_578 = arith.addi %add3A_577, %iota3A : vector<16xi32>
        %add3A_579 = arith.constant 15 : i32
        %add3A_580 = arith.addi %mul3A_292, %add3A_579 : i32
        %get3A_581 = arith.index_cast %add3A_580 : i32 to index
        %get3A_582 = arith.constant 64 : index
        %get3A_583 = tpu.vector_load %arg5[%get3A_581, %get3A_582] {strides = array<i32>} : memref<400x128xf32, #tpu.memory_space<vmem>>, vector<16xf32>,
        tpu.vector_store_idx %arg7[%broadcast_in_dim3A_570, %add3A_578], %get3A_583 {add = true} : memref<32x128xf32, #tpu.memory_space<vmem>>[vector<16xi32>, vector<16xi32>], vector<16xf32>,
        %cond3A_584 = arith.constant 0 : i32
        scf.yield %cond3A_584 : i32
      }
    }
    %scan3A_265 = arith.constant 25 : i32
    %scan3A_266 = arith.constant 0 : i32
    %scan3A_267 = arith.constant 0 : i32
    %scan3A_268 = arith.constant 25 : i32
    %scan3A_269 = arith.addi %scan3A_267, %scan3A_268 : i32
    %scan3A_270 = arith.constant 1 : i32
    scf.for %scan3A_284 = %scan3A_267 to %scan3A_269 step %scan3A_270  : i32 {
      %mul3A_285 = arith.constant 16 : i32
      %mul3A_286 = arith.muli %scan3A_284, %mul3A_285 : i32
      %add3A_287 = arith.addi %add3A_142, %mul3A_286 : i32
      %get3A = arith.index_cast %add3A_287 : i32 to index
      %get3A_288 = tpu.vector_load %arg6[%get3A] {strides = array<i32>} : memref<5632xi32, #tpu.memory_space<vmem>>, vector<16xi32>,
      %slice3A = vector.extract_strided_slice %get3A_288 {offsets = [0], sizes = [1], strides = [1]} : vector<16xi32> to vector<1xi32>
      %squeeze3A = vector.extract %slice3A[0] : i32 from vector<1xi32>
      %slice3A_289 = vector.extract_strided_slice %get3A_288 {offsets = [15], sizes = [1], strides = [1]} : vector<16xi32> to vector<1xi32>
      %squeeze3A_290 = vector.extract %slice3A_289[0] : i32 from vector<1xi32>
      %mul3A_291 = arith.constant 16 : i32
      %mul3A_292 = arith.muli %scan3A_284, %mul3A_291 : i32
      %eq3A_293 = arith.cmpi eq, %squeeze3A, %squeeze3A_290 : i32
      %convert_element_type3A = arith.extui %eq3A_293 : i1 to i32
      %cond3A = arith.constant 0 : i32
      %cond3A_294 = arith.constant 0 : i32
      %cond3A_295 = arith.cmpi ne, %convert_element_type3A, %cond3A_294 : i32
      %cond3A_296 = scf.if %cond3A_295 -> (i32) {
        %get3A_297 = arith.index_cast %mul3A_292 : i32 to index
        %get3A_298 = arith.constant 80 : index
        %get3A_299 = tpu.vector_load %arg5[%get3A_297, %get3A_298] {strides = array<i32>} : memref<400x128xf32, #tpu.memory_space<vmem>>, vector<16xf32>,
        %add3A_300 = arith.constant 1 : i32
        %add3A_301 = arith.addi %mul3A_292, %add3A_300 : i32
        %get3A_302 = arith.index_cast %add3A_301 : i32 to index
        %get3A_303 = arith.constant 80 : index
        %get3A_304 = tpu.vector_load %arg5[%get3A_302, %get3A_303] {strides = array<i32>} : memref<400x128xf32, #tpu.memory_space<vmem>>, vector<16xf32>,
        %add3A_305 = arith.addf %get3A_299, %get3A_304 : vector<16xf32>
        %add3A_306 = arith.constant 2 : i32
        %add3A_307 = arith.addi %mul3A_292, %add3A_306 : i32
        %get3A_308 = arith.index_cast %add3A_307 : i32 to index
        %get3A_309 = arith.constant 80 : index
        %get3A_310 = tpu.vector_load %arg5[%get3A_308, %get3A_309] {strides = array<i32>} : memref<400x128xf32, #tpu.memory_space<vmem>>, vector<16xf32>,
        %add3A_311 = arith.addf %add3A_305, %get3A_310 : vector<16xf32>
        %add3A_312 = arith.constant 3 : i32
        %add3A_313 = arith.addi %mul3A_292, %add3A_312 : i32
        %get3A_314 = arith.index_cast %add3A_313 : i32 to index
        %get3A_315 = arith.constant 80 : index
        %get3A_316 = tpu.vector_load %arg5[%get3A_314, %get3A_315] {strides = array<i32>} : memref<400x128xf32, #tpu.memory_space<vmem>>, vector<16xf32>,
        %add3A_317 = arith.addf %add3A_311, %get3A_316 : vector<16xf32>
        %add3A_318 = arith.constant 4 : i32
        %add3A_319 = arith.addi %mul3A_292, %add3A_318 : i32
        %get3A_320 = arith.index_cast %add3A_319 : i32 to index
        %get3A_321 = arith.constant 80 : index
        %get3A_322 = tpu.vector_load %arg5[%get3A_320, %get3A_321] {strides = array<i32>} : memref<400x128xf32, #tpu.memory_space<vmem>>, vector<16xf32>,
        %add3A_323 = arith.addf %add3A_317, %get3A_322 : vector<16xf32>
        %add3A_324 = arith.constant 5 : i32
        %add3A_325 = arith.addi %mul3A_292, %add3A_324 : i32
        %get3A_326 = arith.index_cast %add3A_325 : i32 to index
        %get3A_327 = arith.constant 80 : index
        %get3A_328 = tpu.vector_load %arg5[%get3A_326, %get3A_327] {strides = array<i32>} : memref<400x128xf32, #tpu.memory_space<vmem>>, vector<16xf32>,
        %add3A_329 = arith.addf %add3A_323, %get3A_328 : vector<16xf32>
        %add3A_330 = arith.constant 6 : i32
        %add3A_331 = arith.addi %mul3A_292, %add3A_330 : i32
        %get3A_332 = arith.index_cast %add3A_331 : i32 to index
        %get3A_333 = arith.constant 80 : index
        %get3A_334 = tpu.vector_load %arg5[%get3A_332, %get3A_333] {strides = array<i32>} : memref<400x128xf32, #tpu.memory_space<vmem>>, vector<16xf32>,
        %add3A_335 = arith.addf %add3A_329, %get3A_334 : vector<16xf32>
        %add3A_336 = arith.constant 7 : i32
        %add3A_337 = arith.addi %mul3A_292, %add3A_336 : i32
        %get3A_338 = arith.index_cast %add3A_337 : i32 to index
        %get3A_339 = arith.constant 80 : index
        %get3A_340 = tpu.vector_load %arg5[%get3A_338, %get3A_339] {strides = array<i32>} : memref<400x128xf32, #tpu.memory_space<vmem>>, vector<16xf32>,
        %add3A_341 = arith.addf %add3A_335, %get3A_340 : vector<16xf32>
        %add3A_342 = arith.constant 8 : i32
        %add3A_343 = arith.addi %mul3A_292, %add3A_342 : i32
        %get3A_344 = arith.index_cast %add3A_343 : i32 to index
        %get3A_345 = arith.constant 80 : index
        %get3A_346 = tpu.vector_load %arg5[%get3A_344, %get3A_345] {strides = array<i32>} : memref<400x128xf32, #tpu.memory_space<vmem>>, vector<16xf32>,
        %add3A_347 = arith.addf %add3A_341, %get3A_346 : vector<16xf32>
        %add3A_348 = arith.constant 9 : i32
        %add3A_349 = arith.addi %mul3A_292, %add3A_348 : i32
        %get3A_350 = arith.index_cast %add3A_349 : i32 to index
        %get3A_351 = arith.constant 80 : index
        %get3A_352 = tpu.vector_load %arg5[%get3A_350, %get3A_351] {strides = array<i32>} : memref<400x128xf32, #tpu.memory_space<vmem>>, vector<16xf32>,
        %add3A_353 = arith.addf %add3A_347, %get3A_352 : vector<16xf32>
        %add3A_354 = arith.constant 10 : i32
        %add3A_355 = arith.addi %mul3A_292, %add3A_354 : i32
        %get3A_356 = arith.index_cast %add3A_355 : i32 to index
        %get3A_357 = arith.constant 80 : index
        %get3A_358 = tpu.vector_load %arg5[%get3A_356, %get3A_357] {strides = array<i32>} : memref<400x128xf32, #tpu.memory_space<vmem>>, vector<16xf32>,
        %add3A_359 = arith.addf %add3A_353, %get3A_358 : vector<16xf32>
        %add3A_360 = arith.constant 11 : i32
        %add3A_361 = arith.addi %mul3A_292, %add3A_360 : i32
        %get3A_362 = arith.index_cast %add3A_361 : i32 to index
        %get3A_363 = arith.constant 80 : index
        %get3A_364 = tpu.vector_load %arg5[%get3A_362, %get3A_363] {strides = array<i32>} : memref<400x128xf32, #tpu.memory_space<vmem>>, vector<16xf32>,
        %add3A_365 = arith.addf %add3A_359, %get3A_364 : vector<16xf32>
        %add3A_366 = arith.constant 12 : i32
        %add3A_367 = arith.addi %mul3A_292, %add3A_366 : i32
        %get3A_368 = arith.index_cast %add3A_367 : i32 to index
        %get3A_369 = arith.constant 80 : index
        %get3A_370 = tpu.vector_load %arg5[%get3A_368, %get3A_369] {strides = array<i32>} : memref<400x128xf32, #tpu.memory_space<vmem>>, vector<16xf32>,
        %add3A_371 = arith.addf %add3A_365, %get3A_370 : vector<16xf32>
        %add3A_372 = arith.constant 13 : i32
        %add3A_373 = arith.addi %mul3A_292, %add3A_372 : i32
        %get3A_374 = arith.index_cast %add3A_373 : i32 to index
        %get3A_375 = arith.constant 80 : index
        %get3A_376 = tpu.vector_load %arg5[%get3A_374, %get3A_375] {strides = array<i32>} : memref<400x128xf32, #tpu.memory_space<vmem>>, vector<16xf32>,
        %add3A_377 = arith.addf %add3A_371, %get3A_376 : vector<16xf32>
        %add3A_378 = arith.constant 14 : i32
        %add3A_379 = arith.addi %mul3A_292, %add3A_378 : i32
        %get3A_380 = arith.index_cast %add3A_379 : i32 to index
        %get3A_381 = arith.constant 80 : index
        %get3A_382 = tpu.vector_load %arg5[%get3A_380, %get3A_381] {strides = array<i32>} : memref<400x128xf32, #tpu.memory_space<vmem>>, vector<16xf32>,
        %add3A_383 = arith.addf %add3A_377, %get3A_382 : vector<16xf32>
        %add3A_384 = arith.constant 15 : i32
        %add3A_385 = arith.addi %mul3A_292, %add3A_384 : i32
        %get3A_386 = arith.index_cast %add3A_385 : i32 to index
        %get3A_387 = arith.constant 80 : index
        %get3A_388 = tpu.vector_load %arg5[%get3A_386, %get3A_387] {strides = array<i32>} : memref<400x128xf32, #tpu.memory_space<vmem>>, vector<16xf32>,
        %add3A_389 = arith.addf %add3A_383, %get3A_388 : vector<16xf32>
        %and3A_390 = arith.constant 31 : i32
        %and3A_391 = arith.andi %squeeze3A, %and3A_390 : i32
        %broadcast_in_dim3A_392 = vector.broadcast %and3A_391 : i32 to vector<16xi32>
        %shift_right_arithmetic3A = arith.constant 5 : i32
        %shift_right_arithmetic3A_393 = arith.shrsi %squeeze3A, %shift_right_arithmetic3A : i32
        %and3A_394 = arith.constant 7 : i32
        %and3A_395 = arith.andi %shift_right_arithmetic3A_393, %and3A_394 : i32
        %mul3A_396 = arith.constant 16 : i32
        %mul3A_397 = arith.muli %and3A_395, %mul3A_396 : i32
        %add3A_398 = vector.broadcast %mul3A_397 : i32 to vector<16xi32>
        %add3A_399 = arith.addi %add3A_398, %iota3A : vector<16xi32>
        tpu.vector_store_idx %arg7[%broadcast_in_dim3A_392, %add3A_399], %add3A_389 {add = true} : memref<32x128xf32, #tpu.memory_space<vmem>>[vector<16xi32>, vector<16xi32>], vector<16xf32>,
        %cond3A_400 = arith.constant 0 : i32
        scf.yield %cond3A_400 : i32
      } else {
        %slice3A_297 = vector.extract_strided_slice %get3A_288 {offsets = [0], sizes = [1], strides = [1]} : vector<16xi32> to vector<1xi32>
        %squeeze3A_298 = vector.extract %slice3A_297[0] : i32 from vector<1xi32>
        %and3A_299 = arith.constant 31 : i32
        %and3A_300 = arith.andi %squeeze3A_298, %and3A_299 : i32
        %broadcast_in_dim3A_301 = vector.broadcast %and3A_300 : i32 to vector<16xi32>
        %shift_right_arithmetic3A = arith.constant 5 : i32
        %shift_right_arithmetic3A_302 = arith.shrsi %squeeze3A_298, %shift_right_arithmetic3A : i32
        %and3A_303 = arith.constant 7 : i32
        %and3A_304 = arith.andi %shift_right_arithmetic3A_302, %and3A_303 : i32
        %mul3A_305 = arith.constant 16 : i32
        %mul3A_306 = arith.muli %and3A_304, %mul3A_305 : i32
        %add3A_307 = vector.broadcast %mul3A_306 : i32 to vector<16xi32>
        %add3A_308 = arith.addi %add3A_307, %iota3A : vector<16xi32>
        %add3A_309 = arith.constant 0 : i32
        %add3A_310 = arith.addi %mul3A_292, %add3A_309 : i32
        %get3A_311 = arith.index_cast %add3A_310 : i32 to index
        %get3A_312 = arith.constant 80 : index
        %get3A_313 = tpu.vector_load %arg5[%get3A_311, %get3A_312] {strides = array<i32>} : memref<400x128xf32, #tpu.memory_space<vmem>>, vector<16xf32>,
        tpu.vector_store_idx %arg7[%broadcast_in_dim3A_301, %add3A_308], %get3A_313 {add = true} : memref<32x128xf32, #tpu.memory_space<vmem>>[vector<16xi32>, vector<16xi32>], vector<16xf32>,
        %slice3A_314 = vector.extract_strided_slice %get3A_288 {offsets = [1], sizes = [1], strides = [1]} : vector<16xi32> to vector<1xi32>
        %squeeze3A_315 = vector.extract %slice3A_314[0] : i32 from vector<1xi32>
        %and3A_316 = arith.constant 31 : i32
        %and3A_317 = arith.andi %squeeze3A_315, %and3A_316 : i32
        %broadcast_in_dim3A_318 = vector.broadcast %and3A_317 : i32 to vector<16xi32>
        %shift_right_arithmetic3A_319 = arith.constant 5 : i32
        %shift_right_arithmetic3A_320 = arith.shrsi %squeeze3A_315, %shift_right_arithmetic3A_319 : i32
        %and3A_321 = arith.constant 7 : i32
        %and3A_322 = arith.andi %shift_right_arithmetic3A_320, %and3A_321 : i32
        %mul3A_323 = arith.constant 16 : i32
        %mul3A_324 = arith.muli %and3A_322, %mul3A_323 : i32
        %add3A_325 = vector.broadcast %mul3A_324 : i32 to vector<16xi32>
        %add3A_326 = arith.addi %add3A_325, %iota3A : vector<16xi32>
        %add3A_327 = arith.constant 1 : i32
        %add3A_328 = arith.addi %mul3A_292, %add3A_327 : i32
        %get3A_329 = arith.index_cast %add3A_328 : i32 to index
        %get3A_330 = arith.constant 80 : index
        %get3A_331 = tpu.vector_load %arg5[%get3A_329, %get3A_330] {strides = array<i32>} : memref<400x128xf32, #tpu.memory_space<vmem>>, vector<16xf32>,
        tpu.vector_store_idx %arg7[%broadcast_in_dim3A_318, %add3A_326], %get3A_331 {add = true} : memref<32x128xf32, #tpu.memory_space<vmem>>[vector<16xi32>, vector<16xi32>], vector<16xf32>,
        %slice3A_332 = vector.extract_strided_slice %get3A_288 {offsets = [2], sizes = [1], strides = [1]} : vector<16xi32> to vector<1xi32>
        %squeeze3A_333 = vector.extract %slice3A_332[0] : i32 from vector<1xi32>
        %and3A_334 = arith.constant 31 : i32
        %and3A_335 = arith.andi %squeeze3A_333, %and3A_334 : i32
        %broadcast_in_dim3A_336 = vector.broadcast %and3A_335 : i32 to vector<16xi32>
        %shift_right_arithmetic3A_337 = arith.constant 5 : i32
        %shift_right_arithmetic3A_338 = arith.shrsi %squeeze3A_333, %shift_right_arithmetic3A_337 : i32
        %and3A_339 = arith.constant 7 : i32
        %and3A_340 = arith.andi %shift_right_arithmetic3A_338, %and3A_339 : i32
        %mul3A_341 = arith.constant 16 : i32
        %mul3A_342 = arith.muli %and3A_340, %mul3A_341 : i32
        %add3A_343 = vector.broadcast %mul3A_342 : i32 to vector<16xi32>
        %add3A_344 = arith.addi %add3A_343, %iota3A : vector<16xi32>
        %add3A_345 = arith.constant 2 : i32
        %add3A_346 = arith.addi %mul3A_292, %add3A_345 : i32
        %get3A_347 = arith.index_cast %add3A_346 : i32 to index
        %get3A_348 = arith.constant 80 : index
        %get3A_349 = tpu.vector_load %arg5[%get3A_347, %get3A_348] {strides = array<i32>} : memref<400x128xf32, #tpu.memory_space<vmem>>, vector<16xf32>,
        tpu.vector_store_idx %arg7[%broadcast_in_dim3A_336, %add3A_344], %get3A_349 {add = true} : memref<32x128xf32, #tpu.memory_space<vmem>>[vector<16xi32>, vector<16xi32>], vector<16xf32>,
        %slice3A_350 = vector.extract_strided_slice %get3A_288 {offsets = [3], sizes = [1], strides = [1]} : vector<16xi32> to vector<1xi32>
        %squeeze3A_351 = vector.extract %slice3A_350[0] : i32 from vector<1xi32>
        %and3A_352 = arith.constant 31 : i32
        %and3A_353 = arith.andi %squeeze3A_351, %and3A_352 : i32
        %broadcast_in_dim3A_354 = vector.broadcast %and3A_353 : i32 to vector<16xi32>
        %shift_right_arithmetic3A_355 = arith.constant 5 : i32
        %shift_right_arithmetic3A_356 = arith.shrsi %squeeze3A_351, %shift_right_arithmetic3A_355 : i32
        %and3A_357 = arith.constant 7 : i32
        %and3A_358 = arith.andi %shift_right_arithmetic3A_356, %and3A_357 : i32
        %mul3A_359 = arith.constant 16 : i32
        %mul3A_360 = arith.muli %and3A_358, %mul3A_359 : i32
        %add3A_361 = vector.broadcast %mul3A_360 : i32 to vector<16xi32>
        %add3A_362 = arith.addi %add3A_361, %iota3A : vector<16xi32>
        %add3A_363 = arith.constant 3 : i32
        %add3A_364 = arith.addi %mul3A_292, %add3A_363 : i32
        %get3A_365 = arith.index_cast %add3A_364 : i32 to index
        %get3A_366 = arith.constant 80 : index
        %get3A_367 = tpu.vector_load %arg5[%get3A_365, %get3A_366] {strides = array<i32>} : memref<400x128xf32, #tpu.memory_space<vmem>>, vector<16xf32>,
        tpu.vector_store_idx %arg7[%broadcast_in_dim3A_354, %add3A_362], %get3A_367 {add = true} : memref<32x128xf32, #tpu.memory_space<vmem>>[vector<16xi32>, vector<16xi32>], vector<16xf32>,
        %slice3A_368 = vector.extract_strided_slice %get3A_288 {offsets = [4], sizes = [1], strides = [1]} : vector<16xi32> to vector<1xi32>
        %squeeze3A_369 = vector.extract %slice3A_368[0] : i32 from vector<1xi32>
        %and3A_370 = arith.constant 31 : i32
        %and3A_371 = arith.andi %squeeze3A_369, %and3A_370 : i32
        %broadcast_in_dim3A_372 = vector.broadcast %and3A_371 : i32 to vector<16xi32>
        %shift_right_arithmetic3A_373 = arith.constant 5 : i32
        %shift_right_arithmetic3A_374 = arith.shrsi %squeeze3A_369, %shift_right_arithmetic3A_373 : i32
        %and3A_375 = arith.constant 7 : i32
        %and3A_376 = arith.andi %shift_right_arithmetic3A_374, %and3A_375 : i32
        %mul3A_377 = arith.constant 16 : i32
        %mul3A_378 = arith.muli %and3A_376, %mul3A_377 : i32
        %add3A_379 = vector.broadcast %mul3A_378 : i32 to vector<16xi32>
        %add3A_380 = arith.addi %add3A_379, %iota3A : vector<16xi32>
        %add3A_381 = arith.constant 4 : i32
        %add3A_382 = arith.addi %mul3A_292, %add3A_381 : i32
        %get3A_383 = arith.index_cast %add3A_382 : i32 to index
        %get3A_384 = arith.constant 80 : index
        %get3A_385 = tpu.vector_load %arg5[%get3A_383, %get3A_384] {strides = array<i32>} : memref<400x128xf32, #tpu.memory_space<vmem>>, vector<16xf32>,
        tpu.vector_store_idx %arg7[%broadcast_in_dim3A_372, %add3A_380], %get3A_385 {add = true} : memref<32x128xf32, #tpu.memory_space<vmem>>[vector<16xi32>, vector<16xi32>], vector<16xf32>,
        %slice3A_386 = vector.extract_strided_slice %get3A_288 {offsets = [5], sizes = [1], strides = [1]} : vector<16xi32> to vector<1xi32>
        %squeeze3A_387 = vector.extract %slice3A_386[0] : i32 from vector<1xi32>
        %and3A_388 = arith.constant 31 : i32
        %and3A_389 = arith.andi %squeeze3A_387, %and3A_388 : i32
        %broadcast_in_dim3A_390 = vector.broadcast %and3A_389 : i32 to vector<16xi32>
        %shift_right_arithmetic3A_391 = arith.constant 5 : i32
        %shift_right_arithmetic3A_392 = arith.shrsi %squeeze3A_387, %shift_right_arithmetic3A_391 : i32
        %and3A_393 = arith.constant 7 : i32
        %and3A_394 = arith.andi %shift_right_arithmetic3A_392, %and3A_393 : i32
        %mul3A_395 = arith.constant 16 : i32
        %mul3A_396 = arith.muli %and3A_394, %mul3A_395 : i32
        %add3A_397 = vector.broadcast %mul3A_396 : i32 to vector<16xi32>
        %add3A_398 = arith.addi %add3A_397, %iota3A : vector<16xi32>
        %add3A_399 = arith.constant 5 : i32
        %add3A_400 = arith.addi %mul3A_292, %add3A_399 : i32
        %get3A_401 = arith.index_cast %add3A_400 : i32 to index
        %get3A_402 = arith.constant 80 : index
        %get3A_403 = tpu.vector_load %arg5[%get3A_401, %get3A_402] {strides = array<i32>} : memref<400x128xf32, #tpu.memory_space<vmem>>, vector<16xf32>,
        tpu.vector_store_idx %arg7[%broadcast_in_dim3A_390, %add3A_398], %get3A_403 {add = true} : memref<32x128xf32, #tpu.memory_space<vmem>>[vector<16xi32>, vector<16xi32>], vector<16xf32>,
        %slice3A_404 = vector.extract_strided_slice %get3A_288 {offsets = [6], sizes = [1], strides = [1]} : vector<16xi32> to vector<1xi32>
        %squeeze3A_405 = vector.extract %slice3A_404[0] : i32 from vector<1xi32>
        %and3A_406 = arith.constant 31 : i32
        %and3A_407 = arith.andi %squeeze3A_405, %and3A_406 : i32
        %broadcast_in_dim3A_408 = vector.broadcast %and3A_407 : i32 to vector<16xi32>
        %shift_right_arithmetic3A_409 = arith.constant 5 : i32
        %shift_right_arithmetic3A_410 = arith.shrsi %squeeze3A_405, %shift_right_arithmetic3A_409 : i32
        %and3A_411 = arith.constant 7 : i32
        %and3A_412 = arith.andi %shift_right_arithmetic3A_410, %and3A_411 : i32
        %mul3A_413 = arith.constant 16 : i32
        %mul3A_414 = arith.muli %and3A_412, %mul3A_413 : i32
        %add3A_415 = vector.broadcast %mul3A_414 : i32 to vector<16xi32>
        %add3A_416 = arith.addi %add3A_415, %iota3A : vector<16xi32>
        %add3A_417 = arith.constant 6 : i32
        %add3A_418 = arith.addi %mul3A_292, %add3A_417 : i32
        %get3A_419 = arith.index_cast %add3A_418 : i32 to index
        %get3A_420 = arith.constant 80 : index
        %get3A_421 = tpu.vector_load %arg5[%get3A_419, %get3A_420] {strides = array<i32>} : memref<400x128xf32, #tpu.memory_space<vmem>>, vector<16xf32>,
        tpu.vector_store_idx %arg7[%broadcast_in_dim3A_408, %add3A_416], %get3A_421 {add = true} : memref<32x128xf32, #tpu.memory_space<vmem>>[vector<16xi32>, vector<16xi32>], vector<16xf32>,
        %slice3A_422 = vector.extract_strided_slice %get3A_288 {offsets = [7], sizes = [1], strides = [1]} : vector<16xi32> to vector<1xi32>
        %squeeze3A_423 = vector.extract %slice3A_422[0] : i32 from vector<1xi32>
        %and3A_424 = arith.constant 31 : i32
        %and3A_425 = arith.andi %squeeze3A_423, %and3A_424 : i32
        %broadcast_in_dim3A_426 = vector.broadcast %and3A_425 : i32 to vector<16xi32>
        %shift_right_arithmetic3A_427 = arith.constant 5 : i32
        %shift_right_arithmetic3A_428 = arith.shrsi %squeeze3A_423, %shift_right_arithmetic3A_427 : i32
        %and3A_429 = arith.constant 7 : i32
        %and3A_430 = arith.andi %shift_right_arithmetic3A_428, %and3A_429 : i32
        %mul3A_431 = arith.constant 16 : i32
        %mul3A_432 = arith.muli %and3A_430, %mul3A_431 : i32
        %add3A_433 = vector.broadcast %mul3A_432 : i32 to vector<16xi32>
        %add3A_434 = arith.addi %add3A_433, %iota3A : vector<16xi32>
        %add3A_435 = arith.constant 7 : i32
        %add3A_436 = arith.addi %mul3A_292, %add3A_435 : i32
        %get3A_437 = arith.index_cast %add3A_436 : i32 to index
        %get3A_438 = arith.constant 80 : index
        %get3A_439 = tpu.vector_load %arg5[%get3A_437, %get3A_438] {strides = array<i32>} : memref<400x128xf32, #tpu.memory_space<vmem>>, vector<16xf32>,
        tpu.vector_store_idx %arg7[%broadcast_in_dim3A_426, %add3A_434], %get3A_439 {add = true} : memref<32x128xf32, #tpu.memory_space<vmem>>[vector<16xi32>, vector<16xi32>], vector<16xf32>,
        %slice3A_440 = vector.extract_strided_slice %get3A_288 {offsets = [8], sizes = [1], strides = [1]} : vector<16xi32> to vector<1xi32>
        %squeeze3A_441 = vector.extract %slice3A_440[0] : i32 from vector<1xi32>
        %and3A_442 = arith.constant 31 : i32
        %and3A_443 = arith.andi %squeeze3A_441, %and3A_442 : i32
        %broadcast_in_dim3A_444 = vector.broadcast %and3A_443 : i32 to vector<16xi32>
        %shift_right_arithmetic3A_445 = arith.constant 5 : i32
        %shift_right_arithmetic3A_446 = arith.shrsi %squeeze3A_441, %shift_right_arithmetic3A_445 : i32
        %and3A_447 = arith.constant 7 : i32
        %and3A_448 = arith.andi %shift_right_arithmetic3A_446, %and3A_447 : i32
        %mul3A_449 = arith.constant 16 : i32
        %mul3A_450 = arith.muli %and3A_448, %mul3A_449 : i32
        %add3A_451 = vector.broadcast %mul3A_450 : i32 to vector<16xi32>
        %add3A_452 = arith.addi %add3A_451, %iota3A : vector<16xi32>
        %add3A_453 = arith.constant 8 : i32
        %add3A_454 = arith.addi %mul3A_292, %add3A_453 : i32
        %get3A_455 = arith.index_cast %add3A_454 : i32 to index
        %get3A_456 = arith.constant 80 : index
        %get3A_457 = tpu.vector_load %arg5[%get3A_455, %get3A_456] {strides = array<i32>} : memref<400x128xf32, #tpu.memory_space<vmem>>, vector<16xf32>,
        tpu.vector_store_idx %arg7[%broadcast_in_dim3A_444, %add3A_452], %get3A_457 {add = true} : memref<32x128xf32, #tpu.memory_space<vmem>>[vector<16xi32>, vector<16xi32>], vector<16xf32>,
        %slice3A_458 = vector.extract_strided_slice %get3A_288 {offsets = [9], sizes = [1], strides = [1]} : vector<16xi32> to vector<1xi32>
        %squeeze3A_459 = vector.extract %slice3A_458[0] : i32 from vector<1xi32>
        %and3A_460 = arith.constant 31 : i32
        %and3A_461 = arith.andi %squeeze3A_459, %and3A_460 : i32
        %broadcast_in_dim3A_462 = vector.broadcast %and3A_461 : i32 to vector<16xi32>
        %shift_right_arithmetic3A_463 = arith.constant 5 : i32
        %shift_right_arithmetic3A_464 = arith.shrsi %squeeze3A_459, %shift_right_arithmetic3A_463 : i32
        %and3A_465 = arith.constant 7 : i32
        %and3A_466 = arith.andi %shift_right_arithmetic3A_464, %and3A_465 : i32
        %mul3A_467 = arith.constant 16 : i32
        %mul3A_468 = arith.muli %and3A_466, %mul3A_467 : i32
        %add3A_469 = vector.broadcast %mul3A_468 : i32 to vector<16xi32>
        %add3A_470 = arith.addi %add3A_469, %iota3A : vector<16xi32>
        %add3A_471 = arith.constant 9 : i32
        %add3A_472 = arith.addi %mul3A_292, %add3A_471 : i32
        %get3A_473 = arith.index_cast %add3A_472 : i32 to index
        %get3A_474 = arith.constant 80 : index
        %get3A_475 = tpu.vector_load %arg5[%get3A_473, %get3A_474] {strides = array<i32>} : memref<400x128xf32, #tpu.memory_space<vmem>>, vector<16xf32>,
        tpu.vector_store_idx %arg7[%broadcast_in_dim3A_462, %add3A_470], %get3A_475 {add = true} : memref<32x128xf32, #tpu.memory_space<vmem>>[vector<16xi32>, vector<16xi32>], vector<16xf32>,
        %slice3A_476 = vector.extract_strided_slice %get3A_288 {offsets = [10], sizes = [1], strides = [1]} : vector<16xi32> to vector<1xi32>
        %squeeze3A_477 = vector.extract %slice3A_476[0] : i32 from vector<1xi32>
        %and3A_478 = arith.constant 31 : i32
        %and3A_479 = arith.andi %squeeze3A_477, %and3A_478 : i32
        %broadcast_in_dim3A_480 = vector.broadcast %and3A_479 : i32 to vector<16xi32>
        %shift_right_arithmetic3A_481 = arith.constant 5 : i32
        %shift_right_arithmetic3A_482 = arith.shrsi %squeeze3A_477, %shift_right_arithmetic3A_481 : i32
        %and3A_483 = arith.constant 7 : i32
        %and3A_484 = arith.andi %shift_right_arithmetic3A_482, %and3A_483 : i32
        %mul3A_485 = arith.constant 16 : i32
        %mul3A_486 = arith.muli %and3A_484, %mul3A_485 : i32
        %add3A_487 = vector.broadcast %mul3A_486 : i32 to vector<16xi32>
        %add3A_488 = arith.addi %add3A_487, %iota3A : vector<16xi32>
        %add3A_489 = arith.constant 10 : i32
        %add3A_490 = arith.addi %mul3A_292, %add3A_489 : i32
        %get3A_491 = arith.index_cast %add3A_490 : i32 to index
        %get3A_492 = arith.constant 80 : index
        %get3A_493 = tpu.vector_load %arg5[%get3A_491, %get3A_492] {strides = array<i32>} : memref<400x128xf32, #tpu.memory_space<vmem>>, vector<16xf32>,
        tpu.vector_store_idx %arg7[%broadcast_in_dim3A_480, %add3A_488], %get3A_493 {add = true} : memref<32x128xf32, #tpu.memory_space<vmem>>[vector<16xi32>, vector<16xi32>], vector<16xf32>,
        %slice3A_494 = vector.extract_strided_slice %get3A_288 {offsets = [11], sizes = [1], strides = [1]} : vector<16xi32> to vector<1xi32>
        %squeeze3A_495 = vector.extract %slice3A_494[0] : i32 from vector<1xi32>
        %and3A_496 = arith.constant 31 : i32
        %and3A_497 = arith.andi %squeeze3A_495, %and3A_496 : i32
        %broadcast_in_dim3A_498 = vector.broadcast %and3A_497 : i32 to vector<16xi32>
        %shift_right_arithmetic3A_499 = arith.constant 5 : i32
        %shift_right_arithmetic3A_500 = arith.shrsi %squeeze3A_495, %shift_right_arithmetic3A_499 : i32
        %and3A_501 = arith.constant 7 : i32
        %and3A_502 = arith.andi %shift_right_arithmetic3A_500, %and3A_501 : i32
        %mul3A_503 = arith.constant 16 : i32
        %mul3A_504 = arith.muli %and3A_502, %mul3A_503 : i32
        %add3A_505 = vector.broadcast %mul3A_504 : i32 to vector<16xi32>
        %add3A_506 = arith.addi %add3A_505, %iota3A : vector<16xi32>
        %add3A_507 = arith.constant 11 : i32
        %add3A_508 = arith.addi %mul3A_292, %add3A_507 : i32
        %get3A_509 = arith.index_cast %add3A_508 : i32 to index
        %get3A_510 = arith.constant 80 : index
        %get3A_511 = tpu.vector_load %arg5[%get3A_509, %get3A_510] {strides = array<i32>} : memref<400x128xf32, #tpu.memory_space<vmem>>, vector<16xf32>,
        tpu.vector_store_idx %arg7[%broadcast_in_dim3A_498, %add3A_506], %get3A_511 {add = true} : memref<32x128xf32, #tpu.memory_space<vmem>>[vector<16xi32>, vector<16xi32>], vector<16xf32>,
        %slice3A_512 = vector.extract_strided_slice %get3A_288 {offsets = [12], sizes = [1], strides = [1]} : vector<16xi32> to vector<1xi32>
        %squeeze3A_513 = vector.extract %slice3A_512[0] : i32 from vector<1xi32>
        %and3A_514 = arith.constant 31 : i32
        %and3A_515 = arith.andi %squeeze3A_513, %and3A_514 : i32
        %broadcast_in_dim3A_516 = vector.broadcast %and3A_515 : i32 to vector<16xi32>
        %shift_right_arithmetic3A_517 = arith.constant 5 : i32
        %shift_right_arithmetic3A_518 = arith.shrsi %squeeze3A_513, %shift_right_arithmetic3A_517 : i32
        %and3A_519 = arith.constant 7 : i32
        %and3A_520 = arith.andi %shift_right_arithmetic3A_518, %and3A_519 : i32
        %mul3A_521 = arith.constant 16 : i32
        %mul3A_522 = arith.muli %and3A_520, %mul3A_521 : i32
        %add3A_523 = vector.broadcast %mul3A_522 : i32 to vector<16xi32>
        %add3A_524 = arith.addi %add3A_523, %iota3A : vector<16xi32>
        %add3A_525 = arith.constant 12 : i32
        %add3A_526 = arith.addi %mul3A_292, %add3A_525 : i32
        %get3A_527 = arith.index_cast %add3A_526 : i32 to index
        %get3A_528 = arith.constant 80 : index
        %get3A_529 = tpu.vector_load %arg5[%get3A_527, %get3A_528] {strides = array<i32>} : memref<400x128xf32, #tpu.memory_space<vmem>>, vector<16xf32>,
        tpu.vector_store_idx %arg7[%broadcast_in_dim3A_516, %add3A_524], %get3A_529 {add = true} : memref<32x128xf32, #tpu.memory_space<vmem>>[vector<16xi32>, vector<16xi32>], vector<16xf32>,
        %slice3A_530 = vector.extract_strided_slice %get3A_288 {offsets = [13], sizes = [1], strides = [1]} : vector<16xi32> to vector<1xi32>
        %squeeze3A_531 = vector.extract %slice3A_530[0] : i32 from vector<1xi32>
        %and3A_532 = arith.constant 31 : i32
        %and3A_533 = arith.andi %squeeze3A_531, %and3A_532 : i32
        %broadcast_in_dim3A_534 = vector.broadcast %and3A_533 : i32 to vector<16xi32>
        %shift_right_arithmetic3A_535 = arith.constant 5 : i32
        %shift_right_arithmetic3A_536 = arith.shrsi %squeeze3A_531, %shift_right_arithmetic3A_535 : i32
        %and3A_537 = arith.constant 7 : i32
        %and3A_538 = arith.andi %shift_right_arithmetic3A_536, %and3A_537 : i32
        %mul3A_539 = arith.constant 16 : i32
        %mul3A_540 = arith.muli %and3A_538, %mul3A_539 : i32
        %add3A_541 = vector.broadcast %mul3A_540 : i32 to vector<16xi32>
        %add3A_542 = arith.addi %add3A_541, %iota3A : vector<16xi32>
        %add3A_543 = arith.constant 13 : i32
        %add3A_544 = arith.addi %mul3A_292, %add3A_543 : i32
        %get3A_545 = arith.index_cast %add3A_544 : i32 to index
        %get3A_546 = arith.constant 80 : index
        %get3A_547 = tpu.vector_load %arg5[%get3A_545, %get3A_546] {strides = array<i32>} : memref<400x128xf32, #tpu.memory_space<vmem>>, vector<16xf32>,
        tpu.vector_store_idx %arg7[%broadcast_in_dim3A_534, %add3A_542], %get3A_547 {add = true} : memref<32x128xf32, #tpu.memory_space<vmem>>[vector<16xi32>, vector<16xi32>], vector<16xf32>,
        %slice3A_548 = vector.extract_strided_slice %get3A_288 {offsets = [14], sizes = [1], strides = [1]} : vector<16xi32> to vector<1xi32>
        %squeeze3A_549 = vector.extract %slice3A_548[0] : i32 from vector<1xi32>
        %and3A_550 = arith.constant 31 : i32
        %and3A_551 = arith.andi %squeeze3A_549, %and3A_550 : i32
        %broadcast_in_dim3A_552 = vector.broadcast %and3A_551 : i32 to vector<16xi32>
        %shift_right_arithmetic3A_553 = arith.constant 5 : i32
        %shift_right_arithmetic3A_554 = arith.shrsi %squeeze3A_549, %shift_right_arithmetic3A_553 : i32
        %and3A_555 = arith.constant 7 : i32
        %and3A_556 = arith.andi %shift_right_arithmetic3A_554, %and3A_555 : i32
        %mul3A_557 = arith.constant 16 : i32
        %mul3A_558 = arith.muli %and3A_556, %mul3A_557 : i32
        %add3A_559 = vector.broadcast %mul3A_558 : i32 to vector<16xi32>
        %add3A_560 = arith.addi %add3A_559, %iota3A : vector<16xi32>
        %add3A_561 = arith.constant 14 : i32
        %add3A_562 = arith.addi %mul3A_292, %add3A_561 : i32
        %get3A_563 = arith.index_cast %add3A_562 : i32 to index
        %get3A_564 = arith.constant 80 : index
        %get3A_565 = tpu.vector_load %arg5[%get3A_563, %get3A_564] {strides = array<i32>} : memref<400x128xf32, #tpu.memory_space<vmem>>, vector<16xf32>,
        tpu.vector_store_idx %arg7[%broadcast_in_dim3A_552, %add3A_560], %get3A_565 {add = true} : memref<32x128xf32, #tpu.memory_space<vmem>>[vector<16xi32>, vector<16xi32>], vector<16xf32>,
        %slice3A_566 = vector.extract_strided_slice %get3A_288 {offsets = [15], sizes = [1], strides = [1]} : vector<16xi32> to vector<1xi32>
        %squeeze3A_567 = vector.extract %slice3A_566[0] : i32 from vector<1xi32>
        %and3A_568 = arith.constant 31 : i32
        %and3A_569 = arith.andi %squeeze3A_567, %and3A_568 : i32
        %broadcast_in_dim3A_570 = vector.broadcast %and3A_569 : i32 to vector<16xi32>
        %shift_right_arithmetic3A_571 = arith.constant 5 : i32
        %shift_right_arithmetic3A_572 = arith.shrsi %squeeze3A_567, %shift_right_arithmetic3A_571 : i32
        %and3A_573 = arith.constant 7 : i32
        %and3A_574 = arith.andi %shift_right_arithmetic3A_572, %and3A_573 : i32
        %mul3A_575 = arith.constant 16 : i32
        %mul3A_576 = arith.muli %and3A_574, %mul3A_575 : i32
        %add3A_577 = vector.broadcast %mul3A_576 : i32 to vector<16xi32>
        %add3A_578 = arith.addi %add3A_577, %iota3A : vector<16xi32>
        %add3A_579 = arith.constant 15 : i32
        %add3A_580 = arith.addi %mul3A_292, %add3A_579 : i32
        %get3A_581 = arith.index_cast %add3A_580 : i32 to index
        %get3A_582 = arith.constant 80 : index
        %get3A_583 = tpu.vector_load %arg5[%get3A_581, %get3A_582] {strides = array<i32>} : memref<400x128xf32, #tpu.memory_space<vmem>>, vector<16xf32>,
        tpu.vector_store_idx %arg7[%broadcast_in_dim3A_570, %add3A_578], %get3A_583 {add = true} : memref<32x128xf32, #tpu.memory_space<vmem>>[vector<16xi32>, vector<16xi32>], vector<16xf32>,
        %cond3A_584 = arith.constant 0 : i32
        scf.yield %cond3A_584 : i32
      }
    }
    %scan3A_271 = arith.constant 25 : i32
    %scan3A_272 = arith.constant 0 : i32
    %scan3A_273 = arith.constant 0 : i32
    %scan3A_274 = arith.constant 25 : i32
    %scan3A_275 = arith.addi %scan3A_273, %scan3A_274 : i32
    %scan3A_276 = arith.constant 1 : i32
    scf.for %scan3A_284 = %scan3A_273 to %scan3A_275 step %scan3A_276  : i32 {
      %mul3A_285 = arith.constant 16 : i32
      %mul3A_286 = arith.muli %scan3A_284, %mul3A_285 : i32
      %add3A_287 = arith.addi %add3A_160, %mul3A_286 : i32
      %get3A = arith.index_cast %add3A_287 : i32 to index
      %get3A_288 = tpu.vector_load %arg6[%get3A] {strides = array<i32>} : memref<5632xi32, #tpu.memory_space<vmem>>, vector<16xi32>,
      %slice3A = vector.extract_strided_slice %get3A_288 {offsets = [0], sizes = [1], strides = [1]} : vector<16xi32> to vector<1xi32>
      %squeeze3A = vector.extract %slice3A[0] : i32 from vector<1xi32>
      %slice3A_289 = vector.extract_strided_slice %get3A_288 {offsets = [15], sizes = [1], strides = [1]} : vector<16xi32> to vector<1xi32>
      %squeeze3A_290 = vector.extract %slice3A_289[0] : i32 from vector<1xi32>
      %mul3A_291 = arith.constant 16 : i32
      %mul3A_292 = arith.muli %scan3A_284, %mul3A_291 : i32
      %eq3A_293 = arith.cmpi eq, %squeeze3A, %squeeze3A_290 : i32
      %convert_element_type3A = arith.extui %eq3A_293 : i1 to i32
      %cond3A = arith.constant 0 : i32
      %cond3A_294 = arith.constant 0 : i32
      %cond3A_295 = arith.cmpi ne, %convert_element_type3A, %cond3A_294 : i32
      %cond3A_296 = scf.if %cond3A_295 -> (i32) {
        %get3A_297 = arith.index_cast %mul3A_292 : i32 to index
        %get3A_298 = arith.constant 96 : index
        %get3A_299 = tpu.vector_load %arg5[%get3A_297, %get3A_298] {strides = array<i32>} : memref<400x128xf32, #tpu.memory_space<vmem>>, vector<16xf32>,
        %add3A_300 = arith.constant 1 : i32
        %add3A_301 = arith.addi %mul3A_292, %add3A_300 : i32
        %get3A_302 = arith.index_cast %add3A_301 : i32 to index
        %get3A_303 = arith.constant 96 : index
        %get3A_304 = tpu.vector_load %arg5[%get3A_302, %get3A_303] {strides = array<i32>} : memref<400x128xf32, #tpu.memory_space<vmem>>, vector<16xf32>,
        %add3A_305 = arith.addf %get3A_299, %get3A_304 : vector<16xf32>
        %add3A_306 = arith.constant 2 : i32
        %add3A_307 = arith.addi %mul3A_292, %add3A_306 : i32
        %get3A_308 = arith.index_cast %add3A_307 : i32 to index
        %get3A_309 = arith.constant 96 : index
        %get3A_310 = tpu.vector_load %arg5[%get3A_308, %get3A_309] {strides = array<i32>} : memref<400x128xf32, #tpu.memory_space<vmem>>, vector<16xf32>,
        %add3A_311 = arith.addf %add3A_305, %get3A_310 : vector<16xf32>
        %add3A_312 = arith.constant 3 : i32
        %add3A_313 = arith.addi %mul3A_292, %add3A_312 : i32
        %get3A_314 = arith.index_cast %add3A_313 : i32 to index
        %get3A_315 = arith.constant 96 : index
        %get3A_316 = tpu.vector_load %arg5[%get3A_314, %get3A_315] {strides = array<i32>} : memref<400x128xf32, #tpu.memory_space<vmem>>, vector<16xf32>,
        %add3A_317 = arith.addf %add3A_311, %get3A_316 : vector<16xf32>
        %add3A_318 = arith.constant 4 : i32
        %add3A_319 = arith.addi %mul3A_292, %add3A_318 : i32
        %get3A_320 = arith.index_cast %add3A_319 : i32 to index
        %get3A_321 = arith.constant 96 : index
        %get3A_322 = tpu.vector_load %arg5[%get3A_320, %get3A_321] {strides = array<i32>} : memref<400x128xf32, #tpu.memory_space<vmem>>, vector<16xf32>,
        %add3A_323 = arith.addf %add3A_317, %get3A_322 : vector<16xf32>
        %add3A_324 = arith.constant 5 : i32
        %add3A_325 = arith.addi %mul3A_292, %add3A_324 : i32
        %get3A_326 = arith.index_cast %add3A_325 : i32 to index
        %get3A_327 = arith.constant 96 : index
        %get3A_328 = tpu.vector_load %arg5[%get3A_326, %get3A_327] {strides = array<i32>} : memref<400x128xf32, #tpu.memory_space<vmem>>, vector<16xf32>,
        %add3A_329 = arith.addf %add3A_323, %get3A_328 : vector<16xf32>
        %add3A_330 = arith.constant 6 : i32
        %add3A_331 = arith.addi %mul3A_292, %add3A_330 : i32
        %get3A_332 = arith.index_cast %add3A_331 : i32 to index
        %get3A_333 = arith.constant 96 : index
        %get3A_334 = tpu.vector_load %arg5[%get3A_332, %get3A_333] {strides = array<i32>} : memref<400x128xf32, #tpu.memory_space<vmem>>, vector<16xf32>,
        %add3A_335 = arith.addf %add3A_329, %get3A_334 : vector<16xf32>
        %add3A_336 = arith.constant 7 : i32
        %add3A_337 = arith.addi %mul3A_292, %add3A_336 : i32
        %get3A_338 = arith.index_cast %add3A_337 : i32 to index
        %get3A_339 = arith.constant 96 : index
        %get3A_340 = tpu.vector_load %arg5[%get3A_338, %get3A_339] {strides = array<i32>} : memref<400x128xf32, #tpu.memory_space<vmem>>, vector<16xf32>,
        %add3A_341 = arith.addf %add3A_335, %get3A_340 : vector<16xf32>
        %add3A_342 = arith.constant 8 : i32
        %add3A_343 = arith.addi %mul3A_292, %add3A_342 : i32
        %get3A_344 = arith.index_cast %add3A_343 : i32 to index
        %get3A_345 = arith.constant 96 : index
        %get3A_346 = tpu.vector_load %arg5[%get3A_344, %get3A_345] {strides = array<i32>} : memref<400x128xf32, #tpu.memory_space<vmem>>, vector<16xf32>,
        %add3A_347 = arith.addf %add3A_341, %get3A_346 : vector<16xf32>
        %add3A_348 = arith.constant 9 : i32
        %add3A_349 = arith.addi %mul3A_292, %add3A_348 : i32
        %get3A_350 = arith.index_cast %add3A_349 : i32 to index
        %get3A_351 = arith.constant 96 : index
        %get3A_352 = tpu.vector_load %arg5[%get3A_350, %get3A_351] {strides = array<i32>} : memref<400x128xf32, #tpu.memory_space<vmem>>, vector<16xf32>,
        %add3A_353 = arith.addf %add3A_347, %get3A_352 : vector<16xf32>
        %add3A_354 = arith.constant 10 : i32
        %add3A_355 = arith.addi %mul3A_292, %add3A_354 : i32
        %get3A_356 = arith.index_cast %add3A_355 : i32 to index
        %get3A_357 = arith.constant 96 : index
        %get3A_358 = tpu.vector_load %arg5[%get3A_356, %get3A_357] {strides = array<i32>} : memref<400x128xf32, #tpu.memory_space<vmem>>, vector<16xf32>,
        %add3A_359 = arith.addf %add3A_353, %get3A_358 : vector<16xf32>
        %add3A_360 = arith.constant 11 : i32
        %add3A_361 = arith.addi %mul3A_292, %add3A_360 : i32
        %get3A_362 = arith.index_cast %add3A_361 : i32 to index
        %get3A_363 = arith.constant 96 : index
        %get3A_364 = tpu.vector_load %arg5[%get3A_362, %get3A_363] {strides = array<i32>} : memref<400x128xf32, #tpu.memory_space<vmem>>, vector<16xf32>,
        %add3A_365 = arith.addf %add3A_359, %get3A_364 : vector<16xf32>
        %add3A_366 = arith.constant 12 : i32
        %add3A_367 = arith.addi %mul3A_292, %add3A_366 : i32
        %get3A_368 = arith.index_cast %add3A_367 : i32 to index
        %get3A_369 = arith.constant 96 : index
        %get3A_370 = tpu.vector_load %arg5[%get3A_368, %get3A_369] {strides = array<i32>} : memref<400x128xf32, #tpu.memory_space<vmem>>, vector<16xf32>,
        %add3A_371 = arith.addf %add3A_365, %get3A_370 : vector<16xf32>
        %add3A_372 = arith.constant 13 : i32
        %add3A_373 = arith.addi %mul3A_292, %add3A_372 : i32
        %get3A_374 = arith.index_cast %add3A_373 : i32 to index
        %get3A_375 = arith.constant 96 : index
        %get3A_376 = tpu.vector_load %arg5[%get3A_374, %get3A_375] {strides = array<i32>} : memref<400x128xf32, #tpu.memory_space<vmem>>, vector<16xf32>,
        %add3A_377 = arith.addf %add3A_371, %get3A_376 : vector<16xf32>
        %add3A_378 = arith.constant 14 : i32
        %add3A_379 = arith.addi %mul3A_292, %add3A_378 : i32
        %get3A_380 = arith.index_cast %add3A_379 : i32 to index
        %get3A_381 = arith.constant 96 : index
        %get3A_382 = tpu.vector_load %arg5[%get3A_380, %get3A_381] {strides = array<i32>} : memref<400x128xf32, #tpu.memory_space<vmem>>, vector<16xf32>,
        %add3A_383 = arith.addf %add3A_377, %get3A_382 : vector<16xf32>
        %add3A_384 = arith.constant 15 : i32
        %add3A_385 = arith.addi %mul3A_292, %add3A_384 : i32
        %get3A_386 = arith.index_cast %add3A_385 : i32 to index
        %get3A_387 = arith.constant 96 : index
        %get3A_388 = tpu.vector_load %arg5[%get3A_386, %get3A_387] {strides = array<i32>} : memref<400x128xf32, #tpu.memory_space<vmem>>, vector<16xf32>,
        %add3A_389 = arith.addf %add3A_383, %get3A_388 : vector<16xf32>
        %and3A_390 = arith.constant 31 : i32
        %and3A_391 = arith.andi %squeeze3A, %and3A_390 : i32
        %broadcast_in_dim3A_392 = vector.broadcast %and3A_391 : i32 to vector<16xi32>
        %shift_right_arithmetic3A = arith.constant 5 : i32
        %shift_right_arithmetic3A_393 = arith.shrsi %squeeze3A, %shift_right_arithmetic3A : i32
        %and3A_394 = arith.constant 7 : i32
        %and3A_395 = arith.andi %shift_right_arithmetic3A_393, %and3A_394 : i32
        %mul3A_396 = arith.constant 16 : i32
        %mul3A_397 = arith.muli %and3A_395, %mul3A_396 : i32
        %add3A_398 = vector.broadcast %mul3A_397 : i32 to vector<16xi32>
        %add3A_399 = arith.addi %add3A_398, %iota3A : vector<16xi32>
        tpu.vector_store_idx %arg7[%broadcast_in_dim3A_392, %add3A_399], %add3A_389 {add = true} : memref<32x128xf32, #tpu.memory_space<vmem>>[vector<16xi32>, vector<16xi32>], vector<16xf32>,
        %cond3A_400 = arith.constant 0 : i32
        scf.yield %cond3A_400 : i32
      } else {
        %slice3A_297 = vector.extract_strided_slice %get3A_288 {offsets = [0], sizes = [1], strides = [1]} : vector<16xi32> to vector<1xi32>
        %squeeze3A_298 = vector.extract %slice3A_297[0] : i32 from vector<1xi32>
        %and3A_299 = arith.constant 31 : i32
        %and3A_300 = arith.andi %squeeze3A_298, %and3A_299 : i32
        %broadcast_in_dim3A_301 = vector.broadcast %and3A_300 : i32 to vector<16xi32>
        %shift_right_arithmetic3A = arith.constant 5 : i32
        %shift_right_arithmetic3A_302 = arith.shrsi %squeeze3A_298, %shift_right_arithmetic3A : i32
        %and3A_303 = arith.constant 7 : i32
        %and3A_304 = arith.andi %shift_right_arithmetic3A_302, %and3A_303 : i32
        %mul3A_305 = arith.constant 16 : i32
        %mul3A_306 = arith.muli %and3A_304, %mul3A_305 : i32
        %add3A_307 = vector.broadcast %mul3A_306 : i32 to vector<16xi32>
        %add3A_308 = arith.addi %add3A_307, %iota3A : vector<16xi32>
        %add3A_309 = arith.constant 0 : i32
        %add3A_310 = arith.addi %mul3A_292, %add3A_309 : i32
        %get3A_311 = arith.index_cast %add3A_310 : i32 to index
        %get3A_312 = arith.constant 96 : index
        %get3A_313 = tpu.vector_load %arg5[%get3A_311, %get3A_312] {strides = array<i32>} : memref<400x128xf32, #tpu.memory_space<vmem>>, vector<16xf32>,
        tpu.vector_store_idx %arg7[%broadcast_in_dim3A_301, %add3A_308], %get3A_313 {add = true} : memref<32x128xf32, #tpu.memory_space<vmem>>[vector<16xi32>, vector<16xi32>], vector<16xf32>,
        %slice3A_314 = vector.extract_strided_slice %get3A_288 {offsets = [1], sizes = [1], strides = [1]} : vector<16xi32> to vector<1xi32>
        %squeeze3A_315 = vector.extract %slice3A_314[0] : i32 from vector<1xi32>
        %and3A_316 = arith.constant 31 : i32
        %and3A_317 = arith.andi %squeeze3A_315, %and3A_316 : i32
        %broadcast_in_dim3A_318 = vector.broadcast %and3A_317 : i32 to vector<16xi32>
        %shift_right_arithmetic3A_319 = arith.constant 5 : i32
        %shift_right_arithmetic3A_320 = arith.shrsi %squeeze3A_315, %shift_right_arithmetic3A_319 : i32
        %and3A_321 = arith.constant 7 : i32
        %and3A_322 = arith.andi %shift_right_arithmetic3A_320, %and3A_321 : i32
        %mul3A_323 = arith.constant 16 : i32
        %mul3A_324 = arith.muli %and3A_322, %mul3A_323 : i32
        %add3A_325 = vector.broadcast %mul3A_324 : i32 to vector<16xi32>
        %add3A_326 = arith.addi %add3A_325, %iota3A : vector<16xi32>
        %add3A_327 = arith.constant 1 : i32
        %add3A_328 = arith.addi %mul3A_292, %add3A_327 : i32
        %get3A_329 = arith.index_cast %add3A_328 : i32 to index
        %get3A_330 = arith.constant 96 : index
        %get3A_331 = tpu.vector_load %arg5[%get3A_329, %get3A_330] {strides = array<i32>} : memref<400x128xf32, #tpu.memory_space<vmem>>, vector<16xf32>,
        tpu.vector_store_idx %arg7[%broadcast_in_dim3A_318, %add3A_326], %get3A_331 {add = true} : memref<32x128xf32, #tpu.memory_space<vmem>>[vector<16xi32>, vector<16xi32>], vector<16xf32>,
        %slice3A_332 = vector.extract_strided_slice %get3A_288 {offsets = [2], sizes = [1], strides = [1]} : vector<16xi32> to vector<1xi32>
        %squeeze3A_333 = vector.extract %slice3A_332[0] : i32 from vector<1xi32>
        %and3A_334 = arith.constant 31 : i32
        %and3A_335 = arith.andi %squeeze3A_333, %and3A_334 : i32
        %broadcast_in_dim3A_336 = vector.broadcast %and3A_335 : i32 to vector<16xi32>
        %shift_right_arithmetic3A_337 = arith.constant 5 : i32
        %shift_right_arithmetic3A_338 = arith.shrsi %squeeze3A_333, %shift_right_arithmetic3A_337 : i32
        %and3A_339 = arith.constant 7 : i32
        %and3A_340 = arith.andi %shift_right_arithmetic3A_338, %and3A_339 : i32
        %mul3A_341 = arith.constant 16 : i32
        %mul3A_342 = arith.muli %and3A_340, %mul3A_341 : i32
        %add3A_343 = vector.broadcast %mul3A_342 : i32 to vector<16xi32>
        %add3A_344 = arith.addi %add3A_343, %iota3A : vector<16xi32>
        %add3A_345 = arith.constant 2 : i32
        %add3A_346 = arith.addi %mul3A_292, %add3A_345 : i32
        %get3A_347 = arith.index_cast %add3A_346 : i32 to index
        %get3A_348 = arith.constant 96 : index
        %get3A_349 = tpu.vector_load %arg5[%get3A_347, %get3A_348] {strides = array<i32>} : memref<400x128xf32, #tpu.memory_space<vmem>>, vector<16xf32>,
        tpu.vector_store_idx %arg7[%broadcast_in_dim3A_336, %add3A_344], %get3A_349 {add = true} : memref<32x128xf32, #tpu.memory_space<vmem>>[vector<16xi32>, vector<16xi32>], vector<16xf32>,
        %slice3A_350 = vector.extract_strided_slice %get3A_288 {offsets = [3], sizes = [1], strides = [1]} : vector<16xi32> to vector<1xi32>
        %squeeze3A_351 = vector.extract %slice3A_350[0] : i32 from vector<1xi32>
        %and3A_352 = arith.constant 31 : i32
        %and3A_353 = arith.andi %squeeze3A_351, %and3A_352 : i32
        %broadcast_in_dim3A_354 = vector.broadcast %and3A_353 : i32 to vector<16xi32>
        %shift_right_arithmetic3A_355 = arith.constant 5 : i32
        %shift_right_arithmetic3A_356 = arith.shrsi %squeeze3A_351, %shift_right_arithmetic3A_355 : i32
        %and3A_357 = arith.constant 7 : i32
        %and3A_358 = arith.andi %shift_right_arithmetic3A_356, %and3A_357 : i32
        %mul3A_359 = arith.constant 16 : i32
        %mul3A_360 = arith.muli %and3A_358, %mul3A_359 : i32
        %add3A_361 = vector.broadcast %mul3A_360 : i32 to vector<16xi32>
        %add3A_362 = arith.addi %add3A_361, %iota3A : vector<16xi32>
        %add3A_363 = arith.constant 3 : i32
        %add3A_364 = arith.addi %mul3A_292, %add3A_363 : i32
        %get3A_365 = arith.index_cast %add3A_364 : i32 to index
        %get3A_366 = arith.constant 96 : index
        %get3A_367 = tpu.vector_load %arg5[%get3A_365, %get3A_366] {strides = array<i32>} : memref<400x128xf32, #tpu.memory_space<vmem>>, vector<16xf32>,
        tpu.vector_store_idx %arg7[%broadcast_in_dim3A_354, %add3A_362], %get3A_367 {add = true} : memref<32x128xf32, #tpu.memory_space<vmem>>[vector<16xi32>, vector<16xi32>], vector<16xf32>,
        %slice3A_368 = vector.extract_strided_slice %get3A_288 {offsets = [4], sizes = [1], strides = [1]} : vector<16xi32> to vector<1xi32>
        %squeeze3A_369 = vector.extract %slice3A_368[0] : i32 from vector<1xi32>
        %and3A_370 = arith.constant 31 : i32
        %and3A_371 = arith.andi %squeeze3A_369, %and3A_370 : i32
        %broadcast_in_dim3A_372 = vector.broadcast %and3A_371 : i32 to vector<16xi32>
        %shift_right_arithmetic3A_373 = arith.constant 5 : i32
        %shift_right_arithmetic3A_374 = arith.shrsi %squeeze3A_369, %shift_right_arithmetic3A_373 : i32
        %and3A_375 = arith.constant 7 : i32
        %and3A_376 = arith.andi %shift_right_arithmetic3A_374, %and3A_375 : i32
        %mul3A_377 = arith.constant 16 : i32
        %mul3A_378 = arith.muli %and3A_376, %mul3A_377 : i32
        %add3A_379 = vector.broadcast %mul3A_378 : i32 to vector<16xi32>
        %add3A_380 = arith.addi %add3A_379, %iota3A : vector<16xi32>
        %add3A_381 = arith.constant 4 : i32
        %add3A_382 = arith.addi %mul3A_292, %add3A_381 : i32
        %get3A_383 = arith.index_cast %add3A_382 : i32 to index
        %get3A_384 = arith.constant 96 : index
        %get3A_385 = tpu.vector_load %arg5[%get3A_383, %get3A_384] {strides = array<i32>} : memref<400x128xf32, #tpu.memory_space<vmem>>, vector<16xf32>,
        tpu.vector_store_idx %arg7[%broadcast_in_dim3A_372, %add3A_380], %get3A_385 {add = true} : memref<32x128xf32, #tpu.memory_space<vmem>>[vector<16xi32>, vector<16xi32>], vector<16xf32>,
        %slice3A_386 = vector.extract_strided_slice %get3A_288 {offsets = [5], sizes = [1], strides = [1]} : vector<16xi32> to vector<1xi32>
        %squeeze3A_387 = vector.extract %slice3A_386[0] : i32 from vector<1xi32>
        %and3A_388 = arith.constant 31 : i32
        %and3A_389 = arith.andi %squeeze3A_387, %and3A_388 : i32
        %broadcast_in_dim3A_390 = vector.broadcast %and3A_389 : i32 to vector<16xi32>
        %shift_right_arithmetic3A_391 = arith.constant 5 : i32
        %shift_right_arithmetic3A_392 = arith.shrsi %squeeze3A_387, %shift_right_arithmetic3A_391 : i32
        %and3A_393 = arith.constant 7 : i32
        %and3A_394 = arith.andi %shift_right_arithmetic3A_392, %and3A_393 : i32
        %mul3A_395 = arith.constant 16 : i32
        %mul3A_396 = arith.muli %and3A_394, %mul3A_395 : i32
        %add3A_397 = vector.broadcast %mul3A_396 : i32 to vector<16xi32>
        %add3A_398 = arith.addi %add3A_397, %iota3A : vector<16xi32>
        %add3A_399 = arith.constant 5 : i32
        %add3A_400 = arith.addi %mul3A_292, %add3A_399 : i32
        %get3A_401 = arith.index_cast %add3A_400 : i32 to index
        %get3A_402 = arith.constant 96 : index
        %get3A_403 = tpu.vector_load %arg5[%get3A_401, %get3A_402] {strides = array<i32>} : memref<400x128xf32, #tpu.memory_space<vmem>>, vector<16xf32>,
        tpu.vector_store_idx %arg7[%broadcast_in_dim3A_390, %add3A_398], %get3A_403 {add = true} : memref<32x128xf32, #tpu.memory_space<vmem>>[vector<16xi32>, vector<16xi32>], vector<16xf32>,
        %slice3A_404 = vector.extract_strided_slice %get3A_288 {offsets = [6], sizes = [1], strides = [1]} : vector<16xi32> to vector<1xi32>
        %squeeze3A_405 = vector.extract %slice3A_404[0] : i32 from vector<1xi32>
        %and3A_406 = arith.constant 31 : i32
        %and3A_407 = arith.andi %squeeze3A_405, %and3A_406 : i32
        %broadcast_in_dim3A_408 = vector.broadcast %and3A_407 : i32 to vector<16xi32>
        %shift_right_arithmetic3A_409 = arith.constant 5 : i32
        %shift_right_arithmetic3A_410 = arith.shrsi %squeeze3A_405, %shift_right_arithmetic3A_409 : i32
        %and3A_411 = arith.constant 7 : i32
        %and3A_412 = arith.andi %shift_right_arithmetic3A_410, %and3A_411 : i32
        %mul3A_413 = arith.constant 16 : i32
        %mul3A_414 = arith.muli %and3A_412, %mul3A_413 : i32
        %add3A_415 = vector.broadcast %mul3A_414 : i32 to vector<16xi32>
        %add3A_416 = arith.addi %add3A_415, %iota3A : vector<16xi32>
        %add3A_417 = arith.constant 6 : i32
        %add3A_418 = arith.addi %mul3A_292, %add3A_417 : i32
        %get3A_419 = arith.index_cast %add3A_418 : i32 to index
        %get3A_420 = arith.constant 96 : index
        %get3A_421 = tpu.vector_load %arg5[%get3A_419, %get3A_420] {strides = array<i32>} : memref<400x128xf32, #tpu.memory_space<vmem>>, vector<16xf32>,
        tpu.vector_store_idx %arg7[%broadcast_in_dim3A_408, %add3A_416], %get3A_421 {add = true} : memref<32x128xf32, #tpu.memory_space<vmem>>[vector<16xi32>, vector<16xi32>], vector<16xf32>,
        %slice3A_422 = vector.extract_strided_slice %get3A_288 {offsets = [7], sizes = [1], strides = [1]} : vector<16xi32> to vector<1xi32>
        %squeeze3A_423 = vector.extract %slice3A_422[0] : i32 from vector<1xi32>
        %and3A_424 = arith.constant 31 : i32
        %and3A_425 = arith.andi %squeeze3A_423, %and3A_424 : i32
        %broadcast_in_dim3A_426 = vector.broadcast %and3A_425 : i32 to vector<16xi32>
        %shift_right_arithmetic3A_427 = arith.constant 5 : i32
        %shift_right_arithmetic3A_428 = arith.shrsi %squeeze3A_423, %shift_right_arithmetic3A_427 : i32
        %and3A_429 = arith.constant 7 : i32
        %and3A_430 = arith.andi %shift_right_arithmetic3A_428, %and3A_429 : i32
        %mul3A_431 = arith.constant 16 : i32
        %mul3A_432 = arith.muli %and3A_430, %mul3A_431 : i32
        %add3A_433 = vector.broadcast %mul3A_432 : i32 to vector<16xi32>
        %add3A_434 = arith.addi %add3A_433, %iota3A : vector<16xi32>
        %add3A_435 = arith.constant 7 : i32
        %add3A_436 = arith.addi %mul3A_292, %add3A_435 : i32
        %get3A_437 = arith.index_cast %add3A_436 : i32 to index
        %get3A_438 = arith.constant 96 : index
        %get3A_439 = tpu.vector_load %arg5[%get3A_437, %get3A_438] {strides = array<i32>} : memref<400x128xf32, #tpu.memory_space<vmem>>, vector<16xf32>,
        tpu.vector_store_idx %arg7[%broadcast_in_dim3A_426, %add3A_434], %get3A_439 {add = true} : memref<32x128xf32, #tpu.memory_space<vmem>>[vector<16xi32>, vector<16xi32>], vector<16xf32>,
        %slice3A_440 = vector.extract_strided_slice %get3A_288 {offsets = [8], sizes = [1], strides = [1]} : vector<16xi32> to vector<1xi32>
        %squeeze3A_441 = vector.extract %slice3A_440[0] : i32 from vector<1xi32>
        %and3A_442 = arith.constant 31 : i32
        %and3A_443 = arith.andi %squeeze3A_441, %and3A_442 : i32
        %broadcast_in_dim3A_444 = vector.broadcast %and3A_443 : i32 to vector<16xi32>
        %shift_right_arithmetic3A_445 = arith.constant 5 : i32
        %shift_right_arithmetic3A_446 = arith.shrsi %squeeze3A_441, %shift_right_arithmetic3A_445 : i32
        %and3A_447 = arith.constant 7 : i32
        %and3A_448 = arith.andi %shift_right_arithmetic3A_446, %and3A_447 : i32
        %mul3A_449 = arith.constant 16 : i32
        %mul3A_450 = arith.muli %and3A_448, %mul3A_449 : i32
        %add3A_451 = vector.broadcast %mul3A_450 : i32 to vector<16xi32>
        %add3A_452 = arith.addi %add3A_451, %iota3A : vector<16xi32>
        %add3A_453 = arith.constant 8 : i32
        %add3A_454 = arith.addi %mul3A_292, %add3A_453 : i32
        %get3A_455 = arith.index_cast %add3A_454 : i32 to index
        %get3A_456 = arith.constant 96 : index
        %get3A_457 = tpu.vector_load %arg5[%get3A_455, %get3A_456] {strides = array<i32>} : memref<400x128xf32, #tpu.memory_space<vmem>>, vector<16xf32>,
        tpu.vector_store_idx %arg7[%broadcast_in_dim3A_444, %add3A_452], %get3A_457 {add = true} : memref<32x128xf32, #tpu.memory_space<vmem>>[vector<16xi32>, vector<16xi32>], vector<16xf32>,
        %slice3A_458 = vector.extract_strided_slice %get3A_288 {offsets = [9], sizes = [1], strides = [1]} : vector<16xi32> to vector<1xi32>
        %squeeze3A_459 = vector.extract %slice3A_458[0] : i32 from vector<1xi32>
        %and3A_460 = arith.constant 31 : i32
        %and3A_461 = arith.andi %squeeze3A_459, %and3A_460 : i32
        %broadcast_in_dim3A_462 = vector.broadcast %and3A_461 : i32 to vector<16xi32>
        %shift_right_arithmetic3A_463 = arith.constant 5 : i32
        %shift_right_arithmetic3A_464 = arith.shrsi %squeeze3A_459, %shift_right_arithmetic3A_463 : i32
        %and3A_465 = arith.constant 7 : i32
        %and3A_466 = arith.andi %shift_right_arithmetic3A_464, %and3A_465 : i32
        %mul3A_467 = arith.constant 16 : i32
        %mul3A_468 = arith.muli %and3A_466, %mul3A_467 : i32
        %add3A_469 = vector.broadcast %mul3A_468 : i32 to vector<16xi32>
        %add3A_470 = arith.addi %add3A_469, %iota3A : vector<16xi32>
        %add3A_471 = arith.constant 9 : i32
        %add3A_472 = arith.addi %mul3A_292, %add3A_471 : i32
        %get3A_473 = arith.index_cast %add3A_472 : i32 to index
        %get3A_474 = arith.constant 96 : index
        %get3A_475 = tpu.vector_load %arg5[%get3A_473, %get3A_474] {strides = array<i32>} : memref<400x128xf32, #tpu.memory_space<vmem>>, vector<16xf32>,
        tpu.vector_store_idx %arg7[%broadcast_in_dim3A_462, %add3A_470], %get3A_475 {add = true} : memref<32x128xf32, #tpu.memory_space<vmem>>[vector<16xi32>, vector<16xi32>], vector<16xf32>,
        %slice3A_476 = vector.extract_strided_slice %get3A_288 {offsets = [10], sizes = [1], strides = [1]} : vector<16xi32> to vector<1xi32>
        %squeeze3A_477 = vector.extract %slice3A_476[0] : i32 from vector<1xi32>
        %and3A_478 = arith.constant 31 : i32
        %and3A_479 = arith.andi %squeeze3A_477, %and3A_478 : i32
        %broadcast_in_dim3A_480 = vector.broadcast %and3A_479 : i32 to vector<16xi32>
        %shift_right_arithmetic3A_481 = arith.constant 5 : i32
        %shift_right_arithmetic3A_482 = arith.shrsi %squeeze3A_477, %shift_right_arithmetic3A_481 : i32
        %and3A_483 = arith.constant 7 : i32
        %and3A_484 = arith.andi %shift_right_arithmetic3A_482, %and3A_483 : i32
        %mul3A_485 = arith.constant 16 : i32
        %mul3A_486 = arith.muli %and3A_484, %mul3A_485 : i32
        %add3A_487 = vector.broadcast %mul3A_486 : i32 to vector<16xi32>
        %add3A_488 = arith.addi %add3A_487, %iota3A : vector<16xi32>
        %add3A_489 = arith.constant 10 : i32
        %add3A_490 = arith.addi %mul3A_292, %add3A_489 : i32
        %get3A_491 = arith.index_cast %add3A_490 : i32 to index
        %get3A_492 = arith.constant 96 : index
        %get3A_493 = tpu.vector_load %arg5[%get3A_491, %get3A_492] {strides = array<i32>} : memref<400x128xf32, #tpu.memory_space<vmem>>, vector<16xf32>,
        tpu.vector_store_idx %arg7[%broadcast_in_dim3A_480, %add3A_488], %get3A_493 {add = true} : memref<32x128xf32, #tpu.memory_space<vmem>>[vector<16xi32>, vector<16xi32>], vector<16xf32>,
        %slice3A_494 = vector.extract_strided_slice %get3A_288 {offsets = [11], sizes = [1], strides = [1]} : vector<16xi32> to vector<1xi32>
        %squeeze3A_495 = vector.extract %slice3A_494[0] : i32 from vector<1xi32>
        %and3A_496 = arith.constant 31 : i32
        %and3A_497 = arith.andi %squeeze3A_495, %and3A_496 : i32
        %broadcast_in_dim3A_498 = vector.broadcast %and3A_497 : i32 to vector<16xi32>
        %shift_right_arithmetic3A_499 = arith.constant 5 : i32
        %shift_right_arithmetic3A_500 = arith.shrsi %squeeze3A_495, %shift_right_arithmetic3A_499 : i32
        %and3A_501 = arith.constant 7 : i32
        %and3A_502 = arith.andi %shift_right_arithmetic3A_500, %and3A_501 : i32
        %mul3A_503 = arith.constant 16 : i32
        %mul3A_504 = arith.muli %and3A_502, %mul3A_503 : i32
        %add3A_505 = vector.broadcast %mul3A_504 : i32 to vector<16xi32>
        %add3A_506 = arith.addi %add3A_505, %iota3A : vector<16xi32>
        %add3A_507 = arith.constant 11 : i32
        %add3A_508 = arith.addi %mul3A_292, %add3A_507 : i32
        %get3A_509 = arith.index_cast %add3A_508 : i32 to index
        %get3A_510 = arith.constant 96 : index
        %get3A_511 = tpu.vector_load %arg5[%get3A_509, %get3A_510] {strides = array<i32>} : memref<400x128xf32, #tpu.memory_space<vmem>>, vector<16xf32>,
        tpu.vector_store_idx %arg7[%broadcast_in_dim3A_498, %add3A_506], %get3A_511 {add = true} : memref<32x128xf32, #tpu.memory_space<vmem>>[vector<16xi32>, vector<16xi32>], vector<16xf32>,
        %slice3A_512 = vector.extract_strided_slice %get3A_288 {offsets = [12], sizes = [1], strides = [1]} : vector<16xi32> to vector<1xi32>
        %squeeze3A_513 = vector.extract %slice3A_512[0] : i32 from vector<1xi32>
        %and3A_514 = arith.constant 31 : i32
        %and3A_515 = arith.andi %squeeze3A_513, %and3A_514 : i32
        %broadcast_in_dim3A_516 = vector.broadcast %and3A_515 : i32 to vector<16xi32>
        %shift_right_arithmetic3A_517 = arith.constant 5 : i32
        %shift_right_arithmetic3A_518 = arith.shrsi %squeeze3A_513, %shift_right_arithmetic3A_517 : i32
        %and3A_519 = arith.constant 7 : i32
        %and3A_520 = arith.andi %shift_right_arithmetic3A_518, %and3A_519 : i32
        %mul3A_521 = arith.constant 16 : i32
        %mul3A_522 = arith.muli %and3A_520, %mul3A_521 : i32
        %add3A_523 = vector.broadcast %mul3A_522 : i32 to vector<16xi32>
        %add3A_524 = arith.addi %add3A_523, %iota3A : vector<16xi32>
        %add3A_525 = arith.constant 12 : i32
        %add3A_526 = arith.addi %mul3A_292, %add3A_525 : i32
        %get3A_527 = arith.index_cast %add3A_526 : i32 to index
        %get3A_528 = arith.constant 96 : index
        %get3A_529 = tpu.vector_load %arg5[%get3A_527, %get3A_528] {strides = array<i32>} : memref<400x128xf32, #tpu.memory_space<vmem>>, vector<16xf32>,
        tpu.vector_store_idx %arg7[%broadcast_in_dim3A_516, %add3A_524], %get3A_529 {add = true} : memref<32x128xf32, #tpu.memory_space<vmem>>[vector<16xi32>, vector<16xi32>], vector<16xf32>,
        %slice3A_530 = vector.extract_strided_slice %get3A_288 {offsets = [13], sizes = [1], strides = [1]} : vector<16xi32> to vector<1xi32>
        %squeeze3A_531 = vector.extract %slice3A_530[0] : i32 from vector<1xi32>
        %and3A_532 = arith.constant 31 : i32
        %and3A_533 = arith.andi %squeeze3A_531, %and3A_532 : i32
        %broadcast_in_dim3A_534 = vector.broadcast %and3A_533 : i32 to vector<16xi32>
        %shift_right_arithmetic3A_535 = arith.constant 5 : i32
        %shift_right_arithmetic3A_536 = arith.shrsi %squeeze3A_531, %shift_right_arithmetic3A_535 : i32
        %and3A_537 = arith.constant 7 : i32
        %and3A_538 = arith.andi %shift_right_arithmetic3A_536, %and3A_537 : i32
        %mul3A_539 = arith.constant 16 : i32
        %mul3A_540 = arith.muli %and3A_538, %mul3A_539 : i32
        %add3A_541 = vector.broadcast %mul3A_540 : i32 to vector<16xi32>
        %add3A_542 = arith.addi %add3A_541, %iota3A : vector<16xi32>
        %add3A_543 = arith.constant 13 : i32
        %add3A_544 = arith.addi %mul3A_292, %add3A_543 : i32
        %get3A_545 = arith.index_cast %add3A_544 : i32 to index
        %get3A_546 = arith.constant 96 : index
        %get3A_547 = tpu.vector_load %arg5[%get3A_545, %get3A_546] {strides = array<i32>} : memref<400x128xf32, #tpu.memory_space<vmem>>, vector<16xf32>,
        tpu.vector_store_idx %arg7[%broadcast_in_dim3A_534, %add3A_542], %get3A_547 {add = true} : memref<32x128xf32, #tpu.memory_space<vmem>>[vector<16xi32>, vector<16xi32>], vector<16xf32>,
        %slice3A_548 = vector.extract_strided_slice %get3A_288 {offsets = [14], sizes = [1], strides = [1]} : vector<16xi32> to vector<1xi32>
        %squeeze3A_549 = vector.extract %slice3A_548[0] : i32 from vector<1xi32>
        %and3A_550 = arith.constant 31 : i32
        %and3A_551 = arith.andi %squeeze3A_549, %and3A_550 : i32
        %broadcast_in_dim3A_552 = vector.broadcast %and3A_551 : i32 to vector<16xi32>
        %shift_right_arithmetic3A_553 = arith.constant 5 : i32
        %shift_right_arithmetic3A_554 = arith.shrsi %squeeze3A_549, %shift_right_arithmetic3A_553 : i32
        %and3A_555 = arith.constant 7 : i32
        %and3A_556 = arith.andi %shift_right_arithmetic3A_554, %and3A_555 : i32
        %mul3A_557 = arith.constant 16 : i32
        %mul3A_558 = arith.muli %and3A_556, %mul3A_557 : i32
        %add3A_559 = vector.broadcast %mul3A_558 : i32 to vector<16xi32>
        %add3A_560 = arith.addi %add3A_559, %iota3A : vector<16xi32>
        %add3A_561 = arith.constant 14 : i32
        %add3A_562 = arith.addi %mul3A_292, %add3A_561 : i32
        %get3A_563 = arith.index_cast %add3A_562 : i32 to index
        %get3A_564 = arith.constant 96 : index
        %get3A_565 = tpu.vector_load %arg5[%get3A_563, %get3A_564] {strides = array<i32>} : memref<400x128xf32, #tpu.memory_space<vmem>>, vector<16xf32>,
        tpu.vector_store_idx %arg7[%broadcast_in_dim3A_552, %add3A_560], %get3A_565 {add = true} : memref<32x128xf32, #tpu.memory_space<vmem>>[vector<16xi32>, vector<16xi32>], vector<16xf32>,
        %slice3A_566 = vector.extract_strided_slice %get3A_288 {offsets = [15], sizes = [1], strides = [1]} : vector<16xi32> to vector<1xi32>
        %squeeze3A_567 = vector.extract %slice3A_566[0] : i32 from vector<1xi32>
        %and3A_568 = arith.constant 31 : i32
        %and3A_569 = arith.andi %squeeze3A_567, %and3A_568 : i32
        %broadcast_in_dim3A_570 = vector.broadcast %and3A_569 : i32 to vector<16xi32>
        %shift_right_arithmetic3A_571 = arith.constant 5 : i32
        %shift_right_arithmetic3A_572 = arith.shrsi %squeeze3A_567, %shift_right_arithmetic3A_571 : i32
        %and3A_573 = arith.constant 7 : i32
        %and3A_574 = arith.andi %shift_right_arithmetic3A_572, %and3A_573 : i32
        %mul3A_575 = arith.constant 16 : i32
        %mul3A_576 = arith.muli %and3A_574, %mul3A_575 : i32
        %add3A_577 = vector.broadcast %mul3A_576 : i32 to vector<16xi32>
        %add3A_578 = arith.addi %add3A_577, %iota3A : vector<16xi32>
        %add3A_579 = arith.constant 15 : i32
        %add3A_580 = arith.addi %mul3A_292, %add3A_579 : i32
        %get3A_581 = arith.index_cast %add3A_580 : i32 to index
        %get3A_582 = arith.constant 96 : index
        %get3A_583 = tpu.vector_load %arg5[%get3A_581, %get3A_582] {strides = array<i32>} : memref<400x128xf32, #tpu.memory_space<vmem>>, vector<16xf32>,
        tpu.vector_store_idx %arg7[%broadcast_in_dim3A_570, %add3A_578], %get3A_583 {add = true} : memref<32x128xf32, #tpu.memory_space<vmem>>[vector<16xi32>, vector<16xi32>], vector<16xf32>,
        %cond3A_584 = arith.constant 0 : i32
        scf.yield %cond3A_584 : i32
      }
    }
    %scan3A_277 = arith.constant 25 : i32
    %scan3A_278 = arith.constant 0 : i32
    %scan3A_279 = arith.constant 0 : i32
    %scan3A_280 = arith.constant 25 : i32
    %scan3A_281 = arith.addi %scan3A_279, %scan3A_280 : i32
    %scan3A_282 = arith.constant 1 : i32
    scf.for %scan3A_284 = %scan3A_279 to %scan3A_281 step %scan3A_282  : i32 {
      %mul3A_285 = arith.constant 16 : i32
      %mul3A_286 = arith.muli %scan3A_284, %mul3A_285 : i32
      %add3A_287 = arith.addi %add3A_178, %mul3A_286 : i32
      %get3A = arith.index_cast %add3A_287 : i32 to index
      %get3A_288 = tpu.vector_load %arg6[%get3A] {strides = array<i32>} : memref<5632xi32, #tpu.memory_space<vmem>>, vector<16xi32>,
      %slice3A = vector.extract_strided_slice %get3A_288 {offsets = [0], sizes = [1], strides = [1]} : vector<16xi32> to vector<1xi32>
      %squeeze3A = vector.extract %slice3A[0] : i32 from vector<1xi32>
      %slice3A_289 = vector.extract_strided_slice %get3A_288 {offsets = [15], sizes = [1], strides = [1]} : vector<16xi32> to vector<1xi32>
      %squeeze3A_290 = vector.extract %slice3A_289[0] : i32 from vector<1xi32>
      %mul3A_291 = arith.constant 16 : i32
      %mul3A_292 = arith.muli %scan3A_284, %mul3A_291 : i32
      %eq3A_293 = arith.cmpi eq, %squeeze3A, %squeeze3A_290 : i32
      %convert_element_type3A = arith.extui %eq3A_293 : i1 to i32
      %cond3A = arith.constant 0 : i32
      %cond3A_294 = arith.constant 0 : i32
      %cond3A_295 = arith.cmpi ne, %convert_element_type3A, %cond3A_294 : i32
      %cond3A_296 = scf.if %cond3A_295 -> (i32) {
        %get3A_297 = arith.index_cast %mul3A_292 : i32 to index
        %get3A_298 = arith.constant 112 : index
        %get3A_299 = tpu.vector_load %arg5[%get3A_297, %get3A_298] {strides = array<i32>} : memref<400x128xf32, #tpu.memory_space<vmem>>, vector<16xf32>,
        %add3A_300 = arith.constant 1 : i32
        %add3A_301 = arith.addi %mul3A_292, %add3A_300 : i32
        %get3A_302 = arith.index_cast %add3A_301 : i32 to index
        %get3A_303 = arith.constant 112 : index
        %get3A_304 = tpu.vector_load %arg5[%get3A_302, %get3A_303] {strides = array<i32>} : memref<400x128xf32, #tpu.memory_space<vmem>>, vector<16xf32>,
        %add3A_305 = arith.addf %get3A_299, %get3A_304 : vector<16xf32>
        %add3A_306 = arith.constant 2 : i32
        %add3A_307 = arith.addi %mul3A_292, %add3A_306 : i32
        %get3A_308 = arith.index_cast %add3A_307 : i32 to index
        %get3A_309 = arith.constant 112 : index
        %get3A_310 = tpu.vector_load %arg5[%get3A_308, %get3A_309] {strides = array<i32>} : memref<400x128xf32, #tpu.memory_space<vmem>>, vector<16xf32>,
        %add3A_311 = arith.addf %add3A_305, %get3A_310 : vector<16xf32>
        %add3A_312 = arith.constant 3 : i32
        %add3A_313 = arith.addi %mul3A_292, %add3A_312 : i32
        %get3A_314 = arith.index_cast %add3A_313 : i32 to index
        %get3A_315 = arith.constant 112 : index
        %get3A_316 = tpu.vector_load %arg5[%get3A_314, %get3A_315] {strides = array<i32>} : memref<400x128xf32, #tpu.memory_space<vmem>>, vector<16xf32>,
        %add3A_317 = arith.addf %add3A_311, %get3A_316 : vector<16xf32>
        %add3A_318 = arith.constant 4 : i32
        %add3A_319 = arith.addi %mul3A_292, %add3A_318 : i32
        %get3A_320 = arith.index_cast %add3A_319 : i32 to index
        %get3A_321 = arith.constant 112 : index
        %get3A_322 = tpu.vector_load %arg5[%get3A_320, %get3A_321] {strides = array<i32>} : memref<400x128xf32, #tpu.memory_space<vmem>>, vector<16xf32>,
        %add3A_323 = arith.addf %add3A_317, %get3A_322 : vector<16xf32>
        %add3A_324 = arith.constant 5 : i32
        %add3A_325 = arith.addi %mul3A_292, %add3A_324 : i32
        %get3A_326 = arith.index_cast %add3A_325 : i32 to index
        %get3A_327 = arith.constant 112 : index
        %get3A_328 = tpu.vector_load %arg5[%get3A_326, %get3A_327] {strides = array<i32>} : memref<400x128xf32, #tpu.memory_space<vmem>>, vector<16xf32>,
        %add3A_329 = arith.addf %add3A_323, %get3A_328 : vector<16xf32>
        %add3A_330 = arith.constant 6 : i32
        %add3A_331 = arith.addi %mul3A_292, %add3A_330 : i32
        %get3A_332 = arith.index_cast %add3A_331 : i32 to index
        %get3A_333 = arith.constant 112 : index
        %get3A_334 = tpu.vector_load %arg5[%get3A_332, %get3A_333] {strides = array<i32>} : memref<400x128xf32, #tpu.memory_space<vmem>>, vector<16xf32>,
        %add3A_335 = arith.addf %add3A_329, %get3A_334 : vector<16xf32>
        %add3A_336 = arith.constant 7 : i32
        %add3A_337 = arith.addi %mul3A_292, %add3A_336 : i32
        %get3A_338 = arith.index_cast %add3A_337 : i32 to index
        %get3A_339 = arith.constant 112 : index
        %get3A_340 = tpu.vector_load %arg5[%get3A_338, %get3A_339] {strides = array<i32>} : memref<400x128xf32, #tpu.memory_space<vmem>>, vector<16xf32>,
        %add3A_341 = arith.addf %add3A_335, %get3A_340 : vector<16xf32>
        %add3A_342 = arith.constant 8 : i32
        %add3A_343 = arith.addi %mul3A_292, %add3A_342 : i32
        %get3A_344 = arith.index_cast %add3A_343 : i32 to index
        %get3A_345 = arith.constant 112 : index
        %get3A_346 = tpu.vector_load %arg5[%get3A_344, %get3A_345] {strides = array<i32>} : memref<400x128xf32, #tpu.memory_space<vmem>>, vector<16xf32>,
        %add3A_347 = arith.addf %add3A_341, %get3A_346 : vector<16xf32>
        %add3A_348 = arith.constant 9 : i32
        %add3A_349 = arith.addi %mul3A_292, %add3A_348 : i32
        %get3A_350 = arith.index_cast %add3A_349 : i32 to index
        %get3A_351 = arith.constant 112 : index
        %get3A_352 = tpu.vector_load %arg5[%get3A_350, %get3A_351] {strides = array<i32>} : memref<400x128xf32, #tpu.memory_space<vmem>>, vector<16xf32>,
        %add3A_353 = arith.addf %add3A_347, %get3A_352 : vector<16xf32>
        %add3A_354 = arith.constant 10 : i32
        %add3A_355 = arith.addi %mul3A_292, %add3A_354 : i32
        %get3A_356 = arith.index_cast %add3A_355 : i32 to index
        %get3A_357 = arith.constant 112 : index
        %get3A_358 = tpu.vector_load %arg5[%get3A_356, %get3A_357] {strides = array<i32>} : memref<400x128xf32, #tpu.memory_space<vmem>>, vector<16xf32>,
        %add3A_359 = arith.addf %add3A_353, %get3A_358 : vector<16xf32>
        %add3A_360 = arith.constant 11 : i32
        %add3A_361 = arith.addi %mul3A_292, %add3A_360 : i32
        %get3A_362 = arith.index_cast %add3A_361 : i32 to index
        %get3A_363 = arith.constant 112 : index
        %get3A_364 = tpu.vector_load %arg5[%get3A_362, %get3A_363] {strides = array<i32>} : memref<400x128xf32, #tpu.memory_space<vmem>>, vector<16xf32>,
        %add3A_365 = arith.addf %add3A_359, %get3A_364 : vector<16xf32>
        %add3A_366 = arith.constant 12 : i32
        %add3A_367 = arith.addi %mul3A_292, %add3A_366 : i32
        %get3A_368 = arith.index_cast %add3A_367 : i32 to index
        %get3A_369 = arith.constant 112 : index
        %get3A_370 = tpu.vector_load %arg5[%get3A_368, %get3A_369] {strides = array<i32>} : memref<400x128xf32, #tpu.memory_space<vmem>>, vector<16xf32>,
        %add3A_371 = arith.addf %add3A_365, %get3A_370 : vector<16xf32>
        %add3A_372 = arith.constant 13 : i32
        %add3A_373 = arith.addi %mul3A_292, %add3A_372 : i32
        %get3A_374 = arith.index_cast %add3A_373 : i32 to index
        %get3A_375 = arith.constant 112 : index
        %get3A_376 = tpu.vector_load %arg5[%get3A_374, %get3A_375] {strides = array<i32>} : memref<400x128xf32, #tpu.memory_space<vmem>>, vector<16xf32>,
        %add3A_377 = arith.addf %add3A_371, %get3A_376 : vector<16xf32>
        %add3A_378 = arith.constant 14 : i32
        %add3A_379 = arith.addi %mul3A_292, %add3A_378 : i32
        %get3A_380 = arith.index_cast %add3A_379 : i32 to index
        %get3A_381 = arith.constant 112 : index
        %get3A_382 = tpu.vector_load %arg5[%get3A_380, %get3A_381] {strides = array<i32>} : memref<400x128xf32, #tpu.memory_space<vmem>>, vector<16xf32>,
        %add3A_383 = arith.addf %add3A_377, %get3A_382 : vector<16xf32>
        %add3A_384 = arith.constant 15 : i32
        %add3A_385 = arith.addi %mul3A_292, %add3A_384 : i32
        %get3A_386 = arith.index_cast %add3A_385 : i32 to index
        %get3A_387 = arith.constant 112 : index
        %get3A_388 = tpu.vector_load %arg5[%get3A_386, %get3A_387] {strides = array<i32>} : memref<400x128xf32, #tpu.memory_space<vmem>>, vector<16xf32>,
        %add3A_389 = arith.addf %add3A_383, %get3A_388 : vector<16xf32>
        %and3A_390 = arith.constant 31 : i32
        %and3A_391 = arith.andi %squeeze3A, %and3A_390 : i32
        %broadcast_in_dim3A_392 = vector.broadcast %and3A_391 : i32 to vector<16xi32>
        %shift_right_arithmetic3A = arith.constant 5 : i32
        %shift_right_arithmetic3A_393 = arith.shrsi %squeeze3A, %shift_right_arithmetic3A : i32
        %and3A_394 = arith.constant 7 : i32
        %and3A_395 = arith.andi %shift_right_arithmetic3A_393, %and3A_394 : i32
        %mul3A_396 = arith.constant 16 : i32
        %mul3A_397 = arith.muli %and3A_395, %mul3A_396 : i32
        %add3A_398 = vector.broadcast %mul3A_397 : i32 to vector<16xi32>
        %add3A_399 = arith.addi %add3A_398, %iota3A : vector<16xi32>
        tpu.vector_store_idx %arg7[%broadcast_in_dim3A_392, %add3A_399], %add3A_389 {add = true} : memref<32x128xf32, #tpu.memory_space<vmem>>[vector<16xi32>, vector<16xi32>], vector<16xf32>,
        %cond3A_400 = arith.constant 0 : i32
        scf.yield %cond3A_400 : i32
      } else {
        %slice3A_297 = vector.extract_strided_slice %get3A_288 {offsets = [0], sizes = [1], strides = [1]} : vector<16xi32> to vector<1xi32>
        %squeeze3A_298 = vector.extract %slice3A_297[0] : i32 from vector<1xi32>
        %and3A_299 = arith.constant 31 : i32
        %and3A_300 = arith.andi %squeeze3A_298, %and3A_299 : i32
        %broadcast_in_dim3A_301 = vector.broadcast %and3A_300 : i32 to vector<16xi32>
        %shift_right_arithmetic3A = arith.constant 5 : i32
        %shift_right_arithmetic3A_302 = arith.shrsi %squeeze3A_298, %shift_right_arithmetic3A : i32
        %and3A_303 = arith.constant 7 : i32
        %and3A_304 = arith.andi %shift_right_arithmetic3A_302, %and3A_303 : i32
        %mul3A_305 = arith.constant 16 : i32
        %mul3A_306 = arith.muli %and3A_304, %mul3A_305 : i32
        %add3A_307 = vector.broadcast %mul3A_306 : i32 to vector<16xi32>
        %add3A_308 = arith.addi %add3A_307, %iota3A : vector<16xi32>
        %add3A_309 = arith.constant 0 : i32
        %add3A_310 = arith.addi %mul3A_292, %add3A_309 : i32
        %get3A_311 = arith.index_cast %add3A_310 : i32 to index
        %get3A_312 = arith.constant 112 : index
        %get3A_313 = tpu.vector_load %arg5[%get3A_311, %get3A_312] {strides = array<i32>} : memref<400x128xf32, #tpu.memory_space<vmem>>, vector<16xf32>,
        tpu.vector_store_idx %arg7[%broadcast_in_dim3A_301, %add3A_308], %get3A_313 {add = true} : memref<32x128xf32, #tpu.memory_space<vmem>>[vector<16xi32>, vector<16xi32>], vector<16xf32>,
        %slice3A_314 = vector.extract_strided_slice %get3A_288 {offsets = [1], sizes = [1], strides = [1]} : vector<16xi32> to vector<1xi32>
        %squeeze3A_315 = vector.extract %slice3A_314[0] : i32 from vector<1xi32>
        %and3A_316 = arith.constant 31 : i32
        %and3A_317 = arith.andi %squeeze3A_315, %and3A_316 : i32
        %broadcast_in_dim3A_318 = vector.broadcast %and3A_317 : i32 to vector<16xi32>
        %shift_right_arithmetic3A_319 = arith.constant 5 : i32
        %shift_right_arithmetic3A_320 = arith.shrsi %squeeze3A_315, %shift_right_arithmetic3A_319 : i32
        %and3A_321 = arith.constant 7 : i32
        %and3A_322 = arith.andi %shift_right_arithmetic3A_320, %and3A_321 : i32
        %mul3A_323 = arith.constant 16 : i32
        %mul3A_324 = arith.muli %and3A_322, %mul3A_323 : i32
        %add3A_325 = vector.broadcast %mul3A_324 : i32 to vector<16xi32>
        %add3A_326 = arith.addi %add3A_325, %iota3A : vector<16xi32>
        %add3A_327 = arith.constant 1 : i32
        %add3A_328 = arith.addi %mul3A_292, %add3A_327 : i32
        %get3A_329 = arith.index_cast %add3A_328 : i32 to index
        %get3A_330 = arith.constant 112 : index
        %get3A_331 = tpu.vector_load %arg5[%get3A_329, %get3A_330] {strides = array<i32>} : memref<400x128xf32, #tpu.memory_space<vmem>>, vector<16xf32>,
        tpu.vector_store_idx %arg7[%broadcast_in_dim3A_318, %add3A_326], %get3A_331 {add = true} : memref<32x128xf32, #tpu.memory_space<vmem>>[vector<16xi32>, vector<16xi32>], vector<16xf32>,
        %slice3A_332 = vector.extract_strided_slice %get3A_288 {offsets = [2], sizes = [1], strides = [1]} : vector<16xi32> to vector<1xi32>
        %squeeze3A_333 = vector.extract %slice3A_332[0] : i32 from vector<1xi32>
        %and3A_334 = arith.constant 31 : i32
        %and3A_335 = arith.andi %squeeze3A_333, %and3A_334 : i32
        %broadcast_in_dim3A_336 = vector.broadcast %and3A_335 : i32 to vector<16xi32>
        %shift_right_arithmetic3A_337 = arith.constant 5 : i32
        %shift_right_arithmetic3A_338 = arith.shrsi %squeeze3A_333, %shift_right_arithmetic3A_337 : i32
        %and3A_339 = arith.constant 7 : i32
        %and3A_340 = arith.andi %shift_right_arithmetic3A_338, %and3A_339 : i32
        %mul3A_341 = arith.constant 16 : i32
        %mul3A_342 = arith.muli %and3A_340, %mul3A_341 : i32
        %add3A_343 = vector.broadcast %mul3A_342 : i32 to vector<16xi32>
        %add3A_344 = arith.addi %add3A_343, %iota3A : vector<16xi32>
        %add3A_345 = arith.constant 2 : i32
        %add3A_346 = arith.addi %mul3A_292, %add3A_345 : i32
        %get3A_347 = arith.index_cast %add3A_346 : i32 to index
        %get3A_348 = arith.constant 112 : index
        %get3A_349 = tpu.vector_load %arg5[%get3A_347, %get3A_348] {strides = array<i32>} : memref<400x128xf32, #tpu.memory_space<vmem>>, vector<16xf32>,
        tpu.vector_store_idx %arg7[%broadcast_in_dim3A_336, %add3A_344], %get3A_349 {add = true} : memref<32x128xf32, #tpu.memory_space<vmem>>[vector<16xi32>, vector<16xi32>], vector<16xf32>,
        %slice3A_350 = vector.extract_strided_slice %get3A_288 {offsets = [3], sizes = [1], strides = [1]} : vector<16xi32> to vector<1xi32>
        %squeeze3A_351 = vector.extract %slice3A_350[0] : i32 from vector<1xi32>
        %and3A_352 = arith.constant 31 : i32
        %and3A_353 = arith.andi %squeeze3A_351, %and3A_352 : i32
        %broadcast_in_dim3A_354 = vector.broadcast %and3A_353 : i32 to vector<16xi32>
        %shift_right_arithmetic3A_355 = arith.constant 5 : i32
        %shift_right_arithmetic3A_356 = arith.shrsi %squeeze3A_351, %shift_right_arithmetic3A_355 : i32
        %and3A_357 = arith.constant 7 : i32
        %and3A_358 = arith.andi %shift_right_arithmetic3A_356, %and3A_357 : i32
        %mul3A_359 = arith.constant 16 : i32
        %mul3A_360 = arith.muli %and3A_358, %mul3A_359 : i32
        %add3A_361 = vector.broadcast %mul3A_360 : i32 to vector<16xi32>
        %add3A_362 = arith.addi %add3A_361, %iota3A : vector<16xi32>
        %add3A_363 = arith.constant 3 : i32
        %add3A_364 = arith.addi %mul3A_292, %add3A_363 : i32
        %get3A_365 = arith.index_cast %add3A_364 : i32 to index
        %get3A_366 = arith.constant 112 : index
        %get3A_367 = tpu.vector_load %arg5[%get3A_365, %get3A_366] {strides = array<i32>} : memref<400x128xf32, #tpu.memory_space<vmem>>, vector<16xf32>,
        tpu.vector_store_idx %arg7[%broadcast_in_dim3A_354, %add3A_362], %get3A_367 {add = true} : memref<32x128xf32, #tpu.memory_space<vmem>>[vector<16xi32>, vector<16xi32>], vector<16xf32>,
        %slice3A_368 = vector.extract_strided_slice %get3A_288 {offsets = [4], sizes = [1], strides = [1]} : vector<16xi32> to vector<1xi32>
        %squeeze3A_369 = vector.extract %slice3A_368[0] : i32 from vector<1xi32>
        %and3A_370 = arith.constant 31 : i32
        %and3A_371 = arith.andi %squeeze3A_369, %and3A_370 : i32
        %broadcast_in_dim3A_372 = vector.broadcast %and3A_371 : i32 to vector<16xi32>
        %shift_right_arithmetic3A_373 = arith.constant 5 : i32
        %shift_right_arithmetic3A_374 = arith.shrsi %squeeze3A_369, %shift_right_arithmetic3A_373 : i32
        %and3A_375 = arith.constant 7 : i32
        %and3A_376 = arith.andi %shift_right_arithmetic3A_374, %and3A_375 : i32
        %mul3A_377 = arith.constant 16 : i32
        %mul3A_378 = arith.muli %and3A_376, %mul3A_377 : i32
        %add3A_379 = vector.broadcast %mul3A_378 : i32 to vector<16xi32>
        %add3A_380 = arith.addi %add3A_379, %iota3A : vector<16xi32>
        %add3A_381 = arith.constant 4 : i32
        %add3A_382 = arith.addi %mul3A_292, %add3A_381 : i32
        %get3A_383 = arith.index_cast %add3A_382 : i32 to index
        %get3A_384 = arith.constant 112 : index
        %get3A_385 = tpu.vector_load %arg5[%get3A_383, %get3A_384] {strides = array<i32>} : memref<400x128xf32, #tpu.memory_space<vmem>>, vector<16xf32>,
        tpu.vector_store_idx %arg7[%broadcast_in_dim3A_372, %add3A_380], %get3A_385 {add = true} : memref<32x128xf32, #tpu.memory_space<vmem>>[vector<16xi32>, vector<16xi32>], vector<16xf32>,
        %slice3A_386 = vector.extract_strided_slice %get3A_288 {offsets = [5], sizes = [1], strides = [1]} : vector<16xi32> to vector<1xi32>
        %squeeze3A_387 = vector.extract %slice3A_386[0] : i32 from vector<1xi32>
        %and3A_388 = arith.constant 31 : i32
        %and3A_389 = arith.andi %squeeze3A_387, %and3A_388 : i32
        %broadcast_in_dim3A_390 = vector.broadcast %and3A_389 : i32 to vector<16xi32>
        %shift_right_arithmetic3A_391 = arith.constant 5 : i32
        %shift_right_arithmetic3A_392 = arith.shrsi %squeeze3A_387, %shift_right_arithmetic3A_391 : i32
        %and3A_393 = arith.constant 7 : i32
        %and3A_394 = arith.andi %shift_right_arithmetic3A_392, %and3A_393 : i32
        %mul3A_395 = arith.constant 16 : i32
        %mul3A_396 = arith.muli %and3A_394, %mul3A_395 : i32
        %add3A_397 = vector.broadcast %mul3A_396 : i32 to vector<16xi32>
        %add3A_398 = arith.addi %add3A_397, %iota3A : vector<16xi32>
        %add3A_399 = arith.constant 5 : i32
        %add3A_400 = arith.addi %mul3A_292, %add3A_399 : i32
        %get3A_401 = arith.index_cast %add3A_400 : i32 to index
        %get3A_402 = arith.constant 112 : index
        %get3A_403 = tpu.vector_load %arg5[%get3A_401, %get3A_402] {strides = array<i32>} : memref<400x128xf32, #tpu.memory_space<vmem>>, vector<16xf32>,
        tpu.vector_store_idx %arg7[%broadcast_in_dim3A_390, %add3A_398], %get3A_403 {add = true} : memref<32x128xf32, #tpu.memory_space<vmem>>[vector<16xi32>, vector<16xi32>], vector<16xf32>,
        %slice3A_404 = vector.extract_strided_slice %get3A_288 {offsets = [6], sizes = [1], strides = [1]} : vector<16xi32> to vector<1xi32>
        %squeeze3A_405 = vector.extract %slice3A_404[0] : i32 from vector<1xi32>
        %and3A_406 = arith.constant 31 : i32
        %and3A_407 = arith.andi %squeeze3A_405, %and3A_406 : i32
        %broadcast_in_dim3A_408 = vector.broadcast %and3A_407 : i32 to vector<16xi32>
        %shift_right_arithmetic3A_409 = arith.constant 5 : i32
        %shift_right_arithmetic3A_410 = arith.shrsi %squeeze3A_405, %shift_right_arithmetic3A_409 : i32
        %and3A_411 = arith.constant 7 : i32
        %and3A_412 = arith.andi %shift_right_arithmetic3A_410, %and3A_411 : i32
        %mul3A_413 = arith.constant 16 : i32
        %mul3A_414 = arith.muli %and3A_412, %mul3A_413 : i32
        %add3A_415 = vector.broadcast %mul3A_414 : i32 to vector<16xi32>
        %add3A_416 = arith.addi %add3A_415, %iota3A : vector<16xi32>
        %add3A_417 = arith.constant 6 : i32
        %add3A_418 = arith.addi %mul3A_292, %add3A_417 : i32
        %get3A_419 = arith.index_cast %add3A_418 : i32 to index
        %get3A_420 = arith.constant 112 : index
        %get3A_421 = tpu.vector_load %arg5[%get3A_419, %get3A_420] {strides = array<i32>} : memref<400x128xf32, #tpu.memory_space<vmem>>, vector<16xf32>,
        tpu.vector_store_idx %arg7[%broadcast_in_dim3A_408, %add3A_416], %get3A_421 {add = true} : memref<32x128xf32, #tpu.memory_space<vmem>>[vector<16xi32>, vector<16xi32>], vector<16xf32>,
        %slice3A_422 = vector.extract_strided_slice %get3A_288 {offsets = [7], sizes = [1], strides = [1]} : vector<16xi32> to vector<1xi32>
        %squeeze3A_423 = vector.extract %slice3A_422[0] : i32 from vector<1xi32>
        %and3A_424 = arith.constant 31 : i32
        %and3A_425 = arith.andi %squeeze3A_423, %and3A_424 : i32
        %broadcast_in_dim3A_426 = vector.broadcast %and3A_425 : i32 to vector<16xi32>
        %shift_right_arithmetic3A_427 = arith.constant 5 : i32
        %shift_right_arithmetic3A_428 = arith.shrsi %squeeze3A_423, %shift_right_arithmetic3A_427 : i32
        %and3A_429 = arith.constant 7 : i32
        %and3A_430 = arith.andi %shift_right_arithmetic3A_428, %and3A_429 : i32
        %mul3A_431 = arith.constant 16 : i32
        %mul3A_432 = arith.muli %and3A_430, %mul3A_431 : i32
        %add3A_433 = vector.broadcast %mul3A_432 : i32 to vector<16xi32>
        %add3A_434 = arith.addi %add3A_433, %iota3A : vector<16xi32>
        %add3A_435 = arith.constant 7 : i32
        %add3A_436 = arith.addi %mul3A_292, %add3A_435 : i32
        %get3A_437 = arith.index_cast %add3A_436 : i32 to index
        %get3A_438 = arith.constant 112 : index
        %get3A_439 = tpu.vector_load %arg5[%get3A_437, %get3A_438] {strides = array<i32>} : memref<400x128xf32, #tpu.memory_space<vmem>>, vector<16xf32>,
        tpu.vector_store_idx %arg7[%broadcast_in_dim3A_426, %add3A_434], %get3A_439 {add = true} : memref<32x128xf32, #tpu.memory_space<vmem>>[vector<16xi32>, vector<16xi32>], vector<16xf32>,
        %slice3A_440 = vector.extract_strided_slice %get3A_288 {offsets = [8], sizes = [1], strides = [1]} : vector<16xi32> to vector<1xi32>
        %squeeze3A_441 = vector.extract %slice3A_440[0] : i32 from vector<1xi32>
        %and3A_442 = arith.constant 31 : i32
        %and3A_443 = arith.andi %squeeze3A_441, %and3A_442 : i32
        %broadcast_in_dim3A_444 = vector.broadcast %and3A_443 : i32 to vector<16xi32>
        %shift_right_arithmetic3A_445 = arith.constant 5 : i32
        %shift_right_arithmetic3A_446 = arith.shrsi %squeeze3A_441, %shift_right_arithmetic3A_445 : i32
        %and3A_447 = arith.constant 7 : i32
        %and3A_448 = arith.andi %shift_right_arithmetic3A_446, %and3A_447 : i32
        %mul3A_449 = arith.constant 16 : i32
        %mul3A_450 = arith.muli %and3A_448, %mul3A_449 : i32
        %add3A_451 = vector.broadcast %mul3A_450 : i32 to vector<16xi32>
        %add3A_452 = arith.addi %add3A_451, %iota3A : vector<16xi32>
        %add3A_453 = arith.constant 8 : i32
        %add3A_454 = arith.addi %mul3A_292, %add3A_453 : i32
        %get3A_455 = arith.index_cast %add3A_454 : i32 to index
        %get3A_456 = arith.constant 112 : index
        %get3A_457 = tpu.vector_load %arg5[%get3A_455, %get3A_456] {strides = array<i32>} : memref<400x128xf32, #tpu.memory_space<vmem>>, vector<16xf32>,
        tpu.vector_store_idx %arg7[%broadcast_in_dim3A_444, %add3A_452], %get3A_457 {add = true} : memref<32x128xf32, #tpu.memory_space<vmem>>[vector<16xi32>, vector<16xi32>], vector<16xf32>,
        %slice3A_458 = vector.extract_strided_slice %get3A_288 {offsets = [9], sizes = [1], strides = [1]} : vector<16xi32> to vector<1xi32>
        %squeeze3A_459 = vector.extract %slice3A_458[0] : i32 from vector<1xi32>
        %and3A_460 = arith.constant 31 : i32
        %and3A_461 = arith.andi %squeeze3A_459, %and3A_460 : i32
        %broadcast_in_dim3A_462 = vector.broadcast %and3A_461 : i32 to vector<16xi32>
        %shift_right_arithmetic3A_463 = arith.constant 5 : i32
        %shift_right_arithmetic3A_464 = arith.shrsi %squeeze3A_459, %shift_right_arithmetic3A_463 : i32
        %and3A_465 = arith.constant 7 : i32
        %and3A_466 = arith.andi %shift_right_arithmetic3A_464, %and3A_465 : i32
        %mul3A_467 = arith.constant 16 : i32
        %mul3A_468 = arith.muli %and3A_466, %mul3A_467 : i32
        %add3A_469 = vector.broadcast %mul3A_468 : i32 to vector<16xi32>
        %add3A_470 = arith.addi %add3A_469, %iota3A : vector<16xi32>
        %add3A_471 = arith.constant 9 : i32
        %add3A_472 = arith.addi %mul3A_292, %add3A_471 : i32
        %get3A_473 = arith.index_cast %add3A_472 : i32 to index
        %get3A_474 = arith.constant 112 : index
        %get3A_475 = tpu.vector_load %arg5[%get3A_473, %get3A_474] {strides = array<i32>} : memref<400x128xf32, #tpu.memory_space<vmem>>, vector<16xf32>,
        tpu.vector_store_idx %arg7[%broadcast_in_dim3A_462, %add3A_470], %get3A_475 {add = true} : memref<32x128xf32, #tpu.memory_space<vmem>>[vector<16xi32>, vector<16xi32>], vector<16xf32>,
        %slice3A_476 = vector.extract_strided_slice %get3A_288 {offsets = [10], sizes = [1], strides = [1]} : vector<16xi32> to vector<1xi32>
        %squeeze3A_477 = vector.extract %slice3A_476[0] : i32 from vector<1xi32>
        %and3A_478 = arith.constant 31 : i32
        %and3A_479 = arith.andi %squeeze3A_477, %and3A_478 : i32
        %broadcast_in_dim3A_480 = vector.broadcast %and3A_479 : i32 to vector<16xi32>
        %shift_right_arithmetic3A_481 = arith.constant 5 : i32
        %shift_right_arithmetic3A_482 = arith.shrsi %squeeze3A_477, %shift_right_arithmetic3A_481 : i32
        %and3A_483 = arith.constant 7 : i32
        %and3A_484 = arith.andi %shift_right_arithmetic3A_482, %and3A_483 : i32
        %mul3A_485 = arith.constant 16 : i32
        %mul3A_486 = arith.muli %and3A_484, %mul3A_485 : i32
        %add3A_487 = vector.broadcast %mul3A_486 : i32 to vector<16xi32>
        %add3A_488 = arith.addi %add3A_487, %iota3A : vector<16xi32>
        %add3A_489 = arith.constant 10 : i32
        %add3A_490 = arith.addi %mul3A_292, %add3A_489 : i32
        %get3A_491 = arith.index_cast %add3A_490 : i32 to index
        %get3A_492 = arith.constant 112 : index
        %get3A_493 = tpu.vector_load %arg5[%get3A_491, %get3A_492] {strides = array<i32>} : memref<400x128xf32, #tpu.memory_space<vmem>>, vector<16xf32>,
        tpu.vector_store_idx %arg7[%broadcast_in_dim3A_480, %add3A_488], %get3A_493 {add = true} : memref<32x128xf32, #tpu.memory_space<vmem>>[vector<16xi32>, vector<16xi32>], vector<16xf32>,
        %slice3A_494 = vector.extract_strided_slice %get3A_288 {offsets = [11], sizes = [1], strides = [1]} : vector<16xi32> to vector<1xi32>
        %squeeze3A_495 = vector.extract %slice3A_494[0] : i32 from vector<1xi32>
        %and3A_496 = arith.constant 31 : i32
        %and3A_497 = arith.andi %squeeze3A_495, %and3A_496 : i32
        %broadcast_in_dim3A_498 = vector.broadcast %and3A_497 : i32 to vector<16xi32>
        %shift_right_arithmetic3A_499 = arith.constant 5 : i32
        %shift_right_arithmetic3A_500 = arith.shrsi %squeeze3A_495, %shift_right_arithmetic3A_499 : i32
        %and3A_501 = arith.constant 7 : i32
        %and3A_502 = arith.andi %shift_right_arithmetic3A_500, %and3A_501 : i32
        %mul3A_503 = arith.constant 16 : i32
        %mul3A_504 = arith.muli %and3A_502, %mul3A_503 : i32
        %add3A_505 = vector.broadcast %mul3A_504 : i32 to vector<16xi32>
        %add3A_506 = arith.addi %add3A_505, %iota3A : vector<16xi32>
        %add3A_507 = arith.constant 11 : i32
        %add3A_508 = arith.addi %mul3A_292, %add3A_507 : i32
        %get3A_509 = arith.index_cast %add3A_508 : i32 to index
        %get3A_510 = arith.constant 112 : index
        %get3A_511 = tpu.vector_load %arg5[%get3A_509, %get3A_510] {strides = array<i32>} : memref<400x128xf32, #tpu.memory_space<vmem>>, vector<16xf32>,
        tpu.vector_store_idx %arg7[%broadcast_in_dim3A_498, %add3A_506], %get3A_511 {add = true} : memref<32x128xf32, #tpu.memory_space<vmem>>[vector<16xi32>, vector<16xi32>], vector<16xf32>,
        %slice3A_512 = vector.extract_strided_slice %get3A_288 {offsets = [12], sizes = [1], strides = [1]} : vector<16xi32> to vector<1xi32>
        %squeeze3A_513 = vector.extract %slice3A_512[0] : i32 from vector<1xi32>
        %and3A_514 = arith.constant 31 : i32
        %and3A_515 = arith.andi %squeeze3A_513, %and3A_514 : i32
        %broadcast_in_dim3A_516 = vector.broadcast %and3A_515 : i32 to vector<16xi32>
        %shift_right_arithmetic3A_517 = arith.constant 5 : i32
        %shift_right_arithmetic3A_518 = arith.shrsi %squeeze3A_513, %shift_right_arithmetic3A_517 : i32
        %and3A_519 = arith.constant 7 : i32
        %and3A_520 = arith.andi %shift_right_arithmetic3A_518, %and3A_519 : i32
        %mul3A_521 = arith.constant 16 : i32
        %mul3A_522 = arith.muli %and3A_520, %mul3A_521 : i32
        %add3A_523 = vector.broadcast %mul3A_522 : i32 to vector<16xi32>
        %add3A_524 = arith.addi %add3A_523, %iota3A : vector<16xi32>
        %add3A_525 = arith.constant 12 : i32
        %add3A_526 = arith.addi %mul3A_292, %add3A_525 : i32
        %get3A_527 = arith.index_cast %add3A_526 : i32 to index
        %get3A_528 = arith.constant 112 : index
        %get3A_529 = tpu.vector_load %arg5[%get3A_527, %get3A_528] {strides = array<i32>} : memref<400x128xf32, #tpu.memory_space<vmem>>, vector<16xf32>,
        tpu.vector_store_idx %arg7[%broadcast_in_dim3A_516, %add3A_524], %get3A_529 {add = true} : memref<32x128xf32, #tpu.memory_space<vmem>>[vector<16xi32>, vector<16xi32>], vector<16xf32>,
        %slice3A_530 = vector.extract_strided_slice %get3A_288 {offsets = [13], sizes = [1], strides = [1]} : vector<16xi32> to vector<1xi32>
        %squeeze3A_531 = vector.extract %slice3A_530[0] : i32 from vector<1xi32>
        %and3A_532 = arith.constant 31 : i32
        %and3A_533 = arith.andi %squeeze3A_531, %and3A_532 : i32
        %broadcast_in_dim3A_534 = vector.broadcast %and3A_533 : i32 to vector<16xi32>
        %shift_right_arithmetic3A_535 = arith.constant 5 : i32
        %shift_right_arithmetic3A_536 = arith.shrsi %squeeze3A_531, %shift_right_arithmetic3A_535 : i32
        %and3A_537 = arith.constant 7 : i32
        %and3A_538 = arith.andi %shift_right_arithmetic3A_536, %and3A_537 : i32
        %mul3A_539 = arith.constant 16 : i32
        %mul3A_540 = arith.muli %and3A_538, %mul3A_539 : i32
        %add3A_541 = vector.broadcast %mul3A_540 : i32 to vector<16xi32>
        %add3A_542 = arith.addi %add3A_541, %iota3A : vector<16xi32>
        %add3A_543 = arith.constant 13 : i32
        %add3A_544 = arith.addi %mul3A_292, %add3A_543 : i32
        %get3A_545 = arith.index_cast %add3A_544 : i32 to index
        %get3A_546 = arith.constant 112 : index
        %get3A_547 = tpu.vector_load %arg5[%get3A_545, %get3A_546] {strides = array<i32>} : memref<400x128xf32, #tpu.memory_space<vmem>>, vector<16xf32>,
        tpu.vector_store_idx %arg7[%broadcast_in_dim3A_534, %add3A_542], %get3A_547 {add = true} : memref<32x128xf32, #tpu.memory_space<vmem>>[vector<16xi32>, vector<16xi32>], vector<16xf32>,
        %slice3A_548 = vector.extract_strided_slice %get3A_288 {offsets = [14], sizes = [1], strides = [1]} : vector<16xi32> to vector<1xi32>
        %squeeze3A_549 = vector.extract %slice3A_548[0] : i32 from vector<1xi32>
        %and3A_550 = arith.constant 31 : i32
        %and3A_551 = arith.andi %squeeze3A_549, %and3A_550 : i32
        %broadcast_in_dim3A_552 = vector.broadcast %and3A_551 : i32 to vector<16xi32>
        %shift_right_arithmetic3A_553 = arith.constant 5 : i32
        %shift_right_arithmetic3A_554 = arith.shrsi %squeeze3A_549, %shift_right_arithmetic3A_553 : i32
        %and3A_555 = arith.constant 7 : i32
        %and3A_556 = arith.andi %shift_right_arithmetic3A_554, %and3A_555 : i32
        %mul3A_557 = arith.constant 16 : i32
        %mul3A_558 = arith.muli %and3A_556, %mul3A_557 : i32
        %add3A_559 = vector.broadcast %mul3A_558 : i32 to vector<16xi32>
        %add3A_560 = arith.addi %add3A_559, %iota3A : vector<16xi32>
        %add3A_561 = arith.constant 14 : i32
        %add3A_562 = arith.addi %mul3A_292, %add3A_561 : i32
        %get3A_563 = arith.index_cast %add3A_562 : i32 to index
        %get3A_564 = arith.constant 112 : index
        %get3A_565 = tpu.vector_load %arg5[%get3A_563, %get3A_564] {strides = array<i32>} : memref<400x128xf32, #tpu.memory_space<vmem>>, vector<16xf32>,
        tpu.vector_store_idx %arg7[%broadcast_in_dim3A_552, %add3A_560], %get3A_565 {add = true} : memref<32x128xf32, #tpu.memory_space<vmem>>[vector<16xi32>, vector<16xi32>], vector<16xf32>,
        %slice3A_566 = vector.extract_strided_slice %get3A_288 {offsets = [15], sizes = [1], strides = [1]} : vector<16xi32> to vector<1xi32>
        %squeeze3A_567 = vector.extract %slice3A_566[0] : i32 from vector<1xi32>
        %and3A_568 = arith.constant 31 : i32
        %and3A_569 = arith.andi %squeeze3A_567, %and3A_568 : i32
        %broadcast_in_dim3A_570 = vector.broadcast %and3A_569 : i32 to vector<16xi32>
        %shift_right_arithmetic3A_571 = arith.constant 5 : i32
        %shift_right_arithmetic3A_572 = arith.shrsi %squeeze3A_567, %shift_right_arithmetic3A_571 : i32
        %and3A_573 = arith.constant 7 : i32
        %and3A_574 = arith.andi %shift_right_arithmetic3A_572, %and3A_573 : i32
        %mul3A_575 = arith.constant 16 : i32
        %mul3A_576 = arith.muli %and3A_574, %mul3A_575 : i32
        %add3A_577 = vector.broadcast %mul3A_576 : i32 to vector<16xi32>
        %add3A_578 = arith.addi %add3A_577, %iota3A : vector<16xi32>
        %add3A_579 = arith.constant 15 : i32
        %add3A_580 = arith.addi %mul3A_292, %add3A_579 : i32
        %get3A_581 = arith.index_cast %add3A_580 : i32 to index
        %get3A_582 = arith.constant 112 : index
        %get3A_583 = tpu.vector_load %arg5[%get3A_581, %get3A_582] {strides = array<i32>} : memref<400x128xf32, #tpu.memory_space<vmem>>, vector<16xf32>,
        tpu.vector_store_idx %arg7[%broadcast_in_dim3A_570, %add3A_578], %get3A_583 {add = true} : memref<32x128xf32, #tpu.memory_space<vmem>>[vector<16xi32>, vector<16xi32>], vector<16xf32>,
        %cond3A_584 = arith.constant 0 : i32
        scf.yield %cond3A_584 : i32
      }
    }
    %scan3A_283 = arith.constant 25 : i32
    "tpu.region"() ({
      %run_scoped3A = tpu.sem_alloc : memref<!tpu.dma_semaphore, #tpu.memory_space<semaphore_mem>>
      %dma_start3A_284 = arith.constant 0 : i32
      %dma_start3A_285 = arith.constant 0 : i32
      %dma_start3A_286 = tpu.memref_slice %arg4[%add3A, %dma_start3A_284, %dma_start3A_285] : memref<32x32x128xf32, #tpu.memory_space<hbm>> -> memref<1x32x128xf32, #tpu.memory_space<hbm>>
      %dma_start3A_287 = tpu.memref_squeeze %dma_start3A_286 : memref<1x32x128xf32, #tpu.memory_space<hbm>> -> memref<32x128xf32, #tpu.memory_space<hbm>>
      %dma_start3A_288 = arith.constant 0 : i32
      %dma_start3A_289 = arith.constant 0 : i32
      %dma_start3A_290 = tpu.memref_slice %arg4[%add3A, %dma_start3A_288, %dma_start3A_289] : memref<32x32x128xf32, #tpu.memory_space<hbm>> -> memref<1x32x128xf32, #tpu.memory_space<hbm>>
      %dma_start3A_291 = tpu.memref_squeeze %dma_start3A_290 : memref<1x32x128xf32, #tpu.memory_space<hbm>> -> memref<32x128xf32, #tpu.memory_space<hbm>>
      tpu.enqueue_dma source(%arg7 : memref<32x128xf32, #tpu.memory_space<vmem>>) target(%dma_start3A_291 : memref<32x128xf32, #tpu.memory_space<hbm>>) target_semaphore(%run_scoped3A : memref<!tpu.dma_semaphore, #tpu.memory_space<semaphore_mem>>)
      %dma_wait3A_292 = arith.constant 0 : i32
      %dma_wait3A_293 = arith.constant 0 : i32
      %dma_wait3A_294 = tpu.memref_slice %arg4[%add3A, %dma_wait3A_292, %dma_wait3A_293] : memref<32x32x128xf32, #tpu.memory_space<hbm>> -> memref<1x32x128xf32, #tpu.memory_space<hbm>>
      %dma_wait3A_295 = tpu.memref_squeeze %dma_wait3A_294 : memref<1x32x128xf32, #tpu.memory_space<hbm>> -> memref<32x128xf32, #tpu.memory_space<hbm>>
      %dma_wait3A_296 = arith.constant 0 : i32
      %dma_wait3A_297 = arith.constant 0 : i32
      %dma_wait3A_298 = tpu.memref_slice %arg4[%add3A, %dma_wait3A_296, %dma_wait3A_297] : memref<32x32x128xf32, #tpu.memory_space<hbm>> -> memref<1x32x128xf32, #tpu.memory_space<hbm>>
      %dma_wait3A_299 = tpu.memref_squeeze %dma_wait3A_298 : memref<1x32x128xf32, #tpu.memory_space<hbm>> -> memref<32x128xf32, #tpu.memory_space<hbm>>
      tpu.wait_dma2 semaphore(%run_scoped3A : memref<!tpu.dma_semaphore, #tpu.memory_space<semaphore_mem>>) src(%arg7 : memref<32x128xf32, #tpu.memory_space<vmem>>) dst(%dma_wait3A_299 : memref<32x128xf32, #tpu.memory_space<hbm>>)
      tpu.yield
    }) : () -> ()
    return
  }
}

module attributes {stable_mosaic.version = 14 : i64} {
  func.func @_finalize_body(%arg0: memref<32x32x128xf32, #tpu.memory_space<vmem>>, %arg1: memref<256x2xf32, #tpu.memory_space<vmem>>, %arg2: memref<1x12xf32, #tpu.memory_space<vmem>>, %arg3: memref<1x12xf32, #tpu.memory_space<vmem>>, %arg4: memref<12x64xf32, #tpu.memory_space<vmem>>, %arg5: memref<1x64xf32, #tpu.memory_space<vmem>>, %arg6: memref<64x10xf32, #tpu.memory_space<vmem>>, %arg7: memref<1x10xf32, #tpu.memory_space<vmem>>, %arg8: memref<256x10xf32, #tpu.memory_space<vmem>>) attributes {dimension_semantics = [], scalar_prefetch = 0 : i64, scratch_operands = 0 : i64, tpu.core_type = #tpu.core_type<tc>} {
    %get3A = arith.constant 0 : index
    %get3A_0 = arith.constant 0 : index
    %get3A_1 = arith.constant 0 : index
    %get3A_2 = vector.load %arg0[%get3A, %get3A_0, %get3A_1] : memref<32x32x128xf32, #tpu.memory_space<vmem>>, vector<32x32x128xf32>
    %reduce_sum3A = arith.constant dense<0.000000e+00> : vector<32x128xf32>
    %reduce_sum3A_3 = vector.multi_reduction <add>, %get3A_2, %reduce_sum3A [0] : vector<32x32x128xf32> to vector<32x128xf32>
    %slice3A = vector.extract_strided_slice %reduce_sum3A_3 {offsets = [0, 0], sizes = [32, 16], strides = [1, 1]} : vector<32x128xf32> to vector<32x16xf32>
    %slice3A_4 = vector.extract_strided_slice %reduce_sum3A_3 {offsets = [0, 16], sizes = [32, 16], strides = [1, 1]} : vector<32x128xf32> to vector<32x16xf32>
    %slice3A_5 = vector.extract_strided_slice %reduce_sum3A_3 {offsets = [0, 32], sizes = [32, 16], strides = [1, 1]} : vector<32x128xf32> to vector<32x16xf32>
    %slice3A_6 = vector.extract_strided_slice %reduce_sum3A_3 {offsets = [0, 48], sizes = [32, 16], strides = [1, 1]} : vector<32x128xf32> to vector<32x16xf32>
    %slice3A_7 = vector.extract_strided_slice %reduce_sum3A_3 {offsets = [0, 64], sizes = [32, 16], strides = [1, 1]} : vector<32x128xf32> to vector<32x16xf32>
    %slice3A_8 = vector.extract_strided_slice %reduce_sum3A_3 {offsets = [0, 80], sizes = [32, 16], strides = [1, 1]} : vector<32x128xf32> to vector<32x16xf32>
    %slice3A_9 = vector.extract_strided_slice %reduce_sum3A_3 {offsets = [0, 96], sizes = [32, 16], strides = [1, 1]} : vector<32x128xf32> to vector<32x16xf32>
    %slice3A_10 = vector.extract_strided_slice %reduce_sum3A_3 {offsets = [0, 112], sizes = [32, 16], strides = [1, 1]} : vector<32x128xf32> to vector<32x16xf32>
    %concatenate3A = tpu.concatenate %slice3A, %slice3A_4, %slice3A_5, %slice3A_6, %slice3A_7, %slice3A_8, %slice3A_9, %slice3A_10 in 0 : vector<32x16xf32>, vector<32x16xf32>, vector<32x16xf32>, vector<32x16xf32>, vector<32x16xf32>, vector<32x16xf32>, vector<32x16xf32>, vector<32x16xf32> -> vector<256x16xf32>
    %slice3A_11 = vector.extract_strided_slice %concatenate3A {offsets = [0, 0], sizes = [256, 10], strides = [1, 1]} : vector<256x16xf32> to vector<256x10xf32>
    %reduce_sum3A_12 = arith.constant dense<0.000000e+00> : vector<10xf32>
    %reduce_sum3A_13 = vector.multi_reduction <add>, %slice3A_11, %reduce_sum3A_12 [0] : vector<256x10xf32> to vector<10xf32>
    %broadcast_in_dim3A = vector.shape_cast %reduce_sum3A_13 : vector<10xf32> to vector<1x10xf32>
    %div3A = arith.constant 2.560000e+02 : f32
    %div3A_14 = vector.broadcast %div3A : f32 to vector<1x10xf32>
    %div3A_15 = arith.divf %broadcast_in_dim3A, %div3A_14 : vector<1x10xf32>
    %sub3A = vector.broadcast %div3A_15 : vector<1x10xf32> to vector<256x10xf32>
    %sub3A_16 = arith.subf %slice3A_11, %sub3A : vector<256x10xf32>
    %integer_pow3A = arith.mulf %sub3A_16, %sub3A_16 : vector<256x10xf32>
    %reduce_sum3A_17 = arith.constant dense<0.000000e+00> : vector<10xf32>
    %reduce_sum3A_18 = vector.multi_reduction <add>, %integer_pow3A, %reduce_sum3A_17 [0] : vector<256x10xf32> to vector<10xf32>
    %broadcast_in_dim3A_19 = vector.shape_cast %reduce_sum3A_18 : vector<10xf32> to vector<1x10xf32>
    %div3A_20 = arith.constant 2.560000e+02 : f32
    %div3A_21 = vector.broadcast %div3A_20 : f32 to vector<1x10xf32>
    %div3A_22 = arith.divf %broadcast_in_dim3A_19, %div3A_21 : vector<1x10xf32>
    %sub3A_23 = vector.broadcast %div3A_15 : vector<1x10xf32> to vector<256x10xf32>
    %sub3A_24 = arith.subf %slice3A_11, %sub3A_23 : vector<256x10xf32>
    %add3A = arith.constant 9.99999974E-6 : f32
    %add3A_25 = vector.broadcast %add3A : f32 to vector<1x10xf32>
    %add3A_26 = arith.addf %div3A_22, %add3A_25 : vector<1x10xf32>
    %rsqrt3A = math.rsqrt %add3A_26 : vector<1x10xf32>
    %mul3A = vector.broadcast %rsqrt3A : vector<1x10xf32> to vector<256x10xf32>
    %mul3A_27 = arith.mulf %sub3A_24, %mul3A : vector<256x10xf32>
    %get3A_28 = arith.constant 0 : index
    %get3A_29 = arith.constant 0 : index
    %get3A_30 = vector.load %arg2[%get3A_28, %get3A_29] : memref<1x12xf32, #tpu.memory_space<vmem>>, vector<1x10xf32>
    %mul3A_31 = vector.broadcast %get3A_30 : vector<1x10xf32> to vector<256x10xf32>
    %mul3A_32 = arith.mulf %mul3A_27, %mul3A_31 : vector<256x10xf32>
    %get3A_33 = arith.constant 0 : index
    %get3A_34 = arith.constant 0 : index
    %get3A_35 = vector.load %arg3[%get3A_33, %get3A_34] : memref<1x12xf32, #tpu.memory_space<vmem>>, vector<1x10xf32>
    %add3A_36 = vector.broadcast %get3A_35 : vector<1x10xf32> to vector<256x10xf32>
    %add3A_37 = arith.addf %mul3A_32, %add3A_36 : vector<256x10xf32>
    %get3A_38 = arith.constant 0 : index
    %get3A_39 = arith.constant 0 : index
    %get3A_40 = vector.load %arg1[%get3A_38, %get3A_39] : memref<256x2xf32, #tpu.memory_space<vmem>>, vector<256x2xf32>
    %reduce_sum3A_41 = arith.constant dense<0.000000e+00> : vector<2xf32>
    %reduce_sum3A_42 = vector.multi_reduction <add>, %get3A_40, %reduce_sum3A_41 [0] : vector<256x2xf32> to vector<2xf32>
    %broadcast_in_dim3A_43 = vector.shape_cast %reduce_sum3A_42 : vector<2xf32> to vector<1x2xf32>
    %div3A_44 = arith.constant 2.560000e+02 : f32
    %div3A_45 = vector.broadcast %div3A_44 : f32 to vector<1x2xf32>
    %div3A_46 = arith.divf %broadcast_in_dim3A_43, %div3A_45 : vector<1x2xf32>
    %sub3A_47 = vector.broadcast %div3A_46 : vector<1x2xf32> to vector<256x2xf32>
    %sub3A_48 = arith.subf %get3A_40, %sub3A_47 : vector<256x2xf32>
    %integer_pow3A_49 = arith.mulf %sub3A_48, %sub3A_48 : vector<256x2xf32>
    %reduce_sum3A_50 = arith.constant dense<0.000000e+00> : vector<2xf32>
    %reduce_sum3A_51 = vector.multi_reduction <add>, %integer_pow3A_49, %reduce_sum3A_50 [0] : vector<256x2xf32> to vector<2xf32>
    %broadcast_in_dim3A_52 = vector.shape_cast %reduce_sum3A_51 : vector<2xf32> to vector<1x2xf32>
    %div3A_53 = arith.constant 2.560000e+02 : f32
    %div3A_54 = vector.broadcast %div3A_53 : f32 to vector<1x2xf32>
    %div3A_55 = arith.divf %broadcast_in_dim3A_52, %div3A_54 : vector<1x2xf32>
    %sub3A_56 = vector.broadcast %div3A_46 : vector<1x2xf32> to vector<256x2xf32>
    %sub3A_57 = arith.subf %get3A_40, %sub3A_56 : vector<256x2xf32>
    %add3A_58 = arith.constant 9.99999974E-6 : f32
    %add3A_59 = vector.broadcast %add3A_58 : f32 to vector<1x2xf32>
    %add3A_60 = arith.addf %div3A_55, %add3A_59 : vector<1x2xf32>
    %rsqrt3A_61 = math.rsqrt %add3A_60 : vector<1x2xf32>
    %mul3A_62 = vector.broadcast %rsqrt3A_61 : vector<1x2xf32> to vector<256x2xf32>
    %mul3A_63 = arith.mulf %sub3A_57, %mul3A_62 : vector<256x2xf32>
    %get3A_64 = arith.constant 0 : index
    %get3A_65 = arith.constant 10 : index
    %get3A_66 = vector.load %arg2[%get3A_64, %get3A_65] : memref<1x12xf32, #tpu.memory_space<vmem>>, vector<1x2xf32>
    %mul3A_67 = vector.broadcast %get3A_66 : vector<1x2xf32> to vector<256x2xf32>
    %mul3A_68 = arith.mulf %mul3A_63, %mul3A_67 : vector<256x2xf32>
    %get3A_69 = arith.constant 0 : index
    %get3A_70 = arith.constant 10 : index
    %get3A_71 = vector.load %arg3[%get3A_69, %get3A_70] : memref<1x12xf32, #tpu.memory_space<vmem>>, vector<1x2xf32>
    %add3A_72 = vector.broadcast %get3A_71 : vector<1x2xf32> to vector<256x2xf32>
    %add3A_73 = arith.addf %mul3A_68, %add3A_72 : vector<256x2xf32>
    %get3A_74 = arith.constant 0 : index
    %get3A_75 = arith.constant 0 : index
    %get3A_76 = vector.load %arg4[%get3A_74, %get3A_75] : memref<12x64xf32, #tpu.memory_space<vmem>>, vector<10x64xf32>
    %dot_general3A = arith.constant dense<0.000000e+00> : vector<256x64xf32>
    %dot_general3A_77 = tpu.matmul %add3A_37, %get3A_76, %dot_general3A {dimension_numbers = #tpu.dot_dimension_numbers<[1], [0], [0], [1], [0, 0, 1, 1], [], []>, transpose_lhs_hint = false} : vector<256x10xf32>, vector<10x64xf32>, vector<256x64xf32> -> vector<256x64xf32>
    %get3A_78 = arith.constant 10 : index
    %get3A_79 = arith.constant 0 : index
    %get3A_80 = vector.load %arg4[%get3A_78, %get3A_79] : memref<12x64xf32, #tpu.memory_space<vmem>>, vector<2x64xf32>
    %dot_general3A_81 = arith.constant dense<0.000000e+00> : vector<256x64xf32>
    %dot_general3A_82 = tpu.matmul %add3A_73, %get3A_80, %dot_general3A_81 {dimension_numbers = #tpu.dot_dimension_numbers<[1], [0], [0], [1], [0, 0, 1, 1], [], []>, transpose_lhs_hint = false} : vector<256x2xf32>, vector<2x64xf32>, vector<256x64xf32> -> vector<256x64xf32>
    %add3A_83 = arith.addf %dot_general3A_77, %dot_general3A_82 : vector<256x64xf32>
    %get3A_84 = arith.constant 0 : index
    %get3A_85 = arith.constant 0 : index
    %get3A_86 = vector.load %arg5[%get3A_84, %get3A_85] : memref<1x64xf32, #tpu.memory_space<vmem>>, vector<1x64xf32>
    %add3A_87 = vector.broadcast %get3A_86 : vector<1x64xf32> to vector<256x64xf32>
    %add3A_88 = arith.addf %add3A_83, %add3A_87 : vector<256x64xf32>
    %max3A = arith.constant 0.000000e+00 : f32
    %max3A_89 = vector.broadcast %max3A : f32 to vector<256x64xf32>
    %max3A_90 = arith.maximumf %add3A_88, %max3A_89 : vector<256x64xf32>
    %get3A_91 = arith.constant 0 : index
    %get3A_92 = arith.constant 0 : index
    %get3A_93 = vector.load %arg6[%get3A_91, %get3A_92] : memref<64x10xf32, #tpu.memory_space<vmem>>, vector<64x10xf32>
    %dot_general3A_94 = arith.constant dense<0.000000e+00> : vector<256x10xf32>
    %dot_general3A_95 = tpu.matmul %max3A_90, %get3A_93, %dot_general3A_94 {dimension_numbers = #tpu.dot_dimension_numbers<[1], [0], [0], [1], [0, 0, 1, 1], [], []>, transpose_lhs_hint = false} : vector<256x64xf32>, vector<64x10xf32>, vector<256x10xf32> -> vector<256x10xf32>
    %get3A_96 = arith.constant 0 : index
    %get3A_97 = arith.constant 0 : index
    %get3A_98 = vector.load %arg7[%get3A_96, %get3A_97] : memref<1x10xf32, #tpu.memory_space<vmem>>, vector<1x10xf32>
    %add3A_99 = vector.broadcast %get3A_98 : vector<1x10xf32> to vector<256x10xf32>
    %add3A_100 = arith.addf %dot_general3A_95, %add3A_99 : vector<256x10xf32>
    %swap3A = arith.constant 0 : index
    %swap3A_101 = arith.constant 0 : index
    %swap3A_102 = vector.load %arg8[%swap3A, %swap3A_101] : memref<256x10xf32, #tpu.memory_space<vmem>>, vector<256x10xf32>
    tpu.vector_store %arg8[%swap3A, %swap3A_101], %add3A_100 {strides = array<i32>} : memref<256x10xf32, #tpu.memory_space<vmem>>, vector<256x10xf32>,
    return
  }
}

module attributes {stable_mosaic.version = 14 : i64} {
  func.func @_nodewise_body(%arg0: i32, %arg1: memref<12800x128xf32, #tpu.memory_space<vmem>>, %arg2: memref<12800x128xf32, #tpu.memory_space<vmem>>, %arg3: memref<256x10xf32, #tpu.memory_space<vmem>>, %arg4: memref<128x10xf32, #tpu.memory_space<vmem>>, %arg5: memref<1x10xf32, #tpu.memory_space<vmem>>, %arg6: memref<1x10xf32, #tpu.memory_space<vmem>>, %arg7: memref<1600x128xf32, #tpu.memory_space<vmem>>) attributes {dimension_semantics = [#tpu.dimension_semantics<arbitrary>], iteration_bounds = array<i64: 8>, scalar_prefetch = 0 : i64, scratch_operands = 0 : i64, tpu.core_type = #tpu.core_type<tc>, window_params = [{transform_indices = @transform_0, window_bounds = array<i64: 12800, 128>}, {transform_indices = @transform_1, window_bounds = array<i64: 12800, 128>}, {pipeline_mode = #tpu.pipeline_mode<synchronous>, transform_indices = @transform_2, window_bounds = array<i64: 256, 10>}, {pipeline_mode = #tpu.pipeline_mode<synchronous>, transform_indices = @transform_3, window_bounds = array<i64: 128, 10>}, {pipeline_mode = #tpu.pipeline_mode<synchronous>, transform_indices = @transform_4, window_bounds = array<i64: 1, 10>}, {pipeline_mode = #tpu.pipeline_mode<synchronous>, transform_indices = @transform_5, window_bounds = array<i64: 1, 10>}, {transform_indices = @transform_6, window_bounds = array<i64: 1600, 128>}]} {
    %get3A = arith.constant 0 : index
    %get3A_0 = arith.constant 0 : index
    %get3A_1 = vector.load %arg1[%get3A, %get3A_0] : memref<12800x128xf32, #tpu.memory_space<vmem>>, vector<12800x128xf32>
    %get3A_2 = arith.constant 0 : index
    %get3A_3 = arith.constant 0 : index
    %get3A_4 = vector.load %arg3[%get3A_2, %get3A_3] : memref<256x10xf32, #tpu.memory_space<vmem>>, vector<128x10xf32>
    %dot_general3A = arith.constant dense<0.000000e+00> : vector<12800x10xf32>
    %dot_general3A_5 = tpu.matmul %get3A_1, %get3A_4, %dot_general3A {dimension_numbers = #tpu.dot_dimension_numbers<[1], [0], [0], [1], [0, 0, 1, 1], [], []>, transpose_lhs_hint = false} : vector<12800x128xf32>, vector<128x10xf32>, vector<12800x10xf32> -> vector<12800x10xf32>
    %get3A_6 = arith.constant 0 : index
    %get3A_7 = arith.constant 0 : index
    %get3A_8 = vector.load %arg2[%get3A_6, %get3A_7] : memref<12800x128xf32, #tpu.memory_space<vmem>>, vector<12800x128xf32>
    %get3A_9 = arith.constant 128 : index
    %get3A_10 = arith.constant 0 : index
    %get3A_11 = vector.load %arg3[%get3A_9, %get3A_10] : memref<256x10xf32, #tpu.memory_space<vmem>>, vector<128x10xf32>
    %dot_general3A_12 = arith.constant dense<0.000000e+00> : vector<12800x10xf32>
    %dot_general3A_13 = tpu.matmul %get3A_8, %get3A_11, %dot_general3A_12 {dimension_numbers = #tpu.dot_dimension_numbers<[1], [0], [0], [1], [0, 0, 1, 1], [], []>, transpose_lhs_hint = false} : vector<12800x128xf32>, vector<128x10xf32>, vector<12800x10xf32> -> vector<12800x10xf32>
    %get3A_14 = arith.constant 0 : index
    %get3A_15 = arith.constant 0 : index
    %get3A_16 = vector.load %arg2[%get3A_14, %get3A_15] : memref<12800x128xf32, #tpu.memory_space<vmem>>, vector<12800x128xf32>
    %get3A_17 = arith.constant 0 : index
    %get3A_18 = arith.constant 0 : index
    %get3A_19 = vector.load %arg4[%get3A_17, %get3A_18] : memref<128x10xf32, #tpu.memory_space<vmem>>, vector<128x10xf32>
    %dot_general3A_20 = arith.constant dense<0.000000e+00> : vector<12800x10xf32>
    %dot_general3A_21 = tpu.matmul %get3A_16, %get3A_19, %dot_general3A_20 {dimension_numbers = #tpu.dot_dimension_numbers<[1], [0], [0], [1], [0, 0, 1, 1], [], []>, transpose_lhs_hint = false} : vector<12800x128xf32>, vector<128x10xf32>, vector<12800x10xf32> -> vector<12800x10xf32>
    %add3A = arith.addf %dot_general3A_5, %dot_general3A_13 : vector<12800x10xf32>
    %get3A_22 = arith.constant 0 : index
    %get3A_23 = arith.constant 0 : index
    %get3A_24 = vector.load %arg5[%get3A_22, %get3A_23] : memref<1x10xf32, #tpu.memory_space<vmem>>, vector<1x10xf32>
    %add3A_25 = vector.broadcast %get3A_24 : vector<1x10xf32> to vector<12800x10xf32>
    %add3A_26 = arith.addf %add3A, %add3A_25 : vector<12800x10xf32>
    %logistic3A = arith.negf %add3A_26 : vector<12800x10xf32>
    %logistic3A_27 = math.exp %logistic3A : vector<12800x10xf32>
    %logistic3A_28 = arith.constant 1.000000e+00 : f32
    %logistic3A_29 = vector.broadcast %logistic3A_28 : f32 to vector<12800x10xf32>
    %logistic3A_30 = arith.addf %logistic3A_29, %logistic3A_27 : vector<12800x10xf32>
    %logistic3A_31 = arith.divf %logistic3A_29, %logistic3A_30 : vector<12800x10xf32>
    %get3A_32 = arith.constant 0 : index
    %get3A_33 = arith.constant 0 : index
    %get3A_34 = vector.load %arg6[%get3A_32, %get3A_33] : memref<1x10xf32, #tpu.memory_space<vmem>>, vector<1x10xf32>
    %add3A_35 = vector.broadcast %get3A_34 : vector<1x10xf32> to vector<12800x10xf32>
    %add3A_36 = arith.addf %dot_general3A_21, %add3A_35 : vector<12800x10xf32>
    %mul3A = arith.mulf %logistic3A_31, %add3A_36 : vector<12800x10xf32>
    %broadcast_in_dim3A = arith.constant 0.000000e+00 : f32
    %broadcast_in_dim3A_37 = vector.broadcast %broadcast_in_dim3A : f32 to vector<12800x6xf32>
    %concatenate3A = tpu.concatenate %mul3A, %broadcast_in_dim3A_37 in 1 : vector<12800x10xf32>, vector<12800x6xf32> -> vector<12800x16xf32>
    %mul3A_38 = arith.constant 12800 : i32
    %mul3A_39 = arith.muli %arg0, %mul3A_38 : i32
    %iota3A = tpu.iota {dimensions = array<i32: 0>} : vector<12800x16xi32>
    %add3A_40 = vector.broadcast %mul3A_39 : i32 to vector<12800x16xi32>
    %add3A_41 = arith.addi %add3A_40, %iota3A : vector<12800x16xi32>
    %lt3A = arith.constant 100000 : i32
    %lt3A_42 = vector.broadcast %lt3A : i32 to vector<12800x16xi32>
    %lt3A_43 = arith.cmpi slt, %add3A_41, %lt3A_42 : vector<12800x16xi32>
    %jit3A = arith.constant 0.000000e+00 : f32
    %broadcast_in_dim3A_44 = vector.broadcast %jit3A : f32 to vector<12800x16xf32>
    %select_n3A = arith.select %lt3A_43, %concatenate3A, %broadcast_in_dim3A_44 : vector<12800x16xi1>, vector<12800x16xf32>
    %slice3A = vector.extract_strided_slice %select_n3A {offsets = [0, 0], sizes = [1600, 16], strides = [1, 1]} : vector<12800x16xf32> to vector<1600x16xf32>
    %slice3A_45 = vector.extract_strided_slice %select_n3A {offsets = [1600, 0], sizes = [1600, 16], strides = [1, 1]} : vector<12800x16xf32> to vector<1600x16xf32>
    %slice3A_46 = vector.extract_strided_slice %select_n3A {offsets = [3200, 0], sizes = [1600, 16], strides = [1, 1]} : vector<12800x16xf32> to vector<1600x16xf32>
    %slice3A_47 = vector.extract_strided_slice %select_n3A {offsets = [4800, 0], sizes = [1600, 16], strides = [1, 1]} : vector<12800x16xf32> to vector<1600x16xf32>
    %slice3A_48 = vector.extract_strided_slice %select_n3A {offsets = [6400, 0], sizes = [1600, 16], strides = [1, 1]} : vector<12800x16xf32> to vector<1600x16xf32>
    %slice3A_49 = vector.extract_strided_slice %select_n3A {offsets = [8000, 0], sizes = [1600, 16], strides = [1, 1]} : vector<12800x16xf32> to vector<1600x16xf32>
    %slice3A_50 = vector.extract_strided_slice %select_n3A {offsets = [9600, 0], sizes = [1600, 16], strides = [1, 1]} : vector<12800x16xf32> to vector<1600x16xf32>
    %slice3A_51 = vector.extract_strided_slice %select_n3A {offsets = [11200, 0], sizes = [1600, 16], strides = [1, 1]} : vector<12800x16xf32> to vector<1600x16xf32>
    %concatenate3A_52 = tpu.concatenate %slice3A, %slice3A_45, %slice3A_46, %slice3A_47, %slice3A_48, %slice3A_49, %slice3A_50, %slice3A_51 in 1 : vector<1600x16xf32>, vector<1600x16xf32>, vector<1600x16xf32>, vector<1600x16xf32>, vector<1600x16xf32>, vector<1600x16xf32>, vector<1600x16xf32>, vector<1600x16xf32> -> vector<1600x128xf32>
    %swap3A = arith.constant 0 : index
    %swap3A_53 = arith.constant 0 : index
    %swap3A_54 = vector.load %arg7[%swap3A, %swap3A_53] : memref<1600x128xf32, #tpu.memory_space<vmem>>, vector<1600x128xf32>
    tpu.vector_store %arg7[%swap3A, %swap3A_53], %concatenate3A_52 {strides = array<i32>} : memref<1600x128xf32, #tpu.memory_space<vmem>>, vector<1600x128xf32>,
    return
  }
  func.func @transform_0(%arg0: i32) -> (i32, i32) {
    %c0_i32 = arith.constant 0 : i32
    %c0_i32_0 = arith.constant 0 : i32
    return %arg0, %c0_i32 : i32, i32
  }
  func.func @transform_1(%arg0: i32) -> (i32, i32) {
    %c0_i32 = arith.constant 0 : i32
    %c0_i32_0 = arith.constant 0 : i32
    return %arg0, %c0_i32 : i32, i32
  }
  func.func @transform_2(%arg0: i32) -> (i32, i32) {
    %c0_i32 = arith.constant 0 : i32
    %c0_i32_0 = arith.constant 0 : i32
    %c0_i32_1 = arith.constant 0 : i32
    return %c0_i32, %c0_i32_0 : i32, i32
  }
  func.func @transform_3(%arg0: i32) -> (i32, i32) {
    %c0_i32 = arith.constant 0 : i32
    %c0_i32_0 = arith.constant 0 : i32
    %c0_i32_1 = arith.constant 0 : i32
    return %c0_i32, %c0_i32_0 : i32, i32
  }
  func.func @transform_4(%arg0: i32) -> (i32, i32) {
    %c0_i32 = arith.constant 0 : i32
    %c0_i32_0 = arith.constant 0 : i32
    %c0_i32_1 = arith.constant 0 : i32
    return %c0_i32, %c0_i32_0 : i32, i32
  }
  func.func @transform_5(%arg0: i32) -> (i32, i32) {
    %c0_i32 = arith.constant 0 : i32
    %c0_i32_0 = arith.constant 0 : i32
    %c0_i32_1 = arith.constant 0 : i32
    return %c0_i32, %c0_i32_0 : i32, i32
  }
  func.func @transform_6(%arg0: i32) -> (i32, i32) {
    %c0_i32 = arith.constant 0 : i32
    %c0_i32_0 = arith.constant 0 : i32
    return %arg0, %c0_i32 : i32, i32
  }
}

</mosaic_0001>

<sc_bundles>
// kernel: kernel.5.cloned.1.call-start
scs
__scs_entry_jumppad:
0x0: {  	(pc) =	sbr.rel $0x88, $3  }
0x1: {  	(tag) =	ssettag $0x0;
	lr =	simm.s32 $0x1  }
0x2: {  	[smem:$0x3F93] =	sst lr;
	_ =	strace $0xD0000000  }
0x3: {  	_ = 	snop  }
0x4: {  	_ = 	snop  }
0x5: {  	_ = 	snop  }
0x6: {  	_ = 	snop  }
0x7: {  	_ = 	snop  }
__scs_overlays_trampoline_lowered:
0x8: {  	[smem:$0x3FA2] =	sst s0  }
0x9: {  	[smem:$0x3FA3] =	sst s1  }
0xa: {  	[smem:$0x3FA4] =	sst s2  }
0xb: {  	[smem:$0x3FA5] =	sst s3  }
0xc: {  	[smem:$0x3FA6] =	sst s4  }
0xd: {  	[smem:$0x3FA7] =	sst s5  }
0xe: {  	[smem:$0x3FA8] =	sst s6  }
0xf: {  	[smem:$0x3FA9] =	sst s7  }
0x10: {  	[smem:$0x3FAA] =	sst s8  }
0x11: {  	[smem:$0x3FAB] =	sst s9;
	s0 =	simm.s32 @!p0 $0x0  }
0x12: {  	s1 =	sld [smem:$0x3F91];
	s0 =	simm.s32 @p0 $0x1  }
0x13: {  	[smem:$0x3FAC] =	sst s0;
	s0 =	simm.s32 @!p1 $0x0  }
0x14: {  	s2 =	sld [smem:$0x3F90];
	s0 =	simm.s32 @p1 $0x1  }
0x15: {  	[smem:$0x3FAD] =	sst s0;
	s0 =	simm.s32 @!p2 $0x0  }
0x16: {  	s3 =	sld [smem:$0x3FDB];
	s0 =	simm.s32 @p2 $0x1  }
0x17: {  	s4 =	simm.s32 $0x1BF5;
	[smem:$0x3FAF] =	sst s0  }
0x18: {  	s0 =	sld [smem:$0x3F92];
	_ =	swait.ge [sflag:s4], $0x0  }
0x19: {  	s7 =	sld [smem:$0x3F93]  }
0x1a: {  	s8 =	sadd.s32 $0xFFFFE003, lr  }
0x1b: {  	s9 =	sadd.s32 $0xFFFFFEF7, lr;
	s5 =	simm.s32 $0xFFFFFFFF;
	p2 =	slt.u32 s8, $0xFFFFF086  }
0x1c: {  	p1 =	slt.u32 s9, $0xF7A;
	s5 =	simm.s32 @!p2 $0x0  }
0x1d: {  	s5 =	simm.s32 @p1 $0x1;
	p0 =	seq.s32 s7, s2  }
0x1e: {  	s7 =	smul.u32 @!p0 $0xF7A, s2;
	p2 =	seq.s32 @!p0 s5, $0x0  }
0x1f: {  	s9 =	smul.u32 $0xF7A, s1;
	s8 =	simm.s32 @!p0 $0x1BF5;
	p2 =	por !p2, p0  }
0x20: {  	[sflag:s8] =	ssyncset.s32 @!p0 $0xFFFFF086;
	s6 =	sadd.s32 @!p0 s3, s7;
	s7 =	simm.s32 @!p0 $0x108  }
0x21: {  	s3 =	sadd.s32 s3, s9;
	s6 =	sadd.s32 @!p0 $0x88, s6;
	s7 =	simm.s32 @p2 $0x1082  }
0x22: {  	[simem:s7], [sflag:s8] =	dma.local @!p0 [hbm:s6], $0xF7A  }
0x23: {  	s9 =	sor.u32 $0xD0000000, s2;
	s6 =	simm.s32 $0x108;
	_ =	swait.ge @!p0 [sflag:s8], $0x0  }
0x24: {  	s3 =	sadd.s32 $0x88, s3;
	s6 =	simm.s32 @!p1 $0x1082;
	[sflag:s4] =	ssyncset.s32 $0xFFFFF086  }
0x25: {  	[simem:s6], [sflag:s4] =	dma.local [hbm:s3], $0xF7A  }
0x26: {  	[smem:$0x3F93] =	sst s1;
	(tag) =	ssettag s2;
	_ =	strace s9  }
0x27: {  	s1 =	sld [smem:$0x3FA3]  }
0x28: {  	s2 =	sld [smem:$0x3FA4]  }
0x29: {  	s4 =	sld [smem:$0x3FA6]  }
0x2a: {  	p0 =	seq.s32 s5, $0x0;
	s5 =	sld [smem:$0x3FA7]  }
0x2b: {  	s6 =	sld [smem:$0x3FA8]  }
0x2c: {  	s7 =	sld [smem:$0x3FA9]  }
0x2d: {  	s3 =	simm.s32 $0x108;
	s8 =	sld [smem:$0x3FAA]  }
0x2e: {  	s3 =	simm.s32 @!p0 $0x1082;
	s9 =	sld [smem:$0x3FAB]  }
0x2f: {  	lr =	sadd.s32 s0, s3;
	s0 =	sld [smem:$0x3FA2]  }
0x30: {  	s3 =	sld [smem:$0x3FA5]  }
0x31: {  	[smem:$0x3FAE] =	sst s10  }
0x32: {  	s10 =	sld [smem:$0x3FAC];
	_ =	sdelay $0x3  }
0x33: {  	p0 =	seq.s32 s10, $0x1;
	s10 =	sld [smem:$0x3FAE];
	_ =	sdelay $0x3  }
0x34: {  	[smem:$0x3FAE] =	sst s10  }
0x35: {  	s10 =	sld [smem:$0x3FAD];
	_ =	sdelay $0x3  }
0x36: {  	p1 =	seq.s32 s10, $0x1;
	s10 =	sld [smem:$0x3FAE];
	_ =	sdelay $0x3  }
0x37: {  	[smem:$0x3FAE] =	sst s10  }
0x38: {  	s10 =	sld [smem:$0x3FAF]  }
0x39: {  	_ = 	snop;
	(pc) =	sbr.ind lr, $3  }
0x3a: {  	_ = 	snop  }
0x3b: {  	_ = 	snop  }
0x3c: {  	p2 =	seq.s32 s10, $0x1;
	s10 =	sld [smem:$0x3FAE]  }
0x3d: {  	_ =	shalt  }
0x3e: {  	_ =	shalt  }
0x3f: {  	_ =	shalt  }
0x40: {  	_ =	shalt  }
0x41: {  	_ =	shalt  }
0x42: {  	_ =	shalt  }
0x43: {  	_ =	shalt  }
0x44: {  	_ =	shalt  }
0x45: {  	_ =	shalt  }
0x46: {  	_ =	shalt  }
0x47: {  	_ =	shalt  }
0x48: {  	_ =	shalt  }
0x49: {  	_ =	shalt  }
0x4a: {  	_ =	shalt  }
0x4b: {  	_ =	shalt  }
0x4c: {  	_ =	shalt  }
0x4d: {  	_ =	shalt  }
0x4e: {  	_ =	shalt  }
0x4f: {  	_ =	shalt  }
0x50: {  	_ =	shalt  }
0x51: {  	_ =	shalt  }
0x52: {  	_ =	shalt  }
0x53: {  	_ =	shalt  }
0x54: {  	_ =	shalt  }
0x55: {  	_ =	shalt  }
0x56: {  	_ =	shalt  }
0x57: {  	_ =	shalt  }
0x58: {  	_ =	shalt  }
0x59: {  	_ =	shalt  }
0x5a: {  	_ =	shalt  }
0x5b: {  	_ =	shalt  }
0x5c: {  	_ =	shalt  }
0x5d: {  	_ =	shalt  }
0x5e: {  	_ =	shalt  }
0x5f: {  	_ =	shalt  }
0x60: {  	_ =	shalt  }
0x61: {  	_ =	shalt  }
0x62: {  	_ =	shalt  }
0x63: {  	_ =	shalt  }
0x64: {  	_ =	shalt  }
0x65: {  	_ =	shalt  }
0x66: {  	_ =	shalt  }
0x67: {  	_ =	shalt  }
0x68: {  	_ =	shalt  }
0x69: {  	_ =	shalt  }
0x6a: {  	_ =	shalt  }
0x6b: {  	_ =	shalt  }
0x6c: {  	_ =	shalt  }
0x6d: {  	_ =	shalt  }
0x6e: {  	_ =	shalt  }
0x6f: {  	_ =	shalt  }
0x70: {  	_ =	shalt  }
0x71: {  	_ =	shalt  }
0x72: {  	_ =	shalt  }
0x73: {  	_ =	shalt  }
0x74: {  	_ =	shalt  }
0x75: {  	_ =	shalt  }
0x76: {  	_ =	shalt  }
0x77: {  	_ =	shalt  }
0x78: {  	_ =	shalt  }
0x79: {  	_ =	shalt  }
0x7a: {  	_ =	shalt  }
0x7b: {  	_ =	shalt  }
0x7c: {  	_ =	shalt  }
0x7d: {  	_ =	shalt  }
0x7e: {  	_ =	shalt  }
0x7f: {  	_ =	shalt  }
0x80: {  	_ =	shalt  }
0x81: {  	_ =	shalt  }
0x82: {  	_ =	shalt  }
0x83: {  	_ =	shalt  }
0x84: {  	_ =	shalt  }
0x85: {  	_ =	shalt  }
0x86: {  	_ =	shalt  }
0x87: {  	_ =	shalt  }
.Lfunc_end0:
.L_simem_size_0:
called_computation_lowered:
.L_overlay_start_0:
0x88: {  	s2 =	sld [smem:$0x3FD9]  }
0x89: {  	s3 =	sld [smem:$0x3FFE];
	_ =	sdelay $0x1  }
0x8a: {  	s1 =	srdreg.scid  }
0x8b: {  	s0 =	sand.u32 $0x1, s1  }
0x8c: {  	s17 =	sshll.u32 s0, $0xA;
	s2 =	sadd.s32 s3, s2  }
0x8d: {  	s2 =	sadd.s32 s2, s17  }
0x8e: {  	[smem:$0x3FBA] =	sst s2  }
0x8f: {  	_ = 	snop  }
0x90: {  	s2 =	sld [smem:$0x3FC6];
	(tm) =	ssettm $0x1  }
0x91: {  	s18 =	sld [smem:$0x3FFB];
	_ =	sdelay $0x3  }
0x92: {  	_ =	strace s18  }
0x93: {  	s3 =	sld [smem:$0x3FFC];
	_ =	sdelay $0x3  }
0x94: {  	_ =	strace s3  }
0x95: {  	s3 =	sld [smem:$0x3FFD];
	_ =	sdelay $0x3  }
0x96: {  	_ =	strace s3  }
0x97: {  	_ =	strace $0x8FFFFFFF  }
0x98: {  	s19 =	sld [smem:$0x3FDB];
	_ =	sdelay $0x1  }
0x99: {  	s4 =	simm.s32 $_scs_section_size  }
0x9a: {  	s5 =	simm.s32 $_size__tile_overlayer_lowered;
	s6 =	simm.s32 $_tile_overlayer_lowered  }
0x9b: {  	s22 =	simm.s32 $0x1BFF;
	s21 =	sshll.u32 s6, $0x1;
	s3 =	sadd.s32 s4, s19  }
0x9c: {  	s7 =	simm.s32 $0x0;
	s20 =	sshll.u32 s5, $0x1;
	s5 =	sadd.s32 s21, s3  }
0x9d: {  	[timem:s7], [sflag:s22] =	dma.local [hbm:s5], s20  }
0x9e: {  	_ =	swait.ge [sflag:s22], s20  }
0x9f: {  	s4 =	ssub.s32 $0x0, s20;
	[sflag:s22] =	ssyncset.done $0x0  }
0xa0: {  	[sflag:s22] =	ssyncadd.s32 s4;
	_ =	sdelay $0x1  }
0xa1: {  	s23 =	simm.s32 $0x1B8B  }
0xa2: {  	_ =	swait.ge [sflag:s23], $0x1  }
0xa3: {  	[sflag:s23] =	ssyncset.done $0x0  }
0xa4: {  	s25 =	simm.s32 $0x1B8E;
	s24 =	sld [smem:$0x3FFE];
	[sflag:s23] =	ssyncadd.s32 $0xFFFFFFFF  }
0xa5: {  	s26 =	simm.s32 $execute0_lowered;
	[smem:$0x3FD2] =	sst s25  }
0xa6: {  	s5 =	sshll.u32 s26, $0x1;
	_ =	strace $0x80000046;
	[dreg:$0x1] =	wrdreg $0xFFFFFFFF  }
0xa7: {  	s28 =	simm.s32 $_size_execute0_lowered;
	s3 =	sadd.s32 s3, s5;
	[dreg:$0x0] =	wrdreg $0x0  }
0xa8: {  	s5 =	sshll.u32 s28, $0x1;
	[dreg:$0x2] =	wrdreg s3  }
0xa9: {  	[dreg:$0x3] =	wrdreg s5  }
0xaa: {  	[dreg:$0x4] =	wrdreg $0xC0  }
0xab: {  	_ =	task [dreg:s7], $0x5FFFF  }
0xac: {  	[dreg:$0x1] =	wrdreg $0xFFFFFFFF  }
0xad: {  	[dreg:$0x0] =	wrdreg $0x60  }
0xae: {  	[dreg:$0x2] =	wrdreg s24  }
0xaf: {  	[dreg:$0x3] =	wrdreg s2  }
0xb0: {  	[dreg:$0x4] =	wrdreg $0x9  }
0xb1: {  	_ =	task.clear_ibuf [dreg:s7], $0x5FFFF;
	_ =	strace $0x90000046  }
0xb2: {  	s29 =	simm.s32 $0x9;
	_ =	strace $0x80000048  }
0xb3: {  	_ =	swait.ge [sflag:s29], $0x1  }
0xb4: {  	[sflag:s29] =	ssyncadd.s32 $0xFFFFFFFF  }
0xb5: {  	_ =	strace $0x90000048  }
0xb6: {  	_ =	sfence  }
0xb7: {  	s30 =	sld [smem:$0x0];
	_ =	sdelay $0x2  }
0xb8: {  	s31 =	sshll.u32 s1, $0xD;
	s1 =	sshrl.u32 s1, $0x2  }
0xb9: {  	s3 =	sand.u32 $0x4000, s31;
	s1 =	sadd.s32 s1, s30  }
0xba: {  	s0 =	sor.u32 s3, s0;
	s1 =	sshll.u32 s1, $0x11  }
0xbb: {  	s0 =	sor.u32 s1, s0  }
0xbc: {  	s0 =	sadd.s32 $0x8F2B, s0  }
0xbd: {  	[sflag:s0] =	ssyncadd.remote.s32 $0x1  }
0xbe: {  	_ =	sfence.sel $0xFFFF  }
0xbf: {  	[dreg:$0x0] =	wrdreg $0xFFFFFFFF;
	(pc) =	sbr.abs _section_cstart, $3  }
0xc0: {  	[dreg:$0x1] =	wrdreg $0xFFFFFFFF  }
0xc1: {  	_ =	task.clear_ibuf [dreg:s7], $0x2FFFF;
	_ =	strace $0x9FFFFFFF  }
0xc2: {  	(tm) =	ssettm $0x7FFFFFFF  }
0xc3: {  	_ =	shalt  }
tec
execute0_lowered:
.L_overlay_start_1:
0x0: {  	(tag) =	ssettag $0x1  }
0x1: {  	s1 =	srdreg.scid;
	s3 =	rddreg [dreg:$0x0]  }
0x2: {  	s0 =	stileid.u32;
	s10 =	rddreg [dreg:$0x1]  }
0x3: {  	s2 =	simm.s32 $0x0;
	s16 =	simm.s32 $0xCB20;
	s17 =	simm.s32 $0xCCB0  }
0x4: {  	s18 =	simm.s32 $0xCE40;
	s19 =	simm.s32 $0xCFD0;
	s20 =	simm.s32 $0xD160  }
0x5: {  	s21 =	simm.s32 $0xD2F0;
	s22 =	simm.s32 $0x2;
	s23 =	simm.s32 $0x1  }
0x6: {  	s26 =	simm.s32 $0x0;
	s4 =	sand.u32 $0x1, s1;
	s29 =	sshll.u32 s0, $0x1  }
0x7: {  	s7 =	sshrl.u32 s0, $0x1;
	[smem:$0x7FF] =	sst s2;
	s5 =	sor.u32 s4, s29  }
0x8: {  	s7 =	smul.u32 $0x3200, s7;
	_ =	strace $0x80000047;
	s4 =	ssub.s32 $0x2, s4  }
0x9: {  	s6 =	smul.u32 $0x1900, s5;
	s8 =	sand.u32 $0x3, s5;
	s5 =	sshll.u32 s5, $0x9  }
0xa: {  	s30 =	sshrl.u32 s4, $0x1;
	s8 =	smul.u32 $0x190, s8;
	s12 =	sadd.s32 s5, s3  }
0xb: {  	s13 =	ssub.s32 s4, s30;
	s6 =	sadd.s32 s6, s3;
	s12 =	sadd.s32 $0x33A00, s12  }
0xc: {  	s13 =	smax.u32 s13, $0x1;
	s14 =	sadd.s32 s7, s8;
	s4 =	sadd.s32 $0x1A00, s6  }
0xd: {  	s8 =	sshrl.u32 s14, $0x3;
	s9 =	smin.u32 s14, $0x15F90;
	s11 =	smin.u32 s14, $0x15950  }
0xe: {  	s31 =	smax.u32 s14, $0x15F90;
	s14 =	smax.u32 s14, $0x15950;
	s3 =	sadd.s32 s10, s8  }
0xf: {  	s15 =	sshrl.u32 s9, $0x3;
	s11 =	sshrl.u32 s11, $0x3;
	s24 =	sadd.s32 $0xFFFF71D0, s31  }
.Ltmp0:
0x10: {  	s25 =	sadd.s32 $0xFFFF79A0, s14;
	s14 =	simm.s32 $0xC800;
	(pc) =	sbr.rel .LBB2_1-.Ltmp0, $4  }
0x11: {  	s5 =	sadd.s32 $0xC8, s3;
	s6 =	sadd.s32 $0x190, s3;
	s7 =	sadd.s32 $0x258, s3  }
0x12: {  	s8 =	sadd.s32 $0x320, s3;
	s9 =	sadd.s32 $0x3E8, s3;
	s15 =	sadd.s32 s10, s15  }
0x13: {  	s11 =	sadd.s32 s10, s11;
	v2 =	vmov s24;
	s24 =	simm.s32 $0xDE00;
	v3 =	vmov s25;
	s25 =	simm.s32 $0x3  }
0x14: {  	v0 =	vimm.f32 $0.0e+00;
	v1 =	vlaneseq.u32;
	s10 =	sadd.s32 $0x4B0, s15;
	s11 =	sadd.s32 $0x578, s11;
	s15 =	simm.s32 $0xC990  }
.LBB2_43:
0x15: {  	s26 =	sadd.s32 $0x1, s26  }
0x16: {  	p0 =	sne.s32 s26, s13  }
.Ltmp1:
0x17: {  	_ = 	snop;
	(pc) =	sbr.rel @!p0 .LBB2_44-.Ltmp1, $4  }
0x18: {  	[hbm4b:s12+s2] =	stream.linear.scatter [tilespmem:s24], [sflag:$0x3], $0x1000, $0x38;
	[tilespmem:$0xEE00] =	vst v63  }
0x19: {  	_ =	swait.ge [sflag:s25], $0x1000  }
0x1a: {  	[sflag:s25] =	ssyncset.done $0x0  }
0x1b: {  	[sflag:s25] =	ssyncadd.s32 $0xFFFFF000  }
.LBB2_1:
0x1c: {  	[tilespmem:s2], [sflag:$0x1] =	stream.linear.gather [hbm4b:s4+s2], $0xC800, $0x38;
	[tilespmem:$0xEE00] =	vst v63  }
0x1d: {  	_ = 	snop  }
0x1e: {  	[tilespmem:s14], [sflag:$0x2] =	stream.linear.gather [hbm4b:s3+s2], $0x190, $0x38;
	[tilespmem:$0xEE00] =	vst v63  }
0x1f: {  	_ = 	snop  }
0x20: {  	[tilespmem:s15], [sflag:$0x2] =	stream.linear.gather [hbm4b:s5+s2], $0x190, $0x38;
	[tilespmem:$0xEE00] =	vst v63  }
0x21: {  	_ = 	snop  }
0x22: {  	[tilespmem:s16], [sflag:$0x2] =	stream.linear.gather [hbm4b:s6+s2], $0x190, $0x38;
	[tilespmem:$0xEE00] =	vst v63  }
0x23: {  	_ = 	snop  }
0x24: {  	[tilespmem:s17], [sflag:$0x2] =	stream.linear.gather [hbm4b:s7+s2], $0x190, $0x38;
	[tilespmem:$0xEE00] =	vst v63  }
0x25: {  	_ = 	snop  }
0x26: {  	[tilespmem:s18], [sflag:$0x2] =	stream.linear.gather [hbm4b:s8+s2], $0x190, $0x38;
	[tilespmem:$0xEE00] =	vst v63  }
0x27: {  	_ = 	snop  }
0x28: {  	[tilespmem:s19], [sflag:$0x2] =	stream.linear.gather [hbm4b:s9+s2], $0x190, $0x38;
	[tilespmem:$0xEE00] =	vst v63  }
0x29: {  	_ = 	snop  }
0x2a: {  	[tilespmem:s20], [sflag:$0x2] =	stream.linear.gather [hbm4b:s10+s2], $0x190, $0x38;
	[tilespmem:$0xEE00] =	vst v63  }
0x2b: {  	s28 =	simm.s32 $0x0;
	s29 =	simm.s32 $0x200  }
0x2c: {  	[tilespmem:s21], [sflag:$0x2] =	stream.linear.gather [hbm4b:s11+s2], $0x190, $0x38;
	[tilespmem:$0xEE00] =	vst v63  }
.LBB2_2:
0x2d: {  	p0 =	sne.s32 s29, $0x3E00;
	[tilespmem:s28+$0xDE70] =	vst v0  }
0x2e: {  	[tilespmem:s28+$0xDE00] =	vst v0  }
0x2f: {  	[tilespmem:s28+$0xDE10] =	vst v0  }
.Ltmp2:
0x30: {  	[tilespmem:s28+$0xDE20] =	vst v0;
	(pc) =	sbr.rel @p0 .LBB2_2-.Ltmp2, $4  }
0x31: {  	[tilespmem:s28+$0xDE30] =	vst v0  }
0x32: {  	[tilespmem:s28+$0xDE40] =	vst v0  }
0x33: {  	[tilespmem:s28+$0xDE50] =	vst v0  }
0x34: {  	[tilespmem:s28+$0xDE60] =	vst v0;
	s28 =	sshra.s32 s29, $0x2;
	s29 =	sadd.s32 $0x200, s29  }
0x35: {  	[tilespmem:s28+$0xDE70] =	vst v0  }
0x36: {  	[tilespmem:s28+$0xDE00] =	vst v0  }
0x37: {  	[tilespmem:s28+$0xDE10] =	vst v0  }
0x38: {  	[tilespmem:s28+$0xDE20] =	vst v0  }
0x39: {  	[tilespmem:s28+$0xDE30] =	vst v0  }
0x3a: {  	[tilespmem:s28+$0xDE40] =	vst v0  }
0x3b: {  	[tilespmem:s28+$0xDE50] =	vst v0  }
0x3c: {  	[tilespmem:s28+$0xDE60] =	vst v0  }
0x3d: {  	_ =	swait.ge [sflag:s22], $0x190  }
0x3e: {  	[sflag:s22] =	ssyncset.done $0x0  }
0x3f: {  	[sflag:s22] =	ssyncadd.s32 $0xFFFFFE70  }
0x40: {  	_ =	swait.ge [sflag:s22], $0x190  }
0x41: {  	[sflag:s22] =	ssyncset.done $0x0  }
0x42: {  	[sflag:s22] =	ssyncadd.s32 $0xFFFFFE70  }
0x43: {  	_ =	swait.ge [sflag:s22], $0x190  }
0x44: {  	[sflag:s22] =	ssyncset.done $0x0  }
0x45: {  	[sflag:s22] =	ssyncadd.s32 $0xFFFFFE70  }
0x46: {  	_ =	swait.ge [sflag:s22], $0x190  }
0x47: {  	[sflag:s22] =	ssyncset.done $0x0  }
0x48: {  	[sflag:s22] =	ssyncadd.s32 $0xFFFFFE70  }
0x49: {  	_ =	swait.ge [sflag:s22], $0x190  }
0x4a: {  	[sflag:s22] =	ssyncset.done $0x0  }
0x4b: {  	[sflag:s22] =	ssyncadd.s32 $0xFFFFFE70  }
0x4c: {  	_ =	swait.ge [sflag:s22], $0x190  }
0x4d: {  	[sflag:s22] =	ssyncset.done $0x0  }
0x4e: {  	[sflag:s22] =	ssyncadd.s32 $0xFFFFFE70  }
0x4f: {  	_ =	swait.ge [sflag:s22], $0x190  }
0x50: {  	[sflag:s22] =	ssyncset.done $0x0  }
0x51: {  	[sflag:s22] =	ssyncadd.s32 $0xFFFFFE70  }
0x52: {  	_ =	swait.ge [sflag:s22], $0x190  }
.Ltmp3:
0x53: {  	[sflag:s22] =	ssyncset.done $0x0;
	(pc) =	sbr.rel .LBB2_4-.Ltmp3, $4  }
0x54: {  	[sflag:s22] =	ssyncadd.s32 $0xFFFFFE70  }
0x55: {  	_ =	swait.ge [sflag:s23], $0xC800  }
0x56: {  	[sflag:s23] =	ssyncset.done $0x0  }
0x57: {  	s28 =	simm.s32 $0x0;
	s29 =	simm.s32 $0x400;
	[sflag:s23] =	ssyncadd.s32 $0xFFFF3800  }
.LBB2_6:
0x58: {  	(v2sf) =	vpush v4, $0x1;
	_ =	sdelay $0x5  }
0x59: {  	(v2sf) =	vpush v4, $0x2;
	_ =	sdelay $0x3  }
0x5a: {  	s1 =	sand.u32 $0x1F, s31;
	s31 =	sshrl.u32 s31, $0x1  }
0x5b: {  	s31 =	sand.u32 $0x70, s31;
	s1 =	sshll.u32 s1, $0x7  }
0x5c: {  	s1 =	sor.u32 s31, s1;
	(v2sf) =	vpush v4, $0x3  }
0x5d: {  	v5 =	vld [tilespmem:s29+$0xFFFFFC00];
	v6 =	vor.u32 s1, v1;
	_ =	sdelay $0x1  }
0x5e: {  	s1 =	spop (v2sf)  }
0x5f: {  	s31 =	sand.u32 $0x1F, s1;
	s1 =	sshrl.u32 s1, $0x1  }
0x60: {  	s1 =	sand.u32 $0x70, s1;
	s31 =	sshll.u32 s31, $0x7  }
0x61: {  	[tilespmem:v6+s24+$0x0] =	vst.idx.add.f32.msk $0xffff, v5;
	(v2sf) =	vpush v4, $0x4;
	s1 =	sor.u32 s1, s31  }
0x62: {  	v5 =	vld [tilespmem:s29+$0xFFFFFC80];
	v6 =	vor.u32 s1, v1;
	_ =	sdelay $0x1  }
0x63: {  	s1 =	spop (v2sf)  }
0x64: {  	s31 =	sand.u32 $0x1F, s1;
	s1 =	sshrl.u32 s1, $0x1  }
0x65: {  	s1 =	sand.u32 $0x70, s1;
	s31 =	sshll.u32 s31, $0x7  }
0x66: {  	(v2sf) =	vpush v4, $0x5;
	s1 =	sor.u32 s1, s31;
	[tilespmem:v6+s24+$0x0] =	vst.idx.add.f32.msk $0xffff, v5  }
0x67: {  	v6 =	vor.u32 s1, v1;
	v5 =	vld [tilespmem:s29+$0xFFFFFD00];
	_ =	sdelay $0x1  }
0x68: {  	s1 =	spop (v2sf)  }
0x69: {  	s31 =	sand.u32 $0x1F, s1;
	s1 =	sshrl.u32 s1, $0x1  }
0x6a: {  	s1 =	sand.u32 $0x70, s1;
	s31 =	sshll.u32 s31, $0x7  }
0x6b: {  	(v2sf) =	vpush v4, $0x6;
	s1 =	sor.u32 s1, s31;
	[tilespmem:v6+s24+$0x0] =	vst.idx.add.f32.msk $0xffff, v5  }
0x6c: {  	v6 =	vor.u32 s1, v1;
	v5 =	vld [tilespmem:s29+$0xFFFFFD80];
	_ =	sdelay $0x1  }
0x6d: {  	s1 =	spop (v2sf)  }
0x6e: {  	s31 =	sand.u32 $0x1F, s1;
	s1 =	sshrl.u32 s1, $0x1  }
0x6f: {  	s1 =	sand.u32 $0x70, s1;
	s31 =	sshll.u32 s31, $0x7  }
0x70: {  	(v2sf) =	vpush v4, $0x7;
	s1 =	sor.u32 s1, s31;
	[tilespmem:v6+s24+$0x0] =	vst.idx.add.f32.msk $0xffff, v5  }
0x71: {  	v6 =	vor.u32 s1, v1;
	v5 =	vld [tilespmem:s29+$0xFFFFFE00];
	_ =	sdelay $0x1  }
0x72: {  	s1 =	spop (v2sf)  }
0x73: {  	s31 =	sand.u32 $0x1F, s1;
	s1 =	sshrl.u32 s1, $0x1  }
0x74: {  	s1 =	sand.u32 $0x70, s1;
	s31 =	sshll.u32 s31, $0x7  }
0x75: {  	(v2sf) =	vpush v4, $0x8;
	s1 =	sor.u32 s1, s31;
	[tilespmem:v6+s24+$0x0] =	vst.idx.add.f32.msk $0xffff, v5  }
0x76: {  	v6 =	vor.u32 s1, v1;
	v5 =	vld [tilespmem:s29+$0xFFFFFE80];
	_ =	sdelay $0x1  }
0x77: {  	s1 =	spop (v2sf)  }
0x78: {  	s31 =	sand.u32 $0x1F, s1;
	s1 =	sshrl.u32 s1, $0x1  }
0x79: {  	s1 =	sand.u32 $0x70, s1;
	s31 =	sshll.u32 s31, $0x7  }
0x7a: {  	(v2sf) =	vpush v4, $0x9;
	s1 =	sor.u32 s1, s31;
	[tilespmem:v6+s24+$0x0] =	vst.idx.add.f32.msk $0xffff, v5  }
0x7b: {  	v6 =	vor.u32 s1, v1;
	v5 =	vld [tilespmem:s29+$0xFFFFFF00];
	_ =	sdelay $0x1  }
0x7c: {  	s1 =	spop (v2sf)  }
0x7d: {  	s31 =	sand.u32 $0x1F, s1;
	s1 =	sshrl.u32 s1, $0x1  }
0x7e: {  	s1 =	sand.u32 $0x70, s1;
	s31 =	sshll.u32 s31, $0x7  }
0x7f: {  	(v2sf) =	vpush v4, $0xA;
	s1 =	sor.u32 s1, s31;
	[tilespmem:v6+s24+$0x0] =	vst.idx.add.f32.msk $0xffff, v5  }
0x80: {  	v6 =	vor.u32 s1, v1;
	v5 =	vld [tilespmem:s29+$0xFFFFFF80];
	_ =	sdelay $0x1  }
0x81: {  	s1 =	spop (v2sf)  }
0x82: {  	s31 =	sand.u32 $0x1F, s1;
	s1 =	sshrl.u32 s1, $0x1  }
0x83: {  	s1 =	sand.u32 $0x70, s1;
	s31 =	sshll.u32 s31, $0x7  }
0x84: {  	(v2sf) =	vpush v4, $0xB;
	s1 =	sor.u32 s1, s31;
	[tilespmem:v6+s24+$0x0] =	vst.idx.add.f32.msk $0xffff, v5  }
0x85: {  	v6 =	vor.u32 s1, v1;
	v5 =	vld [tilespmem:s29+$0x0];
	_ =	sdelay $0x1  }
0x86: {  	s1 =	spop (v2sf)  }
0x87: {  	s31 =	sand.u32 $0x1F, s1;
	s1 =	sshrl.u32 s1, $0x1  }
0x88: {  	s1 =	sand.u32 $0x70, s1;
	s31 =	sshll.u32 s31, $0x7  }
0x89: {  	(v2sf) =	vpush v4, $0xC;
	s1 =	sor.u32 s1, s31;
	[tilespmem:v6+s24+$0x0] =	vst.idx.add.f32.msk $0xffff, v5  }
0x8a: {  	v6 =	vor.u32 s1, v1;
	v5 =	vld [tilespmem:s29+$0x80];
	_ =	sdelay $0x1  }
0x8b: {  	s1 =	spop (v2sf)  }
0x8c: {  	s31 =	sand.u32 $0x1F, s1;
	s1 =	sshrl.u32 s1, $0x1  }
0x8d: {  	s1 =	sand.u32 $0x70, s1;
	s31 =	sshll.u32 s31, $0x7  }
0x8e: {  	(v2sf) =	vpush v4, $0xD;
	s1 =	sor.u32 s1, s31;
	[tilespmem:v6+s24+$0x0] =	vst.idx.add.f32.msk $0xffff, v5  }
0x8f: {  	v6 =	vor.u32 s1, v1;
	v5 =	vld [tilespmem:s29+$0x100];
	_ =	sdelay $0x1  }
0x90: {  	s1 =	spop (v2sf)  }
0x91: {  	s31 =	sand.u32 $0x1F, s1;
	s1 =	sshrl.u32 s1, $0x1  }
0x92: {  	s1 =	sand.u32 $0x70, s1;
	s31 =	sshll.u32 s31, $0x7  }
0x93: {  	(v2sf) =	vpush v4, $0xE;
	s1 =	sor.u32 s1, s31;
	[tilespmem:v6+s24+$0x0] =	vst.idx.add.f32.msk $0xffff, v5  }
0x94: {  	v5 =	vor.u32 s1, v1;
	v4 =	vld [tilespmem:s29+$0x180];
	_ =	sdelay $0x1  }
0x95: {  	s1 =	spop (v2sf)  }
0x96: {  	s31 =	sand.u32 $0x1F, s1;
	s1 =	sshrl.u32 s1, $0x1  }
0x97: {  	s1 =	sand.u32 $0x70, s1;
	s31 =	sshll.u32 s31, $0x7  }
0x98: {  	s1 =	sor.u32 s1, s31;
	[tilespmem:v5+s24+$0x0] =	vst.idx.add.f32.msk $0xffff, v4  }
0x99: {  	v5 =	vor.u32 s1, v1;
	v4 =	vld [tilespmem:s29+$0x200];
	_ =	sdelay $0x1  }
0x9a: {  	s1 =	spop (v2sf)  }
0x9b: {  	s31 =	sand.u32 $0x1F, s1;
	s1 =	sshrl.u32 s1, $0x1  }
0x9c: {  	s1 =	sand.u32 $0x70, s1;
	s31 =	sshll.u32 s31, $0x7  }
0x9d: {  	s1 =	sor.u32 s1, s31;
	[tilespmem:v5+s24+$0x0] =	vst.idx.add.f32.msk $0xffff, v4  }
0x9e: {  	v5 =	vor.u32 s1, v1;
	v4 =	vld [tilespmem:s29+$0x280];
	_ =	sdelay $0x1  }
0x9f: {  	s1 =	spop (v2sf)  }
0xa0: {  	s31 =	sand.u32 $0x1F, s1;
	s1 =	sshrl.u32 s1, $0x1  }
0xa1: {  	s1 =	sand.u32 $0x70, s1;
	s31 =	sshll.u32 s31, $0x7  }
0xa2: {  	s1 =	sor.u32 s1, s31;
	[tilespmem:v5+s24+$0x0] =	vst.idx.add.f32.msk $0xffff, v4  }
0xa3: {  	v5 =	vor.u32 s1, v1;
	v4 =	vld [tilespmem:s29+$0x300];
	_ =	sdelay $0x3  }
0xa4: {  	s1 =	sshrl.u32 s30, $0x1  }
0xa5: {  	s31 =	sand.u32 $0x1F, s30;
	s1 =	sand.u32 $0x70, s1;
	[tilespmem:v5+s24+$0x0] =	vst.idx.add.f32.msk $0xffff, v4  }
0xa6: {  	v6 =	vmov s1;
	v5 =	vmov s31;
	v4 =	vld [tilespmem:s29+$0x380]  }
.LBB2_7:
0xa7: {  	v5 =	vshll.u32 v5, $0x7  }
0xa8: {  	v5 =	vor.u32 v6, v5  }
0xa9: {  	v5 =	vbroadcast v5, $0x0  }
0xaa: {  	s28 =	sadd.s32 $0x40, s28  }
0xab: {  	p0 =	sne.s32 s28, $0x640;
	v5 =	vor.u32 v1, v5  }
.Ltmp4:
0xac: {  	_ = 	snop;
	(pc) =	sbr.rel @!p0 .LBB2_8-.Ltmp4, $2  }
0xad: {  	_ =	sdelay $0x2  }
0xae: {  	s29 =	sadd.s32 $0x800, s29;
	[tilespmem:v5+s24+$0x0] =	vst.idx.add.f32.msk $0xffff, v4  }
.LBB2_4:
0xaf: {  	s30 =	sshra.s32 s28, $0x2  }
0xb0: {  	v4 =	vld [tilespmem:s30+$0xC800];
	_ =	sdelay $0x4  }
0xb1: {  	(v2sf) =	vpush v4, $0x0  }
0xb2: {  	(v2sf) =	vpush v4, $0xF;
	_ =	sdelay $0xd  }
0xb3: {  	s31 =	spop (v2sf)  }
0xb4: {  	s30 =	spop (v2sf)  }
0xb5: {  	p0 =	sne.s32 s31, s30  }
.Ltmp5:
0xb6: {  	_ = 	snop;
	(pc) =	sbr.rel @p0 .LBB2_6-.Ltmp5, $1  }
0xb7: {  	_ =	sdelay $0x3  }
0xb8: {  	v4 =	vld [tilespmem:s29+$0xFFFFFC00]  }
0xb9: {  	v5 =	vld [tilespmem:s29+$0xFFFFFC80];
	_ =	sdelay $0x1  }
0xba: {  	v6 =	vld [tilespmem:s29+$0xFFFFFD00];
	_ =	sdelay $0x1  }
0xbb: {  	v7 =	vld [tilespmem:s29+$0xFFFFFD80]  }
0xbc: {  	v4 =	vadd.f32 v5, v4  }
0xbd: {  	v5 =	vld [tilespmem:s29+$0xFFFFFE00]  }
0xbe: {  	v4 =	vadd.f32 v6, v4  }
0xbf: {  	v6 =	vld [tilespmem:s29+$0xFFFFFE80]  }
0xc0: {  	v4 =	vadd.f32 v7, v4  }
0xc1: {  	v7 =	vld [tilespmem:s29+$0xFFFFFF00]  }
0xc2: {  	v4 =	vadd.f32 v5, v4  }
0xc3: {  	v5 =	vld [tilespmem:s29+$0xFFFFFF80]  }
0xc4: {  	v4 =	vadd.f32 v6, v4  }
0xc5: {  	v6 =	vld [tilespmem:s29+$0x0]  }
0xc6: {  	v4 =	vadd.f32 v7, v4  }
0xc7: {  	v7 =	vld [tilespmem:s29+$0x80]  }
0xc8: {  	v4 =	vadd.f32 v5, v4  }
0xc9: {  	v5 =	vld [tilespmem:s29+$0x100]  }
0xca: {  	v4 =	vadd.f32 v6, v4  }
0xcb: {  	v6 =	vld [tilespmem:s29+$0x180]  }
0xcc: {  	v4 =	vadd.f32 v7, v4  }
0xcd: {  	v7 =	vld [tilespmem:s29+$0x200]  }
0xce: {  	v4 =	vadd.f32 v5, v4  }
0xcf: {  	v5 =	vld [tilespmem:s29+$0x280]  }
0xd0: {  	v4 =	vadd.f32 v6, v4  }
0xd1: {  	v6 =	vld [tilespmem:s29+$0x300]  }
0xd2: {  	v4 =	vadd.f32 v7, v4  }
0xd3: {  	v7 =	vld [tilespmem:s29+$0x380]  }
.Ltmp6:
0xd4: {  	v4 =	vadd.f32 v5, v4;
	(pc) =	sbr.rel .LBB2_7-.Ltmp6, $4  }
0xd5: {  	_ = 	snop  }
0xd6: {  	s30 =	sshrl.u32 s31, $0x1;
	v4 =	vadd.f32 v6, v4  }
0xd7: {  	s1 =	sand.u32 $0x1F, s31;
	s30 =	sand.u32 $0x70, s30  }
0xd8: {  	v5 =	vmov s1;
	v6 =	vmov s30;
	v4 =	vadd.f32 v7, v4  }
.LBB2_8:
.Ltmp7:
0xd9: {  	(pc) =	sbr.rel .LBB2_9-.Ltmp7, $2  }
0xda: {  	_ =	sdelay $0x2  }
0xdb: {  	s28 =	simm.s32 $0x0;
	s29 =	simm.s32 $0x410  }
.LBB2_11:
0xdc: {  	(v2sf) =	vpush v4, $0x1;
	_ =	sdelay $0x5  }
0xdd: {  	(v2sf) =	vpush v4, $0x2;
	_ =	sdelay $0x3  }
0xde: {  	s1 =	sand.u32 $0x1F, s31;
	s31 =	sshrl.u32 s31, $0x1  }
0xdf: {  	s31 =	sand.u32 $0x70, s31;
	s1 =	sshll.u32 s1, $0x7  }
0xe0: {  	s1 =	sor.u32 s31, s1;
	(v2sf) =	vpush v4, $0x3  }
0xe1: {  	v5 =	vld [tilespmem:s29+$0xFFFFFC00];
	v6 =	vor.u32 s1, v1;
	_ =	sdelay $0x1  }
0xe2: {  	s1 =	spop (v2sf)  }
0xe3: {  	s31 =	sand.u32 $0x1F, s1;
	s1 =	sshrl.u32 s1, $0x1  }
0xe4: {  	s1 =	sand.u32 $0x70, s1;
	s31 =	sshll.u32 s31, $0x7  }
0xe5: {  	[tilespmem:v6+s24+$0x0] =	vst.idx.add.f32.msk $0xffff, v5;
	(v2sf) =	vpush v4, $0x4;
	s1 =	sor.u32 s1, s31  }
0xe6: {  	v5 =	vld [tilespmem:s29+$0xFFFFFC80];
	v6 =	vor.u32 s1, v1;
	_ =	sdelay $0x1  }
0xe7: {  	s1 =	spop (v2sf)  }
0xe8: {  	s31 =	sand.u32 $0x1F, s1;
	s1 =	sshrl.u32 s1, $0x1  }
0xe9: {  	s1 =	sand.u32 $0x70, s1;
	s31 =	sshll.u32 s31, $0x7  }
0xea: {  	(v2sf) =	vpush v4, $0x5;
	s1 =	sor.u32 s1, s31;
	[tilespmem:v6+s24+$0x0] =	vst.idx.add.f32.msk $0xffff, v5  }
0xeb: {  	v6 =	vor.u32 s1, v1;
	v5 =	vld [tilespmem:s29+$0xFFFFFD00];
	_ =	sdelay $0x1  }
0xec: {  	s1 =	spop (v2sf)  }
0xed: {  	s31 =	sand.u32 $0x1F, s1;
	s1 =	sshrl.u32 s1, $0x1  }
0xee: {  	s1 =	sand.u32 $0x70, s1;
	s31 =	sshll.u32 s31, $0x7  }
0xef: {  	(v2sf) =	vpush v4, $0x6;
	s1 =	sor.u32 s1, s31;
	[tilespmem:v6+s24+$0x0] =	vst.idx.add.f32.msk $0xffff, v5  }
0xf0: {  	v6 =	vor.u32 s1, v1;
	v5 =	vld [tilespmem:s29+$0xFFFFFD80];
	_ =	sdelay $0x1  }
0xf1: {  	s1 =	spop (v2sf)  }
0xf2: {  	s31 =	sand.u32 $0x1F, s1;
	s1 =	sshrl.u32 s1, $0x1  }
0xf3: {  	s1 =	sand.u32 $0x70, s1;
	s31 =	sshll.u32 s31, $0x7  }
0xf4: {  	(v2sf) =	vpush v4, $0x7;
	s1 =	sor.u32 s1, s31;
	[tilespmem:v6+s24+$0x0] =	vst.idx.add.f32.msk $0xffff, v5  }
0xf5: {  	v6 =	vor.u32 s1, v1;
	v5 =	vld [tilespmem:s29+$0xFFFFFE00];
	_ =	sdelay $0x1  }
0xf6: {  	s1 =	spop (v2sf)  }
0xf7: {  	s31 =	sand.u32 $0x1F, s1;
	s1 =	sshrl.u32 s1, $0x1  }
0xf8: {  	s1 =	sand.u32 $0x70, s1;
	s31 =	sshll.u32 s31, $0x7  }
0xf9: {  	(v2sf) =	vpush v4, $0x8;
	s1 =	sor.u32 s1, s31;
	[tilespmem:v6+s24+$0x0] =	vst.idx.add.f32.msk $0xffff, v5  }
0xfa: {  	v6 =	vor.u32 s1, v1;
	v5 =	vld [tilespmem:s29+$0xFFFFFE80];
	_ =	sdelay $0x1  }
0xfb: {  	s1 =	spop (v2sf)  }
0xfc: {  	s31 =	sand.u32 $0x1F, s1;
	s1 =	sshrl.u32 s1, $0x1  }
0xfd: {  	s1 =	sand.u32 $0x70, s1;
	s31 =	sshll.u32 s31, $0x7  }
0xfe: {  	(v2sf) =	vpush v4, $0x9;
	s1 =	sor.u32 s1, s31;
	[tilespmem:v6+s24+$0x0] =	vst.idx.add.f32.msk $0xffff, v5  }
0xff: {  	v6 =	vor.u32 s1, v1;
	v5 =	vld [tilespmem:s29+$0xFFFFFF00];
	_ =	sdelay $0x1  }
0x100: {  	s1 =	spop (v2sf)  }
0x101: {  	s31 =	sand.u32 $0x1F, s1;
	s1 =	sshrl.u32 s1, $0x1  }
0x102: {  	s1 =	sand.u32 $0x70, s1;
	s31 =	sshll.u32 s31, $0x7  }
0x103: {  	(v2sf) =	vpush v4, $0xA;
	s1 =	sor.u32 s1, s31;
	[tilespmem:v6+s24+$0x0] =	vst.idx.add.f32.msk $0xffff, v5  }
0x104: {  	v6 =	vor.u32 s1, v1;
	v5 =	vld [tilespmem:s29+$0xFFFFFF80];
	_ =	sdelay $0x1  }
0x105: {  	s1 =	spop (v2sf)  }
0x106: {  	s31 =	sand.u32 $0x1F, s1;
	s1 =	sshrl.u32 s1, $0x1  }
0x107: {  	s1 =	sand.u32 $0x70, s1;
	s31 =	sshll.u32 s31, $0x7  }
0x108: {  	(v2sf) =	vpush v4, $0xB;
	s1 =	sor.u32 s1, s31;
	[tilespmem:v6+s24+$0x0] =	vst.idx.add.f32.msk $0xffff, v5  }
0x109: {  	v6 =	vor.u32 s1, v1;
	v5 =	vld [tilespmem:s29+$0x0];
	_ =	sdelay $0x1  }
0x10a: {  	s1 =	spop (v2sf)  }
0x10b: {  	s31 =	sand.u32 $0x1F, s1;
	s1 =	sshrl.u32 s1, $0x1  }
0x10c: {  	s1 =	sand.u32 $0x70, s1;
	s31 =	sshll.u32 s31, $0x7  }
0x10d: {  	(v2sf) =	vpush v4, $0xC;
	s1 =	sor.u32 s1, s31;
	[tilespmem:v6+s24+$0x0] =	vst.idx.add.f32.msk $0xffff, v5  }
0x10e: {  	v6 =	vor.u32 s1, v1;
	v5 =	vld [tilespmem:s29+$0x80];
	_ =	sdelay $0x1  }
0x10f: {  	s1 =	spop (v2sf)  }
0x110: {  	s31 =	sand.u32 $0x1F, s1;
	s1 =	sshrl.u32 s1, $0x1  }
0x111: {  	s1 =	sand.u32 $0x70, s1;
	s31 =	sshll.u32 s31, $0x7  }
0x112: {  	(v2sf) =	vpush v4, $0xD;
	s1 =	sor.u32 s1, s31;
	[tilespmem:v6+s24+$0x0] =	vst.idx.add.f32.msk $0xffff, v5  }
0x113: {  	v6 =	vor.u32 s1, v1;
	v5 =	vld [tilespmem:s29+$0x100];
	_ =	sdelay $0x1  }
0x114: {  	s1 =	spop (v2sf)  }
0x115: {  	s31 =	sand.u32 $0x1F, s1;
	s1 =	sshrl.u32 s1, $0x1  }
0x116: {  	s1 =	sand.u32 $0x70, s1;
	s31 =	sshll.u32 s31, $0x7  }
0x117: {  	(v2sf) =	vpush v4, $0xE;
	s1 =	sor.u32 s1, s31;
	[tilespmem:v6+s24+$0x0] =	vst.idx.add.f32.msk $0xffff, v5  }
0x118: {  	v5 =	vor.u32 s1, v1;
	v4 =	vld [tilespmem:s29+$0x180];
	_ =	sdelay $0x1  }
0x119: {  	s1 =	spop (v2sf)  }
0x11a: {  	s31 =	sand.u32 $0x1F, s1;
	s1 =	sshrl.u32 s1, $0x1  }
0x11b: {  	s1 =	sand.u32 $0x70, s1;
	s31 =	sshll.u32 s31, $0x7  }
0x11c: {  	s1 =	sor.u32 s1, s31;
	[tilespmem:v5+s24+$0x0] =	vst.idx.add.f32.msk $0xffff, v4  }
0x11d: {  	v5 =	vor.u32 s1, v1;
	v4 =	vld [tilespmem:s29+$0x200];
	_ =	sdelay $0x1  }
0x11e: {  	s1 =	spop (v2sf)  }
0x11f: {  	s31 =	sand.u32 $0x1F, s1;
	s1 =	sshrl.u32 s1, $0x1  }
0x120: {  	s1 =	sand.u32 $0x70, s1;
	s31 =	sshll.u32 s31, $0x7  }
0x121: {  	s1 =	sor.u32 s1, s31;
	[tilespmem:v5+s24+$0x0] =	vst.idx.add.f32.msk $0xffff, v4  }
0x122: {  	v5 =	vor.u32 s1, v1;
	v4 =	vld [tilespmem:s29+$0x280];
	_ =	sdelay $0x1  }
0x123: {  	s1 =	spop (v2sf)  }
0x124: {  	s31 =	sand.u32 $0x1F, s1;
	s1 =	sshrl.u32 s1, $0x1  }
0x125: {  	s1 =	sand.u32 $0x70, s1;
	s31 =	sshll.u32 s31, $0x7  }
0x126: {  	s1 =	sor.u32 s1, s31;
	[tilespmem:v5+s24+$0x0] =	vst.idx.add.f32.msk $0xffff, v4  }
0x127: {  	v5 =	vor.u32 s1, v1;
	v4 =	vld [tilespmem:s29+$0x300];
	_ =	sdelay $0x3  }
0x128: {  	s1 =	sshrl.u32 s30, $0x1  }
0x129: {  	s31 =	sand.u32 $0x1F, s30;
	s1 =	sand.u32 $0x70, s1;
	[tilespmem:v5+s24+$0x0] =	vst.idx.add.f32.msk $0xffff, v4  }
0x12a: {  	v6 =	vmov s1;
	v5 =	vmov s31;
	v4 =	vld [tilespmem:s29+$0x380]  }
.LBB2_12:
0x12b: {  	v5 =	vshll.u32 v5, $0x7  }
0x12c: {  	v5 =	vor.u32 v6, v5  }
0x12d: {  	v5 =	vbroadcast v5, $0x0  }
0x12e: {  	s28 =	sadd.s32 $0x40, s28  }
0x12f: {  	p0 =	sne.s32 s28, $0x640;
	v5 =	vor.u32 v1, v5  }
.Ltmp8:
0x130: {  	_ = 	snop;
	(pc) =	sbr.rel @!p0 .LBB2_13-.Ltmp8, $2  }
0x131: {  	_ =	sdelay $0x2  }
0x132: {  	s29 =	sadd.s32 $0x800, s29;
	[tilespmem:v5+s24+$0x0] =	vst.idx.add.f32.msk $0xffff, v4  }
.LBB2_9:
0x133: {  	s1 =	sshra.s32 s28, $0x2  }
0x134: {  	v4 =	vld [tilespmem:s1+$0xC990];
	_ =	sdelay $0x4  }
0x135: {  	(v2sf) =	vpush v4, $0x0  }
0x136: {  	(v2sf) =	vpush v4, $0xF;
	_ =	sdelay $0xd  }
0x137: {  	s31 =	spop (v2sf)  }
0x138: {  	s30 =	spop (v2sf)  }
0x139: {  	p0 =	sne.s32 s31, s30  }
.Ltmp9:
0x13a: {  	_ = 	snop;
	(pc) =	sbr.rel @p0 .LBB2_11-.Ltmp9, $1  }
0x13b: {  	_ =	sdelay $0x3  }
0x13c: {  	v4 =	vld [tilespmem:s29+$0xFFFFFC00]  }
0x13d: {  	v5 =	vld [tilespmem:s29+$0xFFFFFC80];
	_ =	sdelay $0x1  }
0x13e: {  	v6 =	vld [tilespmem:s29+$0xFFFFFD00];
	_ =	sdelay $0x1  }
0x13f: {  	v7 =	vld [tilespmem:s29+$0xFFFFFD80]  }
0x140: {  	v4 =	vadd.f32 v5, v4  }
0x141: {  	v5 =	vld [tilespmem:s29+$0xFFFFFE00]  }
0x142: {  	v4 =	vadd.f32 v6, v4  }
0x143: {  	v6 =	vld [tilespmem:s29+$0xFFFFFE80]  }
0x144: {  	v4 =	vadd.f32 v7, v4  }
0x145: {  	v7 =	vld [tilespmem:s29+$0xFFFFFF00]  }
0x146: {  	v4 =	vadd.f32 v5, v4  }
0x147: {  	v5 =	vld [tilespmem:s29+$0xFFFFFF80]  }
0x148: {  	v4 =	vadd.f32 v6, v4  }
0x149: {  	v6 =	vld [tilespmem:s29+$0x0]  }
0x14a: {  	v4 =	vadd.f32 v7, v4  }
0x14b: {  	v7 =	vld [tilespmem:s29+$0x80]  }
0x14c: {  	v4 =	vadd.f32 v5, v4  }
0x14d: {  	v5 =	vld [tilespmem:s29+$0x100]  }
0x14e: {  	v4 =	vadd.f32 v6, v4  }
0x14f: {  	v6 =	vld [tilespmem:s29+$0x180]  }
0x150: {  	v4 =	vadd.f32 v7, v4  }
0x151: {  	v7 =	vld [tilespmem:s29+$0x200]  }
0x152: {  	v4 =	vadd.f32 v5, v4  }
0x153: {  	v5 =	vld [tilespmem:s29+$0x280]  }
0x154: {  	v4 =	vadd.f32 v6, v4  }
0x155: {  	v6 =	vld [tilespmem:s29+$0x300]  }
0x156: {  	v4 =	vadd.f32 v7, v4  }
0x157: {  	v7 =	vld [tilespmem:s29+$0x380]  }
.Ltmp10:
0x158: {  	v4 =	vadd.f32 v5, v4;
	(pc) =	sbr.rel .LBB2_12-.Ltmp10, $4  }
0x159: {  	_ = 	snop  }
0x15a: {  	s1 =	sshrl.u32 s31, $0x1;
	v4 =	vadd.f32 v6, v4  }
0x15b: {  	s30 =	sand.u32 $0x1F, s31;
	s1 =	sand.u32 $0x70, s1  }
0x15c: {  	v5 =	vmov s30;
	v6 =	vmov s1;
	v4 =	vadd.f32 v7, v4  }
.LBB2_13:
.Ltmp11:
0x15d: {  	(pc) =	sbr.rel .LBB2_14-.Ltmp11, $2  }
0x15e: {  	_ =	sdelay $0x2  }
0x15f: {  	s28 =	simm.s32 $0x0;
	s29 =	simm.s32 $0x420  }
.LBB2_16:
0x160: {  	(v2sf) =	vpush v4, $0x1;
	_ =	sdelay $0x5  }
0x161: {  	(v2sf) =	vpush v4, $0x2;
	_ =	sdelay $0x3  }
0x162: {  	s1 =	sand.u32 $0x1F, s31;
	s31 =	sshrl.u32 s31, $0x1  }
0x163: {  	s31 =	sand.u32 $0x70, s31;
	s1 =	sshll.u32 s1, $0x7  }
0x164: {  	s1 =	sor.u32 s31, s1;
	(v2sf) =	vpush v4, $0x3  }
0x165: {  	v5 =	vld [tilespmem:s29+$0xFFFFFC00];
	v6 =	vor.u32 s1, v1;
	_ =	sdelay $0x1  }
0x166: {  	s1 =	spop (v2sf)  }
0x167: {  	s31 =	sand.u32 $0x1F, s1;
	s1 =	sshrl.u32 s1, $0x1  }
0x168: {  	s1 =	sand.u32 $0x70, s1;
	s31 =	sshll.u32 s31, $0x7  }
0x169: {  	[tilespmem:v6+s24+$0x0] =	vst.idx.add.f32.msk $0xffff, v5;
	(v2sf) =	vpush v4, $0x4;
	s1 =	sor.u32 s1, s31  }
0x16a: {  	v5 =	vld [tilespmem:s29+$0xFFFFFC80];
	v6 =	vor.u32 s1, v1;
	_ =	sdelay $0x1  }
0x16b: {  	s1 =	spop (v2sf)  }
0x16c: {  	s31 =	sand.u32 $0x1F, s1;
	s1 =	sshrl.u32 s1, $0x1  }
0x16d: {  	s1 =	sand.u32 $0x70, s1;
	s31 =	sshll.u32 s31, $0x7  }
0x16e: {  	(v2sf) =	vpush v4, $0x5;
	s1 =	sor.u32 s1, s31;
	[tilespmem:v6+s24+$0x0] =	vst.idx.add.f32.msk $0xffff, v5  }
0x16f: {  	v6 =	vor.u32 s1, v1;
	v5 =	vld [tilespmem:s29+$0xFFFFFD00];
	_ =	sdelay $0x1  }
0x170: {  	s1 =	spop (v2sf)  }
0x171: {  	s31 =	sand.u32 $0x1F, s1;
	s1 =	sshrl.u32 s1, $0x1  }
0x172: {  	s1 =	sand.u32 $0x70, s1;
	s31 =	sshll.u32 s31, $0x7  }
0x173: {  	(v2sf) =	vpush v4, $0x6;
	s1 =	sor.u32 s1, s31;
	[tilespmem:v6+s24+$0x0] =	vst.idx.add.f32.msk $0xffff, v5  }
0x174: {  	v6 =	vor.u32 s1, v1;
	v5 =	vld [tilespmem:s29+$0xFFFFFD80];
	_ =	sdelay $0x1  }
0x175: {  	s1 =	spop (v2sf)  }
0x176: {  	s31 =	sand.u32 $0x1F, s1;
	s1 =	sshrl.u32 s1, $0x1  }
0x177: {  	s1 =	sand.u32 $0x70, s1;
	s31 =	sshll.u32 s31, $0x7  }
0x178: {  	(v2sf) =	vpush v4, $0x7;
	s1 =	sor.u32 s1, s31;
	[tilespmem:v6+s24+$0x0] =	vst.idx.add.f32.msk $0xffff, v5  }
0x179: {  	v6 =	vor.u32 s1, v1;
	v5 =	vld [tilespmem:s29+$0xFFFFFE00];
	_ =	sdelay $0x1  }
0x17a: {  	s1 =	spop (v2sf)  }
0x17b: {  	s31 =	sand.u32 $0x1F, s1;
	s1 =	sshrl.u32 s1, $0x1  }
0x17c: {  	s1 =	sand.u32 $0x70, s1;
	s31 =	sshll.u32 s31, $0x7  }
0x17d: {  	(v2sf) =	vpush v4, $0x8;
	s1 =	sor.u32 s1, s31;
	[tilespmem:v6+s24+$0x0] =	vst.idx.add.f32.msk $0xffff, v5  }
0x17e: {  	v6 =	vor.u32 s1, v1;
	v5 =	vld [tilespmem:s29+$0xFFFFFE80];
	_ =	sdelay $0x1  }
0x17f: {  	s1 =	spop (v2sf)  }
0x180: {  	s31 =	sand.u32 $0x1F, s1;
	s1 =	sshrl.u32 s1, $0x1  }
0x181: {  	s1 =	sand.u32 $0x70, s1;
	s31 =	sshll.u32 s31, $0x7  }
0x182: {  	(v2sf) =	vpush v4, $0x9;
	s1 =	sor.u32 s1, s31;
	[tilespmem:v6+s24+$0x0] =	vst.idx.add.f32.msk $0xffff, v5  }
0x183: {  	v6 =	vor.u32 s1, v1;
	v5 =	vld [tilespmem:s29+$0xFFFFFF00];
	_ =	sdelay $0x1  }
0x184: {  	s1 =	spop (v2sf)  }
0x185: {  	s31 =	sand.u32 $0x1F, s1;
	s1 =	sshrl.u32 s1, $0x1  }
0x186: {  	s1 =	sand.u32 $0x70, s1;
	s31 =	sshll.u32 s31, $0x7  }
0x187: {  	(v2sf) =	vpush v4, $0xA;
	s1 =	sor.u32 s1, s31;
	[tilespmem:v6+s24+$0x0] =	vst.idx.add.f32.msk $0xffff, v5  }
0x188: {  	v6 =	vor.u32 s1, v1;
	v5 =	vld [tilespmem:s29+$0xFFFFFF80];
	_ =	sdelay $0x1  }
0x189: {  	s1 =	spop (v2sf)  }
0x18a: {  	s31 =	sand.u32 $0x1F, s1;
	s1 =	sshrl.u32 s1, $0x1  }
0x18b: {  	s1 =	sand.u32 $0x70, s1;
	s31 =	sshll.u32 s31, $0x7  }
0x18c: {  	(v2sf) =	vpush v4, $0xB;
	s1 =	sor.u32 s1, s31;
	[tilespmem:v6+s24+$0x0] =	vst.idx.add.f32.msk $0xffff, v5  }
0x18d: {  	v6 =	vor.u32 s1, v1;
	v5 =	vld [tilespmem:s29+$0x0];
	_ =	sdelay $0x1  }
0x18e: {  	s1 =	spop (v2sf)  }
0x18f: {  	s31 =	sand.u32 $0x1F, s1;
	s1 =	sshrl.u32 s1, $0x1  }
0x190: {  	s1 =	sand.u32 $0x70, s1;
	s31 =	sshll.u32 s31, $0x7  }
0x191: {  	(v2sf) =	vpush v4, $0xC;
	s1 =	sor.u32 s1, s31;
	[tilespmem:v6+s24+$0x0] =	vst.idx.add.f32.msk $0xffff, v5  }
0x192: {  	v6 =	vor.u32 s1, v1;
	v5 =	vld [tilespmem:s29+$0x80];
	_ =	sdelay $0x1  }
0x193: {  	s1 =	spop (v2sf)  }
0x194: {  	s31 =	sand.u32 $0x1F, s1;
	s1 =	sshrl.u32 s1, $0x1  }
0x195: {  	s1 =	sand.u32 $0x70, s1;
	s31 =	sshll.u32 s31, $0x7  }
0x196: {  	(v2sf) =	vpush v4, $0xD;
	s1 =	sor.u32 s1, s31;
	[tilespmem:v6+s24+$0x0] =	vst.idx.add.f32.msk $0xffff, v5  }
0x197: {  	v6 =	vor.u32 s1, v1;
	v5 =	vld [tilespmem:s29+$0x100];
	_ =	sdelay $0x1  }
0x198: {  	s1 =	spop (v2sf)  }
0x199: {  	s31 =	sand.u32 $0x1F, s1;
	s1 =	sshrl.u32 s1, $0x1  }
0x19a: {  	s1 =	sand.u32 $0x70, s1;
	s31 =	sshll.u32 s31, $0x7  }
0x19b: {  	(v2sf) =	vpush v4, $0xE;
	s1 =	sor.u32 s1, s31;
	[tilespmem:v6+s24+$0x0] =	vst.idx.add.f32.msk $0xffff, v5  }
0x19c: {  	v5 =	vor.u32 s1, v1;
	v4 =	vld [tilespmem:s29+$0x180];
	_ =	sdelay $0x1  }
0x19d: {  	s1 =	spop (v2sf)  }
0x19e: {  	s31 =	sand.u32 $0x1F, s1;
	s1 =	sshrl.u32 s1, $0x1  }
0x19f: {  	s1 =	sand.u32 $0x70, s1;
	s31 =	sshll.u32 s31, $0x7  }
0x1a0: {  	s1 =	sor.u32 s1, s31;
	[tilespmem:v5+s24+$0x0] =	vst.idx.add.f32.msk $0xffff, v4  }
0x1a1: {  	v5 =	vor.u32 s1, v1;
	v4 =	vld [tilespmem:s29+$0x200];
	_ =	sdelay $0x1  }
0x1a2: {  	s1 =	spop (v2sf)  }
0x1a3: {  	s31 =	sand.u32 $0x1F, s1;
	s1 =	sshrl.u32 s1, $0x1  }
0x1a4: {  	s1 =	sand.u32 $0x70, s1;
	s31 =	sshll.u32 s31, $0x7  }
0x1a5: {  	s1 =	sor.u32 s1, s31;
	[tilespmem:v5+s24+$0x0] =	vst.idx.add.f32.msk $0xffff, v4  }
0x1a6: {  	v5 =	vor.u32 s1, v1;
	v4 =	vld [tilespmem:s29+$0x280];
	_ =	sdelay $0x1  }
0x1a7: {  	s1 =	spop (v2sf)  }
0x1a8: {  	s31 =	sand.u32 $0x1F, s1;
	s1 =	sshrl.u32 s1, $0x1  }
0x1a9: {  	s1 =	sand.u32 $0x70, s1;
	s31 =	sshll.u32 s31, $0x7  }
0x1aa: {  	s1 =	sor.u32 s1, s31;
	[tilespmem:v5+s24+$0x0] =	vst.idx.add.f32.msk $0xffff, v4  }
0x1ab: {  	v5 =	vor.u32 s1, v1;
	v4 =	vld [tilespmem:s29+$0x300];
	_ =	sdelay $0x3  }
0x1ac: {  	s1 =	sshrl.u32 s30, $0x1  }
0x1ad: {  	s31 =	sand.u32 $0x1F, s30;
	s1 =	sand.u32 $0x70, s1;
	[tilespmem:v5+s24+$0x0] =	vst.idx.add.f32.msk $0xffff, v4  }
0x1ae: {  	v6 =	vmov s1;
	v5 =	vmov s31;
	v4 =	vld [tilespmem:s29+$0x380]  }
.LBB2_17:
0x1af: {  	v5 =	vshll.u32 v5, $0x7  }
0x1b0: {  	v5 =	vor.u32 v6, v5  }
0x1b1: {  	v5 =	vbroadcast v5, $0x0  }
0x1b2: {  	s28 =	sadd.s32 $0x40, s28  }
0x1b3: {  	p0 =	sne.s32 s28, $0x640;
	v5 =	vor.u32 v1, v5  }
.Ltmp12:
0x1b4: {  	_ = 	snop;
	(pc) =	sbr.rel @!p0 .LBB2_18-.Ltmp12, $2  }
0x1b5: {  	_ =	sdelay $0x2  }
0x1b6: {  	s29 =	sadd.s32 $0x800, s29;
	[tilespmem:v5+s24+$0x0] =	vst.idx.add.f32.msk $0xffff, v4  }
.LBB2_14:
0x1b7: {  	s1 =	sshra.s32 s28, $0x2  }
0x1b8: {  	v4 =	vld [tilespmem:s1+$0xCB20];
	_ =	sdelay $0x4  }
0x1b9: {  	(v2sf) =	vpush v4, $0x0  }
0x1ba: {  	(v2sf) =	vpush v4, $0xF;
	_ =	sdelay $0xd  }
0x1bb: {  	s31 =	spop (v2sf)  }
0x1bc: {  	s30 =	spop (v2sf)  }
0x1bd: {  	p0 =	sne.s32 s31, s30  }
.Ltmp13:
0x1be: {  	_ = 	snop;
	(pc) =	sbr.rel @p0 .LBB2_16-.Ltmp13, $1  }
0x1bf: {  	_ =	sdelay $0x3  }
0x1c0: {  	v4 =	vld [tilespmem:s29+$0xFFFFFC00]  }
0x1c1: {  	v5 =	vld [tilespmem:s29+$0xFFFFFC80];
	_ =	sdelay $0x1  }
0x1c2: {  	v6 =	vld [tilespmem:s29+$0xFFFFFD00];
	_ =	sdelay $0x1  }
0x1c3: {  	v7 =	vld [tilespmem:s29+$0xFFFFFD80]  }
0x1c4: {  	v4 =	vadd.f32 v5, v4  }
0x1c5: {  	v5 =	vld [tilespmem:s29+$0xFFFFFE00]  }
0x1c6: {  	v4 =	vadd.f32 v6, v4  }
0x1c7: {  	v6 =	vld [tilespmem:s29+$0xFFFFFE80]  }
0x1c8: {  	v4 =	vadd.f32 v7, v4  }
0x1c9: {  	v7 =	vld [tilespmem:s29+$0xFFFFFF00]  }
0x1ca: {  	v4 =	vadd.f32 v5, v4  }
0x1cb: {  	v5 =	vld [tilespmem:s29+$0xFFFFFF80]  }
0x1cc: {  	v4 =	vadd.f32 v6, v4  }
0x1cd: {  	v6 =	vld [tilespmem:s29+$0x0]  }
0x1ce: {  	v4 =	vadd.f32 v7, v4  }
0x1cf: {  	v7 =	vld [tilespmem:s29+$0x80]  }
0x1d0: {  	v4 =	vadd.f32 v5, v4  }
0x1d1: {  	v5 =	vld [tilespmem:s29+$0x100]  }
0x1d2: {  	v4 =	vadd.f32 v6, v4  }
0x1d3: {  	v6 =	vld [tilespmem:s29+$0x180]  }
0x1d4: {  	v4 =	vadd.f32 v7, v4  }
0x1d5: {  	v7 =	vld [tilespmem:s29+$0x200]  }
0x1d6: {  	v4 =	vadd.f32 v5, v4  }
0x1d7: {  	v5 =	vld [tilespmem:s29+$0x280]  }
0x1d8: {  	v4 =	vadd.f32 v6, v4  }
0x1d9: {  	v6 =	vld [tilespmem:s29+$0x300]  }
0x1da: {  	v4 =	vadd.f32 v7, v4  }
0x1db: {  	v7 =	vld [tilespmem:s29+$0x380]  }
.Ltmp14:
0x1dc: {  	v4 =	vadd.f32 v5, v4;
	(pc) =	sbr.rel .LBB2_17-.Ltmp14, $4  }
0x1dd: {  	_ = 	snop  }
0x1de: {  	s1 =	sshrl.u32 s31, $0x1;
	v4 =	vadd.f32 v6, v4  }
0x1df: {  	s30 =	sand.u32 $0x1F, s31;
	s1 =	sand.u32 $0x70, s1  }
0x1e0: {  	v5 =	vmov s30;
	v6 =	vmov s1;
	v4 =	vadd.f32 v7, v4  }
.LBB2_18:
.Ltmp15:
0x1e1: {  	(pc) =	sbr.rel .LBB2_19-.Ltmp15, $2  }
0x1e2: {  	_ =	sdelay $0x2  }
0x1e3: {  	s28 =	simm.s32 $0x0;
	s29 =	simm.s32 $0x430  }
.LBB2_21:
0x1e4: {  	(v2sf) =	vpush v4, $0x1;
	_ =	sdelay $0x5  }
0x1e5: {  	(v2sf) =	vpush v4, $0x2;
	_ =	sdelay $0x3  }
0x1e6: {  	s1 =	sand.u32 $0x1F, s31;
	s31 =	sshrl.u32 s31, $0x1  }
0x1e7: {  	s31 =	sand.u32 $0x70, s31;
	s1 =	sshll.u32 s1, $0x7  }
0x1e8: {  	s1 =	sor.u32 s31, s1;
	(v2sf) =	vpush v4, $0x3  }
0x1e9: {  	v5 =	vld [tilespmem:s29+$0xFFFFFC00];
	v6 =	vor.u32 s1, v1;
	_ =	sdelay $0x1  }
0x1ea: {  	s1 =	spop (v2sf)  }
0x1eb: {  	s31 =	sand.u32 $0x1F, s1;
	s1 =	sshrl.u32 s1, $0x1  }
0x1ec: {  	s1 =	sand.u32 $0x70, s1;
	s31 =	sshll.u32 s31, $0x7  }
0x1ed: {  	[tilespmem:v6+s24+$0x0] =	vst.idx.add.f32.msk $0xffff, v5;
	(v2sf) =	vpush v4, $0x4;
	s1 =	sor.u32 s1, s31  }
0x1ee: {  	v5 =	vld [tilespmem:s29+$0xFFFFFC80];
	v6 =	vor.u32 s1, v1;
	_ =	sdelay $0x1  }
0x1ef: {  	s1 =	spop (v2sf)  }
0x1f0: {  	s31 =	sand.u32 $0x1F, s1;
	s1 =	sshrl.u32 s1, $0x1  }
0x1f1: {  	s1 =	sand.u32 $0x70, s1;
	s31 =	sshll.u32 s31, $0x7  }
0x1f2: {  	(v2sf) =	vpush v4, $0x5;
	s1 =	sor.u32 s1, s31;
	[tilespmem:v6+s24+$0x0] =	vst.idx.add.f32.msk $0xffff, v5  }
0x1f3: {  	v6 =	vor.u32 s1, v1;
	v5 =	vld [tilespmem:s29+$0xFFFFFD00];
	_ =	sdelay $0x1  }
0x1f4: {  	s1 =	spop (v2sf)  }
0x1f5: {  	s31 =	sand.u32 $0x1F, s1;
	s1 =	sshrl.u32 s1, $0x1  }
0x1f6: {  	s1 =	sand.u32 $0x70, s1;
	s31 =	sshll.u32 s31, $0x7  }
0x1f7: {  	(v2sf) =	vpush v4, $0x6;
	s1 =	sor.u32 s1, s31;
	[tilespmem:v6+s24+$0x0] =	vst.idx.add.f32.msk $0xffff, v5  }
0x1f8: {  	v6 =	vor.u32 s1, v1;
	v5 =	vld [tilespmem:s29+$0xFFFFFD80];
	_ =	sdelay $0x1  }
0x1f9: {  	s1 =	spop (v2sf)  }
0x1fa: {  	s31 =	sand.u32 $0x1F, s1;
	s1 =	sshrl.u32 s1, $0x1  }
0x1fb: {  	s1 =	sand.u32 $0x70, s1;
	s31 =	sshll.u32 s31, $0x7  }
0x1fc: {  	(v2sf) =	vpush v4, $0x7;
	s1 =	sor.u32 s1, s31;
	[tilespmem:v6+s24+$0x0] =	vst.idx.add.f32.msk $0xffff, v5  }
0x1fd: {  	v6 =	vor.u32 s1, v1;
	v5 =	vld [tilespmem:s29+$0xFFFFFE00];
	_ =	sdelay $0x1  }
0x1fe: {  	s1 =	spop (v2sf)  }
0x1ff: {  	s31 =	sand.u32 $0x1F, s1;
	s1 =	sshrl.u32 s1, $0x1  }
0x200: {  	s1 =	sand.u32 $0x70, s1;
	s31 =	sshll.u32 s31, $0x7  }
0x201: {  	(v2sf) =	vpush v4, $0x8;
	s1 =	sor.u32 s1, s31;
	[tilespmem:v6+s24+$0x0] =	vst.idx.add.f32.msk $0xffff, v5  }
0x202: {  	v6 =	vor.u32 s1, v1;
	v5 =	vld [tilespmem:s29+$0xFFFFFE80];
	_ =	sdelay $0x1  }
0x203: {  	s1 =	spop (v2sf)  }
0x204: {  	s31 =	sand.u32 $0x1F, s1;
	s1 =	sshrl.u32 s1, $0x1  }
0x205: {  	s1 =	sand.u32 $0x70, s1;
	s31 =	sshll.u32 s31, $0x7  }
0x206: {  	(v2sf) =	vpush v4, $0x9;
	s1 =	sor.u32 s1, s31;
	[tilespmem:v6+s24+$0x0] =	vst.idx.add.f32.msk $0xffff, v5  }
0x207: {  	v6 =	vor.u32 s1, v1;
	v5 =	vld [tilespmem:s29+$0xFFFFFF00];
	_ =	sdelay $0x1  }
0x208: {  	s1 =	spop (v2sf)  }
0x209: {  	s31 =	sand.u32 $0x1F, s1;
	s1 =	sshrl.u32 s1, $0x1  }
0x20a: {  	s1 =	sand.u32 $0x70, s1;
	s31 =	sshll.u32 s31, $0x7  }
0x20b: {  	(v2sf) =	vpush v4, $0xA;
	s1 =	sor.u32 s1, s31;
	[tilespmem:v6+s24+$0x0] =	vst.idx.add.f32.msk $0xffff, v5  }
0x20c: {  	v6 =	vor.u32 s1, v1;
	v5 =	vld [tilespmem:s29+$0xFFFFFF80];
	_ =	sdelay $0x1  }
0x20d: {  	s1 =	spop (v2sf)  }
0x20e: {  	s31 =	sand.u32 $0x1F, s1;
	s1 =	sshrl.u32 s1, $0x1  }
0x20f: {  	s1 =	sand.u32 $0x70, s1;
	s31 =	sshll.u32 s31, $0x7  }
0x210: {  	(v2sf) =	vpush v4, $0xB;
	s1 =	sor.u32 s1, s31;
	[tilespmem:v6+s24+$0x0] =	vst.idx.add.f32.msk $0xffff, v5  }
0x211: {  	v6 =	vor.u32 s1, v1;
	v5 =	vld [tilespmem:s29+$0x0];
	_ =	sdelay $0x1  }
0x212: {  	s1 =	spop (v2sf)  }
0x213: {  	s31 =	sand.u32 $0x1F, s1;
	s1 =	sshrl.u32 s1, $0x1  }
0x214: {  	s1 =	sand.u32 $0x70, s1;
	s31 =	sshll.u32 s31, $0x7  }
0x215: {  	(v2sf) =	vpush v4, $0xC;
	s1 =	sor.u32 s1, s31;
	[tilespmem:v6+s24+$0x0] =	vst.idx.add.f32.msk $0xffff, v5  }
0x216: {  	v6 =	vor.u32 s1, v1;
	v5 =	vld [tilespmem:s29+$0x80];
	_ =	sdelay $0x1  }
0x217: {  	s1 =	spop (v2sf)  }
0x218: {  	s31 =	sand.u32 $0x1F, s1;
	s1 =	sshrl.u32 s1, $0x1  }
0x219: {  	s1 =	sand.u32 $0x70, s1;
	s31 =	sshll.u32 s31, $0x7  }
0x21a: {  	(v2sf) =	vpush v4, $0xD;
	s1 =	sor.u32 s1, s31;
	[tilespmem:v6+s24+$0x0] =	vst.idx.add.f32.msk $0xffff, v5  }
0x21b: {  	v6 =	vor.u32 s1, v1;
	v5 =	vld [tilespmem:s29+$0x100];
	_ =	sdelay $0x1  }
0x21c: {  	s1 =	spop (v2sf)  }
0x21d: {  	s31 =	sand.u32 $0x1F, s1;
	s1 =	sshrl.u32 s1, $0x1  }
0x21e: {  	s1 =	sand.u32 $0x70, s1;
	s31 =	sshll.u32 s31, $0x7  }
0x21f: {  	(v2sf) =	vpush v4, $0xE;
	s1 =	sor.u32 s1, s31;
	[tilespmem:v6+s24+$0x0] =	vst.idx.add.f32.msk $0xffff, v5  }
0x220: {  	v5 =	vor.u32 s1, v1;
	v4 =	vld [tilespmem:s29+$0x180];
	_ =	sdelay $0x1  }
0x221: {  	s1 =	spop (v2sf)  }
0x222: {  	s31 =	sand.u32 $0x1F, s1;
	s1 =	sshrl.u32 s1, $0x1  }
0x223: {  	s1 =	sand.u32 $0x70, s1;
	s31 =	sshll.u32 s31, $0x7  }
0x224: {  	s1 =	sor.u32 s1, s31;
	[tilespmem:v5+s24+$0x0] =	vst.idx.add.f32.msk $0xffff, v4  }
0x225: {  	v5 =	vor.u32 s1, v1;
	v4 =	vld [tilespmem:s29+$0x200];
	_ =	sdelay $0x1  }
0x226: {  	s1 =	spop (v2sf)  }
0x227: {  	s31 =	sand.u32 $0x1F, s1;
	s1 =	sshrl.u32 s1, $0x1  }
0x228: {  	s1 =	sand.u32 $0x70, s1;
	s31 =	sshll.u32 s31, $0x7  }
0x229: {  	s1 =	sor.u32 s1, s31;
	[tilespmem:v5+s24+$0x0] =	vst.idx.add.f32.msk $0xffff, v4  }
0x22a: {  	v5 =	vor.u32 s1, v1;
	v4 =	vld [tilespmem:s29+$0x280];
	_ =	sdelay $0x1  }
0x22b: {  	s1 =	spop (v2sf)  }
0x22c: {  	s31 =	sand.u32 $0x1F, s1;
	s1 =	sshrl.u32 s1, $0x1  }
0x22d: {  	s1 =	sand.u32 $0x70, s1;
	s31 =	sshll.u32 s31, $0x7  }
0x22e: {  	s1 =	sor.u32 s1, s31;
	[tilespmem:v5+s24+$0x0] =	vst.idx.add.f32.msk $0xffff, v4  }
0x22f: {  	v5 =	vor.u32 s1, v1;
	v4 =	vld [tilespmem:s29+$0x300];
	_ =	sdelay $0x3  }
0x230: {  	s1 =	sshrl.u32 s30, $0x1  }
0x231: {  	s31 =	sand.u32 $0x1F, s30;
	s1 =	sand.u32 $0x70, s1;
	[tilespmem:v5+s24+$0x0] =	vst.idx.add.f32.msk $0xffff, v4  }
0x232: {  	v6 =	vmov s1;
	v5 =	vmov s31;
	v4 =	vld [tilespmem:s29+$0x380]  }
.LBB2_22:
0x233: {  	v5 =	vshll.u32 v5, $0x7  }
0x234: {  	v5 =	vor.u32 v6, v5  }
0x235: {  	v5 =	vbroadcast v5, $0x0  }
0x236: {  	s28 =	sadd.s32 $0x40, s28  }
0x237: {  	p0 =	sne.s32 s28, $0x640;
	v5 =	vor.u32 v1, v5  }
.Ltmp16:
0x238: {  	_ = 	snop;
	(pc) =	sbr.rel @!p0 .LBB2_23-.Ltmp16, $2  }
0x239: {  	_ =	sdelay $0x2  }
0x23a: {  	s29 =	sadd.s32 $0x800, s29;
	[tilespmem:v5+s24+$0x0] =	vst.idx.add.f32.msk $0xffff, v4  }
.LBB2_19:
0x23b: {  	s1 =	sshra.s32 s28, $0x2  }
0x23c: {  	v4 =	vld [tilespmem:s1+$0xCCB0];
	_ =	sdelay $0x4  }
0x23d: {  	(v2sf) =	vpush v4, $0x0  }
0x23e: {  	(v2sf) =	vpush v4, $0xF;
	_ =	sdelay $0xd  }
0x23f: {  	s31 =	spop (v2sf)  }
0x240: {  	s30 =	spop (v2sf)  }
0x241: {  	p0 =	sne.s32 s31, s30  }
.Ltmp17:
0x242: {  	_ = 	snop;
	(pc) =	sbr.rel @p0 .LBB2_21-.Ltmp17, $1  }
0x243: {  	_ =	sdelay $0x3  }
0x244: {  	v4 =	vld [tilespmem:s29+$0xFFFFFC00]  }
0x245: {  	v5 =	vld [tilespmem:s29+$0xFFFFFC80];
	_ =	sdelay $0x1  }
0x246: {  	v6 =	vld [tilespmem:s29+$0xFFFFFD00];
	_ =	sdelay $0x1  }
0x247: {  	v7 =	vld [tilespmem:s29+$0xFFFFFD80]  }
0x248: {  	v4 =	vadd.f32 v5, v4  }
0x249: {  	v5 =	vld [tilespmem:s29+$0xFFFFFE00]  }
0x24a: {  	v4 =	vadd.f32 v6, v4  }
0x24b: {  	v6 =	vld [tilespmem:s29+$0xFFFFFE80]  }
0x24c: {  	v4 =	vadd.f32 v7, v4  }
0x24d: {  	v7 =	vld [tilespmem:s29+$0xFFFFFF00]  }
0x24e: {  	v4 =	vadd.f32 v5, v4  }
0x24f: {  	v5 =	vld [tilespmem:s29+$0xFFFFFF80]  }
0x250: {  	v4 =	vadd.f32 v6, v4  }
0x251: {  	v6 =	vld [tilespmem:s29+$0x0]  }
0x252: {  	v4 =	vadd.f32 v7, v4  }
0x253: {  	v7 =	vld [tilespmem:s29+$0x80]  }
0x254: {  	v4 =	vadd.f32 v5, v4  }
0x255: {  	v5 =	vld [tilespmem:s29+$0x100]  }
0x256: {  	v4 =	vadd.f32 v6, v4  }
0x257: {  	v6 =	vld [tilespmem:s29+$0x180]  }
0x258: {  	v4 =	vadd.f32 v7, v4  }
0x259: {  	v7 =	vld [tilespmem:s29+$0x200]  }
0x25a: {  	v4 =	vadd.f32 v5, v4  }
0x25b: {  	v5 =	vld [tilespmem:s29+$0x280]  }
0x25c: {  	v4 =	vadd.f32 v6, v4  }
0x25d: {  	v6 =	vld [tilespmem:s29+$0x300]  }
0x25e: {  	v4 =	vadd.f32 v7, v4  }
0x25f: {  	v7 =	vld [tilespmem:s29+$0x380]  }
.Ltmp18:
0x260: {  	v4 =	vadd.f32 v5, v4;
	(pc) =	sbr.rel .LBB2_22-.Ltmp18, $4  }
0x261: {  	_ = 	snop  }
0x262: {  	s1 =	sshrl.u32 s31, $0x1;
	v4 =	vadd.f32 v6, v4  }
0x263: {  	s30 =	sand.u32 $0x1F, s31;
	s1 =	sand.u32 $0x70, s1  }
0x264: {  	v5 =	vmov s30;
	v6 =	vmov s1;
	v4 =	vadd.f32 v7, v4  }
.LBB2_23:
.Ltmp19:
0x265: {  	(pc) =	sbr.rel .LBB2_24-.Ltmp19, $2  }
0x266: {  	_ =	sdelay $0x2  }
0x267: {  	s28 =	simm.s32 $0x0;
	s29 =	simm.s32 $0x440  }
.LBB2_26:
0x268: {  	(v2sf) =	vpush v4, $0x1;
	_ =	sdelay $0x5  }
0x269: {  	(v2sf) =	vpush v4, $0x2;
	_ =	sdelay $0x3  }
0x26a: {  	s1 =	sand.u32 $0x1F, s31;
	s31 =	sshrl.u32 s31, $0x1  }
0x26b: {  	s31 =	sand.u32 $0x70, s31;
	s1 =	sshll.u32 s1, $0x7  }
0x26c: {  	s1 =	sor.u32 s31, s1;
	(v2sf) =	vpush v4, $0x3  }
0x26d: {  	v5 =	vld [tilespmem:s29+$0xFFFFFC00];
	v6 =	vor.u32 s1, v1;
	_ =	sdelay $0x1  }
0x26e: {  	s1 =	spop (v2sf)  }
0x26f: {  	s31 =	sand.u32 $0x1F, s1;
	s1 =	sshrl.u32 s1, $0x1  }
0x270: {  	s1 =	sand.u32 $0x70, s1;
	s31 =	sshll.u32 s31, $0x7  }
0x271: {  	[tilespmem:v6+s24+$0x0] =	vst.idx.add.f32.msk $0xffff, v5;
	(v2sf) =	vpush v4, $0x4;
	s1 =	sor.u32 s1, s31  }
0x272: {  	v5 =	vld [tilespmem:s29+$0xFFFFFC80];
	v6 =	vor.u32 s1, v1;
	_ =	sdelay $0x1  }
0x273: {  	s1 =	spop (v2sf)  }
0x274: {  	s31 =	sand.u32 $0x1F, s1;
	s1 =	sshrl.u32 s1, $0x1  }
0x275: {  	s1 =	sand.u32 $0x70, s1;
	s31 =	sshll.u32 s31, $0x7  }
0x276: {  	(v2sf) =	vpush v4, $0x5;
	s1 =	sor.u32 s1, s31;
	[tilespmem:v6+s24+$0x0] =	vst.idx.add.f32.msk $0xffff, v5  }
0x277: {  	v6 =	vor.u32 s1, v1;
	v5 =	vld [tilespmem:s29+$0xFFFFFD00];
	_ =	sdelay $0x1  }
0x278: {  	s1 =	spop (v2sf)  }
0x279: {  	s31 =	sand.u32 $0x1F, s1;
	s1 =	sshrl.u32 s1, $0x1  }
0x27a: {  	s1 =	sand.u32 $0x70, s1;
	s31 =	sshll.u32 s31, $0x7  }
0x27b: {  	(v2sf) =	vpush v4, $0x6;
	s1 =	sor.u32 s1, s31;
	[tilespmem:v6+s24+$0x0] =	vst.idx.add.f32.msk $0xffff, v5  }
0x27c: {  	v6 =	vor.u32 s1, v1;
	v5 =	vld [tilespmem:s29+$0xFFFFFD80];
	_ =	sdelay $0x1  }
0x27d: {  	s1 =	spop (v2sf)  }
0x27e: {  	s31 =	sand.u32 $0x1F, s1;
	s1 =	sshrl.u32 s1, $0x1  }
0x27f: {  	s1 =	sand.u32 $0x70, s1;
	s31 =	sshll.u32 s31, $0x7  }
0x280: {  	(v2sf) =	vpush v4, $0x7;
	s1 =	sor.u32 s1, s31;
	[tilespmem:v6+s24+$0x0] =	vst.idx.add.f32.msk $0xffff, v5  }
0x281: {  	v6 =	vor.u32 s1, v1;
	v5 =	vld [tilespmem:s29+$0xFFFFFE00];
	_ =	sdelay $0x1  }
0x282: {  	s1 =	spop (v2sf)  }
0x283: {  	s31 =	sand.u32 $0x1F, s1;
	s1 =	sshrl.u32 s1, $0x1  }
0x284: {  	s1 =	sand.u32 $0x70, s1;
	s31 =	sshll.u32 s31, $0x7  }
0x285: {  	(v2sf) =	vpush v4, $0x8;
	s1 =	sor.u32 s1, s31;
	[tilespmem:v6+s24+$0x0] =	vst.idx.add.f32.msk $0xffff, v5  }
0x286: {  	v6 =	vor.u32 s1, v1;
	v5 =	vld [tilespmem:s29+$0xFFFFFE80];
	_ =	sdelay $0x1  }
0x287: {  	s1 =	spop (v2sf)  }
0x288: {  	s31 =	sand.u32 $0x1F, s1;
	s1 =	sshrl.u32 s1, $0x1  }
0x289: {  	s1 =	sand.u32 $0x70, s1;
	s31 =	sshll.u32 s31, $0x7  }
0x28a: {  	(v2sf) =	vpush v4, $0x9;
	s1 =	sor.u32 s1, s31;
	[tilespmem:v6+s24+$0x0] =	vst.idx.add.f32.msk $0xffff, v5  }
0x28b: {  	v6 =	vor.u32 s1, v1;
	v5 =	vld [tilespmem:s29+$0xFFFFFF00];
	_ =	sdelay $0x1  }
0x28c: {  	s1 =	spop (v2sf)  }
0x28d: {  	s31 =	sand.u32 $0x1F, s1;
	s1 =	sshrl.u32 s1, $0x1  }
0x28e: {  	s1 =	sand.u32 $0x70, s1;
	s31 =	sshll.u32 s31, $0x7  }
0x28f: {  	(v2sf) =	vpush v4, $0xA;
	s1 =	sor.u32 s1, s31;
	[tilespmem:v6+s24+$0x0] =	vst.idx.add.f32.msk $0xffff, v5  }
0x290: {  	v6 =	vor.u32 s1, v1;
	v5 =	vld [tilespmem:s29+$0xFFFFFF80];
	_ =	sdelay $0x1  }
0x291: {  	s1 =	spop (v2sf)  }
0x292: {  	s31 =	sand.u32 $0x1F, s1;
	s1 =	sshrl.u32 s1, $0x1  }
0x293: {  	s1 =	sand.u32 $0x70, s1;
	s31 =	sshll.u32 s31, $0x7  }
0x294: {  	(v2sf) =	vpush v4, $0xB;
	s1 =	sor.u32 s1, s31;
	[tilespmem:v6+s24+$0x0] =	vst.idx.add.f32.msk $0xffff, v5  }
0x295: {  	v6 =	vor.u32 s1, v1;
	v5 =	vld [tilespmem:s29+$0x0];
	_ =	sdelay $0x1  }
0x296: {  	s1 =	spop (v2sf)  }
0x297: {  	s31 =	sand.u32 $0x1F, s1;
	s1 =	sshrl.u32 s1, $0x1  }
0x298: {  	s1 =	sand.u32 $0x70, s1;
	s31 =	sshll.u32 s31, $0x7  }
0x299: {  	(v2sf) =	vpush v4, $0xC;
	s1 =	sor.u32 s1, s31;
	[tilespmem:v6+s24+$0x0] =	vst.idx.add.f32.msk $0xffff, v5  }
0x29a: {  	v6 =	vor.u32 s1, v1;
	v5 =	vld [tilespmem:s29+$0x80];
	_ =	sdelay $0x1  }
0x29b: {  	s1 =	spop (v2sf)  }
0x29c: {  	s31 =	sand.u32 $0x1F, s1;
	s1 =	sshrl.u32 s1, $0x1  }
0x29d: {  	s1 =	sand.u32 $0x70, s1;
	s31 =	sshll.u32 s31, $0x7  }
0x29e: {  	(v2sf) =	vpush v4, $0xD;
	s1 =	sor.u32 s1, s31;
	[tilespmem:v6+s24+$0x0] =	vst.idx.add.f32.msk $0xffff, v5  }
0x29f: {  	v6 =	vor.u32 s1, v1;
	v5 =	vld [tilespmem:s29+$0x100];
	_ =	sdelay $0x1  }
0x2a0: {  	s1 =	spop (v2sf)  }
0x2a1: {  	s31 =	sand.u32 $0x1F, s1;
	s1 =	sshrl.u32 s1, $0x1  }
0x2a2: {  	s1 =	sand.u32 $0x70, s1;
	s31 =	sshll.u32 s31, $0x7  }
0x2a3: {  	(v2sf) =	vpush v4, $0xE;
	s1 =	sor.u32 s1, s31;
	[tilespmem:v6+s24+$0x0] =	vst.idx.add.f32.msk $0xffff, v5  }
0x2a4: {  	v5 =	vor.u32 s1, v1;
	v4 =	vld [tilespmem:s29+$0x180];
	_ =	sdelay $0x1  }
0x2a5: {  	s1 =	spop (v2sf)  }
0x2a6: {  	s31 =	sand.u32 $0x1F, s1;
	s1 =	sshrl.u32 s1, $0x1  }
0x2a7: {  	s1 =	sand.u32 $0x70, s1;
	s31 =	sshll.u32 s31, $0x7  }
0x2a8: {  	s1 =	sor.u32 s1, s31;
	[tilespmem:v5+s24+$0x0] =	vst.idx.add.f32.msk $0xffff, v4  }
0x2a9: {  	v5 =	vor.u32 s1, v1;
	v4 =	vld [tilespmem:s29+$0x200];
	_ =	sdelay $0x1  }
0x2aa: {  	s1 =	spop (v2sf)  }
0x2ab: {  	s31 =	sand.u32 $0x1F, s1;
	s1 =	sshrl.u32 s1, $0x1  }
0x2ac: {  	s1 =	sand.u32 $0x70, s1;
	s31 =	sshll.u32 s31, $0x7  }
0x2ad: {  	s1 =	sor.u32 s1, s31;
	[tilespmem:v5+s24+$0x0] =	vst.idx.add.f32.msk $0xffff, v4  }
0x2ae: {  	v5 =	vor.u32 s1, v1;
	v4 =	vld [tilespmem:s29+$0x280];
	_ =	sdelay $0x1  }
0x2af: {  	s1 =	spop (v2sf)  }
0x2b0: {  	s31 =	sand.u32 $0x1F, s1;
	s1 =	sshrl.u32 s1, $0x1  }
0x2b1: {  	s1 =	sand.u32 $0x70, s1;
	s31 =	sshll.u32 s31, $0x7  }
0x2b2: {  	s1 =	sor.u32 s1, s31;
	[tilespmem:v5+s24+$0x0] =	vst.idx.add.f32.msk $0xffff, v4  }
0x2b3: {  	v5 =	vor.u32 s1, v1;
	v4 =	vld [tilespmem:s29+$0x300];
	_ =	sdelay $0x3  }
0x2b4: {  	s1 =	sshrl.u32 s30, $0x1  }
0x2b5: {  	s31 =	sand.u32 $0x1F, s30;
	s1 =	sand.u32 $0x70, s1;
	[tilespmem:v5+s24+$0x0] =	vst.idx.add.f32.msk $0xffff, v4  }
0x2b6: {  	v6 =	vmov s1;
	v5 =	vmov s31;
	v4 =	vld [tilespmem:s29+$0x380]  }
.LBB2_27:
0x2b7: {  	v5 =	vshll.u32 v5, $0x7  }
0x2b8: {  	v5 =	vor.u32 v6, v5  }
0x2b9: {  	v5 =	vbroadcast v5, $0x0  }
0x2ba: {  	s28 =	sadd.s32 $0x40, s28  }
0x2bb: {  	p0 =	sne.s32 s28, $0x640;
	v5 =	vor.u32 v1, v5  }
.Ltmp20:
0x2bc: {  	_ = 	snop;
	(pc) =	sbr.rel @!p0 .LBB2_28-.Ltmp20, $2  }
0x2bd: {  	_ =	sdelay $0x2  }
0x2be: {  	s29 =	sadd.s32 $0x800, s29;
	[tilespmem:v5+s24+$0x0] =	vst.idx.add.f32.msk $0xffff, v4  }
.LBB2_24:
0x2bf: {  	s1 =	sshra.s32 s28, $0x2  }
0x2c0: {  	v4 =	vld [tilespmem:s1+$0xCE40];
	_ =	sdelay $0x4  }
0x2c1: {  	(v2sf) =	vpush v4, $0x0  }
0x2c2: {  	(v2sf) =	vpush v4, $0xF;
	_ =	sdelay $0xd  }
0x2c3: {  	s31 =	spop (v2sf)  }
0x2c4: {  	s30 =	spop (v2sf)  }
0x2c5: {  	p0 =	sne.s32 s31, s30  }
.Ltmp21:
0x2c6: {  	_ = 	snop;
	(pc) =	sbr.rel @p0 .LBB2_26-.Ltmp21, $1  }
0x2c7: {  	_ =	sdelay $0x3  }
0x2c8: {  	v4 =	vld [tilespmem:s29+$0xFFFFFC00]  }
0x2c9: {  	v5 =	vld [tilespmem:s29+$0xFFFFFC80];
	_ =	sdelay $0x1  }
0x2ca: {  	v6 =	vld [tilespmem:s29+$0xFFFFFD00];
	_ =	sdelay $0x1  }
0x2cb: {  	v7 =	vld [tilespmem:s29+$0xFFFFFD80]  }
0x2cc: {  	v4 =	vadd.f32 v5, v4  }
0x2cd: {  	v5 =	vld [tilespmem:s29+$0xFFFFFE00]  }
0x2ce: {  	v4 =	vadd.f32 v6, v4  }
0x2cf: {  	v6 =	vld [tilespmem:s29+$0xFFFFFE80]  }
0x2d0: {  	v4 =	vadd.f32 v7, v4  }
0x2d1: {  	v7 =	vld [tilespmem:s29+$0xFFFFFF00]  }
0x2d2: {  	v4 =	vadd.f32 v5, v4  }
0x2d3: {  	v5 =	vld [tilespmem:s29+$0xFFFFFF80]  }
0x2d4: {  	v4 =	vadd.f32 v6, v4  }
0x2d5: {  	v6 =	vld [tilespmem:s29+$0x0]  }
0x2d6: {  	v4 =	vadd.f32 v7, v4  }
0x2d7: {  	v7 =	vld [tilespmem:s29+$0x80]  }
0x2d8: {  	v4 =	vadd.f32 v5, v4  }
0x2d9: {  	v5 =	vld [tilespmem:s29+$0x100]  }
0x2da: {  	v4 =	vadd.f32 v6, v4  }
0x2db: {  	v6 =	vld [tilespmem:s29+$0x180]  }
0x2dc: {  	v4 =	vadd.f32 v7, v4  }
0x2dd: {  	v7 =	vld [tilespmem:s29+$0x200]  }
0x2de: {  	v4 =	vadd.f32 v5, v4  }
0x2df: {  	v5 =	vld [tilespmem:s29+$0x280]  }
0x2e0: {  	v4 =	vadd.f32 v6, v4  }
0x2e1: {  	v6 =	vld [tilespmem:s29+$0x300]  }
0x2e2: {  	v4 =	vadd.f32 v7, v4  }
0x2e3: {  	v7 =	vld [tilespmem:s29+$0x380]  }
.Ltmp22:
0x2e4: {  	v4 =	vadd.f32 v5, v4;
	(pc) =	sbr.rel .LBB2_27-.Ltmp22, $4  }
0x2e5: {  	_ = 	snop  }
0x2e6: {  	s1 =	sshrl.u32 s31, $0x1;
	v4 =	vadd.f32 v6, v4  }
0x2e7: {  	s30 =	sand.u32 $0x1F, s31;
	s1 =	sand.u32 $0x70, s1  }
0x2e8: {  	v5 =	vmov s30;
	v6 =	vmov s1;
	v4 =	vadd.f32 v7, v4  }
.LBB2_28:
.Ltmp23:
0x2e9: {  	(pc) =	sbr.rel .LBB2_29-.Ltmp23, $2  }
0x2ea: {  	_ =	sdelay $0x2  }
0x2eb: {  	s28 =	simm.s32 $0x0;
	s29 =	simm.s32 $0x450  }
.LBB2_31:
0x2ec: {  	(v2sf) =	vpush v4, $0x1;
	_ =	sdelay $0x5  }
0x2ed: {  	(v2sf) =	vpush v4, $0x2;
	_ =	sdelay $0x3  }
0x2ee: {  	s1 =	sand.u32 $0x1F, s31;
	s31 =	sshrl.u32 s31, $0x1  }
0x2ef: {  	s31 =	sand.u32 $0x70, s31;
	s1 =	sshll.u32 s1, $0x7  }
0x2f0: {  	s1 =	sor.u32 s31, s1;
	(v2sf) =	vpush v4, $0x3  }
0x2f1: {  	v5 =	vld [tilespmem:s29+$0xFFFFFC00];
	v6 =	vor.u32 s1, v1;
	_ =	sdelay $0x1  }
0x2f2: {  	s1 =	spop (v2sf)  }
0x2f3: {  	s31 =	sand.u32 $0x1F, s1;
	s1 =	sshrl.u32 s1, $0x1  }
0x2f4: {  	s1 =	sand.u32 $0x70, s1;
	s31 =	sshll.u32 s31, $0x7  }
0x2f5: {  	[tilespmem:v6+s24+$0x0] =	vst.idx.add.f32.msk $0xffff, v5;
	(v2sf) =	vpush v4, $0x4;
	s1 =	sor.u32 s1, s31  }
0x2f6: {  	v5 =	vld [tilespmem:s29+$0xFFFFFC80];
	v6 =	vor.u32 s1, v1;
	_ =	sdelay $0x1  }
0x2f7: {  	s1 =	spop (v2sf)  }
0x2f8: {  	s31 =	sand.u32 $0x1F, s1;
	s1 =	sshrl.u32 s1, $0x1  }
0x2f9: {  	s1 =	sand.u32 $0x70, s1;
	s31 =	sshll.u32 s31, $0x7  }
0x2fa: {  	(v2sf) =	vpush v4, $0x5;
	s1 =	sor.u32 s1, s31;
	[tilespmem:v6+s24+$0x0] =	vst.idx.add.f32.msk $0xffff, v5  }
0x2fb: {  	v6 =	vor.u32 s1, v1;
	v5 =	vld [tilespmem:s29+$0xFFFFFD00];
	_ =	sdelay $0x1  }
0x2fc: {  	s1 =	spop (v2sf)  }
0x2fd: {  	s31 =	sand.u32 $0x1F, s1;
	s1 =	sshrl.u32 s1, $0x1  }
0x2fe: {  	s1 =	sand.u32 $0x70, s1;
	s31 =	sshll.u32 s31, $0x7  }
0x2ff: {  	(v2sf) =	vpush v4, $0x6;
	s1 =	sor.u32 s1, s31;
	[tilespmem:v6+s24+$0x0] =	vst.idx.add.f32.msk $0xffff, v5  }
0x300: {  	v6 =	vor.u32 s1, v1;
	v5 =	vld [tilespmem:s29+$0xFFFFFD80];
	_ =	sdelay $0x1  }
0x301: {  	s1 =	spop (v2sf)  }
0x302: {  	s31 =	sand.u32 $0x1F, s1;
	s1 =	sshrl.u32 s1, $0x1  }
0x303: {  	s1 =	sand.u32 $0x70, s1;
	s31 =	sshll.u32 s31, $0x7  }
0x304: {  	(v2sf) =	vpush v4, $0x7;
	s1 =	sor.u32 s1, s31;
	[tilespmem:v6+s24+$0x0] =	vst.idx.add.f32.msk $0xffff, v5  }
0x305: {  	v6 =	vor.u32 s1, v1;
	v5 =	vld [tilespmem:s29+$0xFFFFFE00];
	_ =	sdelay $0x1  }
0x306: {  	s1 =	spop (v2sf)  }
0x307: {  	s31 =	sand.u32 $0x1F, s1;
	s1 =	sshrl.u32 s1, $0x1  }
0x308: {  	s1 =	sand.u32 $0x70, s1;
	s31 =	sshll.u32 s31, $0x7  }
0x309: {  	(v2sf) =	vpush v4, $0x8;
	s1 =	sor.u32 s1, s31;
	[tilespmem:v6+s24+$0x0] =	vst.idx.add.f32.msk $0xffff, v5  }
0x30a: {  	v6 =	vor.u32 s1, v1;
	v5 =	vld [tilespmem:s29+$0xFFFFFE80];
	_ =	sdelay $0x1  }
0x30b: {  	s1 =	spop (v2sf)  }
0x30c: {  	s31 =	sand.u32 $0x1F, s1;
	s1 =	sshrl.u32 s1, $0x1  }
0x30d: {  	s1 =	sand.u32 $0x70, s1;
	s31 =	sshll.u32 s31, $0x7  }
0x30e: {  	(v2sf) =	vpush v4, $0x9;
	s1 =	sor.u32 s1, s31;
	[tilespmem:v6+s24+$0x0] =	vst.idx.add.f32.msk $0xffff, v5  }
0x30f: {  	v6 =	vor.u32 s1, v1;
	v5 =	vld [tilespmem:s29+$0xFFFFFF00];
	_ =	sdelay $0x1  }
0x310: {  	s1 =	spop (v2sf)  }
0x311: {  	s31 =	sand.u32 $0x1F, s1;
	s1 =	sshrl.u32 s1, $0x1  }
0x312: {  	s1 =	sand.u32 $0x70, s1;
	s31 =	sshll.u32 s31, $0x7  }
0x313: {  	(v2sf) =	vpush v4, $0xA;
	s1 =	sor.u32 s1, s31;
	[tilespmem:v6+s24+$0x0] =	vst.idx.add.f32.msk $0xffff, v5  }
0x314: {  	v6 =	vor.u32 s1, v1;
	v5 =	vld [tilespmem:s29+$0xFFFFFF80];
	_ =	sdelay $0x1  }
0x315: {  	s1 =	spop (v2sf)  }
0x316: {  	s31 =	sand.u32 $0x1F, s1;
	s1 =	sshrl.u32 s1, $0x1  }
0x317: {  	s1 =	sand.u32 $0x70, s1;
	s31 =	sshll.u32 s31, $0x7  }
0x318: {  	(v2sf) =	vpush v4, $0xB;
	s1 =	sor.u32 s1, s31;
	[tilespmem:v6+s24+$0x0] =	vst.idx.add.f32.msk $0xffff, v5  }
0x319: {  	v6 =	vor.u32 s1, v1;
	v5 =	vld [tilespmem:s29+$0x0];
	_ =	sdelay $0x1  }
0x31a: {  	s1 =	spop (v2sf)  }
0x31b: {  	s31 =	sand.u32 $0x1F, s1;
	s1 =	sshrl.u32 s1, $0x1  }
0x31c: {  	s1 =	sand.u32 $0x70, s1;
	s31 =	sshll.u32 s31, $0x7  }
0x31d: {  	(v2sf) =	vpush v4, $0xC;
	s1 =	sor.u32 s1, s31;
	[tilespmem:v6+s24+$0x0] =	vst.idx.add.f32.msk $0xffff, v5  }
0x31e: {  	v6 =	vor.u32 s1, v1;
	v5 =	vld [tilespmem:s29+$0x80];
	_ =	sdelay $0x1  }
0x31f: {  	s1 =	spop (v2sf)  }
0x320: {  	s31 =	sand.u32 $0x1F, s1;
	s1 =	sshrl.u32 s1, $0x1  }
0x321: {  	s1 =	sand.u32 $0x70, s1;
	s31 =	sshll.u32 s31, $0x7  }
0x322: {  	(v2sf) =	vpush v4, $0xD;
	s1 =	sor.u32 s1, s31;
	[tilespmem:v6+s24+$0x0] =	vst.idx.add.f32.msk $0xffff, v5  }
0x323: {  	v6 =	vor.u32 s1, v1;
	v5 =	vld [tilespmem:s29+$0x100];
	_ =	sdelay $0x1  }
0x324: {  	s1 =	spop (v2sf)  }
0x325: {  	s31 =	sand.u32 $0x1F, s1;
	s1 =	sshrl.u32 s1, $0x1  }
0x326: {  	s1 =	sand.u32 $0x70, s1;
	s31 =	sshll.u32 s31, $0x7  }
0x327: {  	(v2sf) =	vpush v4, $0xE;
	s1 =	sor.u32 s1, s31;
	[tilespmem:v6+s24+$0x0] =	vst.idx.add.f32.msk $0xffff, v5  }
0x328: {  	v5 =	vor.u32 s1, v1;
	v4 =	vld [tilespmem:s29+$0x180];
	_ =	sdelay $0x1  }
0x329: {  	s1 =	spop (v2sf)  }
0x32a: {  	s31 =	sand.u32 $0x1F, s1;
	s1 =	sshrl.u32 s1, $0x1  }
0x32b: {  	s1 =	sand.u32 $0x70, s1;
	s31 =	sshll.u32 s31, $0x7  }
0x32c: {  	s1 =	sor.u32 s1, s31;
	[tilespmem:v5+s24+$0x0] =	vst.idx.add.f32.msk $0xffff, v4  }
0x32d: {  	v5 =	vor.u32 s1, v1;
	v4 =	vld [tilespmem:s29+$0x200];
	_ =	sdelay $0x1  }
0x32e: {  	s1 =	spop (v2sf)  }
0x32f: {  	s31 =	sand.u32 $0x1F, s1;
	s1 =	sshrl.u32 s1, $0x1  }
0x330: {  	s1 =	sand.u32 $0x70, s1;
	s31 =	sshll.u32 s31, $0x7  }
0x331: {  	s1 =	sor.u32 s1, s31;
	[tilespmem:v5+s24+$0x0] =	vst.idx.add.f32.msk $0xffff, v4  }
0x332: {  	v5 =	vor.u32 s1, v1;
	v4 =	vld [tilespmem:s29+$0x280];
	_ =	sdelay $0x1  }
0x333: {  	s1 =	spop (v2sf)  }
0x334: {  	s31 =	sand.u32 $0x1F, s1;
	s1 =	sshrl.u32 s1, $0x1  }
0x335: {  	s1 =	sand.u32 $0x70, s1;
	s31 =	sshll.u32 s31, $0x7  }
0x336: {  	s1 =	sor.u32 s1, s31;
	[tilespmem:v5+s24+$0x0] =	vst.idx.add.f32.msk $0xffff, v4  }
0x337: {  	v5 =	vor.u32 s1, v1;
	v4 =	vld [tilespmem:s29+$0x300];
	_ =	sdelay $0x3  }
0x338: {  	s1 =	sshrl.u32 s30, $0x1  }
0x339: {  	s31 =	sand.u32 $0x1F, s30;
	s1 =	sand.u32 $0x70, s1;
	[tilespmem:v5+s24+$0x0] =	vst.idx.add.f32.msk $0xffff, v4  }
0x33a: {  	v6 =	vmov s1;
	v5 =	vmov s31;
	v4 =	vld [tilespmem:s29+$0x380]  }
.LBB2_32:
0x33b: {  	v5 =	vshll.u32 v5, $0x7  }
0x33c: {  	v5 =	vor.u32 v6, v5  }
0x33d: {  	v5 =	vbroadcast v5, $0x0  }
0x33e: {  	s28 =	sadd.s32 $0x40, s28  }
0x33f: {  	p0 =	sne.s32 s28, $0x640;
	v5 =	vor.u32 v1, v5  }
.Ltmp24:
0x340: {  	_ = 	snop;
	(pc) =	sbr.rel @!p0 .LBB2_33-.Ltmp24, $2  }
0x341: {  	_ =	sdelay $0x2  }
0x342: {  	s29 =	sadd.s32 $0x800, s29;
	[tilespmem:v5+s24+$0x0] =	vst.idx.add.f32.msk $0xffff, v4  }
.LBB2_29:
0x343: {  	s1 =	sshra.s32 s28, $0x2  }
0x344: {  	v4 =	vld [tilespmem:s1+$0xCFD0];
	_ =	sdelay $0x4  }
0x345: {  	(v2sf) =	vpush v4, $0x0  }
0x346: {  	(v2sf) =	vpush v4, $0xF;
	_ =	sdelay $0xd  }
0x347: {  	s31 =	spop (v2sf)  }
0x348: {  	s30 =	spop (v2sf)  }
0x349: {  	p0 =	sne.s32 s31, s30  }
.Ltmp25:
0x34a: {  	_ = 	snop;
	(pc) =	sbr.rel @p0 .LBB2_31-.Ltmp25, $1  }
0x34b: {  	_ =	sdelay $0x3  }
0x34c: {  	v4 =	vld [tilespmem:s29+$0xFFFFFC00]  }
0x34d: {  	v5 =	vld [tilespmem:s29+$0xFFFFFC80];
	_ =	sdelay $0x1  }
0x34e: {  	v6 =	vld [tilespmem:s29+$0xFFFFFD00];
	_ =	sdelay $0x1  }
0x34f: {  	v7 =	vld [tilespmem:s29+$0xFFFFFD80]  }
0x350: {  	v4 =	vadd.f32 v5, v4  }
0x351: {  	v5 =	vld [tilespmem:s29+$0xFFFFFE00]  }
0x352: {  	v4 =	vadd.f32 v6, v4  }
0x353: {  	v6 =	vld [tilespmem:s29+$0xFFFFFE80]  }
0x354: {  	v4 =	vadd.f32 v7, v4  }
0x355: {  	v7 =	vld [tilespmem:s29+$0xFFFFFF00]  }
0x356: {  	v4 =	vadd.f32 v5, v4  }
0x357: {  	v5 =	vld [tilespmem:s29+$0xFFFFFF80]  }
0x358: {  	v4 =	vadd.f32 v6, v4  }
0x359: {  	v6 =	vld [tilespmem:s29+$0x0]  }
0x35a: {  	v4 =	vadd.f32 v7, v4  }
0x35b: {  	v7 =	vld [tilespmem:s29+$0x80]  }
0x35c: {  	v4 =	vadd.f32 v5, v4  }
0x35d: {  	v5 =	vld [tilespmem:s29+$0x100]  }
0x35e: {  	v4 =	vadd.f32 v6, v4  }
0x35f: {  	v6 =	vld [tilespmem:s29+$0x180]  }
0x360: {  	v4 =	vadd.f32 v7, v4  }
0x361: {  	v7 =	vld [tilespmem:s29+$0x200]  }
0x362: {  	v4 =	vadd.f32 v5, v4  }
0x363: {  	v5 =	vld [tilespmem:s29+$0x280]  }
0x364: {  	v4 =	vadd.f32 v6, v4  }
0x365: {  	v6 =	vld [tilespmem:s29+$0x300]  }
0x366: {  	v4 =	vadd.f32 v7, v4  }
0x367: {  	v7 =	vld [tilespmem:s29+$0x380]  }
.Ltmp26:
0x368: {  	v4 =	vadd.f32 v5, v4;
	(pc) =	sbr.rel .LBB2_32-.Ltmp26, $4  }
0x369: {  	_ = 	snop  }
0x36a: {  	s1 =	sshrl.u32 s31, $0x1;
	v4 =	vadd.f32 v6, v4  }
0x36b: {  	s30 =	sand.u32 $0x1F, s31;
	s1 =	sand.u32 $0x70, s1  }
0x36c: {  	v5 =	vmov s30;
	v6 =	vmov s1;
	v4 =	vadd.f32 v7, v4  }
.LBB2_33:
.Ltmp27:
0x36d: {  	(pc) =	sbr.rel .LBB2_34-.Ltmp27, $2  }
0x36e: {  	_ =	sdelay $0x2  }
0x36f: {  	s28 =	simm.s32 $0x0;
	s29 =	simm.s32 $0x460  }
.LBB2_36:
0x370: {  	(v2sf) =	vpush v4, $0x1;
	_ =	sdelay $0x5  }
0x371: {  	(v2sf) =	vpush v4, $0x2;
	_ =	sdelay $0x3  }
0x372: {  	s1 =	sand.u32 $0x1F, s31;
	s31 =	sshrl.u32 s31, $0x1  }
0x373: {  	s31 =	sand.u32 $0x70, s31;
	s1 =	sshll.u32 s1, $0x7  }
0x374: {  	s1 =	sor.u32 s31, s1;
	(v2sf) =	vpush v4, $0x3  }
0x375: {  	v5 =	vld [tilespmem:s29+$0xFFFFFC00];
	v6 =	vor.u32 s1, v1;
	_ =	sdelay $0x1  }
0x376: {  	s1 =	spop (v2sf)  }
0x377: {  	s31 =	sand.u32 $0x1F, s1;
	s1 =	sshrl.u32 s1, $0x1  }
0x378: {  	s1 =	sand.u32 $0x70, s1;
	s31 =	sshll.u32 s31, $0x7  }
0x379: {  	[tilespmem:v6+s24+$0x0] =	vst.idx.add.f32.msk $0xffff, v5;
	(v2sf) =	vpush v4, $0x4;
	s1 =	sor.u32 s1, s31  }
0x37a: {  	v5 =	vld [tilespmem:s29+$0xFFFFFC80];
	v6 =	vor.u32 s1, v1;
	_ =	sdelay $0x1  }
0x37b: {  	s1 =	spop (v2sf)  }
0x37c: {  	s31 =	sand.u32 $0x1F, s1;
	s1 =	sshrl.u32 s1, $0x1  }
0x37d: {  	s1 =	sand.u32 $0x70, s1;
	s31 =	sshll.u32 s31, $0x7  }
0x37e: {  	(v2sf) =	vpush v4, $0x5;
	s1 =	sor.u32 s1, s31;
	[tilespmem:v6+s24+$0x0] =	vst.idx.add.f32.msk $0xffff, v5  }
0x37f: {  	v6 =	vor.u32 s1, v1;
	v5 =	vld [tilespmem:s29+$0xFFFFFD00];
	_ =	sdelay $0x1  }
0x380: {  	s1 =	spop (v2sf)  }
0x381: {  	s31 =	sand.u32 $0x1F, s1;
	s1 =	sshrl.u32 s1, $0x1  }
0x382: {  	s1 =	sand.u32 $0x70, s1;
	s31 =	sshll.u32 s31, $0x7  }
0x383: {  	(v2sf) =	vpush v4, $0x6;
	s1 =	sor.u32 s1, s31;
	[tilespmem:v6+s24+$0x0] =	vst.idx.add.f32.msk $0xffff, v5  }
0x384: {  	v6 =	vor.u32 s1, v1;
	v5 =	vld [tilespmem:s29+$0xFFFFFD80];
	_ =	sdelay $0x1  }
0x385: {  	s1 =	spop (v2sf)  }
0x386: {  	s31 =	sand.u32 $0x1F, s1;
	s1 =	sshrl.u32 s1, $0x1  }
0x387: {  	s1 =	sand.u32 $0x70, s1;
	s31 =	sshll.u32 s31, $0x7  }
0x388: {  	(v2sf) =	vpush v4, $0x7;
	s1 =	sor.u32 s1, s31;
	[tilespmem:v6+s24+$0x0] =	vst.idx.add.f32.msk $0xffff, v5  }
0x389: {  	v6 =	vor.u32 s1, v1;
	v5 =	vld [tilespmem:s29+$0xFFFFFE00];
	_ =	sdelay $0x1  }
0x38a: {  	s1 =	spop (v2sf)  }
0x38b: {  	s31 =	sand.u32 $0x1F, s1;
	s1 =	sshrl.u32 s1, $0x1  }
0x38c: {  	s1 =	sand.u32 $0x70, s1;
	s31 =	sshll.u32 s31, $0x7  }
0x38d: {  	(v2sf) =	vpush v4, $0x8;
	s1 =	sor.u32 s1, s31;
	[tilespmem:v6+s24+$0x0] =	vst.idx.add.f32.msk $0xffff, v5  }
0x38e: {  	v6 =	vor.u32 s1, v1;
	v5 =	vld [tilespmem:s29+$0xFFFFFE80];
	_ =	sdelay $0x1  }
0x38f: {  	s1 =	spop (v2sf)  }
0x390: {  	s31 =	sand.u32 $0x1F, s1;
	s1 =	sshrl.u32 s1, $0x1  }
0x391: {  	s1 =	sand.u32 $0x70, s1;
	s31 =	sshll.u32 s31, $0x7  }
0x392: {  	(v2sf) =	vpush v4, $0x9;
	s1 =	sor.u32 s1, s31;
	[tilespmem:v6+s24+$0x0] =	vst.idx.add.f32.msk $0xffff, v5  }
0x393: {  	v6 =	vor.u32 s1, v1;
	v5 =	vld [tilespmem:s29+$0xFFFFFF00];
	_ =	sdelay $0x1  }
0x394: {  	s1 =	spop (v2sf)  }
0x395: {  	s31 =	sand.u32 $0x1F, s1;
	s1 =	sshrl.u32 s1, $0x1  }
0x396: {  	s1 =	sand.u32 $0x70, s1;
	s31 =	sshll.u32 s31, $0x7  }
0x397: {  	(v2sf) =	vpush v4, $0xA;
	s1 =	sor.u32 s1, s31;
	[tilespmem:v6+s24+$0x0] =	vst.idx.add.f32.msk $0xffff, v5  }
0x398: {  	v6 =	vor.u32 s1, v1;
	v5 =	vld [tilespmem:s29+$0xFFFFFF80];
	_ =	sdelay $0x1  }
0x399: {  	s1 =	spop (v2sf)  }
0x39a: {  	s31 =	sand.u32 $0x1F, s1;
	s1 =	sshrl.u32 s1, $0x1  }
0x39b: {  	s1 =	sand.u32 $0x70, s1;
	s31 =	sshll.u32 s31, $0x7  }
0x39c: {  	(v2sf) =	vpush v4, $0xB;
	s1 =	sor.u32 s1, s31;
	[tilespmem:v6+s24+$0x0] =	vst.idx.add.f32.msk $0xffff, v5  }
0x39d: {  	v6 =	vor.u32 s1, v1;
	v5 =	vld [tilespmem:s29+$0x0];
	_ =	sdelay $0x1  }
0x39e: {  	s1 =	spop (v2sf)  }
0x39f: {  	s31 =	sand.u32 $0x1F, s1;
	s1 =	sshrl.u32 s1, $0x1  }
0x3a0: {  	s1 =	sand.u32 $0x70, s1;
	s31 =	sshll.u32 s31, $0x7  }
0x3a1: {  	(v2sf) =	vpush v4, $0xC;
	s1 =	sor.u32 s1, s31;
	[tilespmem:v6+s24+$0x0] =	vst.idx.add.f32.msk $0xffff, v5  }
0x3a2: {  	v6 =	vor.u32 s1, v1;
	v5 =	vld [tilespmem:s29+$0x80];
	_ =	sdelay $0x1  }
0x3a3: {  	s1 =	spop (v2sf)  }
0x3a4: {  	s31 =	sand.u32 $0x1F, s1;
	s1 =	sshrl.u32 s1, $0x1  }
0x3a5: {  	s1 =	sand.u32 $0x70, s1;
	s31 =	sshll.u32 s31, $0x7  }
0x3a6: {  	(v2sf) =	vpush v4, $0xD;
	s1 =	sor.u32 s1, s31;
	[tilespmem:v6+s24+$0x0] =	vst.idx.add.f32.msk $0xffff, v5  }
0x3a7: {  	v6 =	vor.u32 s1, v1;
	v5 =	vld [tilespmem:s29+$0x100];
	_ =	sdelay $0x1  }
0x3a8: {  	s1 =	spop (v2sf)  }
0x3a9: {  	s31 =	sand.u32 $0x1F, s1;
	s1 =	sshrl.u32 s1, $0x1  }
0x3aa: {  	s1 =	sand.u32 $0x70, s1;
	s31 =	sshll.u32 s31, $0x7  }
0x3ab: {  	(v2sf) =	vpush v4, $0xE;
	s1 =	sor.u32 s1, s31;
	[tilespmem:v6+s24+$0x0] =	vst.idx.add.f32.msk $0xffff, v5  }
0x3ac: {  	v5 =	vor.u32 s1, v1;
	v4 =	vld [tilespmem:s29+$0x180];
	_ =	sdelay $0x1  }
0x3ad: {  	s1 =	spop (v2sf)  }
0x3ae: {  	s31 =	sand.u32 $0x1F, s1;
	s1 =	sshrl.u32 s1, $0x1  }
0x3af: {  	s1 =	sand.u32 $0x70, s1;
	s31 =	sshll.u32 s31, $0x7  }
0x3b0: {  	s1 =	sor.u32 s1, s31;
	[tilespmem:v5+s24+$0x0] =	vst.idx.add.f32.msk $0xffff, v4  }
0x3b1: {  	v5 =	vor.u32 s1, v1;
	v4 =	vld [tilespmem:s29+$0x200];
	_ =	sdelay $0x1  }
0x3b2: {  	s1 =	spop (v2sf)  }
0x3b3: {  	s31 =	sand.u32 $0x1F, s1;
	s1 =	sshrl.u32 s1, $0x1  }
0x3b4: {  	s1 =	sand.u32 $0x70, s1;
	s31 =	sshll.u32 s31, $0x7  }
0x3b5: {  	s1 =	sor.u32 s1, s31;
	[tilespmem:v5+s24+$0x0] =	vst.idx.add.f32.msk $0xffff, v4  }
0x3b6: {  	v5 =	vor.u32 s1, v1;
	v4 =	vld [tilespmem:s29+$0x280];
	_ =	sdelay $0x1  }
0x3b7: {  	s1 =	spop (v2sf)  }
0x3b8: {  	s31 =	sand.u32 $0x1F, s1;
	s1 =	sshrl.u32 s1, $0x1  }
0x3b9: {  	s1 =	sand.u32 $0x70, s1;
	s31 =	sshll.u32 s31, $0x7  }
0x3ba: {  	s1 =	sor.u32 s1, s31;
	[tilespmem:v5+s24+$0x0] =	vst.idx.add.f32.msk $0xffff, v4  }
0x3bb: {  	v5 =	vor.u32 s1, v1;
	v4 =	vld [tilespmem:s29+$0x300];
	_ =	sdelay $0x3  }
0x3bc: {  	s1 =	sshrl.u32 s30, $0x1  }
0x3bd: {  	s31 =	sand.u32 $0x1F, s30;
	s1 =	sand.u32 $0x70, s1;
	[tilespmem:v5+s24+$0x0] =	vst.idx.add.f32.msk $0xffff, v4  }
0x3be: {  	v6 =	vmov s1;
	v5 =	vmov s31;
	v4 =	vld [tilespmem:s29+$0x380]  }
.LBB2_37:
0x3bf: {  	v5 =	vshll.u32 v5, $0x7  }
0x3c0: {  	v5 =	vor.u32 v6, v5  }
0x3c1: {  	v5 =	vbroadcast v5, $0x0  }
0x3c2: {  	s28 =	sadd.s32 $0x40, s28  }
0x3c3: {  	p0 =	sne.s32 s28, $0x640;
	v5 =	vor.u32 v1, v5  }
.Ltmp28:
0x3c4: {  	_ = 	snop;
	(pc) =	sbr.rel @!p0 .LBB2_38-.Ltmp28, $2  }
0x3c5: {  	_ =	sdelay $0x2  }
0x3c6: {  	s29 =	sadd.s32 $0x800, s29;
	[tilespmem:v5+s24+$0x0] =	vst.idx.add.f32.msk $0xffff, v4  }
.LBB2_34:
0x3c7: {  	_ =	sdelay $0x2  }
0x3c8: {  	s1 =	sshra.s32 s28, $0x2  }
0x3c9: {  	v4 =	vld.idx.msk [tilespmem:v2+s1+$0x0 ss:$0x1], $0xffff;
	_ =	sdelay $0x4  }
0x3ca: {  	(v2sf) =	vpush v4, $0x0  }
0x3cb: {  	(v2sf) =	vpush v4, $0xF;
	_ =	sdelay $0xd  }
0x3cc: {  	s31 =	spop (v2sf)  }
0x3cd: {  	s30 =	spop (v2sf)  }
0x3ce: {  	p0 =	sne.s32 s31, s30  }
.Ltmp29:
0x3cf: {  	_ = 	snop;
	(pc) =	sbr.rel @p0 .LBB2_36-.Ltmp29, $1  }
0x3d0: {  	_ =	sdelay $0x3  }
0x3d1: {  	v4 =	vld [tilespmem:s29+$0xFFFFFC00]  }
0x3d2: {  	v5 =	vld [tilespmem:s29+$0xFFFFFC80];
	_ =	sdelay $0x1  }
0x3d3: {  	v6 =	vld [tilespmem:s29+$0xFFFFFD00];
	_ =	sdelay $0x1  }
0x3d4: {  	v7 =	vld [tilespmem:s29+$0xFFFFFD80]  }
0x3d5: {  	v4 =	vadd.f32 v5, v4  }
0x3d6: {  	v5 =	vld [tilespmem:s29+$0xFFFFFE00]  }
0x3d7: {  	v4 =	vadd.f32 v6, v4  }
0x3d8: {  	v6 =	vld [tilespmem:s29+$0xFFFFFE80]  }
0x3d9: {  	v4 =	vadd.f32 v7, v4  }
0x3da: {  	v7 =	vld [tilespmem:s29+$0xFFFFFF00]  }
0x3db: {  	v4 =	vadd.f32 v5, v4  }
0x3dc: {  	v5 =	vld [tilespmem:s29+$0xFFFFFF80]  }
0x3dd: {  	v4 =	vadd.f32 v6, v4  }
0x3de: {  	v6 =	vld [tilespmem:s29+$0x0]  }
0x3df: {  	v4 =	vadd.f32 v7, v4  }
0x3e0: {  	v7 =	vld [tilespmem:s29+$0x80]  }
0x3e1: {  	v4 =	vadd.f32 v5, v4  }
0x3e2: {  	v5 =	vld [tilespmem:s29+$0x100]  }
0x3e3: {  	v4 =	vadd.f32 v6, v4  }
0x3e4: {  	v6 =	vld [tilespmem:s29+$0x180]  }
0x3e5: {  	v4 =	vadd.f32 v7, v4  }
0x3e6: {  	v7 =	vld [tilespmem:s29+$0x200]  }
0x3e7: {  	v4 =	vadd.f32 v5, v4  }
0x3e8: {  	v5 =	vld [tilespmem:s29+$0x280]  }
0x3e9: {  	v4 =	vadd.f32 v6, v4  }
0x3ea: {  	v6 =	vld [tilespmem:s29+$0x300]  }
0x3eb: {  	v4 =	vadd.f32 v7, v4  }
0x3ec: {  	v7 =	vld [tilespmem:s29+$0x380]  }
.Ltmp30:
0x3ed: {  	v4 =	vadd.f32 v5, v4;
	(pc) =	sbr.rel .LBB2_37-.Ltmp30, $4  }
0x3ee: {  	_ = 	snop  }
0x3ef: {  	s1 =	sshrl.u32 s31, $0x1;
	v4 =	vadd.f32 v6, v4  }
0x3f0: {  	s30 =	sand.u32 $0x1F, s31;
	s1 =	sand.u32 $0x70, s1  }
0x3f1: {  	v5 =	vmov s30;
	v6 =	vmov s1;
	v4 =	vadd.f32 v7, v4  }
.LBB2_38:
.Ltmp31:
0x3f2: {  	(pc) =	sbr.rel .LBB2_39-.Ltmp31, $2  }
0x3f3: {  	_ =	sdelay $0x2  }
0x3f4: {  	s28 =	simm.s32 $0x0;
	s29 =	simm.s32 $0x470  }
.LBB2_41:
0x3f5: {  	(v2sf) =	vpush v4, $0x1;
	_ =	sdelay $0x5  }
0x3f6: {  	(v2sf) =	vpush v4, $0x2;
	_ =	sdelay $0x3  }
0x3f7: {  	s1 =	sand.u32 $0x1F, s31;
	s31 =	sshrl.u32 s31, $0x1  }
0x3f8: {  	s31 =	sand.u32 $0x70, s31;
	s1 =	sshll.u32 s1, $0x7  }
0x3f9: {  	s1 =	sor.u32 s31, s1;
	(v2sf) =	vpush v4, $0x3  }
0x3fa: {  	v5 =	vld [tilespmem:s29+$0xFFFFFC00];
	v6 =	vor.u32 s1, v1;
	_ =	sdelay $0x1  }
0x3fb: {  	s1 =	spop (v2sf)  }
0x3fc: {  	s31 =	sand.u32 $0x1F, s1;
	s1 =	sshrl.u32 s1, $0x1  }
0x3fd: {  	s1 =	sand.u32 $0x70, s1;
	s31 =	sshll.u32 s31, $0x7  }
0x3fe: {  	[tilespmem:v6+s24+$0x0] =	vst.idx.add.f32.msk $0xffff, v5;
	(v2sf) =	vpush v4, $0x4;
	s1 =	sor.u32 s1, s31  }
0x3ff: {  	v5 =	vld [tilespmem:s29+$0xFFFFFC80];
	v6 =	vor.u32 s1, v1;
	_ =	sdelay $0x1  }
0x400: {  	s1 =	spop (v2sf)  }
0x401: {  	s31 =	sand.u32 $0x1F, s1;
	s1 =	sshrl.u32 s1, $0x1  }
0x402: {  	s1 =	sand.u32 $0x70, s1;
	s31 =	sshll.u32 s31, $0x7  }
0x403: {  	(v2sf) =	vpush v4, $0x5;
	s1 =	sor.u32 s1, s31;
	[tilespmem:v6+s24+$0x0] =	vst.idx.add.f32.msk $0xffff, v5  }
0x404: {  	v6 =	vor.u32 s1, v1;
	v5 =	vld [tilespmem:s29+$0xFFFFFD00];
	_ =	sdelay $0x1  }
0x405: {  	s1 =	spop (v2sf)  }
0x406: {  	s31 =	sand.u32 $0x1F, s1;
	s1 =	sshrl.u32 s1, $0x1  }
0x407: {  	s1 =	sand.u32 $0x70, s1;
	s31 =	sshll.u32 s31, $0x7  }
0x408: {  	(v2sf) =	vpush v4, $0x6;
	s1 =	sor.u32 s1, s31;
	[tilespmem:v6+s24+$0x0] =	vst.idx.add.f32.msk $0xffff, v5  }
0x409: {  	v6 =	vor.u32 s1, v1;
	v5 =	vld [tilespmem:s29+$0xFFFFFD80];
	_ =	sdelay $0x1  }
0x40a: {  	s1 =	spop (v2sf)  }
0x40b: {  	s31 =	sand.u32 $0x1F, s1;
	s1 =	sshrl.u32 s1, $0x1  }
0x40c: {  	s1 =	sand.u32 $0x70, s1;
	s31 =	sshll.u32 s31, $0x7  }
0x40d: {  	(v2sf) =	vpush v4, $0x7;
	s1 =	sor.u32 s1, s31;
	[tilespmem:v6+s24+$0x0] =	vst.idx.add.f32.msk $0xffff, v5  }
0x40e: {  	v6 =	vor.u32 s1, v1;
	v5 =	vld [tilespmem:s29+$0xFFFFFE00];
	_ =	sdelay $0x1  }
0x40f: {  	s1 =	spop (v2sf)  }
0x410: {  	s31 =	sand.u32 $0x1F, s1;
	s1 =	sshrl.u32 s1, $0x1  }
0x411: {  	s1 =	sand.u32 $0x70, s1;
	s31 =	sshll.u32 s31, $0x7  }
0x412: {  	(v2sf) =	vpush v4, $0x8;
	s1 =	sor.u32 s1, s31;
	[tilespmem:v6+s24+$0x0] =	vst.idx.add.f32.msk $0xffff, v5  }
0x413: {  	v6 =	vor.u32 s1, v1;
	v5 =	vld [tilespmem:s29+$0xFFFFFE80];
	_ =	sdelay $0x1  }
0x414: {  	s1 =	spop (v2sf)  }
0x415: {  	s31 =	sand.u32 $0x1F, s1;
	s1 =	sshrl.u32 s1, $0x1  }
0x416: {  	s1 =	sand.u32 $0x70, s1;
	s31 =	sshll.u32 s31, $0x7  }
0x417: {  	(v2sf) =	vpush v4, $0x9;
	s1 =	sor.u32 s1, s31;
	[tilespmem:v6+s24+$0x0] =	vst.idx.add.f32.msk $0xffff, v5  }
0x418: {  	v6 =	vor.u32 s1, v1;
	v5 =	vld [tilespmem:s29+$0xFFFFFF00];
	_ =	sdelay $0x1  }
0x419: {  	s1 =	spop (v2sf)  }
0x41a: {  	s31 =	sand.u32 $0x1F, s1;
	s1 =	sshrl.u32 s1, $0x1  }
0x41b: {  	s1 =	sand.u32 $0x70, s1;
	s31 =	sshll.u32 s31, $0x7  }
0x41c: {  	(v2sf) =	vpush v4, $0xA;
	s1 =	sor.u32 s1, s31;
	[tilespmem:v6+s24+$0x0] =	vst.idx.add.f32.msk $0xffff, v5  }
0x41d: {  	v6 =	vor.u32 s1, v1;
	v5 =	vld [tilespmem:s29+$0xFFFFFF80];
	_ =	sdelay $0x1  }
0x41e: {  	s1 =	spop (v2sf)  }
0x41f: {  	s31 =	sand.u32 $0x1F, s1;
	s1 =	sshrl.u32 s1, $0x1  }
0x420: {  	s1 =	sand.u32 $0x70, s1;
	s31 =	sshll.u32 s31, $0x7  }
0x421: {  	(v2sf) =	vpush v4, $0xB;
	s1 =	sor.u32 s1, s31;
	[tilespmem:v6+s24+$0x0] =	vst.idx.add.f32.msk $0xffff, v5  }
0x422: {  	v6 =	vor.u32 s1, v1;
	v5 =	vld [tilespmem:s29+$0x0];
	_ =	sdelay $0x1  }
0x423: {  	s1 =	spop (v2sf)  }
0x424: {  	s31 =	sand.u32 $0x1F, s1;
	s1 =	sshrl.u32 s1, $0x1  }
0x425: {  	s1 =	sand.u32 $0x70, s1;
	s31 =	sshll.u32 s31, $0x7  }
0x426: {  	(v2sf) =	vpush v4, $0xC;
	s1 =	sor.u32 s1, s31;
	[tilespmem:v6+s24+$0x0] =	vst.idx.add.f32.msk $0xffff, v5  }
0x427: {  	v6 =	vor.u32 s1, v1;
	v5 =	vld [tilespmem:s29+$0x80];
	_ =	sdelay $0x1  }
0x428: {  	s1 =	spop (v2sf)  }
0x429: {  	s31 =	sand.u32 $0x1F, s1;
	s1 =	sshrl.u32 s1, $0x1  }
0x42a: {  	s1 =	sand.u32 $0x70, s1;
	s31 =	sshll.u32 s31, $0x7  }
0x42b: {  	(v2sf) =	vpush v4, $0xD;
	s1 =	sor.u32 s1, s31;
	[tilespmem:v6+s24+$0x0] =	vst.idx.add.f32.msk $0xffff, v5  }
0x42c: {  	v6 =	vor.u32 s1, v1;
	v5 =	vld [tilespmem:s29+$0x100];
	_ =	sdelay $0x1  }
0x42d: {  	s1 =	spop (v2sf)  }
0x42e: {  	s31 =	sand.u32 $0x1F, s1;
	s1 =	sshrl.u32 s1, $0x1  }
0x42f: {  	s1 =	sand.u32 $0x70, s1;
	s31 =	sshll.u32 s31, $0x7  }
0x430: {  	(v2sf) =	vpush v4, $0xE;
	s1 =	sor.u32 s1, s31;
	[tilespmem:v6+s24+$0x0] =	vst.idx.add.f32.msk $0xffff, v5  }
0x431: {  	v5 =	vor.u32 s1, v1;
	v4 =	vld [tilespmem:s29+$0x180];
	_ =	sdelay $0x1  }
0x432: {  	s1 =	spop (v2sf)  }
0x433: {  	s31 =	sand.u32 $0x1F, s1;
	s1 =	sshrl.u32 s1, $0x1  }
0x434: {  	s1 =	sand.u32 $0x70, s1;
	s31 =	sshll.u32 s31, $0x7  }
0x435: {  	s1 =	sor.u32 s1, s31;
	[tilespmem:v5+s24+$0x0] =	vst.idx.add.f32.msk $0xffff, v4  }
0x436: {  	v5 =	vor.u32 s1, v1;
	v4 =	vld [tilespmem:s29+$0x200];
	_ =	sdelay $0x1  }
0x437: {  	s1 =	spop (v2sf)  }
0x438: {  	s31 =	sand.u32 $0x1F, s1;
	s1 =	sshrl.u32 s1, $0x1  }
0x439: {  	s1 =	sand.u32 $0x70, s1;
	s31 =	sshll.u32 s31, $0x7  }
0x43a: {  	s1 =	sor.u32 s1, s31;
	[tilespmem:v5+s24+$0x0] =	vst.idx.add.f32.msk $0xffff, v4  }
0x43b: {  	v5 =	vor.u32 s1, v1;
	v4 =	vld [tilespmem:s29+$0x280];
	_ =	sdelay $0x1  }
0x43c: {  	s1 =	spop (v2sf)  }
0x43d: {  	s31 =	sand.u32 $0x1F, s1;
	s1 =	sshrl.u32 s1, $0x1  }
0x43e: {  	s1 =	sand.u32 $0x70, s1;
	s31 =	sshll.u32 s31, $0x7  }
0x43f: {  	s1 =	sor.u32 s1, s31;
	[tilespmem:v5+s24+$0x0] =	vst.idx.add.f32.msk $0xffff, v4  }
0x440: {  	v5 =	vor.u32 s1, v1;
	v4 =	vld [tilespmem:s29+$0x300];
	_ =	sdelay $0x3  }
0x441: {  	s1 =	sshrl.u32 s30, $0x1  }
0x442: {  	s31 =	sand.u32 $0x1F, s30;
	s1 =	sand.u32 $0x70, s1;
	[tilespmem:v5+s24+$0x0] =	vst.idx.add.f32.msk $0xffff, v4  }
0x443: {  	v6 =	vmov s1;
	v5 =	vmov s31;
	v4 =	vld [tilespmem:s29+$0x380]  }
.LBB2_42:
0x444: {  	v5 =	vshll.u32 v5, $0x7  }
0x445: {  	v5 =	vor.u32 v6, v5  }
0x446: {  	v5 =	vbroadcast v5, $0x0  }
0x447: {  	s28 =	sadd.s32 $0x40, s28  }
0x448: {  	p0 =	sne.s32 s28, $0x640;
	v5 =	vor.u32 v1, v5  }
.Ltmp32:
0x449: {  	_ = 	snop;
	(pc) =	sbr.rel @!p0 .LBB2_43-.Ltmp32, $2  }
0x44a: {  	_ =	sdelay $0x2  }
0x44b: {  	s29 =	sadd.s32 $0x800, s29;
	[tilespmem:v5+s24+$0x0] =	vst.idx.add.f32.msk $0xffff, v4  }
.LBB2_39:
0x44c: {  	_ =	sdelay $0x2  }
0x44d: {  	s1 =	sshra.s32 s28, $0x2  }
0x44e: {  	v4 =	vld.idx.msk [tilespmem:v3+s1+$0x0 ss:$0x1], $0xffff;
	_ =	sdelay $0x4  }
0x44f: {  	(v2sf) =	vpush v4, $0x0  }
0x450: {  	(v2sf) =	vpush v4, $0xF;
	_ =	sdelay $0xd  }
0x451: {  	s31 =	spop (v2sf)  }
0x452: {  	s30 =	spop (v2sf)  }
0x453: {  	p0 =	sne.s32 s31, s30  }
.Ltmp33:
0x454: {  	_ = 	snop;
	(pc) =	sbr.rel @p0 .LBB2_41-.Ltmp33, $1  }
0x455: {  	_ =	sdelay $0x3  }
0x456: {  	v4 =	vld [tilespmem:s29+$0xFFFFFC00]  }
0x457: {  	v5 =	vld [tilespmem:s29+$0xFFFFFC80];
	_ =	sdelay $0x1  }
0x458: {  	v6 =	vld [tilespmem:s29+$0xFFFFFD00];
	_ =	sdelay $0x1  }
0x459: {  	v7 =	vld [tilespmem:s29+$0xFFFFFD80]  }
0x45a: {  	v4 =	vadd.f32 v5, v4  }
0x45b: {  	v5 =	vld [tilespmem:s29+$0xFFFFFE00]  }
0x45c: {  	v4 =	vadd.f32 v6, v4  }
0x45d: {  	v6 =	vld [tilespmem:s29+$0xFFFFFE80]  }
0x45e: {  	v4 =	vadd.f32 v7, v4  }
0x45f: {  	v7 =	vld [tilespmem:s29+$0xFFFFFF00]  }
0x460: {  	v4 =	vadd.f32 v5, v4  }
0x461: {  	v5 =	vld [tilespmem:s29+$0xFFFFFF80]  }
0x462: {  	v4 =	vadd.f32 v6, v4  }
0x463: {  	v6 =	vld [tilespmem:s29+$0x0]  }
0x464: {  	v4 =	vadd.f32 v7, v4  }
0x465: {  	v7 =	vld [tilespmem:s29+$0x80]  }
0x466: {  	v4 =	vadd.f32 v5, v4  }
0x467: {  	v5 =	vld [tilespmem:s29+$0x100]  }
0x468: {  	v4 =	vadd.f32 v6, v4  }
0x469: {  	v6 =	vld [tilespmem:s29+$0x180]  }
0x46a: {  	v4 =	vadd.f32 v7, v4  }
0x46b: {  	v7 =	vld [tilespmem:s29+$0x200]  }
0x46c: {  	v4 =	vadd.f32 v5, v4  }
0x46d: {  	v5 =	vld [tilespmem:s29+$0x280]  }
0x46e: {  	v4 =	vadd.f32 v6, v4  }
0x46f: {  	v6 =	vld [tilespmem:s29+$0x300]  }
0x470: {  	v4 =	vadd.f32 v7, v4  }
0x471: {  	v7 =	vld [tilespmem:s29+$0x380]  }
.Ltmp34:
0x472: {  	v4 =	vadd.f32 v5, v4;
	(pc) =	sbr.rel .LBB2_42-.Ltmp34, $4  }
0x473: {  	_ = 	snop  }
0x474: {  	s1 =	sshrl.u32 s31, $0x1;
	v4 =	vadd.f32 v6, v4  }
0x475: {  	s30 =	sand.u32 $0x1F, s31;
	s1 =	sand.u32 $0x70, s1  }
0x476: {  	v5 =	vmov s30;
	v6 =	vmov s1;
	v4 =	vadd.f32 v7, v4  }
.LBB2_44:
0x477: {  	_ =	sfence.sel $0x180000  }
0x478: {  	[bflag:$0x0] =	sbarrier.arrive $0xFFFF  }
0x479: {  	_ =	strace $0x90000047  }
0x47a: {  	[bflag:$0x2] =	sbarrier.arrive $0xFFFF  }
0x47b: {  	p0 =	sne.s32 s0, $0x0;
	s0 =	rddreg [dreg:$0x2]  }
0x47c: {  	s0 =	sadd.s32 @!p0 $0x100000, s0  }
0x47d: {  	[sflag:s0] =	ssyncadd.tile.s32 @!p0 $0x1;
	_ =	shalt  }
.Lfunc_end2:
_tile_overlayer_lowered:
.L_overlay_start_2:
0x47e: {  	(tag) =	ssettag $0x2  }
0x47f: {  	s0 =	rddreg [dreg:$0x0];
	s2 =	stileid.u32  }
0x480: {  	s1 =	rddreg [dreg:$0x1];
	p0 =	sne.s32 s2, $0x0  }
0x481: {  	s3 =	rddreg [dreg:$0x2];
	[bflag:$0x3] =	sbarrier.arrive $0xFFFF;
	s2 =	simm.s32 @!p0 $0x1C03  }
0x482: {  	[timem:s3], [sflag:s2] =	dma.local @!p0 [hbm:s0], s1  }
0x483: {  	s0 =	simm.s32 @!p0 $0x3  }
0x484: {  	_ =	swait.ge @!p0 [sflag:s0], s1  }
0x485: {  	s1 =	ssub.s32 @!p0 $0x0, s1;
	[sflag:s0] =	ssyncset.done @!p0 $0x0  }
0x486: {  	[sflag:s0] =	ssyncadd.s32 @!p0 s1  }
0x487: {  	[bflag:$0x3] =	sbarrier.arrive $0xFFFF  }
0x488: {  	_ =	shalt  }

</sc_bundles>
